<compile_context>
chip_gen: v7x
topology: tpu7x:2x2x1
jax: 0.10.2.dev20260603
libtpu: 0.0.44.dev20260713+nightly
codegen_flags: <defaults>
</compile_context>

<pallas_src>
import functools

import jax
import jax.numpy as jnp
from jax import lax
from jax.experimental import pallas as pl
from jax.experimental.pallas import tpu as pltpu
from jax.experimental.pallas import tpu_sc as plsc

_B = 16384
_C = 1000
_S = 14336

_NW = 32
_RPW = (_B - _S) // _NW
_RB = 16
_NCH = _RPW // _RB

_BR = 1024
_NBUF = 4
_NCHUNK = _S // _BR


def _sc_body(p_hbm, y_hbm, out_hbm, bufA, bufB, yv, accv, sd0, sd1):
    w = lax.axis_index("s") * 2 + lax.axis_index("c")
    row0 = _S + w * _RPW
    sems = (sd0, sd1)

    bufs = (bufA, bufB)

    def copy(t, b):
        return pltpu.make_async_copy(
            p_hbm.at[pl.ds(row0 + t * _RB, _RB), :], bufs[b], sems[b]
        )

    copy(0, 0).start()
    pltpu.sync_copy(y_hbm.at[pl.ds(row0, _RPW)], yv)

    lane = lax.broadcasted_iota(jnp.int32, (16,), 0)
    zeros16 = jnp.zeros((16,), jnp.float32)

    a0 = zeros16
    a1 = zeros16
    gacc = zeros16
    for t in range(_NCH):
        b = t % 2
        if t + 1 < _NCH:
            copy(t + 1, 1 - b).start()
        copy(t, b).wait()

        for r in range(_RB):
            lr = t * _RB + r
            ybc = lax.gather(
                yv[pl.ds((lr // 16) * 16, 16)],
                jnp.full((16, 1), lr % 16, jnp.int32),
                lax.GatherDimensionNumbers(
                    offset_dims=(),
                    collapsed_slice_dims=(0,),
                    start_index_map=(0,),
                ),
                slice_sizes=(1,),
                mode=lax.GatherScatterMode.PROMISE_IN_BOUNDS,
            )

            def ibody(e, c, _b=b, _r=r, _ybc=ybc):
                a, g = c
                v = bufs[_b][_r, pl.ds(e, 16)]
                hit = (lane + e) == _ybc
                return a + v * v, g + jnp.where(hit, v, zeros16)

            a0, gacc = plsc.parallel_loop(
                0, 992, step=16, unroll=16, carry=(a0, gacc)
            )(ibody)
            vt = bufs[b][r, pl.ds(984, 16)]
            vt = jnp.where(lane >= 8, vt, zeros16)
            a0 = a0 + vt * vt
            gacc = gacc + jnp.where((lane + 984) == ybc, vt, zeros16)

    accv[pl.ds(0, 16)] = a0 + a1
    accv[pl.ds(16, 16)] = gacc
    pltpu.sync_copy(accv, out_hbm.at[w])


def _sc_partials(probs, y32):
    mesh = plsc.VectorSubcoreMesh(core_axis_name="c", subcore_axis_name="s")
    run = functools.partial(
        pl.kernel,
        mesh=mesh,
        out_type=jax.ShapeDtypeStruct((_NW, 32), jnp.float32),
        scratch_types=[
            pltpu.VMEM((_RB, _C), jnp.float32),
            pltpu.VMEM((_RB, _C), jnp.float32),
            pltpu.VMEM((_RPW,), jnp.int32),
            pltpu.VMEM((32,), jnp.float32),
            pltpu.SemaphoreType.DMA,
            pltpu.SemaphoreType.DMA,
        ],
    )(_sc_body)
    return run(probs, y32)


def _tc_body(y_ref, p_hbm, out_ref, b0, b1, b2, b3, s0, s1, s2, s3):
    bufs = (b0, b1, b2, b3)
    sems = (s0, s1, s2, s3)

    def copy(i, slot):
        return pltpu.make_async_copy(
            p_hbm.at[pl.ds(i * _BR, _BR), :], bufs[slot], sems[slot]
        )

    for s in range(_NBUF):
        copy(s, s).start()

    col = jax.lax.broadcasted_iota(jnp.int32, (_BR, _C), 1)
    acc = jnp.float32(0.0)
    for i in range(_NCHUNK):
        slot = i % _NBUF
        copy(i, slot).wait()
        p = bufs[slot][...]
        yb = y_ref[pl.ds(i * _BR, _BR), :]
        acc += jnp.sum(p * p) - 2.0 * jnp.sum(jnp.where(col == yb, p, 0.0))
        if i + _NBUF < _NCHUNK:
            copy(i + _NBUF, slot).start()

    out_ref[0, 0] = acc


def _combine_body(tc_ref, sc_ref, out_ref):
    sc = sc_ref[...]
    total = tc_ref[0, 0] + jnp.sum(sc[:, 0:16]) - 2.0 * jnp.sum(sc[:, 16:32])
    out_ref[0, 0] = (total + jnp.float32(_B)) / jnp.float32(_B)


def kernel(probs, y):
    y32 = y.astype(jnp.int32)
    tc_part = pl.pallas_call(
        _tc_body,
        in_specs=[
            pl.BlockSpec(memory_space=pltpu.VMEM),
            pl.BlockSpec(memory_space=pl.ANY),
        ],
        out_specs=pl.BlockSpec(memory_space=pltpu.SMEM),
        out_shape=jax.ShapeDtypeStruct((1, 1), jnp.float32),
        scratch_shapes=(
            [pltpu.VMEM((_BR, _C), jnp.float32) for _ in range(_NBUF)]
            + [pltpu.SemaphoreType.DMA for _ in range(_NBUF)]
        ),
    )(y32[:_S].reshape(_S, 1), probs)
    partials = _sc_partials(probs, y32)
    out = pl.pallas_call(
        _combine_body,
        in_specs=[
            pl.BlockSpec(memory_space=pltpu.SMEM),
            pl.BlockSpec(memory_space=pltpu.VMEM),
        ],
        out_specs=pl.BlockSpec(memory_space=pltpu.SMEM),
        out_shape=jax.ShapeDtypeStruct((1, 1), jnp.float32),
    )(tc_part, partials)
    return out[0, 0]

# --- scband reference (transcript-rebuilt; emitter-appended) ---
"""Pipeline reference for scband-brier-loss-57251914055893 (READ-ONLY COPY).

The authoritative reference and input builder live on the scoring server;
editing this copy changes nothing except your own understanding.
"""

import jax, jax.numpy as jnp
import numpy as np

B = 16384
C = 1000

def setup_inputs(seed: int = 0) -> dict:
    key = jax.random.key(seed)
    k1, k2 = jax.random.split(key)
    probs = jax.random.uniform(k1, (B, C), dtype=jnp.float32)
    y = jax.random.randint(k2, (B,), 0, C, dtype=jnp.int64 if jax.config.jax_enable_x64 else jnp.int32)
    return {"probs": probs, "y": y}

def reference(probs, y):
    # one-hot via scatter-overwrite, matching torch.zeros_like(probs).scatter_(1, y.view(-1,1), 1.0)
    y = y.astype(jnp.int32)
    y_oh = jnp.zeros_like(probs).at[jnp.arange(probs.shape[0]), y].set(1.0)
    return jnp.mean(jnp.sum((probs - y_oh) ** 2, axis=1))

if __name__ == "__main__":
    import jax
    _d = setup_inputs()
    print(jax.jit(kernel)(*tuple(_d.values())))

</pallas_src>

<mosaic_0001>
#map = affine_map<(d0, d1) -> (0, 0)>
#map1 = affine_map<(d0, d1) -> (0)>
module attributes {stable_mosaic.version = 14 : i64} {
  func.func @_sc_body(%arg0: i32, %arg1: i32, %arg2: memref<16384x1000xf32, #tpu.memory_space<hbm>>, %arg3: memref<16384xi32, #tpu.memory_space<hbm>>, %arg4: memref<32x32xf32, #tpu.memory_space<hbm>>, %arg5: memref<16x1000xf32, #tpu.memory_space<vmem>>, %arg6: memref<16x1000xf32, #tpu.memory_space<vmem>>, %arg7: memref<64xi32, #tpu.memory_space<vmem>>, %arg8: memref<32xf32, #tpu.memory_space<vmem>>, %arg9: memref<!tpu.dma_semaphore, #tpu.memory_space<semaphore_mem>>, %arg10: memref<!tpu.dma_semaphore, #tpu.memory_space<semaphore_mem>>) attributes {dimension_semantics = [#tpu.dimension_semantics<core_parallel>, #tpu.dimension_semantics<subcore_parallel>], iteration_bounds = array<i64: 2, 16>, scalar_prefetch = 0 : i64, scratch_operands = 6 : i64, tpu.core_type = #tpu.core_type<sc_vector_subcore>, window_params = [{transform_indices = #map}, {transform_indices = #map1}, {transform_indices = #map}]} {
    %mul3A = arith.constant 2 : i32
    %mul3A_0 = arith.muli %arg1, %mul3A : i32
    %add3A = arith.addi %mul3A_0, %arg0 : i32
    %mul3A_1 = arith.constant 64 : i32
    %mul3A_2 = arith.muli %add3A, %mul3A_1 : i32
    %add3A_3 = arith.constant 14336 : i32
    %add3A_4 = arith.addi %add3A_3, %mul3A_2 : i32
    %add3A_5 = arith.constant 0 : i32
    %add3A_6 = arith.addi %add3A_4, %add3A_5 : i32
    %dma_start3A = arith.constant 0 : i32
    %dma_start3A_7 = tpu.memref_slice %arg2[%add3A_6, %dma_start3A] : memref<16384x1000xf32, #tpu.memory_space<hbm>> -> memref<16x1000xf32, #tpu.memory_space<hbm>>
    %dma_start3A_8 = arith.constant 0 : i32
    %dma_start3A_9 = tpu.memref_slice %arg2[%add3A_6, %dma_start3A_8] : memref<16384x1000xf32, #tpu.memory_space<hbm>> -> memref<16x1000xf32, #tpu.memory_space<hbm>>
    tpu.enqueue_dma source(%dma_start3A_9 : memref<16x1000xf32, #tpu.memory_space<hbm>>) target(%arg5 : memref<16x1000xf32, #tpu.memory_space<vmem>>) target_semaphore(%arg9 : memref<!tpu.dma_semaphore, #tpu.memory_space<semaphore_mem>>)
    "tpu.region"() ({
      %run_scoped3A = tpu.sem_alloc : memref<!tpu.dma_semaphore, #tpu.memory_space<semaphore_mem>>
      %dma_start3A_1846 = tpu.memref_slice %arg3[%add3A_4] : memref<16384xi32, #tpu.memory_space<hbm>> -> memref<64xi32, #tpu.memory_space<hbm>>
      %dma_start3A_1847 = tpu.memref_slice %arg3[%add3A_4] : memref<16384xi32, #tpu.memory_space<hbm>> -> memref<64xi32, #tpu.memory_space<hbm>>
      tpu.enqueue_dma source(%dma_start3A_1847 : memref<64xi32, #tpu.memory_space<hbm>>) target(%arg7 : memref<64xi32, #tpu.memory_space<vmem>>) target_semaphore(%run_scoped3A : memref<!tpu.dma_semaphore, #tpu.memory_space<semaphore_mem>>)
      %dma_wait3A_1848 = tpu.memref_slice %arg3[%add3A_4] : memref<16384xi32, #tpu.memory_space<hbm>> -> memref<64xi32, #tpu.memory_space<hbm>>
      %dma_wait3A_1849 = tpu.memref_slice %arg3[%add3A_4] : memref<16384xi32, #tpu.memory_space<hbm>> -> memref<64xi32, #tpu.memory_space<hbm>>
      tpu.wait_dma2 semaphore(%run_scoped3A : memref<!tpu.dma_semaphore, #tpu.memory_space<semaphore_mem>>) src(%dma_wait3A_1849 : memref<64xi32, #tpu.memory_space<hbm>>) dst(%arg7 : memref<64xi32, #tpu.memory_space<vmem>>)
      tpu.yield
    }) : () -> ()
    %iota3A = tpu.iota {dimensions = array<i32: 0>} : vector<16xi32>
    %broadcast_in_dim3A = arith.constant 0.000000e+00 : f32
    %broadcast_in_dim3A_10 = vector.broadcast %broadcast_in_dim3A : f32 to vector<16xf32>
    %add3A_11 = arith.constant 16 : i32
    %add3A_12 = arith.addi %add3A_4, %add3A_11 : i32
    %dma_start3A_13 = arith.constant 0 : i32
    %dma_start3A_14 = tpu.memref_slice %arg2[%add3A_12, %dma_start3A_13] : memref<16384x1000xf32, #tpu.memory_space<hbm>> -> memref<16x1000xf32, #tpu.memory_space<hbm>>
    %dma_start3A_15 = arith.constant 0 : i32
    %dma_start3A_16 = tpu.memref_slice %arg2[%add3A_12, %dma_start3A_15] : memref<16384x1000xf32, #tpu.memory_space<hbm>> -> memref<16x1000xf32, #tpu.memory_space<hbm>>
    tpu.enqueue_dma source(%dma_start3A_16 : memref<16x1000xf32, #tpu.memory_space<hbm>>) target(%arg6 : memref<16x1000xf32, #tpu.memory_space<vmem>>) target_semaphore(%arg10 : memref<!tpu.dma_semaphore, #tpu.memory_space<semaphore_mem>>)
    %add3A_17 = arith.constant 0 : i32
    %add3A_18 = arith.addi %add3A_4, %add3A_17 : i32
    %dma_wait3A = arith.constant 0 : i32
    %dma_wait3A_19 = tpu.memref_slice %arg2[%add3A_18, %dma_wait3A] : memref<16384x1000xf32, #tpu.memory_space<hbm>> -> memref<16x1000xf32, #tpu.memory_space<hbm>>
    %dma_wait3A_20 = arith.constant 0 : i32
    %dma_wait3A_21 = tpu.memref_slice %arg2[%add3A_18, %dma_wait3A_20] : memref<16384x1000xf32, #tpu.memory_space<hbm>> -> memref<16x1000xf32, #tpu.memory_space<hbm>>
    tpu.wait_dma2 semaphore(%arg9 : memref<!tpu.dma_semaphore, #tpu.memory_space<semaphore_mem>>) src(%dma_wait3A_21 : memref<16x1000xf32, #tpu.memory_space<hbm>>) dst(%arg5 : memref<16x1000xf32, #tpu.memory_space<vmem>>)
    %get3A = arith.constant 0 : index
    %get3A_22 = tpu.vector_load %arg7[%get3A] {strides = array<i32>} : memref<64xi32, #tpu.memory_space<vmem>>, vector<16xi32>,
    %get3A_23 = vector.shape_cast %get3A_22 : vector<16xi32> to vector<16xi32>
    %broadcast_in_dim3A_24 = arith.constant 0 : i32
    %broadcast_in_dim3A_25 = vector.broadcast %broadcast_in_dim3A_24 : i32 to vector<16x1xi32>
    %gather3A = vector.shape_cast %broadcast_in_dim3A_25 : vector<16x1xi32> to vector<16xi32>
    %gather3A_26 = tpu.dynamic_gather %get3A_23[%gather3A] in [0] : vector<16xi32>, vector<16xi32> -> vector<16xi32>
    %parallel_loop3A = arith.constant 0 : i32
    %parallel_loop3A_27 = arith.constant 992 : i32
    %parallel_loop3A_28 = arith.constant 16 : i32
    %parallel_loop3A_29:2 = scf.for %parallel_loop3A_1846 = %parallel_loop3A to %parallel_loop3A_27 step %parallel_loop3A_28 iter_args(%parallel_loop3A_1847 = %broadcast_in_dim3A_10, %parallel_loop3A_1848 = %broadcast_in_dim3A_10) -> (vector<16xf32>, vector<16xf32>)  : i32 {
      %parallel_loop3A_1849 = arith.constant 0 : i32
      %parallel_loop3A_1850 = arith.index_cast %parallel_loop3A_1849 : i32 to index
      %parallel_loop3A_1851 = arith.index_cast %parallel_loop3A_1846 : i32 to index
      %parallel_loop3A_1852 = tpu.vector_load %arg5[%parallel_loop3A_1850, %parallel_loop3A_1851] {strides = array<i32>} : memref<16x1000xf32, #tpu.memory_space<vmem>>, vector<1x16xf32>,
      %parallel_loop3A_1853 = vector.shape_cast %parallel_loop3A_1852 : vector<1x16xf32> to vector<16xf32>
      %parallel_loop3A_1854 = vector.broadcast %parallel_loop3A_1846 : i32 to vector<16xi32>
      %parallel_loop3A_1855 = arith.addi %iota3A, %parallel_loop3A_1854 : vector<16xi32>
      %parallel_loop3A_1856 = arith.cmpi eq, %parallel_loop3A_1855, %gather3A_26 : vector<16xi32>
      %parallel_loop3A_1857 = arith.mulf %parallel_loop3A_1853, %parallel_loop3A_1853 : vector<16xf32>
      %parallel_loop3A_1858 = arith.addf %parallel_loop3A_1847, %parallel_loop3A_1857 : vector<16xf32>
      %parallel_loop3A_1859 = arith.select %parallel_loop3A_1856, %parallel_loop3A_1853, %broadcast_in_dim3A_10 : vector<16xi1>, vector<16xf32>
      %parallel_loop3A_1860 = arith.addf %parallel_loop3A_1848, %parallel_loop3A_1859 : vector<16xf32>
      scf.yield %parallel_loop3A_1858, %parallel_loop3A_1860 : vector<16xf32>, vector<16xf32>
    } {sc.loop_unroll_factor = 16 : i64, sc.parallel_access}
    %get3A_30 = arith.constant 0 : i32
    %get3A_31 = arith.index_cast %get3A_30 : i32 to index
    %get3A_32 = arith.constant 984 : index
    %get3A_33 = tpu.vector_load %arg5[%get3A_31, %get3A_32] {strides = array<i32>} : memref<16x1000xf32, #tpu.memory_space<vmem>>, vector<1x16xf32>,
    %get3A_34 = vector.shape_cast %get3A_33 : vector<1x16xf32> to vector<16xf32>
    %ge3A = arith.constant 8 : i32
    %ge3A_35 = vector.broadcast %ge3A : i32 to vector<16xi32>
    %ge3A_36 = arith.cmpi sge, %iota3A, %ge3A_35 : vector<16xi32>
    %select_n3A = arith.select %ge3A_36, %get3A_34, %broadcast_in_dim3A_10 : vector<16xi1>, vector<16xf32>
    %mul3A_37 = arith.mulf %select_n3A, %select_n3A : vector<16xf32>
    %add3A_38 = arith.addf %parallel_loop3A_29#0, %mul3A_37 : vector<16xf32>
    %add3A_39 = arith.constant 984 : i32
    %add3A_40 = vector.broadcast %add3A_39 : i32 to vector<16xi32>
    %add3A_41 = arith.addi %iota3A, %add3A_40 : vector<16xi32>
    %eq3A = arith.cmpi eq, %add3A_41, %gather3A_26 : vector<16xi32>
    %select_n3A_42 = arith.select %eq3A, %select_n3A, %broadcast_in_dim3A_10 : vector<16xi1>, vector<16xf32>
    %add3A_43 = arith.addf %parallel_loop3A_29#1, %select_n3A_42 : vector<16xf32>
    %get3A_44 = arith.constant 0 : index
    %get3A_45 = tpu.vector_load %arg7[%get3A_44] {strides = array<i32>} : memref<64xi32, #tpu.memory_space<vmem>>, vector<16xi32>,
    %get3A_46 = vector.shape_cast %get3A_45 : vector<16xi32> to vector<16xi32>
    %broadcast_in_dim3A_47 = arith.constant 1 : i32
    %broadcast_in_dim3A_48 = vector.broadcast %broadcast_in_dim3A_47 : i32 to vector<16x1xi32>
    %gather3A_49 = vector.shape_cast %broadcast_in_dim3A_48 : vector<16x1xi32> to vector<16xi32>
    %gather3A_50 = tpu.dynamic_gather %get3A_46[%gather3A_49] in [0] : vector<16xi32>, vector<16xi32> -> vector<16xi32>
    %parallel_loop3A_51 = arith.constant 0 : i32
    %parallel_loop3A_52 = arith.constant 992 : i32
    %parallel_loop3A_53 = arith.constant 16 : i32
    %parallel_loop3A_54:2 = scf.for %parallel_loop3A_1846 = %parallel_loop3A_51 to %parallel_loop3A_52 step %parallel_loop3A_53 iter_args(%parallel_loop3A_1847 = %add3A_38, %parallel_loop3A_1848 = %add3A_43) -> (vector<16xf32>, vector<16xf32>)  : i32 {
      %parallel_loop3A_1849 = arith.constant 1 : i32
      %parallel_loop3A_1850 = arith.index_cast %parallel_loop3A_1849 : i32 to index
      %parallel_loop3A_1851 = arith.index_cast %parallel_loop3A_1846 : i32 to index
      %parallel_loop3A_1852 = tpu.vector_load %arg5[%parallel_loop3A_1850, %parallel_loop3A_1851] {strides = array<i32>} : memref<16x1000xf32, #tpu.memory_space<vmem>>, vector<1x16xf32>,
      %parallel_loop3A_1853 = vector.shape_cast %parallel_loop3A_1852 : vector<1x16xf32> to vector<16xf32>
      %parallel_loop3A_1854 = vector.broadcast %parallel_loop3A_1846 : i32 to vector<16xi32>
      %parallel_loop3A_1855 = arith.addi %iota3A, %parallel_loop3A_1854 : vector<16xi32>
      %parallel_loop3A_1856 = arith.cmpi eq, %parallel_loop3A_1855, %gather3A_50 : vector<16xi32>
      %parallel_loop3A_1857 = arith.mulf %parallel_loop3A_1853, %parallel_loop3A_1853 : vector<16xf32>
      %parallel_loop3A_1858 = arith.addf %parallel_loop3A_1847, %parallel_loop3A_1857 : vector<16xf32>
      %parallel_loop3A_1859 = arith.select %parallel_loop3A_1856, %parallel_loop3A_1853, %broadcast_in_dim3A_10 : vector<16xi1>, vector<16xf32>
      %parallel_loop3A_1860 = arith.addf %parallel_loop3A_1848, %parallel_loop3A_1859 : vector<16xf32>
      scf.yield %parallel_loop3A_1858, %parallel_loop3A_1860 : vector<16xf32>, vector<16xf32>
    } {sc.loop_unroll_factor = 16 : i64, sc.parallel_access}
    %get3A_55 = arith.constant 1 : i32
    %get3A_56 = arith.index_cast %get3A_55 : i32 to index
    %get3A_57 = arith.constant 984 : index
    %get3A_58 = tpu.vector_load %arg5[%get3A_56, %get3A_57] {strides = array<i32>} : memref<16x1000xf32, #tpu.memory_space<vmem>>, vector<1x16xf32>,
    %get3A_59 = vector.shape_cast %get3A_58 : vector<1x16xf32> to vector<16xf32>
    %ge3A_60 = arith.constant 8 : i32
    %ge3A_61 = vector.broadcast %ge3A_60 : i32 to vector<16xi32>
    %ge3A_62 = arith.cmpi sge, %iota3A, %ge3A_61 : vector<16xi32>
    %select_n3A_63 = arith.select %ge3A_62, %get3A_59, %broadcast_in_dim3A_10 : vector<16xi1>, vector<16xf32>
    %mul3A_64 = arith.mulf %select_n3A_63, %select_n3A_63 : vector<16xf32>
    %add3A_65 = arith.addf %parallel_loop3A_54#0, %mul3A_64 : vector<16xf32>
    %add3A_66 = arith.constant 984 : i32
    %add3A_67 = vector.broadcast %add3A_66 : i32 to vector<16xi32>
    %add3A_68 = arith.addi %iota3A, %add3A_67 : vector<16xi32>
    %eq3A_69 = arith.cmpi eq, %add3A_68, %gather3A_50 : vector<16xi32>
    %select_n3A_70 = arith.select %eq3A_69, %select_n3A_63, %broadcast_in_dim3A_10 : vector<16xi1>, vector<16xf32>
    %add3A_71 = arith.addf %parallel_loop3A_54#1, %select_n3A_70 : vector<16xf32>
    %get3A_72 = arith.constant 0 : index
    %get3A_73 = tpu.vector_load %arg7[%get3A_72] {strides = array<i32>} : memref<64xi32, #tpu.memory_space<vmem>>, vector<16xi32>,
    %get3A_74 = vector.shape_cast %get3A_73 : vector<16xi32> to vector<16xi32>
    %broadcast_in_dim3A_75 = arith.constant 2 : i32
    %broadcast_in_dim3A_76 = vector.broadcast %broadcast_in_dim3A_75 : i32 to vector<16x1xi32>
    %gather3A_77 = vector.shape_cast %broadcast_in_dim3A_76 : vector<16x1xi32> to vector<16xi32>
    %gather3A_78 = tpu.dynamic_gather %get3A_74[%gather3A_77] in [0] : vector<16xi32>, vector<16xi32> -> vector<16xi32>
    %parallel_loop3A_79 = arith.constant 0 : i32
    %parallel_loop3A_80 = arith.constant 992 : i32
    %parallel_loop3A_81 = arith.constant 16 : i32
    %parallel_loop3A_82:2 = scf.for %parallel_loop3A_1846 = %parallel_loop3A_79 to %parallel_loop3A_80 step %parallel_loop3A_81 iter_args(%parallel_loop3A_1847 = %add3A_65, %parallel_loop3A_1848 = %add3A_71) -> (vector<16xf32>, vector<16xf32>)  : i32 {
      %parallel_loop3A_1849 = arith.constant 2 : i32
      %parallel_loop3A_1850 = arith.index_cast %parallel_loop3A_1849 : i32 to index
      %parallel_loop3A_1851 = arith.index_cast %parallel_loop3A_1846 : i32 to index
      %parallel_loop3A_1852 = tpu.vector_load %arg5[%parallel_loop3A_1850, %parallel_loop3A_1851] {strides = array<i32>} : memref<16x1000xf32, #tpu.memory_space<vmem>>, vector<1x16xf32>,
      %parallel_loop3A_1853 = vector.shape_cast %parallel_loop3A_1852 : vector<1x16xf32> to vector<16xf32>
      %parallel_loop3A_1854 = vector.broadcast %parallel_loop3A_1846 : i32 to vector<16xi32>
      %parallel_loop3A_1855 = arith.addi %iota3A, %parallel_loop3A_1854 : vector<16xi32>
      %parallel_loop3A_1856 = arith.cmpi eq, %parallel_loop3A_1855, %gather3A_78 : vector<16xi32>
      %parallel_loop3A_1857 = arith.mulf %parallel_loop3A_1853, %parallel_loop3A_1853 : vector<16xf32>
      %parallel_loop3A_1858 = arith.addf %parallel_loop3A_1847, %parallel_loop3A_1857 : vector<16xf32>
      %parallel_loop3A_1859 = arith.select %parallel_loop3A_1856, %parallel_loop3A_1853, %broadcast_in_dim3A_10 : vector<16xi1>, vector<16xf32>
      %parallel_loop3A_1860 = arith.addf %parallel_loop3A_1848, %parallel_loop3A_1859 : vector<16xf32>
      scf.yield %parallel_loop3A_1858, %parallel_loop3A_1860 : vector<16xf32>, vector<16xf32>
    } {sc.loop_unroll_factor = 16 : i64, sc.parallel_access}
    %get3A_83 = arith.constant 2 : i32
    %get3A_84 = arith.index_cast %get3A_83 : i32 to index
    %get3A_85 = arith.constant 984 : index
    %get3A_86 = tpu.vector_load %arg5[%get3A_84, %get3A_85] {strides = array<i32>} : memref<16x1000xf32, #tpu.memory_space<vmem>>, vector<1x16xf32>,
    %get3A_87 = vector.shape_cast %get3A_86 : vector<1x16xf32> to vector<16xf32>
    %ge3A_88 = arith.constant 8 : i32
    %ge3A_89 = vector.broadcast %ge3A_88 : i32 to vector<16xi32>
    %ge3A_90 = arith.cmpi sge, %iota3A, %ge3A_89 : vector<16xi32>
    %select_n3A_91 = arith.select %ge3A_90, %get3A_87, %broadcast_in_dim3A_10 : vector<16xi1>, vector<16xf32>
    %mul3A_92 = arith.mulf %select_n3A_91, %select_n3A_91 : vector<16xf32>
    %add3A_93 = arith.addf %parallel_loop3A_82#0, %mul3A_92 : vector<16xf32>
    %add3A_94 = arith.constant 984 : i32
    %add3A_95 = vector.broadcast %add3A_94 : i32 to vector<16xi32>
    %add3A_96 = arith.addi %iota3A, %add3A_95 : vector<16xi32>
    %eq3A_97 = arith.cmpi eq, %add3A_96, %gather3A_78 : vector<16xi32>
    %select_n3A_98 = arith.select %eq3A_97, %select_n3A_91, %broadcast_in_dim3A_10 : vector<16xi1>, vector<16xf32>
    %add3A_99 = arith.addf %parallel_loop3A_82#1, %select_n3A_98 : vector<16xf32>
    %get3A_100 = arith.constant 0 : index
    %get3A_101 = tpu.vector_load %arg7[%get3A_100] {strides = array<i32>} : memref<64xi32, #tpu.memory_space<vmem>>, vector<16xi32>,
    %get3A_102 = vector.shape_cast %get3A_101 : vector<16xi32> to vector<16xi32>
    %broadcast_in_dim3A_103 = arith.constant 3 : i32
    %broadcast_in_dim3A_104 = vector.broadcast %broadcast_in_dim3A_103 : i32 to vector<16x1xi32>
    %gather3A_105 = vector.shape_cast %broadcast_in_dim3A_104 : vector<16x1xi32> to vector<16xi32>
    %gather3A_106 = tpu.dynamic_gather %get3A_102[%gather3A_105] in [0] : vector<16xi32>, vector<16xi32> -> vector<16xi32>
    %parallel_loop3A_107 = arith.constant 0 : i32
    %parallel_loop3A_108 = arith.constant 992 : i32
    %parallel_loop3A_109 = arith.constant 16 : i32
    %parallel_loop3A_110:2 = scf.for %parallel_loop3A_1846 = %parallel_loop3A_107 to %parallel_loop3A_108 step %parallel_loop3A_109 iter_args(%parallel_loop3A_1847 = %add3A_93, %parallel_loop3A_1848 = %add3A_99) -> (vector<16xf32>, vector<16xf32>)  : i32 {
      %parallel_loop3A_1849 = arith.constant 3 : i32
      %parallel_loop3A_1850 = arith.index_cast %parallel_loop3A_1849 : i32 to index
      %parallel_loop3A_1851 = arith.index_cast %parallel_loop3A_1846 : i32 to index
      %parallel_loop3A_1852 = tpu.vector_load %arg5[%parallel_loop3A_1850, %parallel_loop3A_1851] {strides = array<i32>} : memref<16x1000xf32, #tpu.memory_space<vmem>>, vector<1x16xf32>,
      %parallel_loop3A_1853 = vector.shape_cast %parallel_loop3A_1852 : vector<1x16xf32> to vector<16xf32>
      %parallel_loop3A_1854 = vector.broadcast %parallel_loop3A_1846 : i32 to vector<16xi32>
      %parallel_loop3A_1855 = arith.addi %iota3A, %parallel_loop3A_1854 : vector<16xi32>
      %parallel_loop3A_1856 = arith.cmpi eq, %parallel_loop3A_1855, %gather3A_106 : vector<16xi32>
      %parallel_loop3A_1857 = arith.mulf %parallel_loop3A_1853, %parallel_loop3A_1853 : vector<16xf32>
      %parallel_loop3A_1858 = arith.addf %parallel_loop3A_1847, %parallel_loop3A_1857 : vector<16xf32>
      %parallel_loop3A_1859 = arith.select %parallel_loop3A_1856, %parallel_loop3A_1853, %broadcast_in_dim3A_10 : vector<16xi1>, vector<16xf32>
      %parallel_loop3A_1860 = arith.addf %parallel_loop3A_1848, %parallel_loop3A_1859 : vector<16xf32>
      scf.yield %parallel_loop3A_1858, %parallel_loop3A_1860 : vector<16xf32>, vector<16xf32>
    } {sc.loop_unroll_factor = 16 : i64, sc.parallel_access}
    %get3A_111 = arith.constant 3 : i32
    %get3A_112 = arith.index_cast %get3A_111 : i32 to index
    %get3A_113 = arith.constant 984 : index
    %get3A_114 = tpu.vector_load %arg5[%get3A_112, %get3A_113] {strides = array<i32>} : memref<16x1000xf32, #tpu.memory_space<vmem>>, vector<1x16xf32>,
    %get3A_115 = vector.shape_cast %get3A_114 : vector<1x16xf32> to vector<16xf32>
    %ge3A_116 = arith.constant 8 : i32
    %ge3A_117 = vector.broadcast %ge3A_116 : i32 to vector<16xi32>
    %ge3A_118 = arith.cmpi sge, %iota3A, %ge3A_117 : vector<16xi32>
    %select_n3A_119 = arith.select %ge3A_118, %get3A_115, %broadcast_in_dim3A_10 : vector<16xi1>, vector<16xf32>
    %mul3A_120 = arith.mulf %select_n3A_119, %select_n3A_119 : vector<16xf32>
    %add3A_121 = arith.addf %parallel_loop3A_110#0, %mul3A_120 : vector<16xf32>
    %add3A_122 = arith.constant 984 : i32
    %add3A_123 = vector.broadcast %add3A_122 : i32 to vector<16xi32>
    %add3A_124 = arith.addi %iota3A, %add3A_123 : vector<16xi32>
    %eq3A_125 = arith.cmpi eq, %add3A_124, %gather3A_106 : vector<16xi32>
    %select_n3A_126 = arith.select %eq3A_125, %select_n3A_119, %broadcast_in_dim3A_10 : vector<16xi1>, vector<16xf32>
    %add3A_127 = arith.addf %parallel_loop3A_110#1, %select_n3A_126 : vector<16xf32>
    %get3A_128 = arith.constant 0 : index
    %get3A_129 = tpu.vector_load %arg7[%get3A_128] {strides = array<i32>} : memref<64xi32, #tpu.memory_space<vmem>>, vector<16xi32>,
    %get3A_130 = vector.shape_cast %get3A_129 : vector<16xi32> to vector<16xi32>
    %broadcast_in_dim3A_131 = arith.constant 4 : i32
    %broadcast_in_dim3A_132 = vector.broadcast %broadcast_in_dim3A_131 : i32 to vector<16x1xi32>
    %gather3A_133 = vector.shape_cast %broadcast_in_dim3A_132 : vector<16x1xi32> to vector<16xi32>
    %gather3A_134 = tpu.dynamic_gather %get3A_130[%gather3A_133] in [0] : vector<16xi32>, vector<16xi32> -> vector<16xi32>
    %parallel_loop3A_135 = arith.constant 0 : i32
    %parallel_loop3A_136 = arith.constant 992 : i32
    %parallel_loop3A_137 = arith.constant 16 : i32
    %parallel_loop3A_138:2 = scf.for %parallel_loop3A_1846 = %parallel_loop3A_135 to %parallel_loop3A_136 step %parallel_loop3A_137 iter_args(%parallel_loop3A_1847 = %add3A_121, %parallel_loop3A_1848 = %add3A_127) -> (vector<16xf32>, vector<16xf32>)  : i32 {
      %parallel_loop3A_1849 = arith.constant 4 : i32
      %parallel_loop3A_1850 = arith.index_cast %parallel_loop3A_1849 : i32 to index
      %parallel_loop3A_1851 = arith.index_cast %parallel_loop3A_1846 : i32 to index
      %parallel_loop3A_1852 = tpu.vector_load %arg5[%parallel_loop3A_1850, %parallel_loop3A_1851] {strides = array<i32>} : memref<16x1000xf32, #tpu.memory_space<vmem>>, vector<1x16xf32>,
      %parallel_loop3A_1853 = vector.shape_cast %parallel_loop3A_1852 : vector<1x16xf32> to vector<16xf32>
      %parallel_loop3A_1854 = vector.broadcast %parallel_loop3A_1846 : i32 to vector<16xi32>
      %parallel_loop3A_1855 = arith.addi %iota3A, %parallel_loop3A_1854 : vector<16xi32>
      %parallel_loop3A_1856 = arith.cmpi eq, %parallel_loop3A_1855, %gather3A_134 : vector<16xi32>
      %parallel_loop3A_1857 = arith.mulf %parallel_loop3A_1853, %parallel_loop3A_1853 : vector<16xf32>
      %parallel_loop3A_1858 = arith.addf %parallel_loop3A_1847, %parallel_loop3A_1857 : vector<16xf32>
      %parallel_loop3A_1859 = arith.select %parallel_loop3A_1856, %parallel_loop3A_1853, %broadcast_in_dim3A_10 : vector<16xi1>, vector<16xf32>
      %parallel_loop3A_1860 = arith.addf %parallel_loop3A_1848, %parallel_loop3A_1859 : vector<16xf32>
      scf.yield %parallel_loop3A_1858, %parallel_loop3A_1860 : vector<16xf32>, vector<16xf32>
    } {sc.loop_unroll_factor = 16 : i64, sc.parallel_access}
    %get3A_139 = arith.constant 4 : i32
    %get3A_140 = arith.index_cast %get3A_139 : i32 to index
    %get3A_141 = arith.constant 984 : index
    %get3A_142 = tpu.vector_load %arg5[%get3A_140, %get3A_141] {strides = array<i32>} : memref<16x1000xf32, #tpu.memory_space<vmem>>, vector<1x16xf32>,
    %get3A_143 = vector.shape_cast %get3A_142 : vector<1x16xf32> to vector<16xf32>
    %ge3A_144 = arith.constant 8 : i32
    %ge3A_145 = vector.broadcast %ge3A_144 : i32 to vector<16xi32>
    %ge3A_146 = arith.cmpi sge, %iota3A, %ge3A_145 : vector<16xi32>
    %select_n3A_147 = arith.select %ge3A_146, %get3A_143, %broadcast_in_dim3A_10 : vector<16xi1>, vector<16xf32>
    %mul3A_148 = arith.mulf %select_n3A_147, %select_n3A_147 : vector<16xf32>
    %add3A_149 = arith.addf %parallel_loop3A_138#0, %mul3A_148 : vector<16xf32>
    %add3A_150 = arith.constant 984 : i32
    %add3A_151 = vector.broadcast %add3A_150 : i32 to vector<16xi32>
    %add3A_152 = arith.addi %iota3A, %add3A_151 : vector<16xi32>
    %eq3A_153 = arith.cmpi eq, %add3A_152, %gather3A_134 : vector<16xi32>
    %select_n3A_154 = arith.select %eq3A_153, %select_n3A_147, %broadcast_in_dim3A_10 : vector<16xi1>, vector<16xf32>
    %add3A_155 = arith.addf %parallel_loop3A_138#1, %select_n3A_154 : vector<16xf32>
    %get3A_156 = arith.constant 0 : index
    %get3A_157 = tpu.vector_load %arg7[%get3A_156] {strides = array<i32>} : memref<64xi32, #tpu.memory_space<vmem>>, vector<16xi32>,
    %get3A_158 = vector.shape_cast %get3A_157 : vector<16xi32> to vector<16xi32>
    %broadcast_in_dim3A_159 = arith.constant 5 : i32
    %broadcast_in_dim3A_160 = vector.broadcast %broadcast_in_dim3A_159 : i32 to vector<16x1xi32>
    %gather3A_161 = vector.shape_cast %broadcast_in_dim3A_160 : vector<16x1xi32> to vector<16xi32>
    %gather3A_162 = tpu.dynamic_gather %get3A_158[%gather3A_161] in [0] : vector<16xi32>, vector<16xi32> -> vector<16xi32>
    %parallel_loop3A_163 = arith.constant 0 : i32
    %parallel_loop3A_164 = arith.constant 992 : i32
    %parallel_loop3A_165 = arith.constant 16 : i32
    %parallel_loop3A_166:2 = scf.for %parallel_loop3A_1846 = %parallel_loop3A_163 to %parallel_loop3A_164 step %parallel_loop3A_165 iter_args(%parallel_loop3A_1847 = %add3A_149, %parallel_loop3A_1848 = %add3A_155) -> (vector<16xf32>, vector<16xf32>)  : i32 {
      %parallel_loop3A_1849 = arith.constant 5 : i32
      %parallel_loop3A_1850 = arith.index_cast %parallel_loop3A_1849 : i32 to index
      %parallel_loop3A_1851 = arith.index_cast %parallel_loop3A_1846 : i32 to index
      %parallel_loop3A_1852 = tpu.vector_load %arg5[%parallel_loop3A_1850, %parallel_loop3A_1851] {strides = array<i32>} : memref<16x1000xf32, #tpu.memory_space<vmem>>, vector<1x16xf32>,
      %parallel_loop3A_1853 = vector.shape_cast %parallel_loop3A_1852 : vector<1x16xf32> to vector<16xf32>
      %parallel_loop3A_1854 = vector.broadcast %parallel_loop3A_1846 : i32 to vector<16xi32>
      %parallel_loop3A_1855 = arith.addi %iota3A, %parallel_loop3A_1854 : vector<16xi32>
      %parallel_loop3A_1856 = arith.cmpi eq, %parallel_loop3A_1855, %gather3A_162 : vector<16xi32>
      %parallel_loop3A_1857 = arith.mulf %parallel_loop3A_1853, %parallel_loop3A_1853 : vector<16xf32>
      %parallel_loop3A_1858 = arith.addf %parallel_loop3A_1847, %parallel_loop3A_1857 : vector<16xf32>
      %parallel_loop3A_1859 = arith.select %parallel_loop3A_1856, %parallel_loop3A_1853, %broadcast_in_dim3A_10 : vector<16xi1>, vector<16xf32>
      %parallel_loop3A_1860 = arith.addf %parallel_loop3A_1848, %parallel_loop3A_1859 : vector<16xf32>
      scf.yield %parallel_loop3A_1858, %parallel_loop3A_1860 : vector<16xf32>, vector<16xf32>
    } {sc.loop_unroll_factor = 16 : i64, sc.parallel_access}
    %get3A_167 = arith.constant 5 : i32
    %get3A_168 = arith.index_cast %get3A_167 : i32 to index
    %get3A_169 = arith.constant 984 : index
    %get3A_170 = tpu.vector_load %arg5[%get3A_168, %get3A_169] {strides = array<i32>} : memref<16x1000xf32, #tpu.memory_space<vmem>>, vector<1x16xf32>,
    %get3A_171 = vector.shape_cast %get3A_170 : vector<1x16xf32> to vector<16xf32>
    %ge3A_172 = arith.constant 8 : i32
    %ge3A_173 = vector.broadcast %ge3A_172 : i32 to vector<16xi32>
    %ge3A_174 = arith.cmpi sge, %iota3A, %ge3A_173 : vector<16xi32>
    %select_n3A_175 = arith.select %ge3A_174, %get3A_171, %broadcast_in_dim3A_10 : vector<16xi1>, vector<16xf32>
    %mul3A_176 = arith.mulf %select_n3A_175, %select_n3A_175 : vector<16xf32>
    %add3A_177 = arith.addf %parallel_loop3A_166#0, %mul3A_176 : vector<16xf32>
    %add3A_178 = arith.constant 984 : i32
    %add3A_179 = vector.broadcast %add3A_178 : i32 to vector<16xi32>
    %add3A_180 = arith.addi %iota3A, %add3A_179 : vector<16xi32>
    %eq3A_181 = arith.cmpi eq, %add3A_180, %gather3A_162 : vector<16xi32>
    %select_n3A_182 = arith.select %eq3A_181, %select_n3A_175, %broadcast_in_dim3A_10 : vector<16xi1>, vector<16xf32>
    %add3A_183 = arith.addf %parallel_loop3A_166#1, %select_n3A_182 : vector<16xf32>
    %get3A_184 = arith.constant 0 : index
    %get3A_185 = tpu.vector_load %arg7[%get3A_184] {strides = array<i32>} : memref<64xi32, #tpu.memory_space<vmem>>, vector<16xi32>,
    %get3A_186 = vector.shape_cast %get3A_185 : vector<16xi32> to vector<16xi32>
    %broadcast_in_dim3A_187 = arith.constant 6 : i32
    %broadcast_in_dim3A_188 = vector.broadcast %broadcast_in_dim3A_187 : i32 to vector<16x1xi32>
    %gather3A_189 = vector.shape_cast %broadcast_in_dim3A_188 : vector<16x1xi32> to vector<16xi32>
    %gather3A_190 = tpu.dynamic_gather %get3A_186[%gather3A_189] in [0] : vector<16xi32>, vector<16xi32> -> vector<16xi32>
    %parallel_loop3A_191 = arith.constant 0 : i32
    %parallel_loop3A_192 = arith.constant 992 : i32
    %parallel_loop3A_193 = arith.constant 16 : i32
    %parallel_loop3A_194:2 = scf.for %parallel_loop3A_1846 = %parallel_loop3A_191 to %parallel_loop3A_192 step %parallel_loop3A_193 iter_args(%parallel_loop3A_1847 = %add3A_177, %parallel_loop3A_1848 = %add3A_183) -> (vector<16xf32>, vector<16xf32>)  : i32 {
      %parallel_loop3A_1849 = arith.constant 6 : i32
      %parallel_loop3A_1850 = arith.index_cast %parallel_loop3A_1849 : i32 to index
      %parallel_loop3A_1851 = arith.index_cast %parallel_loop3A_1846 : i32 to index
      %parallel_loop3A_1852 = tpu.vector_load %arg5[%parallel_loop3A_1850, %parallel_loop3A_1851] {strides = array<i32>} : memref<16x1000xf32, #tpu.memory_space<vmem>>, vector<1x16xf32>,
      %parallel_loop3A_1853 = vector.shape_cast %parallel_loop3A_1852 : vector<1x16xf32> to vector<16xf32>
      %parallel_loop3A_1854 = vector.broadcast %parallel_loop3A_1846 : i32 to vector<16xi32>
      %parallel_loop3A_1855 = arith.addi %iota3A, %parallel_loop3A_1854 : vector<16xi32>
      %parallel_loop3A_1856 = arith.cmpi eq, %parallel_loop3A_1855, %gather3A_190 : vector<16xi32>
      %parallel_loop3A_1857 = arith.mulf %parallel_loop3A_1853, %parallel_loop3A_1853 : vector<16xf32>
      %parallel_loop3A_1858 = arith.addf %parallel_loop3A_1847, %parallel_loop3A_1857 : vector<16xf32>
      %parallel_loop3A_1859 = arith.select %parallel_loop3A_1856, %parallel_loop3A_1853, %broadcast_in_dim3A_10 : vector<16xi1>, vector<16xf32>
      %parallel_loop3A_1860 = arith.addf %parallel_loop3A_1848, %parallel_loop3A_1859 : vector<16xf32>
      scf.yield %parallel_loop3A_1858, %parallel_loop3A_1860 : vector<16xf32>, vector<16xf32>
    } {sc.loop_unroll_factor = 16 : i64, sc.parallel_access}
    %get3A_195 = arith.constant 6 : i32
    %get3A_196 = arith.index_cast %get3A_195 : i32 to index
    %get3A_197 = arith.constant 984 : index
    %get3A_198 = tpu.vector_load %arg5[%get3A_196, %get3A_197] {strides = array<i32>} : memref<16x1000xf32, #tpu.memory_space<vmem>>, vector<1x16xf32>,
    %get3A_199 = vector.shape_cast %get3A_198 : vector<1x16xf32> to vector<16xf32>
    %ge3A_200 = arith.constant 8 : i32
    %ge3A_201 = vector.broadcast %ge3A_200 : i32 to vector<16xi32>
    %ge3A_202 = arith.cmpi sge, %iota3A, %ge3A_201 : vector<16xi32>
    %select_n3A_203 = arith.select %ge3A_202, %get3A_199, %broadcast_in_dim3A_10 : vector<16xi1>, vector<16xf32>
    %mul3A_204 = arith.mulf %select_n3A_203, %select_n3A_203 : vector<16xf32>
    %add3A_205 = arith.addf %parallel_loop3A_194#0, %mul3A_204 : vector<16xf32>
    %add3A_206 = arith.constant 984 : i32
    %add3A_207 = vector.broadcast %add3A_206 : i32 to vector<16xi32>
    %add3A_208 = arith.addi %iota3A, %add3A_207 : vector<16xi32>
    %eq3A_209 = arith.cmpi eq, %add3A_208, %gather3A_190 : vector<16xi32>
    %select_n3A_210 = arith.select %eq3A_209, %select_n3A_203, %broadcast_in_dim3A_10 : vector<16xi1>, vector<16xf32>
    %add3A_211 = arith.addf %parallel_loop3A_194#1, %select_n3A_210 : vector<16xf32>
    %get3A_212 = arith.constant 0 : index
    %get3A_213 = tpu.vector_load %arg7[%get3A_212] {strides = array<i32>} : memref<64xi32, #tpu.memory_space<vmem>>, vector<16xi32>,
    %get3A_214 = vector.shape_cast %get3A_213 : vector<16xi32> to vector<16xi32>
    %broadcast_in_dim3A_215 = arith.constant 7 : i32
    %broadcast_in_dim3A_216 = vector.broadcast %broadcast_in_dim3A_215 : i32 to vector<16x1xi32>
    %gather3A_217 = vector.shape_cast %broadcast_in_dim3A_216 : vector<16x1xi32> to vector<16xi32>
    %gather3A_218 = tpu.dynamic_gather %get3A_214[%gather3A_217] in [0] : vector<16xi32>, vector<16xi32> -> vector<16xi32>
    %parallel_loop3A_219 = arith.constant 0 : i32
    %parallel_loop3A_220 = arith.constant 992 : i32
    %parallel_loop3A_221 = arith.constant 16 : i32
    %parallel_loop3A_222:2 = scf.for %parallel_loop3A_1846 = %parallel_loop3A_219 to %parallel_loop3A_220 step %parallel_loop3A_221 iter_args(%parallel_loop3A_1847 = %add3A_205, %parallel_loop3A_1848 = %add3A_211) -> (vector<16xf32>, vector<16xf32>)  : i32 {
      %parallel_loop3A_1849 = arith.constant 7 : i32
      %parallel_loop3A_1850 = arith.index_cast %parallel_loop3A_1849 : i32 to index
      %parallel_loop3A_1851 = arith.index_cast %parallel_loop3A_1846 : i32 to index
      %parallel_loop3A_1852 = tpu.vector_load %arg5[%parallel_loop3A_1850, %parallel_loop3A_1851] {strides = array<i32>} : memref<16x1000xf32, #tpu.memory_space<vmem>>, vector<1x16xf32>,
      %parallel_loop3A_1853 = vector.shape_cast %parallel_loop3A_1852 : vector<1x16xf32> to vector<16xf32>
      %parallel_loop3A_1854 = vector.broadcast %parallel_loop3A_1846 : i32 to vector<16xi32>
      %parallel_loop3A_1855 = arith.addi %iota3A, %parallel_loop3A_1854 : vector<16xi32>
      %parallel_loop3A_1856 = arith.cmpi eq, %parallel_loop3A_1855, %gather3A_218 : vector<16xi32>
      %parallel_loop3A_1857 = arith.mulf %parallel_loop3A_1853, %parallel_loop3A_1853 : vector<16xf32>
      %parallel_loop3A_1858 = arith.addf %parallel_loop3A_1847, %parallel_loop3A_1857 : vector<16xf32>
      %parallel_loop3A_1859 = arith.select %parallel_loop3A_1856, %parallel_loop3A_1853, %broadcast_in_dim3A_10 : vector<16xi1>, vector<16xf32>
      %parallel_loop3A_1860 = arith.addf %parallel_loop3A_1848, %parallel_loop3A_1859 : vector<16xf32>
      scf.yield %parallel_loop3A_1858, %parallel_loop3A_1860 : vector<16xf32>, vector<16xf32>
    } {sc.loop_unroll_factor = 16 : i64, sc.parallel_access}
    %get3A_223 = arith.constant 7 : i32
    %get3A_224 = arith.index_cast %get3A_223 : i32 to index
    %get3A_225 = arith.constant 984 : index
    %get3A_226 = tpu.vector_load %arg5[%get3A_224, %get3A_225] {strides = array<i32>} : memref<16x1000xf32, #tpu.memory_space<vmem>>, vector<1x16xf32>,
    %get3A_227 = vector.shape_cast %get3A_226 : vector<1x16xf32> to vector<16xf32>
    %ge3A_228 = arith.constant 8 : i32
    %ge3A_229 = vector.broadcast %ge3A_228 : i32 to vector<16xi32>
    %ge3A_230 = arith.cmpi sge, %iota3A, %ge3A_229 : vector<16xi32>
    %select_n3A_231 = arith.select %ge3A_230, %get3A_227, %broadcast_in_dim3A_10 : vector<16xi1>, vector<16xf32>
    %mul3A_232 = arith.mulf %select_n3A_231, %select_n3A_231 : vector<16xf32>
    %add3A_233 = arith.addf %parallel_loop3A_222#0, %mul3A_232 : vector<16xf32>
    %add3A_234 = arith.constant 984 : i32
    %add3A_235 = vector.broadcast %add3A_234 : i32 to vector<16xi32>
    %add3A_236 = arith.addi %iota3A, %add3A_235 : vector<16xi32>
    %eq3A_237 = arith.cmpi eq, %add3A_236, %gather3A_218 : vector<16xi32>
    %select_n3A_238 = arith.select %eq3A_237, %select_n3A_231, %broadcast_in_dim3A_10 : vector<16xi1>, vector<16xf32>
    %add3A_239 = arith.addf %parallel_loop3A_222#1, %select_n3A_238 : vector<16xf32>
    %get3A_240 = arith.constant 0 : index
    %get3A_241 = tpu.vector_load %arg7[%get3A_240] {strides = array<i32>} : memref<64xi32, #tpu.memory_space<vmem>>, vector<16xi32>,
    %get3A_242 = vector.shape_cast %get3A_241 : vector<16xi32> to vector<16xi32>
    %broadcast_in_dim3A_243 = arith.constant 8 : i32
    %broadcast_in_dim3A_244 = vector.broadcast %broadcast_in_dim3A_243 : i32 to vector<16x1xi32>
    %gather3A_245 = vector.shape_cast %broadcast_in_dim3A_244 : vector<16x1xi32> to vector<16xi32>
    %gather3A_246 = tpu.dynamic_gather %get3A_242[%gather3A_245] in [0] : vector<16xi32>, vector<16xi32> -> vector<16xi32>
    %parallel_loop3A_247 = arith.constant 0 : i32
    %parallel_loop3A_248 = arith.constant 992 : i32
    %parallel_loop3A_249 = arith.constant 16 : i32
    %parallel_loop3A_250:2 = scf.for %parallel_loop3A_1846 = %parallel_loop3A_247 to %parallel_loop3A_248 step %parallel_loop3A_249 iter_args(%parallel_loop3A_1847 = %add3A_233, %parallel_loop3A_1848 = %add3A_239) -> (vector<16xf32>, vector<16xf32>)  : i32 {
      %parallel_loop3A_1849 = arith.constant 8 : i32
      %parallel_loop3A_1850 = arith.index_cast %parallel_loop3A_1849 : i32 to index
      %parallel_loop3A_1851 = arith.index_cast %parallel_loop3A_1846 : i32 to index
      %parallel_loop3A_1852 = tpu.vector_load %arg5[%parallel_loop3A_1850, %parallel_loop3A_1851] {strides = array<i32>} : memref<16x1000xf32, #tpu.memory_space<vmem>>, vector<1x16xf32>,
      %parallel_loop3A_1853 = vector.shape_cast %parallel_loop3A_1852 : vector<1x16xf32> to vector<16xf32>
      %parallel_loop3A_1854 = vector.broadcast %parallel_loop3A_1846 : i32 to vector<16xi32>
      %parallel_loop3A_1855 = arith.addi %iota3A, %parallel_loop3A_1854 : vector<16xi32>
      %parallel_loop3A_1856 = arith.cmpi eq, %parallel_loop3A_1855, %gather3A_246 : vector<16xi32>
      %parallel_loop3A_1857 = arith.mulf %parallel_loop3A_1853, %parallel_loop3A_1853 : vector<16xf32>
      %parallel_loop3A_1858 = arith.addf %parallel_loop3A_1847, %parallel_loop3A_1857 : vector<16xf32>
      %parallel_loop3A_1859 = arith.select %parallel_loop3A_1856, %parallel_loop3A_1853, %broadcast_in_dim3A_10 : vector<16xi1>, vector<16xf32>
      %parallel_loop3A_1860 = arith.addf %parallel_loop3A_1848, %parallel_loop3A_1859 : vector<16xf32>
      scf.yield %parallel_loop3A_1858, %parallel_loop3A_1860 : vector<16xf32>, vector<16xf32>
    } {sc.loop_unroll_factor = 16 : i64, sc.parallel_access}
    %get3A_251 = arith.constant 8 : i32
    %get3A_252 = arith.index_cast %get3A_251 : i32 to index
    %get3A_253 = arith.constant 984 : index
    %get3A_254 = tpu.vector_load %arg5[%get3A_252, %get3A_253] {strides = array<i32>} : memref<16x1000xf32, #tpu.memory_space<vmem>>, vector<1x16xf32>,
    %get3A_255 = vector.shape_cast %get3A_254 : vector<1x16xf32> to vector<16xf32>
    %ge3A_256 = arith.constant 8 : i32
    %ge3A_257 = vector.broadcast %ge3A_256 : i32 to vector<16xi32>
    %ge3A_258 = arith.cmpi sge, %iota3A, %ge3A_257 : vector<16xi32>
    %select_n3A_259 = arith.select %ge3A_258, %get3A_255, %broadcast_in_dim3A_10 : vector<16xi1>, vector<16xf32>
    %mul3A_260 = arith.mulf %select_n3A_259, %select_n3A_259 : vector<16xf32>
    %add3A_261 = arith.addf %parallel_loop3A_250#0, %mul3A_260 : vector<16xf32>
    %add3A_262 = arith.constant 984 : i32
    %add3A_263 = vector.broadcast %add3A_262 : i32 to vector<16xi32>
    %add3A_264 = arith.addi %iota3A, %add3A_263 : vector<16xi32>
    %eq3A_265 = arith.cmpi eq, %add3A_264, %gather3A_246 : vector<16xi32>
    %select_n3A_266 = arith.select %eq3A_265, %select_n3A_259, %broadcast_in_dim3A_10 : vector<16xi1>, vector<16xf32>
    %add3A_267 = arith.addf %parallel_loop3A_250#1, %select_n3A_266 : vector<16xf32>
    %get3A_268 = arith.constant 0 : index
    %get3A_269 = tpu.vector_load %arg7[%get3A_268] {strides = array<i32>} : memref<64xi32, #tpu.memory_space<vmem>>, vector<16xi32>,
    %get3A_270 = vector.shape_cast %get3A_269 : vector<16xi32> to vector<16xi32>
    %broadcast_in_dim3A_271 = arith.constant 9 : i32
    %broadcast_in_dim3A_272 = vector.broadcast %broadcast_in_dim3A_271 : i32 to vector<16x1xi32>
    %gather3A_273 = vector.shape_cast %broadcast_in_dim3A_272 : vector<16x1xi32> to vector<16xi32>
    %gather3A_274 = tpu.dynamic_gather %get3A_270[%gather3A_273] in [0] : vector<16xi32>, vector<16xi32> -> vector<16xi32>
    %parallel_loop3A_275 = arith.constant 0 : i32
    %parallel_loop3A_276 = arith.constant 992 : i32
    %parallel_loop3A_277 = arith.constant 16 : i32
    %parallel_loop3A_278:2 = scf.for %parallel_loop3A_1846 = %parallel_loop3A_275 to %parallel_loop3A_276 step %parallel_loop3A_277 iter_args(%parallel_loop3A_1847 = %add3A_261, %parallel_loop3A_1848 = %add3A_267) -> (vector<16xf32>, vector<16xf32>)  : i32 {
      %parallel_loop3A_1849 = arith.constant 9 : i32
      %parallel_loop3A_1850 = arith.index_cast %parallel_loop3A_1849 : i32 to index
      %parallel_loop3A_1851 = arith.index_cast %parallel_loop3A_1846 : i32 to index
      %parallel_loop3A_1852 = tpu.vector_load %arg5[%parallel_loop3A_1850, %parallel_loop3A_1851] {strides = array<i32>} : memref<16x1000xf32, #tpu.memory_space<vmem>>, vector<1x16xf32>,
      %parallel_loop3A_1853 = vector.shape_cast %parallel_loop3A_1852 : vector<1x16xf32> to vector<16xf32>
      %parallel_loop3A_1854 = vector.broadcast %parallel_loop3A_1846 : i32 to vector<16xi32>
      %parallel_loop3A_1855 = arith.addi %iota3A, %parallel_loop3A_1854 : vector<16xi32>
      %parallel_loop3A_1856 = arith.cmpi eq, %parallel_loop3A_1855, %gather3A_274 : vector<16xi32>
      %parallel_loop3A_1857 = arith.mulf %parallel_loop3A_1853, %parallel_loop3A_1853 : vector<16xf32>
      %parallel_loop3A_1858 = arith.addf %parallel_loop3A_1847, %parallel_loop3A_1857 : vector<16xf32>
      %parallel_loop3A_1859 = arith.select %parallel_loop3A_1856, %parallel_loop3A_1853, %broadcast_in_dim3A_10 : vector<16xi1>, vector<16xf32>
      %parallel_loop3A_1860 = arith.addf %parallel_loop3A_1848, %parallel_loop3A_1859 : vector<16xf32>
      scf.yield %parallel_loop3A_1858, %parallel_loop3A_1860 : vector<16xf32>, vector<16xf32>
    } {sc.loop_unroll_factor = 16 : i64, sc.parallel_access}
    %get3A_279 = arith.constant 9 : i32
    %get3A_280 = arith.index_cast %get3A_279 : i32 to index
    %get3A_281 = arith.constant 984 : index
    %get3A_282 = tpu.vector_load %arg5[%get3A_280, %get3A_281] {strides = array<i32>} : memref<16x1000xf32, #tpu.memory_space<vmem>>, vector<1x16xf32>,
    %get3A_283 = vector.shape_cast %get3A_282 : vector<1x16xf32> to vector<16xf32>
    %ge3A_284 = arith.constant 8 : i32
    %ge3A_285 = vector.broadcast %ge3A_284 : i32 to vector<16xi32>
    %ge3A_286 = arith.cmpi sge, %iota3A, %ge3A_285 : vector<16xi32>
    %select_n3A_287 = arith.select %ge3A_286, %get3A_283, %broadcast_in_dim3A_10 : vector<16xi1>, vector<16xf32>
    %mul3A_288 = arith.mulf %select_n3A_287, %select_n3A_287 : vector<16xf32>
    %add3A_289 = arith.addf %parallel_loop3A_278#0, %mul3A_288 : vector<16xf32>
    %add3A_290 = arith.constant 984 : i32
    %add3A_291 = vector.broadcast %add3A_290 : i32 to vector<16xi32>
    %add3A_292 = arith.addi %iota3A, %add3A_291 : vector<16xi32>
    %eq3A_293 = arith.cmpi eq, %add3A_292, %gather3A_274 : vector<16xi32>
    %select_n3A_294 = arith.select %eq3A_293, %select_n3A_287, %broadcast_in_dim3A_10 : vector<16xi1>, vector<16xf32>
    %add3A_295 = arith.addf %parallel_loop3A_278#1, %select_n3A_294 : vector<16xf32>
    %get3A_296 = arith.constant 0 : index
    %get3A_297 = tpu.vector_load %arg7[%get3A_296] {strides = array<i32>} : memref<64xi32, #tpu.memory_space<vmem>>, vector<16xi32>,
    %get3A_298 = vector.shape_cast %get3A_297 : vector<16xi32> to vector<16xi32>
    %broadcast_in_dim3A_299 = arith.constant 10 : i32
    %broadcast_in_dim3A_300 = vector.broadcast %broadcast_in_dim3A_299 : i32 to vector<16x1xi32>
    %gather3A_301 = vector.shape_cast %broadcast_in_dim3A_300 : vector<16x1xi32> to vector<16xi32>
    %gather3A_302 = tpu.dynamic_gather %get3A_298[%gather3A_301] in [0] : vector<16xi32>, vector<16xi32> -> vector<16xi32>
    %parallel_loop3A_303 = arith.constant 0 : i32
    %parallel_loop3A_304 = arith.constant 992 : i32
    %parallel_loop3A_305 = arith.constant 16 : i32
    %parallel_loop3A_306:2 = scf.for %parallel_loop3A_1846 = %parallel_loop3A_303 to %parallel_loop3A_304 step %parallel_loop3A_305 iter_args(%parallel_loop3A_1847 = %add3A_289, %parallel_loop3A_1848 = %add3A_295) -> (vector<16xf32>, vector<16xf32>)  : i32 {
      %parallel_loop3A_1849 = arith.constant 10 : i32
      %parallel_loop3A_1850 = arith.index_cast %parallel_loop3A_1849 : i32 to index
      %parallel_loop3A_1851 = arith.index_cast %parallel_loop3A_1846 : i32 to index
      %parallel_loop3A_1852 = tpu.vector_load %arg5[%parallel_loop3A_1850, %parallel_loop3A_1851] {strides = array<i32>} : memref<16x1000xf32, #tpu.memory_space<vmem>>, vector<1x16xf32>,
      %parallel_loop3A_1853 = vector.shape_cast %parallel_loop3A_1852 : vector<1x16xf32> to vector<16xf32>
      %parallel_loop3A_1854 = vector.broadcast %parallel_loop3A_1846 : i32 to vector<16xi32>
      %parallel_loop3A_1855 = arith.addi %iota3A, %parallel_loop3A_1854 : vector<16xi32>
      %parallel_loop3A_1856 = arith.cmpi eq, %parallel_loop3A_1855, %gather3A_302 : vector<16xi32>
      %parallel_loop3A_1857 = arith.mulf %parallel_loop3A_1853, %parallel_loop3A_1853 : vector<16xf32>
      %parallel_loop3A_1858 = arith.addf %parallel_loop3A_1847, %parallel_loop3A_1857 : vector<16xf32>
      %parallel_loop3A_1859 = arith.select %parallel_loop3A_1856, %parallel_loop3A_1853, %broadcast_in_dim3A_10 : vector<16xi1>, vector<16xf32>
      %parallel_loop3A_1860 = arith.addf %parallel_loop3A_1848, %parallel_loop3A_1859 : vector<16xf32>
      scf.yield %parallel_loop3A_1858, %parallel_loop3A_1860 : vector<16xf32>, vector<16xf32>
    } {sc.loop_unroll_factor = 16 : i64, sc.parallel_access}
    %get3A_307 = arith.constant 10 : i32
    %get3A_308 = arith.index_cast %get3A_307 : i32 to index
    %get3A_309 = arith.constant 984 : index
    %get3A_310 = tpu.vector_load %arg5[%get3A_308, %get3A_309] {strides = array<i32>} : memref<16x1000xf32, #tpu.memory_space<vmem>>, vector<1x16xf32>,
    %get3A_311 = vector.shape_cast %get3A_310 : vector<1x16xf32> to vector<16xf32>
    %ge3A_312 = arith.constant 8 : i32
    %ge3A_313 = vector.broadcast %ge3A_312 : i32 to vector<16xi32>
    %ge3A_314 = arith.cmpi sge, %iota3A, %ge3A_313 : vector<16xi32>
    %select_n3A_315 = arith.select %ge3A_314, %get3A_311, %broadcast_in_dim3A_10 : vector<16xi1>, vector<16xf32>
    %mul3A_316 = arith.mulf %select_n3A_315, %select_n3A_315 : vector<16xf32>
    %add3A_317 = arith.addf %parallel_loop3A_306#0, %mul3A_316 : vector<16xf32>
    %add3A_318 = arith.constant 984 : i32
    %add3A_319 = vector.broadcast %add3A_318 : i32 to vector<16xi32>
    %add3A_320 = arith.addi %iota3A, %add3A_319 : vector<16xi32>
    %eq3A_321 = arith.cmpi eq, %add3A_320, %gather3A_302 : vector<16xi32>
    %select_n3A_322 = arith.select %eq3A_321, %select_n3A_315, %broadcast_in_dim3A_10 : vector<16xi1>, vector<16xf32>
    %add3A_323 = arith.addf %parallel_loop3A_306#1, %select_n3A_322 : vector<16xf32>
    %get3A_324 = arith.constant 0 : index
    %get3A_325 = tpu.vector_load %arg7[%get3A_324] {strides = array<i32>} : memref<64xi32, #tpu.memory_space<vmem>>, vector<16xi32>,
    %get3A_326 = vector.shape_cast %get3A_325 : vector<16xi32> to vector<16xi32>
    %broadcast_in_dim3A_327 = arith.constant 11 : i32
    %broadcast_in_dim3A_328 = vector.broadcast %broadcast_in_dim3A_327 : i32 to vector<16x1xi32>
    %gather3A_329 = vector.shape_cast %broadcast_in_dim3A_328 : vector<16x1xi32> to vector<16xi32>
    %gather3A_330 = tpu.dynamic_gather %get3A_326[%gather3A_329] in [0] : vector<16xi32>, vector<16xi32> -> vector<16xi32>
    %parallel_loop3A_331 = arith.constant 0 : i32
    %parallel_loop3A_332 = arith.constant 992 : i32
    %parallel_loop3A_333 = arith.constant 16 : i32
    %parallel_loop3A_334:2 = scf.for %parallel_loop3A_1846 = %parallel_loop3A_331 to %parallel_loop3A_332 step %parallel_loop3A_333 iter_args(%parallel_loop3A_1847 = %add3A_317, %parallel_loop3A_1848 = %add3A_323) -> (vector<16xf32>, vector<16xf32>)  : i32 {
      %parallel_loop3A_1849 = arith.constant 11 : i32
      %parallel_loop3A_1850 = arith.index_cast %parallel_loop3A_1849 : i32 to index
      %parallel_loop3A_1851 = arith.index_cast %parallel_loop3A_1846 : i32 to index
      %parallel_loop3A_1852 = tpu.vector_load %arg5[%parallel_loop3A_1850, %parallel_loop3A_1851] {strides = array<i32>} : memref<16x1000xf32, #tpu.memory_space<vmem>>, vector<1x16xf32>,
      %parallel_loop3A_1853 = vector.shape_cast %parallel_loop3A_1852 : vector<1x16xf32> to vector<16xf32>
      %parallel_loop3A_1854 = vector.broadcast %parallel_loop3A_1846 : i32 to vector<16xi32>
      %parallel_loop3A_1855 = arith.addi %iota3A, %parallel_loop3A_1854 : vector<16xi32>
      %parallel_loop3A_1856 = arith.cmpi eq, %parallel_loop3A_1855, %gather3A_330 : vector<16xi32>
      %parallel_loop3A_1857 = arith.mulf %parallel_loop3A_1853, %parallel_loop3A_1853 : vector<16xf32>
      %parallel_loop3A_1858 = arith.addf %parallel_loop3A_1847, %parallel_loop3A_1857 : vector<16xf32>
      %parallel_loop3A_1859 = arith.select %parallel_loop3A_1856, %parallel_loop3A_1853, %broadcast_in_dim3A_10 : vector<16xi1>, vector<16xf32>
      %parallel_loop3A_1860 = arith.addf %parallel_loop3A_1848, %parallel_loop3A_1859 : vector<16xf32>
      scf.yield %parallel_loop3A_1858, %parallel_loop3A_1860 : vector<16xf32>, vector<16xf32>
    } {sc.loop_unroll_factor = 16 : i64, sc.parallel_access}
    %get3A_335 = arith.constant 11 : i32
    %get3A_336 = arith.index_cast %get3A_335 : i32 to index
    %get3A_337 = arith.constant 984 : index
    %get3A_338 = tpu.vector_load %arg5[%get3A_336, %get3A_337] {strides = array<i32>} : memref<16x1000xf32, #tpu.memory_space<vmem>>, vector<1x16xf32>,
    %get3A_339 = vector.shape_cast %get3A_338 : vector<1x16xf32> to vector<16xf32>
    %ge3A_340 = arith.constant 8 : i32
    %ge3A_341 = vector.broadcast %ge3A_340 : i32 to vector<16xi32>
    %ge3A_342 = arith.cmpi sge, %iota3A, %ge3A_341 : vector<16xi32>
    %select_n3A_343 = arith.select %ge3A_342, %get3A_339, %broadcast_in_dim3A_10 : vector<16xi1>, vector<16xf32>
    %mul3A_344 = arith.mulf %select_n3A_343, %select_n3A_343 : vector<16xf32>
    %add3A_345 = arith.addf %parallel_loop3A_334#0, %mul3A_344 : vector<16xf32>
    %add3A_346 = arith.constant 984 : i32
    %add3A_347 = vector.broadcast %add3A_346 : i32 to vector<16xi32>
    %add3A_348 = arith.addi %iota3A, %add3A_347 : vector<16xi32>
    %eq3A_349 = arith.cmpi eq, %add3A_348, %gather3A_330 : vector<16xi32>
    %select_n3A_350 = arith.select %eq3A_349, %select_n3A_343, %broadcast_in_dim3A_10 : vector<16xi1>, vector<16xf32>
    %add3A_351 = arith.addf %parallel_loop3A_334#1, %select_n3A_350 : vector<16xf32>
    %get3A_352 = arith.constant 0 : index
    %get3A_353 = tpu.vector_load %arg7[%get3A_352] {strides = array<i32>} : memref<64xi32, #tpu.memory_space<vmem>>, vector<16xi32>,
    %get3A_354 = vector.shape_cast %get3A_353 : vector<16xi32> to vector<16xi32>
    %broadcast_in_dim3A_355 = arith.constant 12 : i32
    %broadcast_in_dim3A_356 = vector.broadcast %broadcast_in_dim3A_355 : i32 to vector<16x1xi32>
    %gather3A_357 = vector.shape_cast %broadcast_in_dim3A_356 : vector<16x1xi32> to vector<16xi32>
    %gather3A_358 = tpu.dynamic_gather %get3A_354[%gather3A_357] in [0] : vector<16xi32>, vector<16xi32> -> vector<16xi32>
    %parallel_loop3A_359 = arith.constant 0 : i32
    %parallel_loop3A_360 = arith.constant 992 : i32
    %parallel_loop3A_361 = arith.constant 16 : i32
    %parallel_loop3A_362:2 = scf.for %parallel_loop3A_1846 = %parallel_loop3A_359 to %parallel_loop3A_360 step %parallel_loop3A_361 iter_args(%parallel_loop3A_1847 = %add3A_345, %parallel_loop3A_1848 = %add3A_351) -> (vector<16xf32>, vector<16xf32>)  : i32 {
      %parallel_loop3A_1849 = arith.constant 12 : i32
      %parallel_loop3A_1850 = arith.index_cast %parallel_loop3A_1849 : i32 to index
      %parallel_loop3A_1851 = arith.index_cast %parallel_loop3A_1846 : i32 to index
      %parallel_loop3A_1852 = tpu.vector_load %arg5[%parallel_loop3A_1850, %parallel_loop3A_1851] {strides = array<i32>} : memref<16x1000xf32, #tpu.memory_space<vmem>>, vector<1x16xf32>,
      %parallel_loop3A_1853 = vector.shape_cast %parallel_loop3A_1852 : vector<1x16xf32> to vector<16xf32>
      %parallel_loop3A_1854 = vector.broadcast %parallel_loop3A_1846 : i32 to vector<16xi32>
      %parallel_loop3A_1855 = arith.addi %iota3A, %parallel_loop3A_1854 : vector<16xi32>
      %parallel_loop3A_1856 = arith.cmpi eq, %parallel_loop3A_1855, %gather3A_358 : vector<16xi32>
      %parallel_loop3A_1857 = arith.mulf %parallel_loop3A_1853, %parallel_loop3A_1853 : vector<16xf32>
      %parallel_loop3A_1858 = arith.addf %parallel_loop3A_1847, %parallel_loop3A_1857 : vector<16xf32>
      %parallel_loop3A_1859 = arith.select %parallel_loop3A_1856, %parallel_loop3A_1853, %broadcast_in_dim3A_10 : vector<16xi1>, vector<16xf32>
      %parallel_loop3A_1860 = arith.addf %parallel_loop3A_1848, %parallel_loop3A_1859 : vector<16xf32>
      scf.yield %parallel_loop3A_1858, %parallel_loop3A_1860 : vector<16xf32>, vector<16xf32>
    } {sc.loop_unroll_factor = 16 : i64, sc.parallel_access}
    %get3A_363 = arith.constant 12 : i32
    %get3A_364 = arith.index_cast %get3A_363 : i32 to index
    %get3A_365 = arith.constant 984 : index
    %get3A_366 = tpu.vector_load %arg5[%get3A_364, %get3A_365] {strides = array<i32>} : memref<16x1000xf32, #tpu.memory_space<vmem>>, vector<1x16xf32>,
    %get3A_367 = vector.shape_cast %get3A_366 : vector<1x16xf32> to vector<16xf32>
    %ge3A_368 = arith.constant 8 : i32
    %ge3A_369 = vector.broadcast %ge3A_368 : i32 to vector<16xi32>
    %ge3A_370 = arith.cmpi sge, %iota3A, %ge3A_369 : vector<16xi32>
    %select_n3A_371 = arith.select %ge3A_370, %get3A_367, %broadcast_in_dim3A_10 : vector<16xi1>, vector<16xf32>
    %mul3A_372 = arith.mulf %select_n3A_371, %select_n3A_371 : vector<16xf32>
    %add3A_373 = arith.addf %parallel_loop3A_362#0, %mul3A_372 : vector<16xf32>
    %add3A_374 = arith.constant 984 : i32
    %add3A_375 = vector.broadcast %add3A_374 : i32 to vector<16xi32>
    %add3A_376 = arith.addi %iota3A, %add3A_375 : vector<16xi32>
    %eq3A_377 = arith.cmpi eq, %add3A_376, %gather3A_358 : vector<16xi32>
    %select_n3A_378 = arith.select %eq3A_377, %select_n3A_371, %broadcast_in_dim3A_10 : vector<16xi1>, vector<16xf32>
    %add3A_379 = arith.addf %parallel_loop3A_362#1, %select_n3A_378 : vector<16xf32>
    %get3A_380 = arith.constant 0 : index
    %get3A_381 = tpu.vector_load %arg7[%get3A_380] {strides = array<i32>} : memref<64xi32, #tpu.memory_space<vmem>>, vector<16xi32>,
    %get3A_382 = vector.shape_cast %get3A_381 : vector<16xi32> to vector<16xi32>
    %broadcast_in_dim3A_383 = arith.constant 13 : i32
    %broadcast_in_dim3A_384 = vector.broadcast %broadcast_in_dim3A_383 : i32 to vector<16x1xi32>
    %gather3A_385 = vector.shape_cast %broadcast_in_dim3A_384 : vector<16x1xi32> to vector<16xi32>
    %gather3A_386 = tpu.dynamic_gather %get3A_382[%gather3A_385] in [0] : vector<16xi32>, vector<16xi32> -> vector<16xi32>
    %parallel_loop3A_387 = arith.constant 0 : i32
    %parallel_loop3A_388 = arith.constant 992 : i32
    %parallel_loop3A_389 = arith.constant 16 : i32
    %parallel_loop3A_390:2 = scf.for %parallel_loop3A_1846 = %parallel_loop3A_387 to %parallel_loop3A_388 step %parallel_loop3A_389 iter_args(%parallel_loop3A_1847 = %add3A_373, %parallel_loop3A_1848 = %add3A_379) -> (vector<16xf32>, vector<16xf32>)  : i32 {
      %parallel_loop3A_1849 = arith.constant 13 : i32
      %parallel_loop3A_1850 = arith.index_cast %parallel_loop3A_1849 : i32 to index
      %parallel_loop3A_1851 = arith.index_cast %parallel_loop3A_1846 : i32 to index
      %parallel_loop3A_1852 = tpu.vector_load %arg5[%parallel_loop3A_1850, %parallel_loop3A_1851] {strides = array<i32>} : memref<16x1000xf32, #tpu.memory_space<vmem>>, vector<1x16xf32>,
      %parallel_loop3A_1853 = vector.shape_cast %parallel_loop3A_1852 : vector<1x16xf32> to vector<16xf32>
      %parallel_loop3A_1854 = vector.broadcast %parallel_loop3A_1846 : i32 to vector<16xi32>
      %parallel_loop3A_1855 = arith.addi %iota3A, %parallel_loop3A_1854 : vector<16xi32>
      %parallel_loop3A_1856 = arith.cmpi eq, %parallel_loop3A_1855, %gather3A_386 : vector<16xi32>
      %parallel_loop3A_1857 = arith.mulf %parallel_loop3A_1853, %parallel_loop3A_1853 : vector<16xf32>
      %parallel_loop3A_1858 = arith.addf %parallel_loop3A_1847, %parallel_loop3A_1857 : vector<16xf32>
      %parallel_loop3A_1859 = arith.select %parallel_loop3A_1856, %parallel_loop3A_1853, %broadcast_in_dim3A_10 : vector<16xi1>, vector<16xf32>
      %parallel_loop3A_1860 = arith.addf %parallel_loop3A_1848, %parallel_loop3A_1859 : vector<16xf32>
      scf.yield %parallel_loop3A_1858, %parallel_loop3A_1860 : vector<16xf32>, vector<16xf32>
    } {sc.loop_unroll_factor = 16 : i64, sc.parallel_access}
    %get3A_391 = arith.constant 13 : i32
    %get3A_392 = arith.index_cast %get3A_391 : i32 to index
    %get3A_393 = arith.constant 984 : index
    %get3A_394 = tpu.vector_load %arg5[%get3A_392, %get3A_393] {strides = array<i32>} : memref<16x1000xf32, #tpu.memory_space<vmem>>, vector<1x16xf32>,
    %get3A_395 = vector.shape_cast %get3A_394 : vector<1x16xf32> to vector<16xf32>
    %ge3A_396 = arith.constant 8 : i32
    %ge3A_397 = vector.broadcast %ge3A_396 : i32 to vector<16xi32>
    %ge3A_398 = arith.cmpi sge, %iota3A, %ge3A_397 : vector<16xi32>
    %select_n3A_399 = arith.select %ge3A_398, %get3A_395, %broadcast_in_dim3A_10 : vector<16xi1>, vector<16xf32>
    %mul3A_400 = arith.mulf %select_n3A_399, %select_n3A_399 : vector<16xf32>
    %add3A_401 = arith.addf %parallel_loop3A_390#0, %mul3A_400 : vector<16xf32>
    %add3A_402 = arith.constant 984 : i32
    %add3A_403 = vector.broadcast %add3A_402 : i32 to vector<16xi32>
    %add3A_404 = arith.addi %iota3A, %add3A_403 : vector<16xi32>
    %eq3A_405 = arith.cmpi eq, %add3A_404, %gather3A_386 : vector<16xi32>
    %select_n3A_406 = arith.select %eq3A_405, %select_n3A_399, %broadcast_in_dim3A_10 : vector<16xi1>, vector<16xf32>
    %add3A_407 = arith.addf %parallel_loop3A_390#1, %select_n3A_406 : vector<16xf32>
    %get3A_408 = arith.constant 0 : index
    %get3A_409 = tpu.vector_load %arg7[%get3A_408] {strides = array<i32>} : memref<64xi32, #tpu.memory_space<vmem>>, vector<16xi32>,
    %get3A_410 = vector.shape_cast %get3A_409 : vector<16xi32> to vector<16xi32>
    %broadcast_in_dim3A_411 = arith.constant 14 : i32
    %broadcast_in_dim3A_412 = vector.broadcast %broadcast_in_dim3A_411 : i32 to vector<16x1xi32>
    %gather3A_413 = vector.shape_cast %broadcast_in_dim3A_412 : vector<16x1xi32> to vector<16xi32>
    %gather3A_414 = tpu.dynamic_gather %get3A_410[%gather3A_413] in [0] : vector<16xi32>, vector<16xi32> -> vector<16xi32>
    %parallel_loop3A_415 = arith.constant 0 : i32
    %parallel_loop3A_416 = arith.constant 992 : i32
    %parallel_loop3A_417 = arith.constant 16 : i32
    %parallel_loop3A_418:2 = scf.for %parallel_loop3A_1846 = %parallel_loop3A_415 to %parallel_loop3A_416 step %parallel_loop3A_417 iter_args(%parallel_loop3A_1847 = %add3A_401, %parallel_loop3A_1848 = %add3A_407) -> (vector<16xf32>, vector<16xf32>)  : i32 {
      %parallel_loop3A_1849 = arith.constant 14 : i32
      %parallel_loop3A_1850 = arith.index_cast %parallel_loop3A_1849 : i32 to index
      %parallel_loop3A_1851 = arith.index_cast %parallel_loop3A_1846 : i32 to index
      %parallel_loop3A_1852 = tpu.vector_load %arg5[%parallel_loop3A_1850, %parallel_loop3A_1851] {strides = array<i32>} : memref<16x1000xf32, #tpu.memory_space<vmem>>, vector<1x16xf32>,
      %parallel_loop3A_1853 = vector.shape_cast %parallel_loop3A_1852 : vector<1x16xf32> to vector<16xf32>
      %parallel_loop3A_1854 = vector.broadcast %parallel_loop3A_1846 : i32 to vector<16xi32>
      %parallel_loop3A_1855 = arith.addi %iota3A, %parallel_loop3A_1854 : vector<16xi32>
      %parallel_loop3A_1856 = arith.cmpi eq, %parallel_loop3A_1855, %gather3A_414 : vector<16xi32>
      %parallel_loop3A_1857 = arith.mulf %parallel_loop3A_1853, %parallel_loop3A_1853 : vector<16xf32>
      %parallel_loop3A_1858 = arith.addf %parallel_loop3A_1847, %parallel_loop3A_1857 : vector<16xf32>
      %parallel_loop3A_1859 = arith.select %parallel_loop3A_1856, %parallel_loop3A_1853, %broadcast_in_dim3A_10 : vector<16xi1>, vector<16xf32>
      %parallel_loop3A_1860 = arith.addf %parallel_loop3A_1848, %parallel_loop3A_1859 : vector<16xf32>
      scf.yield %parallel_loop3A_1858, %parallel_loop3A_1860 : vector<16xf32>, vector<16xf32>
    } {sc.loop_unroll_factor = 16 : i64, sc.parallel_access}
    %get3A_419 = arith.constant 14 : i32
    %get3A_420 = arith.index_cast %get3A_419 : i32 to index
    %get3A_421 = arith.constant 984 : index
    %get3A_422 = tpu.vector_load %arg5[%get3A_420, %get3A_421] {strides = array<i32>} : memref<16x1000xf32, #tpu.memory_space<vmem>>, vector<1x16xf32>,
    %get3A_423 = vector.shape_cast %get3A_422 : vector<1x16xf32> to vector<16xf32>
    %ge3A_424 = arith.constant 8 : i32
    %ge3A_425 = vector.broadcast %ge3A_424 : i32 to vector<16xi32>
    %ge3A_426 = arith.cmpi sge, %iota3A, %ge3A_425 : vector<16xi32>
    %select_n3A_427 = arith.select %ge3A_426, %get3A_423, %broadcast_in_dim3A_10 : vector<16xi1>, vector<16xf32>
    %mul3A_428 = arith.mulf %select_n3A_427, %select_n3A_427 : vector<16xf32>
    %add3A_429 = arith.addf %parallel_loop3A_418#0, %mul3A_428 : vector<16xf32>
    %add3A_430 = arith.constant 984 : i32
    %add3A_431 = vector.broadcast %add3A_430 : i32 to vector<16xi32>
    %add3A_432 = arith.addi %iota3A, %add3A_431 : vector<16xi32>
    %eq3A_433 = arith.cmpi eq, %add3A_432, %gather3A_414 : vector<16xi32>
    %select_n3A_434 = arith.select %eq3A_433, %select_n3A_427, %broadcast_in_dim3A_10 : vector<16xi1>, vector<16xf32>
    %add3A_435 = arith.addf %parallel_loop3A_418#1, %select_n3A_434 : vector<16xf32>
    %get3A_436 = arith.constant 0 : index
    %get3A_437 = tpu.vector_load %arg7[%get3A_436] {strides = array<i32>} : memref<64xi32, #tpu.memory_space<vmem>>, vector<16xi32>,
    %get3A_438 = vector.shape_cast %get3A_437 : vector<16xi32> to vector<16xi32>
    %broadcast_in_dim3A_439 = arith.constant 15 : i32
    %broadcast_in_dim3A_440 = vector.broadcast %broadcast_in_dim3A_439 : i32 to vector<16x1xi32>
    %gather3A_441 = vector.shape_cast %broadcast_in_dim3A_440 : vector<16x1xi32> to vector<16xi32>
    %gather3A_442 = tpu.dynamic_gather %get3A_438[%gather3A_441] in [0] : vector<16xi32>, vector<16xi32> -> vector<16xi32>
    %parallel_loop3A_443 = arith.constant 0 : i32
    %parallel_loop3A_444 = arith.constant 992 : i32
    %parallel_loop3A_445 = arith.constant 16 : i32
    %parallel_loop3A_446:2 = scf.for %parallel_loop3A_1846 = %parallel_loop3A_443 to %parallel_loop3A_444 step %parallel_loop3A_445 iter_args(%parallel_loop3A_1847 = %add3A_429, %parallel_loop3A_1848 = %add3A_435) -> (vector<16xf32>, vector<16xf32>)  : i32 {
      %parallel_loop3A_1849 = arith.constant 15 : i32
      %parallel_loop3A_1850 = arith.index_cast %parallel_loop3A_1849 : i32 to index
      %parallel_loop3A_1851 = arith.index_cast %parallel_loop3A_1846 : i32 to index
      %parallel_loop3A_1852 = tpu.vector_load %arg5[%parallel_loop3A_1850, %parallel_loop3A_1851] {strides = array<i32>} : memref<16x1000xf32, #tpu.memory_space<vmem>>, vector<1x16xf32>,
      %parallel_loop3A_1853 = vector.shape_cast %parallel_loop3A_1852 : vector<1x16xf32> to vector<16xf32>
      %parallel_loop3A_1854 = vector.broadcast %parallel_loop3A_1846 : i32 to vector<16xi32>
      %parallel_loop3A_1855 = arith.addi %iota3A, %parallel_loop3A_1854 : vector<16xi32>
      %parallel_loop3A_1856 = arith.cmpi eq, %parallel_loop3A_1855, %gather3A_442 : vector<16xi32>
      %parallel_loop3A_1857 = arith.mulf %parallel_loop3A_1853, %parallel_loop3A_1853 : vector<16xf32>
      %parallel_loop3A_1858 = arith.addf %parallel_loop3A_1847, %parallel_loop3A_1857 : vector<16xf32>
      %parallel_loop3A_1859 = arith.select %parallel_loop3A_1856, %parallel_loop3A_1853, %broadcast_in_dim3A_10 : vector<16xi1>, vector<16xf32>
      %parallel_loop3A_1860 = arith.addf %parallel_loop3A_1848, %parallel_loop3A_1859 : vector<16xf32>
      scf.yield %parallel_loop3A_1858, %parallel_loop3A_1860 : vector<16xf32>, vector<16xf32>
    } {sc.loop_unroll_factor = 16 : i64, sc.parallel_access}
    %get3A_447 = arith.constant 15 : i32
    %get3A_448 = arith.index_cast %get3A_447 : i32 to index
    %get3A_449 = arith.constant 984 : index
    %get3A_450 = tpu.vector_load %arg5[%get3A_448, %get3A_449] {strides = array<i32>} : memref<16x1000xf32, #tpu.memory_space<vmem>>, vector<1x16xf32>,
    %get3A_451 = vector.shape_cast %get3A_450 : vector<1x16xf32> to vector<16xf32>
    %ge3A_452 = arith.constant 8 : i32
    %ge3A_453 = vector.broadcast %ge3A_452 : i32 to vector<16xi32>
    %ge3A_454 = arith.cmpi sge, %iota3A, %ge3A_453 : vector<16xi32>
    %select_n3A_455 = arith.select %ge3A_454, %get3A_451, %broadcast_in_dim3A_10 : vector<16xi1>, vector<16xf32>
    %mul3A_456 = arith.mulf %select_n3A_455, %select_n3A_455 : vector<16xf32>
    %add3A_457 = arith.addf %parallel_loop3A_446#0, %mul3A_456 : vector<16xf32>
    %add3A_458 = arith.constant 984 : i32
    %add3A_459 = vector.broadcast %add3A_458 : i32 to vector<16xi32>
    %add3A_460 = arith.addi %iota3A, %add3A_459 : vector<16xi32>
    %eq3A_461 = arith.cmpi eq, %add3A_460, %gather3A_442 : vector<16xi32>
    %select_n3A_462 = arith.select %eq3A_461, %select_n3A_455, %broadcast_in_dim3A_10 : vector<16xi1>, vector<16xf32>
    %add3A_463 = arith.addf %parallel_loop3A_446#1, %select_n3A_462 : vector<16xf32>
    %add3A_464 = arith.constant 32 : i32
    %add3A_465 = arith.addi %add3A_4, %add3A_464 : i32
    %dma_start3A_466 = arith.constant 0 : i32
    %dma_start3A_467 = tpu.memref_slice %arg2[%add3A_465, %dma_start3A_466] : memref<16384x1000xf32, #tpu.memory_space<hbm>> -> memref<16x1000xf32, #tpu.memory_space<hbm>>
    %dma_start3A_468 = arith.constant 0 : i32
    %dma_start3A_469 = tpu.memref_slice %arg2[%add3A_465, %dma_start3A_468] : memref<16384x1000xf32, #tpu.memory_space<hbm>> -> memref<16x1000xf32, #tpu.memory_space<hbm>>
    tpu.enqueue_dma source(%dma_start3A_469 : memref<16x1000xf32, #tpu.memory_space<hbm>>) target(%arg5 : memref<16x1000xf32, #tpu.memory_space<vmem>>) target_semaphore(%arg9 : memref<!tpu.dma_semaphore, #tpu.memory_space<semaphore_mem>>)
    %add3A_470 = arith.constant 16 : i32
    %add3A_471 = arith.addi %add3A_4, %add3A_470 : i32
    %dma_wait3A_472 = arith.constant 0 : i32
    %dma_wait3A_473 = tpu.memref_slice %arg2[%add3A_471, %dma_wait3A_472] : memref<16384x1000xf32, #tpu.memory_space<hbm>> -> memref<16x1000xf32, #tpu.memory_space<hbm>>
    %dma_wait3A_474 = arith.constant 0 : i32
    %dma_wait3A_475 = tpu.memref_slice %arg2[%add3A_471, %dma_wait3A_474] : memref<16384x1000xf32, #tpu.memory_space<hbm>> -> memref<16x1000xf32, #tpu.memory_space<hbm>>
    tpu.wait_dma2 semaphore(%arg10 : memref<!tpu.dma_semaphore, #tpu.memory_space<semaphore_mem>>) src(%dma_wait3A_475 : memref<16x1000xf32, #tpu.memory_space<hbm>>) dst(%arg6 : memref<16x1000xf32, #tpu.memory_space<vmem>>)
    %get3A_476 = arith.constant 16 : index
    %get3A_477 = tpu.vector_load %arg7[%get3A_476] {strides = array<i32>} : memref<64xi32, #tpu.memory_space<vmem>>, vector<16xi32>,
    %get3A_478 = vector.shape_cast %get3A_477 : vector<16xi32> to vector<16xi32>
    %broadcast_in_dim3A_479 = arith.constant 0 : i32
    %broadcast_in_dim3A_480 = vector.broadcast %broadcast_in_dim3A_479 : i32 to vector<16x1xi32>
    %gather3A_481 = vector.shape_cast %broadcast_in_dim3A_480 : vector<16x1xi32> to vector<16xi32>
    %gather3A_482 = tpu.dynamic_gather %get3A_478[%gather3A_481] in [0] : vector<16xi32>, vector<16xi32> -> vector<16xi32>
    %parallel_loop3A_483 = arith.constant 0 : i32
    %parallel_loop3A_484 = arith.constant 992 : i32
    %parallel_loop3A_485 = arith.constant 16 : i32
    %parallel_loop3A_486:2 = scf.for %parallel_loop3A_1846 = %parallel_loop3A_483 to %parallel_loop3A_484 step %parallel_loop3A_485 iter_args(%parallel_loop3A_1847 = %add3A_457, %parallel_loop3A_1848 = %add3A_463) -> (vector<16xf32>, vector<16xf32>)  : i32 {
      %parallel_loop3A_1849 = arith.constant 0 : i32
      %parallel_loop3A_1850 = arith.index_cast %parallel_loop3A_1849 : i32 to index
      %parallel_loop3A_1851 = arith.index_cast %parallel_loop3A_1846 : i32 to index
      %parallel_loop3A_1852 = tpu.vector_load %arg6[%parallel_loop3A_1850, %parallel_loop3A_1851] {strides = array<i32>} : memref<16x1000xf32, #tpu.memory_space<vmem>>, vector<1x16xf32>,
      %parallel_loop3A_1853 = vector.shape_cast %parallel_loop3A_1852 : vector<1x16xf32> to vector<16xf32>
      %parallel_loop3A_1854 = vector.broadcast %parallel_loop3A_1846 : i32 to vector<16xi32>
      %parallel_loop3A_1855 = arith.addi %iota3A, %parallel_loop3A_1854 : vector<16xi32>
      %parallel_loop3A_1856 = arith.cmpi eq, %parallel_loop3A_1855, %gather3A_482 : vector<16xi32>
      %parallel_loop3A_1857 = arith.mulf %parallel_loop3A_1853, %parallel_loop3A_1853 : vector<16xf32>
      %parallel_loop3A_1858 = arith.addf %parallel_loop3A_1847, %parallel_loop3A_1857 : vector<16xf32>
      %parallel_loop3A_1859 = arith.select %parallel_loop3A_1856, %parallel_loop3A_1853, %broadcast_in_dim3A_10 : vector<16xi1>, vector<16xf32>
      %parallel_loop3A_1860 = arith.addf %parallel_loop3A_1848, %parallel_loop3A_1859 : vector<16xf32>
      scf.yield %parallel_loop3A_1858, %parallel_loop3A_1860 : vector<16xf32>, vector<16xf32>
    } {sc.loop_unroll_factor = 16 : i64, sc.parallel_access}
    %get3A_487 = arith.constant 0 : i32
    %get3A_488 = arith.index_cast %get3A_487 : i32 to index
    %get3A_489 = arith.constant 984 : index
    %get3A_490 = tpu.vector_load %arg6[%get3A_488, %get3A_489] {strides = array<i32>} : memref<16x1000xf32, #tpu.memory_space<vmem>>, vector<1x16xf32>,
    %get3A_491 = vector.shape_cast %get3A_490 : vector<1x16xf32> to vector<16xf32>
    %ge3A_492 = arith.constant 8 : i32
    %ge3A_493 = vector.broadcast %ge3A_492 : i32 to vector<16xi32>
    %ge3A_494 = arith.cmpi sge, %iota3A, %ge3A_493 : vector<16xi32>
    %select_n3A_495 = arith.select %ge3A_494, %get3A_491, %broadcast_in_dim3A_10 : vector<16xi1>, vector<16xf32>
    %mul3A_496 = arith.mulf %select_n3A_495, %select_n3A_495 : vector<16xf32>
    %add3A_497 = arith.addf %parallel_loop3A_486#0, %mul3A_496 : vector<16xf32>
    %add3A_498 = arith.constant 984 : i32
    %add3A_499 = vector.broadcast %add3A_498 : i32 to vector<16xi32>
    %add3A_500 = arith.addi %iota3A, %add3A_499 : vector<16xi32>
    %eq3A_501 = arith.cmpi eq, %add3A_500, %gather3A_482 : vector<16xi32>
    %select_n3A_502 = arith.select %eq3A_501, %select_n3A_495, %broadcast_in_dim3A_10 : vector<16xi1>, vector<16xf32>
    %add3A_503 = arith.addf %parallel_loop3A_486#1, %select_n3A_502 : vector<16xf32>
    %get3A_504 = arith.constant 16 : index
    %get3A_505 = tpu.vector_load %arg7[%get3A_504] {strides = array<i32>} : memref<64xi32, #tpu.memory_space<vmem>>, vector<16xi32>,
    %get3A_506 = vector.shape_cast %get3A_505 : vector<16xi32> to vector<16xi32>
    %broadcast_in_dim3A_507 = arith.constant 1 : i32
    %broadcast_in_dim3A_508 = vector.broadcast %broadcast_in_dim3A_507 : i32 to vector<16x1xi32>
    %gather3A_509 = vector.shape_cast %broadcast_in_dim3A_508 : vector<16x1xi32> to vector<16xi32>
    %gather3A_510 = tpu.dynamic_gather %get3A_506[%gather3A_509] in [0] : vector<16xi32>, vector<16xi32> -> vector<16xi32>
    %parallel_loop3A_511 = arith.constant 0 : i32
    %parallel_loop3A_512 = arith.constant 992 : i32
    %parallel_loop3A_513 = arith.constant 16 : i32
    %parallel_loop3A_514:2 = scf.for %parallel_loop3A_1846 = %parallel_loop3A_511 to %parallel_loop3A_512 step %parallel_loop3A_513 iter_args(%parallel_loop3A_1847 = %add3A_497, %parallel_loop3A_1848 = %add3A_503) -> (vector<16xf32>, vector<16xf32>)  : i32 {
      %parallel_loop3A_1849 = arith.constant 1 : i32
      %parallel_loop3A_1850 = arith.index_cast %parallel_loop3A_1849 : i32 to index
      %parallel_loop3A_1851 = arith.index_cast %parallel_loop3A_1846 : i32 to index
      %parallel_loop3A_1852 = tpu.vector_load %arg6[%parallel_loop3A_1850, %parallel_loop3A_1851] {strides = array<i32>} : memref<16x1000xf32, #tpu.memory_space<vmem>>, vector<1x16xf32>,
      %parallel_loop3A_1853 = vector.shape_cast %parallel_loop3A_1852 : vector<1x16xf32> to vector<16xf32>
      %parallel_loop3A_1854 = vector.broadcast %parallel_loop3A_1846 : i32 to vector<16xi32>
      %parallel_loop3A_1855 = arith.addi %iota3A, %parallel_loop3A_1854 : vector<16xi32>
      %parallel_loop3A_1856 = arith.cmpi eq, %parallel_loop3A_1855, %gather3A_510 : vector<16xi32>
      %parallel_loop3A_1857 = arith.mulf %parallel_loop3A_1853, %parallel_loop3A_1853 : vector<16xf32>
      %parallel_loop3A_1858 = arith.addf %parallel_loop3A_1847, %parallel_loop3A_1857 : vector<16xf32>
      %parallel_loop3A_1859 = arith.select %parallel_loop3A_1856, %parallel_loop3A_1853, %broadcast_in_dim3A_10 : vector<16xi1>, vector<16xf32>
      %parallel_loop3A_1860 = arith.addf %parallel_loop3A_1848, %parallel_loop3A_1859 : vector<16xf32>
      scf.yield %parallel_loop3A_1858, %parallel_loop3A_1860 : vector<16xf32>, vector<16xf32>
    } {sc.loop_unroll_factor = 16 : i64, sc.parallel_access}
    %get3A_515 = arith.constant 1 : i32
    %get3A_516 = arith.index_cast %get3A_515 : i32 to index
    %get3A_517 = arith.constant 984 : index
    %get3A_518 = tpu.vector_load %arg6[%get3A_516, %get3A_517] {strides = array<i32>} : memref<16x1000xf32, #tpu.memory_space<vmem>>, vector<1x16xf32>,
    %get3A_519 = vector.shape_cast %get3A_518 : vector<1x16xf32> to vector<16xf32>
    %ge3A_520 = arith.constant 8 : i32
    %ge3A_521 = vector.broadcast %ge3A_520 : i32 to vector<16xi32>
    %ge3A_522 = arith.cmpi sge, %iota3A, %ge3A_521 : vector<16xi32>
    %select_n3A_523 = arith.select %ge3A_522, %get3A_519, %broadcast_in_dim3A_10 : vector<16xi1>, vector<16xf32>
    %mul3A_524 = arith.mulf %select_n3A_523, %select_n3A_523 : vector<16xf32>
    %add3A_525 = arith.addf %parallel_loop3A_514#0, %mul3A_524 : vector<16xf32>
    %add3A_526 = arith.constant 984 : i32
    %add3A_527 = vector.broadcast %add3A_526 : i32 to vector<16xi32>
    %add3A_528 = arith.addi %iota3A, %add3A_527 : vector<16xi32>
    %eq3A_529 = arith.cmpi eq, %add3A_528, %gather3A_510 : vector<16xi32>
    %select_n3A_530 = arith.select %eq3A_529, %select_n3A_523, %broadcast_in_dim3A_10 : vector<16xi1>, vector<16xf32>
    %add3A_531 = arith.addf %parallel_loop3A_514#1, %select_n3A_530 : vector<16xf32>
    %get3A_532 = arith.constant 16 : index
    %get3A_533 = tpu.vector_load %arg7[%get3A_532] {strides = array<i32>} : memref<64xi32, #tpu.memory_space<vmem>>, vector<16xi32>,
    %get3A_534 = vector.shape_cast %get3A_533 : vector<16xi32> to vector<16xi32>
    %broadcast_in_dim3A_535 = arith.constant 2 : i32
    %broadcast_in_dim3A_536 = vector.broadcast %broadcast_in_dim3A_535 : i32 to vector<16x1xi32>
    %gather3A_537 = vector.shape_cast %broadcast_in_dim3A_536 : vector<16x1xi32> to vector<16xi32>
    %gather3A_538 = tpu.dynamic_gather %get3A_534[%gather3A_537] in [0] : vector<16xi32>, vector<16xi32> -> vector<16xi32>
    %parallel_loop3A_539 = arith.constant 0 : i32
    %parallel_loop3A_540 = arith.constant 992 : i32
    %parallel_loop3A_541 = arith.constant 16 : i32
    %parallel_loop3A_542:2 = scf.for %parallel_loop3A_1846 = %parallel_loop3A_539 to %parallel_loop3A_540 step %parallel_loop3A_541 iter_args(%parallel_loop3A_1847 = %add3A_525, %parallel_loop3A_1848 = %add3A_531) -> (vector<16xf32>, vector<16xf32>)  : i32 {
      %parallel_loop3A_1849 = arith.constant 2 : i32
      %parallel_loop3A_1850 = arith.index_cast %parallel_loop3A_1849 : i32 to index
      %parallel_loop3A_1851 = arith.index_cast %parallel_loop3A_1846 : i32 to index
      %parallel_loop3A_1852 = tpu.vector_load %arg6[%parallel_loop3A_1850, %parallel_loop3A_1851] {strides = array<i32>} : memref<16x1000xf32, #tpu.memory_space<vmem>>, vector<1x16xf32>,
      %parallel_loop3A_1853 = vector.shape_cast %parallel_loop3A_1852 : vector<1x16xf32> to vector<16xf32>
      %parallel_loop3A_1854 = vector.broadcast %parallel_loop3A_1846 : i32 to vector<16xi32>
      %parallel_loop3A_1855 = arith.addi %iota3A, %parallel_loop3A_1854 : vector<16xi32>
      %parallel_loop3A_1856 = arith.cmpi eq, %parallel_loop3A_1855, %gather3A_538 : vector<16xi32>
      %parallel_loop3A_1857 = arith.mulf %parallel_loop3A_1853, %parallel_loop3A_1853 : vector<16xf32>
      %parallel_loop3A_1858 = arith.addf %parallel_loop3A_1847, %parallel_loop3A_1857 : vector<16xf32>
      %parallel_loop3A_1859 = arith.select %parallel_loop3A_1856, %parallel_loop3A_1853, %broadcast_in_dim3A_10 : vector<16xi1>, vector<16xf32>
      %parallel_loop3A_1860 = arith.addf %parallel_loop3A_1848, %parallel_loop3A_1859 : vector<16xf32>
      scf.yield %parallel_loop3A_1858, %parallel_loop3A_1860 : vector<16xf32>, vector<16xf32>
    } {sc.loop_unroll_factor = 16 : i64, sc.parallel_access}
    %get3A_543 = arith.constant 2 : i32
    %get3A_544 = arith.index_cast %get3A_543 : i32 to index
    %get3A_545 = arith.constant 984 : index
    %get3A_546 = tpu.vector_load %arg6[%get3A_544, %get3A_545] {strides = array<i32>} : memref<16x1000xf32, #tpu.memory_space<vmem>>, vector<1x16xf32>,
    %get3A_547 = vector.shape_cast %get3A_546 : vector<1x16xf32> to vector<16xf32>
    %ge3A_548 = arith.constant 8 : i32
    %ge3A_549 = vector.broadcast %ge3A_548 : i32 to vector<16xi32>
    %ge3A_550 = arith.cmpi sge, %iota3A, %ge3A_549 : vector<16xi32>
    %select_n3A_551 = arith.select %ge3A_550, %get3A_547, %broadcast_in_dim3A_10 : vector<16xi1>, vector<16xf32>
    %mul3A_552 = arith.mulf %select_n3A_551, %select_n3A_551 : vector<16xf32>
    %add3A_553 = arith.addf %parallel_loop3A_542#0, %mul3A_552 : vector<16xf32>
    %add3A_554 = arith.constant 984 : i32
    %add3A_555 = vector.broadcast %add3A_554 : i32 to vector<16xi32>
    %add3A_556 = arith.addi %iota3A, %add3A_555 : vector<16xi32>
    %eq3A_557 = arith.cmpi eq, %add3A_556, %gather3A_538 : vector<16xi32>
    %select_n3A_558 = arith.select %eq3A_557, %select_n3A_551, %broadcast_in_dim3A_10 : vector<16xi1>, vector<16xf32>
    %add3A_559 = arith.addf %parallel_loop3A_542#1, %select_n3A_558 : vector<16xf32>
    %get3A_560 = arith.constant 16 : index
    %get3A_561 = tpu.vector_load %arg7[%get3A_560] {strides = array<i32>} : memref<64xi32, #tpu.memory_space<vmem>>, vector<16xi32>,
    %get3A_562 = vector.shape_cast %get3A_561 : vector<16xi32> to vector<16xi32>
    %broadcast_in_dim3A_563 = arith.constant 3 : i32
    %broadcast_in_dim3A_564 = vector.broadcast %broadcast_in_dim3A_563 : i32 to vector<16x1xi32>
    %gather3A_565 = vector.shape_cast %broadcast_in_dim3A_564 : vector<16x1xi32> to vector<16xi32>
    %gather3A_566 = tpu.dynamic_gather %get3A_562[%gather3A_565] in [0] : vector<16xi32>, vector<16xi32> -> vector<16xi32>
    %parallel_loop3A_567 = arith.constant 0 : i32
    %parallel_loop3A_568 = arith.constant 992 : i32
    %parallel_loop3A_569 = arith.constant 16 : i32
    %parallel_loop3A_570:2 = scf.for %parallel_loop3A_1846 = %parallel_loop3A_567 to %parallel_loop3A_568 step %parallel_loop3A_569 iter_args(%parallel_loop3A_1847 = %add3A_553, %parallel_loop3A_1848 = %add3A_559) -> (vector<16xf32>, vector<16xf32>)  : i32 {
      %parallel_loop3A_1849 = arith.constant 3 : i32
      %parallel_loop3A_1850 = arith.index_cast %parallel_loop3A_1849 : i32 to index
      %parallel_loop3A_1851 = arith.index_cast %parallel_loop3A_1846 : i32 to index
      %parallel_loop3A_1852 = tpu.vector_load %arg6[%parallel_loop3A_1850, %parallel_loop3A_1851] {strides = array<i32>} : memref<16x1000xf32, #tpu.memory_space<vmem>>, vector<1x16xf32>,
      %parallel_loop3A_1853 = vector.shape_cast %parallel_loop3A_1852 : vector<1x16xf32> to vector<16xf32>
      %parallel_loop3A_1854 = vector.broadcast %parallel_loop3A_1846 : i32 to vector<16xi32>
      %parallel_loop3A_1855 = arith.addi %iota3A, %parallel_loop3A_1854 : vector<16xi32>
      %parallel_loop3A_1856 = arith.cmpi eq, %parallel_loop3A_1855, %gather3A_566 : vector<16xi32>
      %parallel_loop3A_1857 = arith.mulf %parallel_loop3A_1853, %parallel_loop3A_1853 : vector<16xf32>
      %parallel_loop3A_1858 = arith.addf %parallel_loop3A_1847, %parallel_loop3A_1857 : vector<16xf32>
      %parallel_loop3A_1859 = arith.select %parallel_loop3A_1856, %parallel_loop3A_1853, %broadcast_in_dim3A_10 : vector<16xi1>, vector<16xf32>
      %parallel_loop3A_1860 = arith.addf %parallel_loop3A_1848, %parallel_loop3A_1859 : vector<16xf32>
      scf.yield %parallel_loop3A_1858, %parallel_loop3A_1860 : vector<16xf32>, vector<16xf32>
    } {sc.loop_unroll_factor = 16 : i64, sc.parallel_access}
    %get3A_571 = arith.constant 3 : i32
    %get3A_572 = arith.index_cast %get3A_571 : i32 to index
    %get3A_573 = arith.constant 984 : index
    %get3A_574 = tpu.vector_load %arg6[%get3A_572, %get3A_573] {strides = array<i32>} : memref<16x1000xf32, #tpu.memory_space<vmem>>, vector<1x16xf32>,
    %get3A_575 = vector.shape_cast %get3A_574 : vector<1x16xf32> to vector<16xf32>
    %ge3A_576 = arith.constant 8 : i32
    %ge3A_577 = vector.broadcast %ge3A_576 : i32 to vector<16xi32>
    %ge3A_578 = arith.cmpi sge, %iota3A, %ge3A_577 : vector<16xi32>
    %select_n3A_579 = arith.select %ge3A_578, %get3A_575, %broadcast_in_dim3A_10 : vector<16xi1>, vector<16xf32>
    %mul3A_580 = arith.mulf %select_n3A_579, %select_n3A_579 : vector<16xf32>
    %add3A_581 = arith.addf %parallel_loop3A_570#0, %mul3A_580 : vector<16xf32>
    %add3A_582 = arith.constant 984 : i32
    %add3A_583 = vector.broadcast %add3A_582 : i32 to vector<16xi32>
    %add3A_584 = arith.addi %iota3A, %add3A_583 : vector<16xi32>
    %eq3A_585 = arith.cmpi eq, %add3A_584, %gather3A_566 : vector<16xi32>
    %select_n3A_586 = arith.select %eq3A_585, %select_n3A_579, %broadcast_in_dim3A_10 : vector<16xi1>, vector<16xf32>
    %add3A_587 = arith.addf %parallel_loop3A_570#1, %select_n3A_586 : vector<16xf32>
    %get3A_588 = arith.constant 16 : index
    %get3A_589 = tpu.vector_load %arg7[%get3A_588] {strides = array<i32>} : memref<64xi32, #tpu.memory_space<vmem>>, vector<16xi32>,
    %get3A_590 = vector.shape_cast %get3A_589 : vector<16xi32> to vector<16xi32>
    %broadcast_in_dim3A_591 = arith.constant 4 : i32
    %broadcast_in_dim3A_592 = vector.broadcast %broadcast_in_dim3A_591 : i32 to vector<16x1xi32>
    %gather3A_593 = vector.shape_cast %broadcast_in_dim3A_592 : vector<16x1xi32> to vector<16xi32>
    %gather3A_594 = tpu.dynamic_gather %get3A_590[%gather3A_593] in [0] : vector<16xi32>, vector<16xi32> -> vector<16xi32>
    %parallel_loop3A_595 = arith.constant 0 : i32
    %parallel_loop3A_596 = arith.constant 992 : i32
    %parallel_loop3A_597 = arith.constant 16 : i32
    %parallel_loop3A_598:2 = scf.for %parallel_loop3A_1846 = %parallel_loop3A_595 to %parallel_loop3A_596 step %parallel_loop3A_597 iter_args(%parallel_loop3A_1847 = %add3A_581, %parallel_loop3A_1848 = %add3A_587) -> (vector<16xf32>, vector<16xf32>)  : i32 {
      %parallel_loop3A_1849 = arith.constant 4 : i32
      %parallel_loop3A_1850 = arith.index_cast %parallel_loop3A_1849 : i32 to index
      %parallel_loop3A_1851 = arith.index_cast %parallel_loop3A_1846 : i32 to index
      %parallel_loop3A_1852 = tpu.vector_load %arg6[%parallel_loop3A_1850, %parallel_loop3A_1851] {strides = array<i32>} : memref<16x1000xf32, #tpu.memory_space<vmem>>, vector<1x16xf32>,
      %parallel_loop3A_1853 = vector.shape_cast %parallel_loop3A_1852 : vector<1x16xf32> to vector<16xf32>
      %parallel_loop3A_1854 = vector.broadcast %parallel_loop3A_1846 : i32 to vector<16xi32>
      %parallel_loop3A_1855 = arith.addi %iota3A, %parallel_loop3A_1854 : vector<16xi32>
      %parallel_loop3A_1856 = arith.cmpi eq, %parallel_loop3A_1855, %gather3A_594 : vector<16xi32>
      %parallel_loop3A_1857 = arith.mulf %parallel_loop3A_1853, %parallel_loop3A_1853 : vector<16xf32>
      %parallel_loop3A_1858 = arith.addf %parallel_loop3A_1847, %parallel_loop3A_1857 : vector<16xf32>
      %parallel_loop3A_1859 = arith.select %parallel_loop3A_1856, %parallel_loop3A_1853, %broadcast_in_dim3A_10 : vector<16xi1>, vector<16xf32>
      %parallel_loop3A_1860 = arith.addf %parallel_loop3A_1848, %parallel_loop3A_1859 : vector<16xf32>
      scf.yield %parallel_loop3A_1858, %parallel_loop3A_1860 : vector<16xf32>, vector<16xf32>
    } {sc.loop_unroll_factor = 16 : i64, sc.parallel_access}
    %get3A_599 = arith.constant 4 : i32
    %get3A_600 = arith.index_cast %get3A_599 : i32 to index
    %get3A_601 = arith.constant 984 : index
    %get3A_602 = tpu.vector_load %arg6[%get3A_600, %get3A_601] {strides = array<i32>} : memref<16x1000xf32, #tpu.memory_space<vmem>>, vector<1x16xf32>,
    %get3A_603 = vector.shape_cast %get3A_602 : vector<1x16xf32> to vector<16xf32>
    %ge3A_604 = arith.constant 8 : i32
    %ge3A_605 = vector.broadcast %ge3A_604 : i32 to vector<16xi32>
    %ge3A_606 = arith.cmpi sge, %iota3A, %ge3A_605 : vector<16xi32>
    %select_n3A_607 = arith.select %ge3A_606, %get3A_603, %broadcast_in_dim3A_10 : vector<16xi1>, vector<16xf32>
    %mul3A_608 = arith.mulf %select_n3A_607, %select_n3A_607 : vector<16xf32>
    %add3A_609 = arith.addf %parallel_loop3A_598#0, %mul3A_608 : vector<16xf32>
    %add3A_610 = arith.constant 984 : i32
    %add3A_611 = vector.broadcast %add3A_610 : i32 to vector<16xi32>
    %add3A_612 = arith.addi %iota3A, %add3A_611 : vector<16xi32>
    %eq3A_613 = arith.cmpi eq, %add3A_612, %gather3A_594 : vector<16xi32>
    %select_n3A_614 = arith.select %eq3A_613, %select_n3A_607, %broadcast_in_dim3A_10 : vector<16xi1>, vector<16xf32>
    %add3A_615 = arith.addf %parallel_loop3A_598#1, %select_n3A_614 : vector<16xf32>
    %get3A_616 = arith.constant 16 : index
    %get3A_617 = tpu.vector_load %arg7[%get3A_616] {strides = array<i32>} : memref<64xi32, #tpu.memory_space<vmem>>, vector<16xi32>,
    %get3A_618 = vector.shape_cast %get3A_617 : vector<16xi32> to vector<16xi32>
    %broadcast_in_dim3A_619 = arith.constant 5 : i32
    %broadcast_in_dim3A_620 = vector.broadcast %broadcast_in_dim3A_619 : i32 to vector<16x1xi32>
    %gather3A_621 = vector.shape_cast %broadcast_in_dim3A_620 : vector<16x1xi32> to vector<16xi32>
    %gather3A_622 = tpu.dynamic_gather %get3A_618[%gather3A_621] in [0] : vector<16xi32>, vector<16xi32> -> vector<16xi32>
    %parallel_loop3A_623 = arith.constant 0 : i32
    %parallel_loop3A_624 = arith.constant 992 : i32
    %parallel_loop3A_625 = arith.constant 16 : i32
    %parallel_loop3A_626:2 = scf.for %parallel_loop3A_1846 = %parallel_loop3A_623 to %parallel_loop3A_624 step %parallel_loop3A_625 iter_args(%parallel_loop3A_1847 = %add3A_609, %parallel_loop3A_1848 = %add3A_615) -> (vector<16xf32>, vector<16xf32>)  : i32 {
      %parallel_loop3A_1849 = arith.constant 5 : i32
      %parallel_loop3A_1850 = arith.index_cast %parallel_loop3A_1849 : i32 to index
      %parallel_loop3A_1851 = arith.index_cast %parallel_loop3A_1846 : i32 to index
      %parallel_loop3A_1852 = tpu.vector_load %arg6[%parallel_loop3A_1850, %parallel_loop3A_1851] {strides = array<i32>} : memref<16x1000xf32, #tpu.memory_space<vmem>>, vector<1x16xf32>,
      %parallel_loop3A_1853 = vector.shape_cast %parallel_loop3A_1852 : vector<1x16xf32> to vector<16xf32>
      %parallel_loop3A_1854 = vector.broadcast %parallel_loop3A_1846 : i32 to vector<16xi32>
      %parallel_loop3A_1855 = arith.addi %iota3A, %parallel_loop3A_1854 : vector<16xi32>
      %parallel_loop3A_1856 = arith.cmpi eq, %parallel_loop3A_1855, %gather3A_622 : vector<16xi32>
      %parallel_loop3A_1857 = arith.mulf %parallel_loop3A_1853, %parallel_loop3A_1853 : vector<16xf32>
      %parallel_loop3A_1858 = arith.addf %parallel_loop3A_1847, %parallel_loop3A_1857 : vector<16xf32>
      %parallel_loop3A_1859 = arith.select %parallel_loop3A_1856, %parallel_loop3A_1853, %broadcast_in_dim3A_10 : vector<16xi1>, vector<16xf32>
      %parallel_loop3A_1860 = arith.addf %parallel_loop3A_1848, %parallel_loop3A_1859 : vector<16xf32>
      scf.yield %parallel_loop3A_1858, %parallel_loop3A_1860 : vector<16xf32>, vector<16xf32>
    } {sc.loop_unroll_factor = 16 : i64, sc.parallel_access}
    %get3A_627 = arith.constant 5 : i32
    %get3A_628 = arith.index_cast %get3A_627 : i32 to index
    %get3A_629 = arith.constant 984 : index
    %get3A_630 = tpu.vector_load %arg6[%get3A_628, %get3A_629] {strides = array<i32>} : memref<16x1000xf32, #tpu.memory_space<vmem>>, vector<1x16xf32>,
    %get3A_631 = vector.shape_cast %get3A_630 : vector<1x16xf32> to vector<16xf32>
    %ge3A_632 = arith.constant 8 : i32
    %ge3A_633 = vector.broadcast %ge3A_632 : i32 to vector<16xi32>
    %ge3A_634 = arith.cmpi sge, %iota3A, %ge3A_633 : vector<16xi32>
    %select_n3A_635 = arith.select %ge3A_634, %get3A_631, %broadcast_in_dim3A_10 : vector<16xi1>, vector<16xf32>
    %mul3A_636 = arith.mulf %select_n3A_635, %select_n3A_635 : vector<16xf32>
    %add3A_637 = arith.addf %parallel_loop3A_626#0, %mul3A_636 : vector<16xf32>
    %add3A_638 = arith.constant 984 : i32
    %add3A_639 = vector.broadcast %add3A_638 : i32 to vector<16xi32>
    %add3A_640 = arith.addi %iota3A, %add3A_639 : vector<16xi32>
    %eq3A_641 = arith.cmpi eq, %add3A_640, %gather3A_622 : vector<16xi32>
    %select_n3A_642 = arith.select %eq3A_641, %select_n3A_635, %broadcast_in_dim3A_10 : vector<16xi1>, vector<16xf32>
    %add3A_643 = arith.addf %parallel_loop3A_626#1, %select_n3A_642 : vector<16xf32>
    %get3A_644 = arith.constant 16 : index
    %get3A_645 = tpu.vector_load %arg7[%get3A_644] {strides = array<i32>} : memref<64xi32, #tpu.memory_space<vmem>>, vector<16xi32>,
    %get3A_646 = vector.shape_cast %get3A_645 : vector<16xi32> to vector<16xi32>
    %broadcast_in_dim3A_647 = arith.constant 6 : i32
    %broadcast_in_dim3A_648 = vector.broadcast %broadcast_in_dim3A_647 : i32 to vector<16x1xi32>
    %gather3A_649 = vector.shape_cast %broadcast_in_dim3A_648 : vector<16x1xi32> to vector<16xi32>
    %gather3A_650 = tpu.dynamic_gather %get3A_646[%gather3A_649] in [0] : vector<16xi32>, vector<16xi32> -> vector<16xi32>
    %parallel_loop3A_651 = arith.constant 0 : i32
    %parallel_loop3A_652 = arith.constant 992 : i32
    %parallel_loop3A_653 = arith.constant 16 : i32
    %parallel_loop3A_654:2 = scf.for %parallel_loop3A_1846 = %parallel_loop3A_651 to %parallel_loop3A_652 step %parallel_loop3A_653 iter_args(%parallel_loop3A_1847 = %add3A_637, %parallel_loop3A_1848 = %add3A_643) -> (vector<16xf32>, vector<16xf32>)  : i32 {
      %parallel_loop3A_1849 = arith.constant 6 : i32
      %parallel_loop3A_1850 = arith.index_cast %parallel_loop3A_1849 : i32 to index
      %parallel_loop3A_1851 = arith.index_cast %parallel_loop3A_1846 : i32 to index
      %parallel_loop3A_1852 = tpu.vector_load %arg6[%parallel_loop3A_1850, %parallel_loop3A_1851] {strides = array<i32>} : memref<16x1000xf32, #tpu.memory_space<vmem>>, vector<1x16xf32>,
      %parallel_loop3A_1853 = vector.shape_cast %parallel_loop3A_1852 : vector<1x16xf32> to vector<16xf32>
      %parallel_loop3A_1854 = vector.broadcast %parallel_loop3A_1846 : i32 to vector<16xi32>
      %parallel_loop3A_1855 = arith.addi %iota3A, %parallel_loop3A_1854 : vector<16xi32>
      %parallel_loop3A_1856 = arith.cmpi eq, %parallel_loop3A_1855, %gather3A_650 : vector<16xi32>
      %parallel_loop3A_1857 = arith.mulf %parallel_loop3A_1853, %parallel_loop3A_1853 : vector<16xf32>
      %parallel_loop3A_1858 = arith.addf %parallel_loop3A_1847, %parallel_loop3A_1857 : vector<16xf32>
      %parallel_loop3A_1859 = arith.select %parallel_loop3A_1856, %parallel_loop3A_1853, %broadcast_in_dim3A_10 : vector<16xi1>, vector<16xf32>
      %parallel_loop3A_1860 = arith.addf %parallel_loop3A_1848, %parallel_loop3A_1859 : vector<16xf32>
      scf.yield %parallel_loop3A_1858, %parallel_loop3A_1860 : vector<16xf32>, vector<16xf32>
    } {sc.loop_unroll_factor = 16 : i64, sc.parallel_access}
    %get3A_655 = arith.constant 6 : i32
    %get3A_656 = arith.index_cast %get3A_655 : i32 to index
    %get3A_657 = arith.constant 984 : index
    %get3A_658 = tpu.vector_load %arg6[%get3A_656, %get3A_657] {strides = array<i32>} : memref<16x1000xf32, #tpu.memory_space<vmem>>, vector<1x16xf32>,
    %get3A_659 = vector.shape_cast %get3A_658 : vector<1x16xf32> to vector<16xf32>
    %ge3A_660 = arith.constant 8 : i32
    %ge3A_661 = vector.broadcast %ge3A_660 : i32 to vector<16xi32>
    %ge3A_662 = arith.cmpi sge, %iota3A, %ge3A_661 : vector<16xi32>
    %select_n3A_663 = arith.select %ge3A_662, %get3A_659, %broadcast_in_dim3A_10 : vector<16xi1>, vector<16xf32>
    %mul3A_664 = arith.mulf %select_n3A_663, %select_n3A_663 : vector<16xf32>
    %add3A_665 = arith.addf %parallel_loop3A_654#0, %mul3A_664 : vector<16xf32>
    %add3A_666 = arith.constant 984 : i32
    %add3A_667 = vector.broadcast %add3A_666 : i32 to vector<16xi32>
    %add3A_668 = arith.addi %iota3A, %add3A_667 : vector<16xi32>
    %eq3A_669 = arith.cmpi eq, %add3A_668, %gather3A_650 : vector<16xi32>
    %select_n3A_670 = arith.select %eq3A_669, %select_n3A_663, %broadcast_in_dim3A_10 : vector<16xi1>, vector<16xf32>
    %add3A_671 = arith.addf %parallel_loop3A_654#1, %select_n3A_670 : vector<16xf32>
    %get3A_672 = arith.constant 16 : index
    %get3A_673 = tpu.vector_load %arg7[%get3A_672] {strides = array<i32>} : memref<64xi32, #tpu.memory_space<vmem>>, vector<16xi32>,
    %get3A_674 = vector.shape_cast %get3A_673 : vector<16xi32> to vector<16xi32>
    %broadcast_in_dim3A_675 = arith.constant 7 : i32
    %broadcast_in_dim3A_676 = vector.broadcast %broadcast_in_dim3A_675 : i32 to vector<16x1xi32>
    %gather3A_677 = vector.shape_cast %broadcast_in_dim3A_676 : vector<16x1xi32> to vector<16xi32>
    %gather3A_678 = tpu.dynamic_gather %get3A_674[%gather3A_677] in [0] : vector<16xi32>, vector<16xi32> -> vector<16xi32>
    %parallel_loop3A_679 = arith.constant 0 : i32
    %parallel_loop3A_680 = arith.constant 992 : i32
    %parallel_loop3A_681 = arith.constant 16 : i32
    %parallel_loop3A_682:2 = scf.for %parallel_loop3A_1846 = %parallel_loop3A_679 to %parallel_loop3A_680 step %parallel_loop3A_681 iter_args(%parallel_loop3A_1847 = %add3A_665, %parallel_loop3A_1848 = %add3A_671) -> (vector<16xf32>, vector<16xf32>)  : i32 {
      %parallel_loop3A_1849 = arith.constant 7 : i32
      %parallel_loop3A_1850 = arith.index_cast %parallel_loop3A_1849 : i32 to index
      %parallel_loop3A_1851 = arith.index_cast %parallel_loop3A_1846 : i32 to index
      %parallel_loop3A_1852 = tpu.vector_load %arg6[%parallel_loop3A_1850, %parallel_loop3A_1851] {strides = array<i32>} : memref<16x1000xf32, #tpu.memory_space<vmem>>, vector<1x16xf32>,
      %parallel_loop3A_1853 = vector.shape_cast %parallel_loop3A_1852 : vector<1x16xf32> to vector<16xf32>
      %parallel_loop3A_1854 = vector.broadcast %parallel_loop3A_1846 : i32 to vector<16xi32>
      %parallel_loop3A_1855 = arith.addi %iota3A, %parallel_loop3A_1854 : vector<16xi32>
      %parallel_loop3A_1856 = arith.cmpi eq, %parallel_loop3A_1855, %gather3A_678 : vector<16xi32>
      %parallel_loop3A_1857 = arith.mulf %parallel_loop3A_1853, %parallel_loop3A_1853 : vector<16xf32>
      %parallel_loop3A_1858 = arith.addf %parallel_loop3A_1847, %parallel_loop3A_1857 : vector<16xf32>
      %parallel_loop3A_1859 = arith.select %parallel_loop3A_1856, %parallel_loop3A_1853, %broadcast_in_dim3A_10 : vector<16xi1>, vector<16xf32>
      %parallel_loop3A_1860 = arith.addf %parallel_loop3A_1848, %parallel_loop3A_1859 : vector<16xf32>
      scf.yield %parallel_loop3A_1858, %parallel_loop3A_1860 : vector<16xf32>, vector<16xf32>
    } {sc.loop_unroll_factor = 16 : i64, sc.parallel_access}
    %get3A_683 = arith.constant 7 : i32
    %get3A_684 = arith.index_cast %get3A_683 : i32 to index
    %get3A_685 = arith.constant 984 : index
    %get3A_686 = tpu.vector_load %arg6[%get3A_684, %get3A_685] {strides = array<i32>} : memref<16x1000xf32, #tpu.memory_space<vmem>>, vector<1x16xf32>,
    %get3A_687 = vector.shape_cast %get3A_686 : vector<1x16xf32> to vector<16xf32>
    %ge3A_688 = arith.constant 8 : i32
    %ge3A_689 = vector.broadcast %ge3A_688 : i32 to vector<16xi32>
    %ge3A_690 = arith.cmpi sge, %iota3A, %ge3A_689 : vector<16xi32>
    %select_n3A_691 = arith.select %ge3A_690, %get3A_687, %broadcast_in_dim3A_10 : vector<16xi1>, vector<16xf32>
    %mul3A_692 = arith.mulf %select_n3A_691, %select_n3A_691 : vector<16xf32>
    %add3A_693 = arith.addf %parallel_loop3A_682#0, %mul3A_692 : vector<16xf32>
    %add3A_694 = arith.constant 984 : i32
    %add3A_695 = vector.broadcast %add3A_694 : i32 to vector<16xi32>
    %add3A_696 = arith.addi %iota3A, %add3A_695 : vector<16xi32>
    %eq3A_697 = arith.cmpi eq, %add3A_696, %gather3A_678 : vector<16xi32>
    %select_n3A_698 = arith.select %eq3A_697, %select_n3A_691, %broadcast_in_dim3A_10 : vector<16xi1>, vector<16xf32>
    %add3A_699 = arith.addf %parallel_loop3A_682#1, %select_n3A_698 : vector<16xf32>
    %get3A_700 = arith.constant 16 : index
    %get3A_701 = tpu.vector_load %arg7[%get3A_700] {strides = array<i32>} : memref<64xi32, #tpu.memory_space<vmem>>, vector<16xi32>,
    %get3A_702 = vector.shape_cast %get3A_701 : vector<16xi32> to vector<16xi32>
    %broadcast_in_dim3A_703 = arith.constant 8 : i32
    %broadcast_in_dim3A_704 = vector.broadcast %broadcast_in_dim3A_703 : i32 to vector<16x1xi32>
    %gather3A_705 = vector.shape_cast %broadcast_in_dim3A_704 : vector<16x1xi32> to vector<16xi32>
    %gather3A_706 = tpu.dynamic_gather %get3A_702[%gather3A_705] in [0] : vector<16xi32>, vector<16xi32> -> vector<16xi32>
    %parallel_loop3A_707 = arith.constant 0 : i32
    %parallel_loop3A_708 = arith.constant 992 : i32
    %parallel_loop3A_709 = arith.constant 16 : i32
    %parallel_loop3A_710:2 = scf.for %parallel_loop3A_1846 = %parallel_loop3A_707 to %parallel_loop3A_708 step %parallel_loop3A_709 iter_args(%parallel_loop3A_1847 = %add3A_693, %parallel_loop3A_1848 = %add3A_699) -> (vector<16xf32>, vector<16xf32>)  : i32 {
      %parallel_loop3A_1849 = arith.constant 8 : i32
      %parallel_loop3A_1850 = arith.index_cast %parallel_loop3A_1849 : i32 to index
      %parallel_loop3A_1851 = arith.index_cast %parallel_loop3A_1846 : i32 to index
      %parallel_loop3A_1852 = tpu.vector_load %arg6[%parallel_loop3A_1850, %parallel_loop3A_1851] {strides = array<i32>} : memref<16x1000xf32, #tpu.memory_space<vmem>>, vector<1x16xf32>,
      %parallel_loop3A_1853 = vector.shape_cast %parallel_loop3A_1852 : vector<1x16xf32> to vector<16xf32>
      %parallel_loop3A_1854 = vector.broadcast %parallel_loop3A_1846 : i32 to vector<16xi32>
      %parallel_loop3A_1855 = arith.addi %iota3A, %parallel_loop3A_1854 : vector<16xi32>
      %parallel_loop3A_1856 = arith.cmpi eq, %parallel_loop3A_1855, %gather3A_706 : vector<16xi32>
      %parallel_loop3A_1857 = arith.mulf %parallel_loop3A_1853, %parallel_loop3A_1853 : vector<16xf32>
      %parallel_loop3A_1858 = arith.addf %parallel_loop3A_1847, %parallel_loop3A_1857 : vector<16xf32>
      %parallel_loop3A_1859 = arith.select %parallel_loop3A_1856, %parallel_loop3A_1853, %broadcast_in_dim3A_10 : vector<16xi1>, vector<16xf32>
      %parallel_loop3A_1860 = arith.addf %parallel_loop3A_1848, %parallel_loop3A_1859 : vector<16xf32>
      scf.yield %parallel_loop3A_1858, %parallel_loop3A_1860 : vector<16xf32>, vector<16xf32>
    } {sc.loop_unroll_factor = 16 : i64, sc.parallel_access}
    %get3A_711 = arith.constant 8 : i32
    %get3A_712 = arith.index_cast %get3A_711 : i32 to index
    %get3A_713 = arith.constant 984 : index
    %get3A_714 = tpu.vector_load %arg6[%get3A_712, %get3A_713] {strides = array<i32>} : memref<16x1000xf32, #tpu.memory_space<vmem>>, vector<1x16xf32>,
    %get3A_715 = vector.shape_cast %get3A_714 : vector<1x16xf32> to vector<16xf32>
    %ge3A_716 = arith.constant 8 : i32
    %ge3A_717 = vector.broadcast %ge3A_716 : i32 to vector<16xi32>
    %ge3A_718 = arith.cmpi sge, %iota3A, %ge3A_717 : vector<16xi32>
    %select_n3A_719 = arith.select %ge3A_718, %get3A_715, %broadcast_in_dim3A_10 : vector<16xi1>, vector<16xf32>
    %mul3A_720 = arith.mulf %select_n3A_719, %select_n3A_719 : vector<16xf32>
    %add3A_721 = arith.addf %parallel_loop3A_710#0, %mul3A_720 : vector<16xf32>
    %add3A_722 = arith.constant 984 : i32
    %add3A_723 = vector.broadcast %add3A_722 : i32 to vector<16xi32>
    %add3A_724 = arith.addi %iota3A, %add3A_723 : vector<16xi32>
    %eq3A_725 = arith.cmpi eq, %add3A_724, %gather3A_706 : vector<16xi32>
    %select_n3A_726 = arith.select %eq3A_725, %select_n3A_719, %broadcast_in_dim3A_10 : vector<16xi1>, vector<16xf32>
    %add3A_727 = arith.addf %parallel_loop3A_710#1, %select_n3A_726 : vector<16xf32>
    %get3A_728 = arith.constant 16 : index
    %get3A_729 = tpu.vector_load %arg7[%get3A_728] {strides = array<i32>} : memref<64xi32, #tpu.memory_space<vmem>>, vector<16xi32>,
    %get3A_730 = vector.shape_cast %get3A_729 : vector<16xi32> to vector<16xi32>
    %broadcast_in_dim3A_731 = arith.constant 9 : i32
    %broadcast_in_dim3A_732 = vector.broadcast %broadcast_in_dim3A_731 : i32 to vector<16x1xi32>
    %gather3A_733 = vector.shape_cast %broadcast_in_dim3A_732 : vector<16x1xi32> to vector<16xi32>
    %gather3A_734 = tpu.dynamic_gather %get3A_730[%gather3A_733] in [0] : vector<16xi32>, vector<16xi32> -> vector<16xi32>
    %parallel_loop3A_735 = arith.constant 0 : i32
    %parallel_loop3A_736 = arith.constant 992 : i32
    %parallel_loop3A_737 = arith.constant 16 : i32
    %parallel_loop3A_738:2 = scf.for %parallel_loop3A_1846 = %parallel_loop3A_735 to %parallel_loop3A_736 step %parallel_loop3A_737 iter_args(%parallel_loop3A_1847 = %add3A_721, %parallel_loop3A_1848 = %add3A_727) -> (vector<16xf32>, vector<16xf32>)  : i32 {
      %parallel_loop3A_1849 = arith.constant 9 : i32
      %parallel_loop3A_1850 = arith.index_cast %parallel_loop3A_1849 : i32 to index
      %parallel_loop3A_1851 = arith.index_cast %parallel_loop3A_1846 : i32 to index
      %parallel_loop3A_1852 = tpu.vector_load %arg6[%parallel_loop3A_1850, %parallel_loop3A_1851] {strides = array<i32>} : memref<16x1000xf32, #tpu.memory_space<vmem>>, vector<1x16xf32>,
      %parallel_loop3A_1853 = vector.shape_cast %parallel_loop3A_1852 : vector<1x16xf32> to vector<16xf32>
      %parallel_loop3A_1854 = vector.broadcast %parallel_loop3A_1846 : i32 to vector<16xi32>
      %parallel_loop3A_1855 = arith.addi %iota3A, %parallel_loop3A_1854 : vector<16xi32>
      %parallel_loop3A_1856 = arith.cmpi eq, %parallel_loop3A_1855, %gather3A_734 : vector<16xi32>
      %parallel_loop3A_1857 = arith.mulf %parallel_loop3A_1853, %parallel_loop3A_1853 : vector<16xf32>
      %parallel_loop3A_1858 = arith.addf %parallel_loop3A_1847, %parallel_loop3A_1857 : vector<16xf32>
      %parallel_loop3A_1859 = arith.select %parallel_loop3A_1856, %parallel_loop3A_1853, %broadcast_in_dim3A_10 : vector<16xi1>, vector<16xf32>
      %parallel_loop3A_1860 = arith.addf %parallel_loop3A_1848, %parallel_loop3A_1859 : vector<16xf32>
      scf.yield %parallel_loop3A_1858, %parallel_loop3A_1860 : vector<16xf32>, vector<16xf32>
    } {sc.loop_unroll_factor = 16 : i64, sc.parallel_access}
    %get3A_739 = arith.constant 9 : i32
    %get3A_740 = arith.index_cast %get3A_739 : i32 to index
    %get3A_741 = arith.constant 984 : index
    %get3A_742 = tpu.vector_load %arg6[%get3A_740, %get3A_741] {strides = array<i32>} : memref<16x1000xf32, #tpu.memory_space<vmem>>, vector<1x16xf32>,
    %get3A_743 = vector.shape_cast %get3A_742 : vector<1x16xf32> to vector<16xf32>
    %ge3A_744 = arith.constant 8 : i32
    %ge3A_745 = vector.broadcast %ge3A_744 : i32 to vector<16xi32>
    %ge3A_746 = arith.cmpi sge, %iota3A, %ge3A_745 : vector<16xi32>
    %select_n3A_747 = arith.select %ge3A_746, %get3A_743, %broadcast_in_dim3A_10 : vector<16xi1>, vector<16xf32>
    %mul3A_748 = arith.mulf %select_n3A_747, %select_n3A_747 : vector<16xf32>
    %add3A_749 = arith.addf %parallel_loop3A_738#0, %mul3A_748 : vector<16xf32>
    %add3A_750 = arith.constant 984 : i32
    %add3A_751 = vector.broadcast %add3A_750 : i32 to vector<16xi32>
    %add3A_752 = arith.addi %iota3A, %add3A_751 : vector<16xi32>
    %eq3A_753 = arith.cmpi eq, %add3A_752, %gather3A_734 : vector<16xi32>
    %select_n3A_754 = arith.select %eq3A_753, %select_n3A_747, %broadcast_in_dim3A_10 : vector<16xi1>, vector<16xf32>
    %add3A_755 = arith.addf %parallel_loop3A_738#1, %select_n3A_754 : vector<16xf32>
    %get3A_756 = arith.constant 16 : index
    %get3A_757 = tpu.vector_load %arg7[%get3A_756] {strides = array<i32>} : memref<64xi32, #tpu.memory_space<vmem>>, vector<16xi32>,
    %get3A_758 = vector.shape_cast %get3A_757 : vector<16xi32> to vector<16xi32>
    %broadcast_in_dim3A_759 = arith.constant 10 : i32
    %broadcast_in_dim3A_760 = vector.broadcast %broadcast_in_dim3A_759 : i32 to vector<16x1xi32>
    %gather3A_761 = vector.shape_cast %broadcast_in_dim3A_760 : vector<16x1xi32> to vector<16xi32>
    %gather3A_762 = tpu.dynamic_gather %get3A_758[%gather3A_761] in [0] : vector<16xi32>, vector<16xi32> -> vector<16xi32>
    %parallel_loop3A_763 = arith.constant 0 : i32
    %parallel_loop3A_764 = arith.constant 992 : i32
    %parallel_loop3A_765 = arith.constant 16 : i32
    %parallel_loop3A_766:2 = scf.for %parallel_loop3A_1846 = %parallel_loop3A_763 to %parallel_loop3A_764 step %parallel_loop3A_765 iter_args(%parallel_loop3A_1847 = %add3A_749, %parallel_loop3A_1848 = %add3A_755) -> (vector<16xf32>, vector<16xf32>)  : i32 {
      %parallel_loop3A_1849 = arith.constant 10 : i32
      %parallel_loop3A_1850 = arith.index_cast %parallel_loop3A_1849 : i32 to index
      %parallel_loop3A_1851 = arith.index_cast %parallel_loop3A_1846 : i32 to index
      %parallel_loop3A_1852 = tpu.vector_load %arg6[%parallel_loop3A_1850, %parallel_loop3A_1851] {strides = array<i32>} : memref<16x1000xf32, #tpu.memory_space<vmem>>, vector<1x16xf32>,
      %parallel_loop3A_1853 = vector.shape_cast %parallel_loop3A_1852 : vector<1x16xf32> to vector<16xf32>
      %parallel_loop3A_1854 = vector.broadcast %parallel_loop3A_1846 : i32 to vector<16xi32>
      %parallel_loop3A_1855 = arith.addi %iota3A, %parallel_loop3A_1854 : vector<16xi32>
      %parallel_loop3A_1856 = arith.cmpi eq, %parallel_loop3A_1855, %gather3A_762 : vector<16xi32>
      %parallel_loop3A_1857 = arith.mulf %parallel_loop3A_1853, %parallel_loop3A_1853 : vector<16xf32>
      %parallel_loop3A_1858 = arith.addf %parallel_loop3A_1847, %parallel_loop3A_1857 : vector<16xf32>
      %parallel_loop3A_1859 = arith.select %parallel_loop3A_1856, %parallel_loop3A_1853, %broadcast_in_dim3A_10 : vector<16xi1>, vector<16xf32>
      %parallel_loop3A_1860 = arith.addf %parallel_loop3A_1848, %parallel_loop3A_1859 : vector<16xf32>
      scf.yield %parallel_loop3A_1858, %parallel_loop3A_1860 : vector<16xf32>, vector<16xf32>
    } {sc.loop_unroll_factor = 16 : i64, sc.parallel_access}
    %get3A_767 = arith.constant 10 : i32
    %get3A_768 = arith.index_cast %get3A_767 : i32 to index
    %get3A_769 = arith.constant 984 : index
    %get3A_770 = tpu.vector_load %arg6[%get3A_768, %get3A_769] {strides = array<i32>} : memref<16x1000xf32, #tpu.memory_space<vmem>>, vector<1x16xf32>,
    %get3A_771 = vector.shape_cast %get3A_770 : vector<1x16xf32> to vector<16xf32>
    %ge3A_772 = arith.constant 8 : i32
    %ge3A_773 = vector.broadcast %ge3A_772 : i32 to vector<16xi32>
    %ge3A_774 = arith.cmpi sge, %iota3A, %ge3A_773 : vector<16xi32>
    %select_n3A_775 = arith.select %ge3A_774, %get3A_771, %broadcast_in_dim3A_10 : vector<16xi1>, vector<16xf32>
    %mul3A_776 = arith.mulf %select_n3A_775, %select_n3A_775 : vector<16xf32>
    %add3A_777 = arith.addf %parallel_loop3A_766#0, %mul3A_776 : vector<16xf32>
    %add3A_778 = arith.constant 984 : i32
    %add3A_779 = vector.broadcast %add3A_778 : i32 to vector<16xi32>
    %add3A_780 = arith.addi %iota3A, %add3A_779 : vector<16xi32>
    %eq3A_781 = arith.cmpi eq, %add3A_780, %gather3A_762 : vector<16xi32>
    %select_n3A_782 = arith.select %eq3A_781, %select_n3A_775, %broadcast_in_dim3A_10 : vector<16xi1>, vector<16xf32>
    %add3A_783 = arith.addf %parallel_loop3A_766#1, %select_n3A_782 : vector<16xf32>
    %get3A_784 = arith.constant 16 : index
    %get3A_785 = tpu.vector_load %arg7[%get3A_784] {strides = array<i32>} : memref<64xi32, #tpu.memory_space<vmem>>, vector<16xi32>,
    %get3A_786 = vector.shape_cast %get3A_785 : vector<16xi32> to vector<16xi32>
    %broadcast_in_dim3A_787 = arith.constant 11 : i32
    %broadcast_in_dim3A_788 = vector.broadcast %broadcast_in_dim3A_787 : i32 to vector<16x1xi32>
    %gather3A_789 = vector.shape_cast %broadcast_in_dim3A_788 : vector<16x1xi32> to vector<16xi32>
    %gather3A_790 = tpu.dynamic_gather %get3A_786[%gather3A_789] in [0] : vector<16xi32>, vector<16xi32> -> vector<16xi32>
    %parallel_loop3A_791 = arith.constant 0 : i32
    %parallel_loop3A_792 = arith.constant 992 : i32
    %parallel_loop3A_793 = arith.constant 16 : i32
    %parallel_loop3A_794:2 = scf.for %parallel_loop3A_1846 = %parallel_loop3A_791 to %parallel_loop3A_792 step %parallel_loop3A_793 iter_args(%parallel_loop3A_1847 = %add3A_777, %parallel_loop3A_1848 = %add3A_783) -> (vector<16xf32>, vector<16xf32>)  : i32 {
      %parallel_loop3A_1849 = arith.constant 11 : i32
      %parallel_loop3A_1850 = arith.index_cast %parallel_loop3A_1849 : i32 to index
      %parallel_loop3A_1851 = arith.index_cast %parallel_loop3A_1846 : i32 to index
      %parallel_loop3A_1852 = tpu.vector_load %arg6[%parallel_loop3A_1850, %parallel_loop3A_1851] {strides = array<i32>} : memref<16x1000xf32, #tpu.memory_space<vmem>>, vector<1x16xf32>,
      %parallel_loop3A_1853 = vector.shape_cast %parallel_loop3A_1852 : vector<1x16xf32> to vector<16xf32>
      %parallel_loop3A_1854 = vector.broadcast %parallel_loop3A_1846 : i32 to vector<16xi32>
      %parallel_loop3A_1855 = arith.addi %iota3A, %parallel_loop3A_1854 : vector<16xi32>
      %parallel_loop3A_1856 = arith.cmpi eq, %parallel_loop3A_1855, %gather3A_790 : vector<16xi32>
      %parallel_loop3A_1857 = arith.mulf %parallel_loop3A_1853, %parallel_loop3A_1853 : vector<16xf32>
      %parallel_loop3A_1858 = arith.addf %parallel_loop3A_1847, %parallel_loop3A_1857 : vector<16xf32>
      %parallel_loop3A_1859 = arith.select %parallel_loop3A_1856, %parallel_loop3A_1853, %broadcast_in_dim3A_10 : vector<16xi1>, vector<16xf32>
      %parallel_loop3A_1860 = arith.addf %parallel_loop3A_1848, %parallel_loop3A_1859 : vector<16xf32>
      scf.yield %parallel_loop3A_1858, %parallel_loop3A_1860 : vector<16xf32>, vector<16xf32>
    } {sc.loop_unroll_factor = 16 : i64, sc.parallel_access}
    %get3A_795 = arith.constant 11 : i32
    %get3A_796 = arith.index_cast %get3A_795 : i32 to index
    %get3A_797 = arith.constant 984 : index
    %get3A_798 = tpu.vector_load %arg6[%get3A_796, %get3A_797] {strides = array<i32>} : memref<16x1000xf32, #tpu.memory_space<vmem>>, vector<1x16xf32>,
    %get3A_799 = vector.shape_cast %get3A_798 : vector<1x16xf32> to vector<16xf32>
    %ge3A_800 = arith.constant 8 : i32
    %ge3A_801 = vector.broadcast %ge3A_800 : i32 to vector<16xi32>
    %ge3A_802 = arith.cmpi sge, %iota3A, %ge3A_801 : vector<16xi32>
    %select_n3A_803 = arith.select %ge3A_802, %get3A_799, %broadcast_in_dim3A_10 : vector<16xi1>, vector<16xf32>
    %mul3A_804 = arith.mulf %select_n3A_803, %select_n3A_803 : vector<16xf32>
    %add3A_805 = arith.addf %parallel_loop3A_794#0, %mul3A_804 : vector<16xf32>
    %add3A_806 = arith.constant 984 : i32
    %add3A_807 = vector.broadcast %add3A_806 : i32 to vector<16xi32>
    %add3A_808 = arith.addi %iota3A, %add3A_807 : vector<16xi32>
    %eq3A_809 = arith.cmpi eq, %add3A_808, %gather3A_790 : vector<16xi32>
    %select_n3A_810 = arith.select %eq3A_809, %select_n3A_803, %broadcast_in_dim3A_10 : vector<16xi1>, vector<16xf32>
    %add3A_811 = arith.addf %parallel_loop3A_794#1, %select_n3A_810 : vector<16xf32>
    %get3A_812 = arith.constant 16 : index
    %get3A_813 = tpu.vector_load %arg7[%get3A_812] {strides = array<i32>} : memref<64xi32, #tpu.memory_space<vmem>>, vector<16xi32>,
    %get3A_814 = vector.shape_cast %get3A_813 : vector<16xi32> to vector<16xi32>
    %broadcast_in_dim3A_815 = arith.constant 12 : i32
    %broadcast_in_dim3A_816 = vector.broadcast %broadcast_in_dim3A_815 : i32 to vector<16x1xi32>
    %gather3A_817 = vector.shape_cast %broadcast_in_dim3A_816 : vector<16x1xi32> to vector<16xi32>
    %gather3A_818 = tpu.dynamic_gather %get3A_814[%gather3A_817] in [0] : vector<16xi32>, vector<16xi32> -> vector<16xi32>
    %parallel_loop3A_819 = arith.constant 0 : i32
    %parallel_loop3A_820 = arith.constant 992 : i32
    %parallel_loop3A_821 = arith.constant 16 : i32
    %parallel_loop3A_822:2 = scf.for %parallel_loop3A_1846 = %parallel_loop3A_819 to %parallel_loop3A_820 step %parallel_loop3A_821 iter_args(%parallel_loop3A_1847 = %add3A_805, %parallel_loop3A_1848 = %add3A_811) -> (vector<16xf32>, vector<16xf32>)  : i32 {
      %parallel_loop3A_1849 = arith.constant 12 : i32
      %parallel_loop3A_1850 = arith.index_cast %parallel_loop3A_1849 : i32 to index
      %parallel_loop3A_1851 = arith.index_cast %parallel_loop3A_1846 : i32 to index
      %parallel_loop3A_1852 = tpu.vector_load %arg6[%parallel_loop3A_1850, %parallel_loop3A_1851] {strides = array<i32>} : memref<16x1000xf32, #tpu.memory_space<vmem>>, vector<1x16xf32>,
      %parallel_loop3A_1853 = vector.shape_cast %parallel_loop3A_1852 : vector<1x16xf32> to vector<16xf32>
      %parallel_loop3A_1854 = vector.broadcast %parallel_loop3A_1846 : i32 to vector<16xi32>
      %parallel_loop3A_1855 = arith.addi %iota3A, %parallel_loop3A_1854 : vector<16xi32>
      %parallel_loop3A_1856 = arith.cmpi eq, %parallel_loop3A_1855, %gather3A_818 : vector<16xi32>
      %parallel_loop3A_1857 = arith.mulf %parallel_loop3A_1853, %parallel_loop3A_1853 : vector<16xf32>
      %parallel_loop3A_1858 = arith.addf %parallel_loop3A_1847, %parallel_loop3A_1857 : vector<16xf32>
      %parallel_loop3A_1859 = arith.select %parallel_loop3A_1856, %parallel_loop3A_1853, %broadcast_in_dim3A_10 : vector<16xi1>, vector<16xf32>
      %parallel_loop3A_1860 = arith.addf %parallel_loop3A_1848, %parallel_loop3A_1859 : vector<16xf32>
      scf.yield %parallel_loop3A_1858, %parallel_loop3A_1860 : vector<16xf32>, vector<16xf32>
    } {sc.loop_unroll_factor = 16 : i64, sc.parallel_access}
    %get3A_823 = arith.constant 12 : i32
    %get3A_824 = arith.index_cast %get3A_823 : i32 to index
    %get3A_825 = arith.constant 984 : index
    %get3A_826 = tpu.vector_load %arg6[%get3A_824, %get3A_825] {strides = array<i32>} : memref<16x1000xf32, #tpu.memory_space<vmem>>, vector<1x16xf32>,
    %get3A_827 = vector.shape_cast %get3A_826 : vector<1x16xf32> to vector<16xf32>
    %ge3A_828 = arith.constant 8 : i32
    %ge3A_829 = vector.broadcast %ge3A_828 : i32 to vector<16xi32>
    %ge3A_830 = arith.cmpi sge, %iota3A, %ge3A_829 : vector<16xi32>
    %select_n3A_831 = arith.select %ge3A_830, %get3A_827, %broadcast_in_dim3A_10 : vector<16xi1>, vector<16xf32>
    %mul3A_832 = arith.mulf %select_n3A_831, %select_n3A_831 : vector<16xf32>
    %add3A_833 = arith.addf %parallel_loop3A_822#0, %mul3A_832 : vector<16xf32>
    %add3A_834 = arith.constant 984 : i32
    %add3A_835 = vector.broadcast %add3A_834 : i32 to vector<16xi32>
    %add3A_836 = arith.addi %iota3A, %add3A_835 : vector<16xi32>
    %eq3A_837 = arith.cmpi eq, %add3A_836, %gather3A_818 : vector<16xi32>
    %select_n3A_838 = arith.select %eq3A_837, %select_n3A_831, %broadcast_in_dim3A_10 : vector<16xi1>, vector<16xf32>
    %add3A_839 = arith.addf %parallel_loop3A_822#1, %select_n3A_838 : vector<16xf32>
    %get3A_840 = arith.constant 16 : index
    %get3A_841 = tpu.vector_load %arg7[%get3A_840] {strides = array<i32>} : memref<64xi32, #tpu.memory_space<vmem>>, vector<16xi32>,
    %get3A_842 = vector.shape_cast %get3A_841 : vector<16xi32> to vector<16xi32>
    %broadcast_in_dim3A_843 = arith.constant 13 : i32
    %broadcast_in_dim3A_844 = vector.broadcast %broadcast_in_dim3A_843 : i32 to vector<16x1xi32>
    %gather3A_845 = vector.shape_cast %broadcast_in_dim3A_844 : vector<16x1xi32> to vector<16xi32>
    %gather3A_846 = tpu.dynamic_gather %get3A_842[%gather3A_845] in [0] : vector<16xi32>, vector<16xi32> -> vector<16xi32>
    %parallel_loop3A_847 = arith.constant 0 : i32
    %parallel_loop3A_848 = arith.constant 992 : i32
    %parallel_loop3A_849 = arith.constant 16 : i32
    %parallel_loop3A_850:2 = scf.for %parallel_loop3A_1846 = %parallel_loop3A_847 to %parallel_loop3A_848 step %parallel_loop3A_849 iter_args(%parallel_loop3A_1847 = %add3A_833, %parallel_loop3A_1848 = %add3A_839) -> (vector<16xf32>, vector<16xf32>)  : i32 {
      %parallel_loop3A_1849 = arith.constant 13 : i32
      %parallel_loop3A_1850 = arith.index_cast %parallel_loop3A_1849 : i32 to index
      %parallel_loop3A_1851 = arith.index_cast %parallel_loop3A_1846 : i32 to index
      %parallel_loop3A_1852 = tpu.vector_load %arg6[%parallel_loop3A_1850, %parallel_loop3A_1851] {strides = array<i32>} : memref<16x1000xf32, #tpu.memory_space<vmem>>, vector<1x16xf32>,
      %parallel_loop3A_1853 = vector.shape_cast %parallel_loop3A_1852 : vector<1x16xf32> to vector<16xf32>
      %parallel_loop3A_1854 = vector.broadcast %parallel_loop3A_1846 : i32 to vector<16xi32>
      %parallel_loop3A_1855 = arith.addi %iota3A, %parallel_loop3A_1854 : vector<16xi32>
      %parallel_loop3A_1856 = arith.cmpi eq, %parallel_loop3A_1855, %gather3A_846 : vector<16xi32>
      %parallel_loop3A_1857 = arith.mulf %parallel_loop3A_1853, %parallel_loop3A_1853 : vector<16xf32>
      %parallel_loop3A_1858 = arith.addf %parallel_loop3A_1847, %parallel_loop3A_1857 : vector<16xf32>
      %parallel_loop3A_1859 = arith.select %parallel_loop3A_1856, %parallel_loop3A_1853, %broadcast_in_dim3A_10 : vector<16xi1>, vector<16xf32>
      %parallel_loop3A_1860 = arith.addf %parallel_loop3A_1848, %parallel_loop3A_1859 : vector<16xf32>
      scf.yield %parallel_loop3A_1858, %parallel_loop3A_1860 : vector<16xf32>, vector<16xf32>
    } {sc.loop_unroll_factor = 16 : i64, sc.parallel_access}
    %get3A_851 = arith.constant 13 : i32
    %get3A_852 = arith.index_cast %get3A_851 : i32 to index
    %get3A_853 = arith.constant 984 : index
    %get3A_854 = tpu.vector_load %arg6[%get3A_852, %get3A_853] {strides = array<i32>} : memref<16x1000xf32, #tpu.memory_space<vmem>>, vector<1x16xf32>,
    %get3A_855 = vector.shape_cast %get3A_854 : vector<1x16xf32> to vector<16xf32>
    %ge3A_856 = arith.constant 8 : i32
    %ge3A_857 = vector.broadcast %ge3A_856 : i32 to vector<16xi32>
    %ge3A_858 = arith.cmpi sge, %iota3A, %ge3A_857 : vector<16xi32>
    %select_n3A_859 = arith.select %ge3A_858, %get3A_855, %broadcast_in_dim3A_10 : vector<16xi1>, vector<16xf32>
    %mul3A_860 = arith.mulf %select_n3A_859, %select_n3A_859 : vector<16xf32>
    %add3A_861 = arith.addf %parallel_loop3A_850#0, %mul3A_860 : vector<16xf32>
    %add3A_862 = arith.constant 984 : i32
    %add3A_863 = vector.broadcast %add3A_862 : i32 to vector<16xi32>
    %add3A_864 = arith.addi %iota3A, %add3A_863 : vector<16xi32>
    %eq3A_865 = arith.cmpi eq, %add3A_864, %gather3A_846 : vector<16xi32>
    %select_n3A_866 = arith.select %eq3A_865, %select_n3A_859, %broadcast_in_dim3A_10 : vector<16xi1>, vector<16xf32>
    %add3A_867 = arith.addf %parallel_loop3A_850#1, %select_n3A_866 : vector<16xf32>
    %get3A_868 = arith.constant 16 : index
    %get3A_869 = tpu.vector_load %arg7[%get3A_868] {strides = array<i32>} : memref<64xi32, #tpu.memory_space<vmem>>, vector<16xi32>,
    %get3A_870 = vector.shape_cast %get3A_869 : vector<16xi32> to vector<16xi32>
    %broadcast_in_dim3A_871 = arith.constant 14 : i32
    %broadcast_in_dim3A_872 = vector.broadcast %broadcast_in_dim3A_871 : i32 to vector<16x1xi32>
    %gather3A_873 = vector.shape_cast %broadcast_in_dim3A_872 : vector<16x1xi32> to vector<16xi32>
    %gather3A_874 = tpu.dynamic_gather %get3A_870[%gather3A_873] in [0] : vector<16xi32>, vector<16xi32> -> vector<16xi32>
    %parallel_loop3A_875 = arith.constant 0 : i32
    %parallel_loop3A_876 = arith.constant 992 : i32
    %parallel_loop3A_877 = arith.constant 16 : i32
    %parallel_loop3A_878:2 = scf.for %parallel_loop3A_1846 = %parallel_loop3A_875 to %parallel_loop3A_876 step %parallel_loop3A_877 iter_args(%parallel_loop3A_1847 = %add3A_861, %parallel_loop3A_1848 = %add3A_867) -> (vector<16xf32>, vector<16xf32>)  : i32 {
      %parallel_loop3A_1849 = arith.constant 14 : i32
      %parallel_loop3A_1850 = arith.index_cast %parallel_loop3A_1849 : i32 to index
      %parallel_loop3A_1851 = arith.index_cast %parallel_loop3A_1846 : i32 to index
      %parallel_loop3A_1852 = tpu.vector_load %arg6[%parallel_loop3A_1850, %parallel_loop3A_1851] {strides = array<i32>} : memref<16x1000xf32, #tpu.memory_space<vmem>>, vector<1x16xf32>,
      %parallel_loop3A_1853 = vector.shape_cast %parallel_loop3A_1852 : vector<1x16xf32> to vector<16xf32>
      %parallel_loop3A_1854 = vector.broadcast %parallel_loop3A_1846 : i32 to vector<16xi32>
      %parallel_loop3A_1855 = arith.addi %iota3A, %parallel_loop3A_1854 : vector<16xi32>
      %parallel_loop3A_1856 = arith.cmpi eq, %parallel_loop3A_1855, %gather3A_874 : vector<16xi32>
      %parallel_loop3A_1857 = arith.mulf %parallel_loop3A_1853, %parallel_loop3A_1853 : vector<16xf32>
      %parallel_loop3A_1858 = arith.addf %parallel_loop3A_1847, %parallel_loop3A_1857 : vector<16xf32>
      %parallel_loop3A_1859 = arith.select %parallel_loop3A_1856, %parallel_loop3A_1853, %broadcast_in_dim3A_10 : vector<16xi1>, vector<16xf32>
      %parallel_loop3A_1860 = arith.addf %parallel_loop3A_1848, %parallel_loop3A_1859 : vector<16xf32>
      scf.yield %parallel_loop3A_1858, %parallel_loop3A_1860 : vector<16xf32>, vector<16xf32>
    } {sc.loop_unroll_factor = 16 : i64, sc.parallel_access}
    %get3A_879 = arith.constant 14 : i32
    %get3A_880 = arith.index_cast %get3A_879 : i32 to index
    %get3A_881 = arith.constant 984 : index
    %get3A_882 = tpu.vector_load %arg6[%get3A_880, %get3A_881] {strides = array<i32>} : memref<16x1000xf32, #tpu.memory_space<vmem>>, vector<1x16xf32>,
    %get3A_883 = vector.shape_cast %get3A_882 : vector<1x16xf32> to vector<16xf32>
    %ge3A_884 = arith.constant 8 : i32
    %ge3A_885 = vector.broadcast %ge3A_884 : i32 to vector<16xi32>
    %ge3A_886 = arith.cmpi sge, %iota3A, %ge3A_885 : vector<16xi32>
    %select_n3A_887 = arith.select %ge3A_886, %get3A_883, %broadcast_in_dim3A_10 : vector<16xi1>, vector<16xf32>
    %mul3A_888 = arith.mulf %select_n3A_887, %select_n3A_887 : vector<16xf32>
    %add3A_889 = arith.addf %parallel_loop3A_878#0, %mul3A_888 : vector<16xf32>
    %add3A_890 = arith.constant 984 : i32
    %add3A_891 = vector.broadcast %add3A_890 : i32 to vector<16xi32>
    %add3A_892 = arith.addi %iota3A, %add3A_891 : vector<16xi32>
    %eq3A_893 = arith.cmpi eq, %add3A_892, %gather3A_874 : vector<16xi32>
    %select_n3A_894 = arith.select %eq3A_893, %select_n3A_887, %broadcast_in_dim3A_10 : vector<16xi1>, vector<16xf32>
    %add3A_895 = arith.addf %parallel_loop3A_878#1, %select_n3A_894 : vector<16xf32>
    %get3A_896 = arith.constant 16 : index
    %get3A_897 = tpu.vector_load %arg7[%get3A_896] {strides = array<i32>} : memref<64xi32, #tpu.memory_space<vmem>>, vector<16xi32>,
    %get3A_898 = vector.shape_cast %get3A_897 : vector<16xi32> to vector<16xi32>
    %broadcast_in_dim3A_899 = arith.constant 15 : i32
    %broadcast_in_dim3A_900 = vector.broadcast %broadcast_in_dim3A_899 : i32 to vector<16x1xi32>
    %gather3A_901 = vector.shape_cast %broadcast_in_dim3A_900 : vector<16x1xi32> to vector<16xi32>
    %gather3A_902 = tpu.dynamic_gather %get3A_898[%gather3A_901] in [0] : vector<16xi32>, vector<16xi32> -> vector<16xi32>
    %parallel_loop3A_903 = arith.constant 0 : i32
    %parallel_loop3A_904 = arith.constant 992 : i32
    %parallel_loop3A_905 = arith.constant 16 : i32
    %parallel_loop3A_906:2 = scf.for %parallel_loop3A_1846 = %parallel_loop3A_903 to %parallel_loop3A_904 step %parallel_loop3A_905 iter_args(%parallel_loop3A_1847 = %add3A_889, %parallel_loop3A_1848 = %add3A_895) -> (vector<16xf32>, vector<16xf32>)  : i32 {
      %parallel_loop3A_1849 = arith.constant 15 : i32
      %parallel_loop3A_1850 = arith.index_cast %parallel_loop3A_1849 : i32 to index
      %parallel_loop3A_1851 = arith.index_cast %parallel_loop3A_1846 : i32 to index
      %parallel_loop3A_1852 = tpu.vector_load %arg6[%parallel_loop3A_1850, %parallel_loop3A_1851] {strides = array<i32>} : memref<16x1000xf32, #tpu.memory_space<vmem>>, vector<1x16xf32>,
      %parallel_loop3A_1853 = vector.shape_cast %parallel_loop3A_1852 : vector<1x16xf32> to vector<16xf32>
      %parallel_loop3A_1854 = vector.broadcast %parallel_loop3A_1846 : i32 to vector<16xi32>
      %parallel_loop3A_1855 = arith.addi %iota3A, %parallel_loop3A_1854 : vector<16xi32>
      %parallel_loop3A_1856 = arith.cmpi eq, %parallel_loop3A_1855, %gather3A_902 : vector<16xi32>
      %parallel_loop3A_1857 = arith.mulf %parallel_loop3A_1853, %parallel_loop3A_1853 : vector<16xf32>
      %parallel_loop3A_1858 = arith.addf %parallel_loop3A_1847, %parallel_loop3A_1857 : vector<16xf32>
      %parallel_loop3A_1859 = arith.select %parallel_loop3A_1856, %parallel_loop3A_1853, %broadcast_in_dim3A_10 : vector<16xi1>, vector<16xf32>
      %parallel_loop3A_1860 = arith.addf %parallel_loop3A_1848, %parallel_loop3A_1859 : vector<16xf32>
      scf.yield %parallel_loop3A_1858, %parallel_loop3A_1860 : vector<16xf32>, vector<16xf32>
    } {sc.loop_unroll_factor = 16 : i64, sc.parallel_access}
    %get3A_907 = arith.constant 15 : i32
    %get3A_908 = arith.index_cast %get3A_907 : i32 to index
    %get3A_909 = arith.constant 984 : index
    %get3A_910 = tpu.vector_load %arg6[%get3A_908, %get3A_909] {strides = array<i32>} : memref<16x1000xf32, #tpu.memory_space<vmem>>, vector<1x16xf32>,
    %get3A_911 = vector.shape_cast %get3A_910 : vector<1x16xf32> to vector<16xf32>
    %ge3A_912 = arith.constant 8 : i32
    %ge3A_913 = vector.broadcast %ge3A_912 : i32 to vector<16xi32>
    %ge3A_914 = arith.cmpi sge, %iota3A, %ge3A_913 : vector<16xi32>
    %select_n3A_915 = arith.select %ge3A_914, %get3A_911, %broadcast_in_dim3A_10 : vector<16xi1>, vector<16xf32>
    %mul3A_916 = arith.mulf %select_n3A_915, %select_n3A_915 : vector<16xf32>
    %add3A_917 = arith.addf %parallel_loop3A_906#0, %mul3A_916 : vector<16xf32>
    %add3A_918 = arith.constant 984 : i32
    %add3A_919 = vector.broadcast %add3A_918 : i32 to vector<16xi32>
    %add3A_920 = arith.addi %iota3A, %add3A_919 : vector<16xi32>
    %eq3A_921 = arith.cmpi eq, %add3A_920, %gather3A_902 : vector<16xi32>
    %select_n3A_922 = arith.select %eq3A_921, %select_n3A_915, %broadcast_in_dim3A_10 : vector<16xi1>, vector<16xf32>
    %add3A_923 = arith.addf %parallel_loop3A_906#1, %select_n3A_922 : vector<16xf32>
    %add3A_924 = arith.constant 48 : i32
    %add3A_925 = arith.addi %add3A_4, %add3A_924 : i32
    %dma_start3A_926 = arith.constant 0 : i32
    %dma_start3A_927 = tpu.memref_slice %arg2[%add3A_925, %dma_start3A_926] : memref<16384x1000xf32, #tpu.memory_space<hbm>> -> memref<16x1000xf32, #tpu.memory_space<hbm>>
    %dma_start3A_928 = arith.constant 0 : i32
    %dma_start3A_929 = tpu.memref_slice %arg2[%add3A_925, %dma_start3A_928] : memref<16384x1000xf32, #tpu.memory_space<hbm>> -> memref<16x1000xf32, #tpu.memory_space<hbm>>
    tpu.enqueue_dma source(%dma_start3A_929 : memref<16x1000xf32, #tpu.memory_space<hbm>>) target(%arg6 : memref<16x1000xf32, #tpu.memory_space<vmem>>) target_semaphore(%arg10 : memref<!tpu.dma_semaphore, #tpu.memory_space<semaphore_mem>>)
    %add3A_930 = arith.constant 32 : i32
    %add3A_931 = arith.addi %add3A_4, %add3A_930 : i32
    %dma_wait3A_932 = arith.constant 0 : i32
    %dma_wait3A_933 = tpu.memref_slice %arg2[%add3A_931, %dma_wait3A_932] : memref<16384x1000xf32, #tpu.memory_space<hbm>> -> memref<16x1000xf32, #tpu.memory_space<hbm>>
    %dma_wait3A_934 = arith.constant 0 : i32
    %dma_wait3A_935 = tpu.memref_slice %arg2[%add3A_931, %dma_wait3A_934] : memref<16384x1000xf32, #tpu.memory_space<hbm>> -> memref<16x1000xf32, #tpu.memory_space<hbm>>
    tpu.wait_dma2 semaphore(%arg9 : memref<!tpu.dma_semaphore, #tpu.memory_space<semaphore_mem>>) src(%dma_wait3A_935 : memref<16x1000xf32, #tpu.memory_space<hbm>>) dst(%arg5 : memref<16x1000xf32, #tpu.memory_space<vmem>>)
    %get3A_936 = arith.constant 32 : index
    %get3A_937 = tpu.vector_load %arg7[%get3A_936] {strides = array<i32>} : memref<64xi32, #tpu.memory_space<vmem>>, vector<16xi32>,
    %get3A_938 = vector.shape_cast %get3A_937 : vector<16xi32> to vector<16xi32>
    %broadcast_in_dim3A_939 = arith.constant 0 : i32
    %broadcast_in_dim3A_940 = vector.broadcast %broadcast_in_dim3A_939 : i32 to vector<16x1xi32>
    %gather3A_941 = vector.shape_cast %broadcast_in_dim3A_940 : vector<16x1xi32> to vector<16xi32>
    %gather3A_942 = tpu.dynamic_gather %get3A_938[%gather3A_941] in [0] : vector<16xi32>, vector<16xi32> -> vector<16xi32>
    %parallel_loop3A_943 = arith.constant 0 : i32
    %parallel_loop3A_944 = arith.constant 992 : i32
    %parallel_loop3A_945 = arith.constant 16 : i32
    %parallel_loop3A_946:2 = scf.for %parallel_loop3A_1846 = %parallel_loop3A_943 to %parallel_loop3A_944 step %parallel_loop3A_945 iter_args(%parallel_loop3A_1847 = %add3A_917, %parallel_loop3A_1848 = %add3A_923) -> (vector<16xf32>, vector<16xf32>)  : i32 {
      %parallel_loop3A_1849 = arith.constant 0 : i32
      %parallel_loop3A_1850 = arith.index_cast %parallel_loop3A_1849 : i32 to index
      %parallel_loop3A_1851 = arith.index_cast %parallel_loop3A_1846 : i32 to index
      %parallel_loop3A_1852 = tpu.vector_load %arg5[%parallel_loop3A_1850, %parallel_loop3A_1851] {strides = array<i32>} : memref<16x1000xf32, #tpu.memory_space<vmem>>, vector<1x16xf32>,
      %parallel_loop3A_1853 = vector.shape_cast %parallel_loop3A_1852 : vector<1x16xf32> to vector<16xf32>
      %parallel_loop3A_1854 = vector.broadcast %parallel_loop3A_1846 : i32 to vector<16xi32>
      %parallel_loop3A_1855 = arith.addi %iota3A, %parallel_loop3A_1854 : vector<16xi32>
      %parallel_loop3A_1856 = arith.cmpi eq, %parallel_loop3A_1855, %gather3A_942 : vector<16xi32>
      %parallel_loop3A_1857 = arith.mulf %parallel_loop3A_1853, %parallel_loop3A_1853 : vector<16xf32>
      %parallel_loop3A_1858 = arith.addf %parallel_loop3A_1847, %parallel_loop3A_1857 : vector<16xf32>
      %parallel_loop3A_1859 = arith.select %parallel_loop3A_1856, %parallel_loop3A_1853, %broadcast_in_dim3A_10 : vector<16xi1>, vector<16xf32>
      %parallel_loop3A_1860 = arith.addf %parallel_loop3A_1848, %parallel_loop3A_1859 : vector<16xf32>
      scf.yield %parallel_loop3A_1858, %parallel_loop3A_1860 : vector<16xf32>, vector<16xf32>
    } {sc.loop_unroll_factor = 16 : i64, sc.parallel_access}
    %get3A_947 = arith.constant 0 : i32
    %get3A_948 = arith.index_cast %get3A_947 : i32 to index
    %get3A_949 = arith.constant 984 : index
    %get3A_950 = tpu.vector_load %arg5[%get3A_948, %get3A_949] {strides = array<i32>} : memref<16x1000xf32, #tpu.memory_space<vmem>>, vector<1x16xf32>,
    %get3A_951 = vector.shape_cast %get3A_950 : vector<1x16xf32> to vector<16xf32>
    %ge3A_952 = arith.constant 8 : i32
    %ge3A_953 = vector.broadcast %ge3A_952 : i32 to vector<16xi32>
    %ge3A_954 = arith.cmpi sge, %iota3A, %ge3A_953 : vector<16xi32>
    %select_n3A_955 = arith.select %ge3A_954, %get3A_951, %broadcast_in_dim3A_10 : vector<16xi1>, vector<16xf32>
    %mul3A_956 = arith.mulf %select_n3A_955, %select_n3A_955 : vector<16xf32>
    %add3A_957 = arith.addf %parallel_loop3A_946#0, %mul3A_956 : vector<16xf32>
    %add3A_958 = arith.constant 984 : i32
    %add3A_959 = vector.broadcast %add3A_958 : i32 to vector<16xi32>
    %add3A_960 = arith.addi %iota3A, %add3A_959 : vector<16xi32>
    %eq3A_961 = arith.cmpi eq, %add3A_960, %gather3A_942 : vector<16xi32>
    %select_n3A_962 = arith.select %eq3A_961, %select_n3A_955, %broadcast_in_dim3A_10 : vector<16xi1>, vector<16xf32>
    %add3A_963 = arith.addf %parallel_loop3A_946#1, %select_n3A_962 : vector<16xf32>
    %get3A_964 = arith.constant 32 : index
    %get3A_965 = tpu.vector_load %arg7[%get3A_964] {strides = array<i32>} : memref<64xi32, #tpu.memory_space<vmem>>, vector<16xi32>,
    %get3A_966 = vector.shape_cast %get3A_965 : vector<16xi32> to vector<16xi32>
    %broadcast_in_dim3A_967 = arith.constant 1 : i32
    %broadcast_in_dim3A_968 = vector.broadcast %broadcast_in_dim3A_967 : i32 to vector<16x1xi32>
    %gather3A_969 = vector.shape_cast %broadcast_in_dim3A_968 : vector<16x1xi32> to vector<16xi32>
    %gather3A_970 = tpu.dynamic_gather %get3A_966[%gather3A_969] in [0] : vector<16xi32>, vector<16xi32> -> vector<16xi32>
    %parallel_loop3A_971 = arith.constant 0 : i32
    %parallel_loop3A_972 = arith.constant 992 : i32
    %parallel_loop3A_973 = arith.constant 16 : i32
    %parallel_loop3A_974:2 = scf.for %parallel_loop3A_1846 = %parallel_loop3A_971 to %parallel_loop3A_972 step %parallel_loop3A_973 iter_args(%parallel_loop3A_1847 = %add3A_957, %parallel_loop3A_1848 = %add3A_963) -> (vector<16xf32>, vector<16xf32>)  : i32 {
      %parallel_loop3A_1849 = arith.constant 1 : i32
      %parallel_loop3A_1850 = arith.index_cast %parallel_loop3A_1849 : i32 to index
      %parallel_loop3A_1851 = arith.index_cast %parallel_loop3A_1846 : i32 to index
      %parallel_loop3A_1852 = tpu.vector_load %arg5[%parallel_loop3A_1850, %parallel_loop3A_1851] {strides = array<i32>} : memref<16x1000xf32, #tpu.memory_space<vmem>>, vector<1x16xf32>,
      %parallel_loop3A_1853 = vector.shape_cast %parallel_loop3A_1852 : vector<1x16xf32> to vector<16xf32>
      %parallel_loop3A_1854 = vector.broadcast %parallel_loop3A_1846 : i32 to vector<16xi32>
      %parallel_loop3A_1855 = arith.addi %iota3A, %parallel_loop3A_1854 : vector<16xi32>
      %parallel_loop3A_1856 = arith.cmpi eq, %parallel_loop3A_1855, %gather3A_970 : vector<16xi32>
      %parallel_loop3A_1857 = arith.mulf %parallel_loop3A_1853, %parallel_loop3A_1853 : vector<16xf32>
      %parallel_loop3A_1858 = arith.addf %parallel_loop3A_1847, %parallel_loop3A_1857 : vector<16xf32>
      %parallel_loop3A_1859 = arith.select %parallel_loop3A_1856, %parallel_loop3A_1853, %broadcast_in_dim3A_10 : vector<16xi1>, vector<16xf32>
      %parallel_loop3A_1860 = arith.addf %parallel_loop3A_1848, %parallel_loop3A_1859 : vector<16xf32>
      scf.yield %parallel_loop3A_1858, %parallel_loop3A_1860 : vector<16xf32>, vector<16xf32>
    } {sc.loop_unroll_factor = 16 : i64, sc.parallel_access}
    %get3A_975 = arith.constant 1 : i32
    %get3A_976 = arith.index_cast %get3A_975 : i32 to index
    %get3A_977 = arith.constant 984 : index
    %get3A_978 = tpu.vector_load %arg5[%get3A_976, %get3A_977] {strides = array<i32>} : memref<16x1000xf32, #tpu.memory_space<vmem>>, vector<1x16xf32>,
    %get3A_979 = vector.shape_cast %get3A_978 : vector<1x16xf32> to vector<16xf32>
    %ge3A_980 = arith.constant 8 : i32
    %ge3A_981 = vector.broadcast %ge3A_980 : i32 to vector<16xi32>
    %ge3A_982 = arith.cmpi sge, %iota3A, %ge3A_981 : vector<16xi32>
    %select_n3A_983 = arith.select %ge3A_982, %get3A_979, %broadcast_in_dim3A_10 : vector<16xi1>, vector<16xf32>
    %mul3A_984 = arith.mulf %select_n3A_983, %select_n3A_983 : vector<16xf32>
    %add3A_985 = arith.addf %parallel_loop3A_974#0, %mul3A_984 : vector<16xf32>
    %add3A_986 = arith.constant 984 : i32
    %add3A_987 = vector.broadcast %add3A_986 : i32 to vector<16xi32>
    %add3A_988 = arith.addi %iota3A, %add3A_987 : vector<16xi32>
    %eq3A_989 = arith.cmpi eq, %add3A_988, %gather3A_970 : vector<16xi32>
    %select_n3A_990 = arith.select %eq3A_989, %select_n3A_983, %broadcast_in_dim3A_10 : vector<16xi1>, vector<16xf32>
    %add3A_991 = arith.addf %parallel_loop3A_974#1, %select_n3A_990 : vector<16xf32>
    %get3A_992 = arith.constant 32 : index
    %get3A_993 = tpu.vector_load %arg7[%get3A_992] {strides = array<i32>} : memref<64xi32, #tpu.memory_space<vmem>>, vector<16xi32>,
    %get3A_994 = vector.shape_cast %get3A_993 : vector<16xi32> to vector<16xi32>
    %broadcast_in_dim3A_995 = arith.constant 2 : i32
    %broadcast_in_dim3A_996 = vector.broadcast %broadcast_in_dim3A_995 : i32 to vector<16x1xi32>
    %gather3A_997 = vector.shape_cast %broadcast_in_dim3A_996 : vector<16x1xi32> to vector<16xi32>
    %gather3A_998 = tpu.dynamic_gather %get3A_994[%gather3A_997] in [0] : vector<16xi32>, vector<16xi32> -> vector<16xi32>
    %parallel_loop3A_999 = arith.constant 0 : i32
    %parallel_loop3A_1000 = arith.constant 992 : i32
    %parallel_loop3A_1001 = arith.constant 16 : i32
    %parallel_loop3A_1002:2 = scf.for %parallel_loop3A_1846 = %parallel_loop3A_999 to %parallel_loop3A_1000 step %parallel_loop3A_1001 iter_args(%parallel_loop3A_1847 = %add3A_985, %parallel_loop3A_1848 = %add3A_991) -> (vector<16xf32>, vector<16xf32>)  : i32 {
      %parallel_loop3A_1849 = arith.constant 2 : i32
      %parallel_loop3A_1850 = arith.index_cast %parallel_loop3A_1849 : i32 to index
      %parallel_loop3A_1851 = arith.index_cast %parallel_loop3A_1846 : i32 to index
      %parallel_loop3A_1852 = tpu.vector_load %arg5[%parallel_loop3A_1850, %parallel_loop3A_1851] {strides = array<i32>} : memref<16x1000xf32, #tpu.memory_space<vmem>>, vector<1x16xf32>,
      %parallel_loop3A_1853 = vector.shape_cast %parallel_loop3A_1852 : vector<1x16xf32> to vector<16xf32>
      %parallel_loop3A_1854 = vector.broadcast %parallel_loop3A_1846 : i32 to vector<16xi32>
      %parallel_loop3A_1855 = arith.addi %iota3A, %parallel_loop3A_1854 : vector<16xi32>
      %parallel_loop3A_1856 = arith.cmpi eq, %parallel_loop3A_1855, %gather3A_998 : vector<16xi32>
      %parallel_loop3A_1857 = arith.mulf %parallel_loop3A_1853, %parallel_loop3A_1853 : vector<16xf32>
      %parallel_loop3A_1858 = arith.addf %parallel_loop3A_1847, %parallel_loop3A_1857 : vector<16xf32>
      %parallel_loop3A_1859 = arith.select %parallel_loop3A_1856, %parallel_loop3A_1853, %broadcast_in_dim3A_10 : vector<16xi1>, vector<16xf32>
      %parallel_loop3A_1860 = arith.addf %parallel_loop3A_1848, %parallel_loop3A_1859 : vector<16xf32>
      scf.yield %parallel_loop3A_1858, %parallel_loop3A_1860 : vector<16xf32>, vector<16xf32>
    } {sc.loop_unroll_factor = 16 : i64, sc.parallel_access}
    %get3A_1003 = arith.constant 2 : i32
    %get3A_1004 = arith.index_cast %get3A_1003 : i32 to index
    %get3A_1005 = arith.constant 984 : index
    %get3A_1006 = tpu.vector_load %arg5[%get3A_1004, %get3A_1005] {strides = array<i32>} : memref<16x1000xf32, #tpu.memory_space<vmem>>, vector<1x16xf32>,
    %get3A_1007 = vector.shape_cast %get3A_1006 : vector<1x16xf32> to vector<16xf32>
    %ge3A_1008 = arith.constant 8 : i32
    %ge3A_1009 = vector.broadcast %ge3A_1008 : i32 to vector<16xi32>
    %ge3A_1010 = arith.cmpi sge, %iota3A, %ge3A_1009 : vector<16xi32>
    %select_n3A_1011 = arith.select %ge3A_1010, %get3A_1007, %broadcast_in_dim3A_10 : vector<16xi1>, vector<16xf32>
    %mul3A_1012 = arith.mulf %select_n3A_1011, %select_n3A_1011 : vector<16xf32>
    %add3A_1013 = arith.addf %parallel_loop3A_1002#0, %mul3A_1012 : vector<16xf32>
    %add3A_1014 = arith.constant 984 : i32
    %add3A_1015 = vector.broadcast %add3A_1014 : i32 to vector<16xi32>
    %add3A_1016 = arith.addi %iota3A, %add3A_1015 : vector<16xi32>
    %eq3A_1017 = arith.cmpi eq, %add3A_1016, %gather3A_998 : vector<16xi32>
    %select_n3A_1018 = arith.select %eq3A_1017, %select_n3A_1011, %broadcast_in_dim3A_10 : vector<16xi1>, vector<16xf32>
    %add3A_1019 = arith.addf %parallel_loop3A_1002#1, %select_n3A_1018 : vector<16xf32>
    %get3A_1020 = arith.constant 32 : index
    %get3A_1021 = tpu.vector_load %arg7[%get3A_1020] {strides = array<i32>} : memref<64xi32, #tpu.memory_space<vmem>>, vector<16xi32>,
    %get3A_1022 = vector.shape_cast %get3A_1021 : vector<16xi32> to vector<16xi32>
    %broadcast_in_dim3A_1023 = arith.constant 3 : i32
    %broadcast_in_dim3A_1024 = vector.broadcast %broadcast_in_dim3A_1023 : i32 to vector<16x1xi32>
    %gather3A_1025 = vector.shape_cast %broadcast_in_dim3A_1024 : vector<16x1xi32> to vector<16xi32>
    %gather3A_1026 = tpu.dynamic_gather %get3A_1022[%gather3A_1025] in [0] : vector<16xi32>, vector<16xi32> -> vector<16xi32>
    %parallel_loop3A_1027 = arith.constant 0 : i32
    %parallel_loop3A_1028 = arith.constant 992 : i32
    %parallel_loop3A_1029 = arith.constant 16 : i32
    %parallel_loop3A_1030:2 = scf.for %parallel_loop3A_1846 = %parallel_loop3A_1027 to %parallel_loop3A_1028 step %parallel_loop3A_1029 iter_args(%parallel_loop3A_1847 = %add3A_1013, %parallel_loop3A_1848 = %add3A_1019) -> (vector<16xf32>, vector<16xf32>)  : i32 {
      %parallel_loop3A_1849 = arith.constant 3 : i32
      %parallel_loop3A_1850 = arith.index_cast %parallel_loop3A_1849 : i32 to index
      %parallel_loop3A_1851 = arith.index_cast %parallel_loop3A_1846 : i32 to index
      %parallel_loop3A_1852 = tpu.vector_load %arg5[%parallel_loop3A_1850, %parallel_loop3A_1851] {strides = array<i32>} : memref<16x1000xf32, #tpu.memory_space<vmem>>, vector<1x16xf32>,
      %parallel_loop3A_1853 = vector.shape_cast %parallel_loop3A_1852 : vector<1x16xf32> to vector<16xf32>
      %parallel_loop3A_1854 = vector.broadcast %parallel_loop3A_1846 : i32 to vector<16xi32>
      %parallel_loop3A_1855 = arith.addi %iota3A, %parallel_loop3A_1854 : vector<16xi32>
      %parallel_loop3A_1856 = arith.cmpi eq, %parallel_loop3A_1855, %gather3A_1026 : vector<16xi32>
      %parallel_loop3A_1857 = arith.mulf %parallel_loop3A_1853, %parallel_loop3A_1853 : vector<16xf32>
      %parallel_loop3A_1858 = arith.addf %parallel_loop3A_1847, %parallel_loop3A_1857 : vector<16xf32>
      %parallel_loop3A_1859 = arith.select %parallel_loop3A_1856, %parallel_loop3A_1853, %broadcast_in_dim3A_10 : vector<16xi1>, vector<16xf32>
      %parallel_loop3A_1860 = arith.addf %parallel_loop3A_1848, %parallel_loop3A_1859 : vector<16xf32>
      scf.yield %parallel_loop3A_1858, %parallel_loop3A_1860 : vector<16xf32>, vector<16xf32>
    } {sc.loop_unroll_factor = 16 : i64, sc.parallel_access}
    %get3A_1031 = arith.constant 3 : i32
    %get3A_1032 = arith.index_cast %get3A_1031 : i32 to index
    %get3A_1033 = arith.constant 984 : index
    %get3A_1034 = tpu.vector_load %arg5[%get3A_1032, %get3A_1033] {strides = array<i32>} : memref<16x1000xf32, #tpu.memory_space<vmem>>, vector<1x16xf32>,
    %get3A_1035 = vector.shape_cast %get3A_1034 : vector<1x16xf32> to vector<16xf32>
    %ge3A_1036 = arith.constant 8 : i32
    %ge3A_1037 = vector.broadcast %ge3A_1036 : i32 to vector<16xi32>
    %ge3A_1038 = arith.cmpi sge, %iota3A, %ge3A_1037 : vector<16xi32>
    %select_n3A_1039 = arith.select %ge3A_1038, %get3A_1035, %broadcast_in_dim3A_10 : vector<16xi1>, vector<16xf32>
    %mul3A_1040 = arith.mulf %select_n3A_1039, %select_n3A_1039 : vector<16xf32>
    %add3A_1041 = arith.addf %parallel_loop3A_1030#0, %mul3A_1040 : vector<16xf32>
    %add3A_1042 = arith.constant 984 : i32
    %add3A_1043 = vector.broadcast %add3A_1042 : i32 to vector<16xi32>
    %add3A_1044 = arith.addi %iota3A, %add3A_1043 : vector<16xi32>
    %eq3A_1045 = arith.cmpi eq, %add3A_1044, %gather3A_1026 : vector<16xi32>
    %select_n3A_1046 = arith.select %eq3A_1045, %select_n3A_1039, %broadcast_in_dim3A_10 : vector<16xi1>, vector<16xf32>
    %add3A_1047 = arith.addf %parallel_loop3A_1030#1, %select_n3A_1046 : vector<16xf32>
    %get3A_1048 = arith.constant 32 : index
    %get3A_1049 = tpu.vector_load %arg7[%get3A_1048] {strides = array<i32>} : memref<64xi32, #tpu.memory_space<vmem>>, vector<16xi32>,
    %get3A_1050 = vector.shape_cast %get3A_1049 : vector<16xi32> to vector<16xi32>
    %broadcast_in_dim3A_1051 = arith.constant 4 : i32
    %broadcast_in_dim3A_1052 = vector.broadcast %broadcast_in_dim3A_1051 : i32 to vector<16x1xi32>
    %gather3A_1053 = vector.shape_cast %broadcast_in_dim3A_1052 : vector<16x1xi32> to vector<16xi32>
    %gather3A_1054 = tpu.dynamic_gather %get3A_1050[%gather3A_1053] in [0] : vector<16xi32>, vector<16xi32> -> vector<16xi32>
    %parallel_loop3A_1055 = arith.constant 0 : i32
    %parallel_loop3A_1056 = arith.constant 992 : i32
    %parallel_loop3A_1057 = arith.constant 16 : i32
    %parallel_loop3A_1058:2 = scf.for %parallel_loop3A_1846 = %parallel_loop3A_1055 to %parallel_loop3A_1056 step %parallel_loop3A_1057 iter_args(%parallel_loop3A_1847 = %add3A_1041, %parallel_loop3A_1848 = %add3A_1047) -> (vector<16xf32>, vector<16xf32>)  : i32 {
      %parallel_loop3A_1849 = arith.constant 4 : i32
      %parallel_loop3A_1850 = arith.index_cast %parallel_loop3A_1849 : i32 to index
      %parallel_loop3A_1851 = arith.index_cast %parallel_loop3A_1846 : i32 to index
      %parallel_loop3A_1852 = tpu.vector_load %arg5[%parallel_loop3A_1850, %parallel_loop3A_1851] {strides = array<i32>} : memref<16x1000xf32, #tpu.memory_space<vmem>>, vector<1x16xf32>,
      %parallel_loop3A_1853 = vector.shape_cast %parallel_loop3A_1852 : vector<1x16xf32> to vector<16xf32>
      %parallel_loop3A_1854 = vector.broadcast %parallel_loop3A_1846 : i32 to vector<16xi32>
      %parallel_loop3A_1855 = arith.addi %iota3A, %parallel_loop3A_1854 : vector<16xi32>
      %parallel_loop3A_1856 = arith.cmpi eq, %parallel_loop3A_1855, %gather3A_1054 : vector<16xi32>
      %parallel_loop3A_1857 = arith.mulf %parallel_loop3A_1853, %parallel_loop3A_1853 : vector<16xf32>
      %parallel_loop3A_1858 = arith.addf %parallel_loop3A_1847, %parallel_loop3A_1857 : vector<16xf32>
      %parallel_loop3A_1859 = arith.select %parallel_loop3A_1856, %parallel_loop3A_1853, %broadcast_in_dim3A_10 : vector<16xi1>, vector<16xf32>
      %parallel_loop3A_1860 = arith.addf %parallel_loop3A_1848, %parallel_loop3A_1859 : vector<16xf32>
      scf.yield %parallel_loop3A_1858, %parallel_loop3A_1860 : vector<16xf32>, vector<16xf32>
    } {sc.loop_unroll_factor = 16 : i64, sc.parallel_access}
    %get3A_1059 = arith.constant 4 : i32
    %get3A_1060 = arith.index_cast %get3A_1059 : i32 to index
    %get3A_1061 = arith.constant 984 : index
    %get3A_1062 = tpu.vector_load %arg5[%get3A_1060, %get3A_1061] {strides = array<i32>} : memref<16x1000xf32, #tpu.memory_space<vmem>>, vector<1x16xf32>,
    %get3A_1063 = vector.shape_cast %get3A_1062 : vector<1x16xf32> to vector<16xf32>
    %ge3A_1064 = arith.constant 8 : i32
    %ge3A_1065 = vector.broadcast %ge3A_1064 : i32 to vector<16xi32>
    %ge3A_1066 = arith.cmpi sge, %iota3A, %ge3A_1065 : vector<16xi32>
    %select_n3A_1067 = arith.select %ge3A_1066, %get3A_1063, %broadcast_in_dim3A_10 : vector<16xi1>, vector<16xf32>
    %mul3A_1068 = arith.mulf %select_n3A_1067, %select_n3A_1067 : vector<16xf32>
    %add3A_1069 = arith.addf %parallel_loop3A_1058#0, %mul3A_1068 : vector<16xf32>
    %add3A_1070 = arith.constant 984 : i32
    %add3A_1071 = vector.broadcast %add3A_1070 : i32 to vector<16xi32>
    %add3A_1072 = arith.addi %iota3A, %add3A_1071 : vector<16xi32>
    %eq3A_1073 = arith.cmpi eq, %add3A_1072, %gather3A_1054 : vector<16xi32>
    %select_n3A_1074 = arith.select %eq3A_1073, %select_n3A_1067, %broadcast_in_dim3A_10 : vector<16xi1>, vector<16xf32>
    %add3A_1075 = arith.addf %parallel_loop3A_1058#1, %select_n3A_1074 : vector<16xf32>
    %get3A_1076 = arith.constant 32 : index
    %get3A_1077 = tpu.vector_load %arg7[%get3A_1076] {strides = array<i32>} : memref<64xi32, #tpu.memory_space<vmem>>, vector<16xi32>,
    %get3A_1078 = vector.shape_cast %get3A_1077 : vector<16xi32> to vector<16xi32>
    %broadcast_in_dim3A_1079 = arith.constant 5 : i32
    %broadcast_in_dim3A_1080 = vector.broadcast %broadcast_in_dim3A_1079 : i32 to vector<16x1xi32>
    %gather3A_1081 = vector.shape_cast %broadcast_in_dim3A_1080 : vector<16x1xi32> to vector<16xi32>
    %gather3A_1082 = tpu.dynamic_gather %get3A_1078[%gather3A_1081] in [0] : vector<16xi32>, vector<16xi32> -> vector<16xi32>
    %parallel_loop3A_1083 = arith.constant 0 : i32
    %parallel_loop3A_1084 = arith.constant 992 : i32
    %parallel_loop3A_1085 = arith.constant 16 : i32
    %parallel_loop3A_1086:2 = scf.for %parallel_loop3A_1846 = %parallel_loop3A_1083 to %parallel_loop3A_1084 step %parallel_loop3A_1085 iter_args(%parallel_loop3A_1847 = %add3A_1069, %parallel_loop3A_1848 = %add3A_1075) -> (vector<16xf32>, vector<16xf32>)  : i32 {
      %parallel_loop3A_1849 = arith.constant 5 : i32
      %parallel_loop3A_1850 = arith.index_cast %parallel_loop3A_1849 : i32 to index
      %parallel_loop3A_1851 = arith.index_cast %parallel_loop3A_1846 : i32 to index
      %parallel_loop3A_1852 = tpu.vector_load %arg5[%parallel_loop3A_1850, %parallel_loop3A_1851] {strides = array<i32>} : memref<16x1000xf32, #tpu.memory_space<vmem>>, vector<1x16xf32>,
      %parallel_loop3A_1853 = vector.shape_cast %parallel_loop3A_1852 : vector<1x16xf32> to vector<16xf32>
      %parallel_loop3A_1854 = vector.broadcast %parallel_loop3A_1846 : i32 to vector<16xi32>
      %parallel_loop3A_1855 = arith.addi %iota3A, %parallel_loop3A_1854 : vector<16xi32>
      %parallel_loop3A_1856 = arith.cmpi eq, %parallel_loop3A_1855, %gather3A_1082 : vector<16xi32>
      %parallel_loop3A_1857 = arith.mulf %parallel_loop3A_1853, %parallel_loop3A_1853 : vector<16xf32>
      %parallel_loop3A_1858 = arith.addf %parallel_loop3A_1847, %parallel_loop3A_1857 : vector<16xf32>
      %parallel_loop3A_1859 = arith.select %parallel_loop3A_1856, %parallel_loop3A_1853, %broadcast_in_dim3A_10 : vector<16xi1>, vector<16xf32>
      %parallel_loop3A_1860 = arith.addf %parallel_loop3A_1848, %parallel_loop3A_1859 : vector<16xf32>
      scf.yield %parallel_loop3A_1858, %parallel_loop3A_1860 : vector<16xf32>, vector<16xf32>
    } {sc.loop_unroll_factor = 16 : i64, sc.parallel_access}
    %get3A_1087 = arith.constant 5 : i32
    %get3A_1088 = arith.index_cast %get3A_1087 : i32 to index
    %get3A_1089 = arith.constant 984 : index
    %get3A_1090 = tpu.vector_load %arg5[%get3A_1088, %get3A_1089] {strides = array<i32>} : memref<16x1000xf32, #tpu.memory_space<vmem>>, vector<1x16xf32>,
    %get3A_1091 = vector.shape_cast %get3A_1090 : vector<1x16xf32> to vector<16xf32>
    %ge3A_1092 = arith.constant 8 : i32
    %ge3A_1093 = vector.broadcast %ge3A_1092 : i32 to vector<16xi32>
    %ge3A_1094 = arith.cmpi sge, %iota3A, %ge3A_1093 : vector<16xi32>
    %select_n3A_1095 = arith.select %ge3A_1094, %get3A_1091, %broadcast_in_dim3A_10 : vector<16xi1>, vector<16xf32>
    %mul3A_1096 = arith.mulf %select_n3A_1095, %select_n3A_1095 : vector<16xf32>
    %add3A_1097 = arith.addf %parallel_loop3A_1086#0, %mul3A_1096 : vector<16xf32>
    %add3A_1098 = arith.constant 984 : i32
    %add3A_1099 = vector.broadcast %add3A_1098 : i32 to vector<16xi32>
    %add3A_1100 = arith.addi %iota3A, %add3A_1099 : vector<16xi32>
    %eq3A_1101 = arith.cmpi eq, %add3A_1100, %gather3A_1082 : vector<16xi32>
    %select_n3A_1102 = arith.select %eq3A_1101, %select_n3A_1095, %broadcast_in_dim3A_10 : vector<16xi1>, vector<16xf32>
    %add3A_1103 = arith.addf %parallel_loop3A_1086#1, %select_n3A_1102 : vector<16xf32>
    %get3A_1104 = arith.constant 32 : index
    %get3A_1105 = tpu.vector_load %arg7[%get3A_1104] {strides = array<i32>} : memref<64xi32, #tpu.memory_space<vmem>>, vector<16xi32>,
    %get3A_1106 = vector.shape_cast %get3A_1105 : vector<16xi32> to vector<16xi32>
    %broadcast_in_dim3A_1107 = arith.constant 6 : i32
    %broadcast_in_dim3A_1108 = vector.broadcast %broadcast_in_dim3A_1107 : i32 to vector<16x1xi32>
    %gather3A_1109 = vector.shape_cast %broadcast_in_dim3A_1108 : vector<16x1xi32> to vector<16xi32>
    %gather3A_1110 = tpu.dynamic_gather %get3A_1106[%gather3A_1109] in [0] : vector<16xi32>, vector<16xi32> -> vector<16xi32>
    %parallel_loop3A_1111 = arith.constant 0 : i32
    %parallel_loop3A_1112 = arith.constant 992 : i32
    %parallel_loop3A_1113 = arith.constant 16 : i32
    %parallel_loop3A_1114:2 = scf.for %parallel_loop3A_1846 = %parallel_loop3A_1111 to %parallel_loop3A_1112 step %parallel_loop3A_1113 iter_args(%parallel_loop3A_1847 = %add3A_1097, %parallel_loop3A_1848 = %add3A_1103) -> (vector<16xf32>, vector<16xf32>)  : i32 {
      %parallel_loop3A_1849 = arith.constant 6 : i32
      %parallel_loop3A_1850 = arith.index_cast %parallel_loop3A_1849 : i32 to index
      %parallel_loop3A_1851 = arith.index_cast %parallel_loop3A_1846 : i32 to index
      %parallel_loop3A_1852 = tpu.vector_load %arg5[%parallel_loop3A_1850, %parallel_loop3A_1851] {strides = array<i32>} : memref<16x1000xf32, #tpu.memory_space<vmem>>, vector<1x16xf32>,
      %parallel_loop3A_1853 = vector.shape_cast %parallel_loop3A_1852 : vector<1x16xf32> to vector<16xf32>
      %parallel_loop3A_1854 = vector.broadcast %parallel_loop3A_1846 : i32 to vector<16xi32>
      %parallel_loop3A_1855 = arith.addi %iota3A, %parallel_loop3A_1854 : vector<16xi32>
      %parallel_loop3A_1856 = arith.cmpi eq, %parallel_loop3A_1855, %gather3A_1110 : vector<16xi32>
      %parallel_loop3A_1857 = arith.mulf %parallel_loop3A_1853, %parallel_loop3A_1853 : vector<16xf32>
      %parallel_loop3A_1858 = arith.addf %parallel_loop3A_1847, %parallel_loop3A_1857 : vector<16xf32>
      %parallel_loop3A_1859 = arith.select %parallel_loop3A_1856, %parallel_loop3A_1853, %broadcast_in_dim3A_10 : vector<16xi1>, vector<16xf32>
      %parallel_loop3A_1860 = arith.addf %parallel_loop3A_1848, %parallel_loop3A_1859 : vector<16xf32>
      scf.yield %parallel_loop3A_1858, %parallel_loop3A_1860 : vector<16xf32>, vector<16xf32>
    } {sc.loop_unroll_factor = 16 : i64, sc.parallel_access}
    %get3A_1115 = arith.constant 6 : i32
    %get3A_1116 = arith.index_cast %get3A_1115 : i32 to index
    %get3A_1117 = arith.constant 984 : index
    %get3A_1118 = tpu.vector_load %arg5[%get3A_1116, %get3A_1117] {strides = array<i32>} : memref<16x1000xf32, #tpu.memory_space<vmem>>, vector<1x16xf32>,
    %get3A_1119 = vector.shape_cast %get3A_1118 : vector<1x16xf32> to vector<16xf32>
    %ge3A_1120 = arith.constant 8 : i32
    %ge3A_1121 = vector.broadcast %ge3A_1120 : i32 to vector<16xi32>
    %ge3A_1122 = arith.cmpi sge, %iota3A, %ge3A_1121 : vector<16xi32>
    %select_n3A_1123 = arith.select %ge3A_1122, %get3A_1119, %broadcast_in_dim3A_10 : vector<16xi1>, vector<16xf32>
    %mul3A_1124 = arith.mulf %select_n3A_1123, %select_n3A_1123 : vector<16xf32>
    %add3A_1125 = arith.addf %parallel_loop3A_1114#0, %mul3A_1124 : vector<16xf32>
    %add3A_1126 = arith.constant 984 : i32
    %add3A_1127 = vector.broadcast %add3A_1126 : i32 to vector<16xi32>
    %add3A_1128 = arith.addi %iota3A, %add3A_1127 : vector<16xi32>
    %eq3A_1129 = arith.cmpi eq, %add3A_1128, %gather3A_1110 : vector<16xi32>
    %select_n3A_1130 = arith.select %eq3A_1129, %select_n3A_1123, %broadcast_in_dim3A_10 : vector<16xi1>, vector<16xf32>
    %add3A_1131 = arith.addf %parallel_loop3A_1114#1, %select_n3A_1130 : vector<16xf32>
    %get3A_1132 = arith.constant 32 : index
    %get3A_1133 = tpu.vector_load %arg7[%get3A_1132] {strides = array<i32>} : memref<64xi32, #tpu.memory_space<vmem>>, vector<16xi32>,
    %get3A_1134 = vector.shape_cast %get3A_1133 : vector<16xi32> to vector<16xi32>
    %broadcast_in_dim3A_1135 = arith.constant 7 : i32
    %broadcast_in_dim3A_1136 = vector.broadcast %broadcast_in_dim3A_1135 : i32 to vector<16x1xi32>
    %gather3A_1137 = vector.shape_cast %broadcast_in_dim3A_1136 : vector<16x1xi32> to vector<16xi32>
    %gather3A_1138 = tpu.dynamic_gather %get3A_1134[%gather3A_1137] in [0] : vector<16xi32>, vector<16xi32> -> vector<16xi32>
    %parallel_loop3A_1139 = arith.constant 0 : i32
    %parallel_loop3A_1140 = arith.constant 992 : i32
    %parallel_loop3A_1141 = arith.constant 16 : i32
    %parallel_loop3A_1142:2 = scf.for %parallel_loop3A_1846 = %parallel_loop3A_1139 to %parallel_loop3A_1140 step %parallel_loop3A_1141 iter_args(%parallel_loop3A_1847 = %add3A_1125, %parallel_loop3A_1848 = %add3A_1131) -> (vector<16xf32>, vector<16xf32>)  : i32 {
      %parallel_loop3A_1849 = arith.constant 7 : i32
      %parallel_loop3A_1850 = arith.index_cast %parallel_loop3A_1849 : i32 to index
      %parallel_loop3A_1851 = arith.index_cast %parallel_loop3A_1846 : i32 to index
      %parallel_loop3A_1852 = tpu.vector_load %arg5[%parallel_loop3A_1850, %parallel_loop3A_1851] {strides = array<i32>} : memref<16x1000xf32, #tpu.memory_space<vmem>>, vector<1x16xf32>,
      %parallel_loop3A_1853 = vector.shape_cast %parallel_loop3A_1852 : vector<1x16xf32> to vector<16xf32>
      %parallel_loop3A_1854 = vector.broadcast %parallel_loop3A_1846 : i32 to vector<16xi32>
      %parallel_loop3A_1855 = arith.addi %iota3A, %parallel_loop3A_1854 : vector<16xi32>
      %parallel_loop3A_1856 = arith.cmpi eq, %parallel_loop3A_1855, %gather3A_1138 : vector<16xi32>
      %parallel_loop3A_1857 = arith.mulf %parallel_loop3A_1853, %parallel_loop3A_1853 : vector<16xf32>
      %parallel_loop3A_1858 = arith.addf %parallel_loop3A_1847, %parallel_loop3A_1857 : vector<16xf32>
      %parallel_loop3A_1859 = arith.select %parallel_loop3A_1856, %parallel_loop3A_1853, %broadcast_in_dim3A_10 : vector<16xi1>, vector<16xf32>
      %parallel_loop3A_1860 = arith.addf %parallel_loop3A_1848, %parallel_loop3A_1859 : vector<16xf32>
      scf.yield %parallel_loop3A_1858, %parallel_loop3A_1860 : vector<16xf32>, vector<16xf32>
    } {sc.loop_unroll_factor = 16 : i64, sc.parallel_access}
    %get3A_1143 = arith.constant 7 : i32
    %get3A_1144 = arith.index_cast %get3A_1143 : i32 to index
    %get3A_1145 = arith.constant 984 : index
    %get3A_1146 = tpu.vector_load %arg5[%get3A_1144, %get3A_1145] {strides = array<i32>} : memref<16x1000xf32, #tpu.memory_space<vmem>>, vector<1x16xf32>,
    %get3A_1147 = vector.shape_cast %get3A_1146 : vector<1x16xf32> to vector<16xf32>
    %ge3A_1148 = arith.constant 8 : i32
    %ge3A_1149 = vector.broadcast %ge3A_1148 : i32 to vector<16xi32>
    %ge3A_1150 = arith.cmpi sge, %iota3A, %ge3A_1149 : vector<16xi32>
    %select_n3A_1151 = arith.select %ge3A_1150, %get3A_1147, %broadcast_in_dim3A_10 : vector<16xi1>, vector<16xf32>
    %mul3A_1152 = arith.mulf %select_n3A_1151, %select_n3A_1151 : vector<16xf32>
    %add3A_1153 = arith.addf %parallel_loop3A_1142#0, %mul3A_1152 : vector<16xf32>
    %add3A_1154 = arith.constant 984 : i32
    %add3A_1155 = vector.broadcast %add3A_1154 : i32 to vector<16xi32>
    %add3A_1156 = arith.addi %iota3A, %add3A_1155 : vector<16xi32>
    %eq3A_1157 = arith.cmpi eq, %add3A_1156, %gather3A_1138 : vector<16xi32>
    %select_n3A_1158 = arith.select %eq3A_1157, %select_n3A_1151, %broadcast_in_dim3A_10 : vector<16xi1>, vector<16xf32>
    %add3A_1159 = arith.addf %parallel_loop3A_1142#1, %select_n3A_1158 : vector<16xf32>
    %get3A_1160 = arith.constant 32 : index
    %get3A_1161 = tpu.vector_load %arg7[%get3A_1160] {strides = array<i32>} : memref<64xi32, #tpu.memory_space<vmem>>, vector<16xi32>,
    %get3A_1162 = vector.shape_cast %get3A_1161 : vector<16xi32> to vector<16xi32>
    %broadcast_in_dim3A_1163 = arith.constant 8 : i32
    %broadcast_in_dim3A_1164 = vector.broadcast %broadcast_in_dim3A_1163 : i32 to vector<16x1xi32>
    %gather3A_1165 = vector.shape_cast %broadcast_in_dim3A_1164 : vector<16x1xi32> to vector<16xi32>
    %gather3A_1166 = tpu.dynamic_gather %get3A_1162[%gather3A_1165] in [0] : vector<16xi32>, vector<16xi32> -> vector<16xi32>
    %parallel_loop3A_1167 = arith.constant 0 : i32
    %parallel_loop3A_1168 = arith.constant 992 : i32
    %parallel_loop3A_1169 = arith.constant 16 : i32
    %parallel_loop3A_1170:2 = scf.for %parallel_loop3A_1846 = %parallel_loop3A_1167 to %parallel_loop3A_1168 step %parallel_loop3A_1169 iter_args(%parallel_loop3A_1847 = %add3A_1153, %parallel_loop3A_1848 = %add3A_1159) -> (vector<16xf32>, vector<16xf32>)  : i32 {
      %parallel_loop3A_1849 = arith.constant 8 : i32
      %parallel_loop3A_1850 = arith.index_cast %parallel_loop3A_1849 : i32 to index
      %parallel_loop3A_1851 = arith.index_cast %parallel_loop3A_1846 : i32 to index
      %parallel_loop3A_1852 = tpu.vector_load %arg5[%parallel_loop3A_1850, %parallel_loop3A_1851] {strides = array<i32>} : memref<16x1000xf32, #tpu.memory_space<vmem>>, vector<1x16xf32>,
      %parallel_loop3A_1853 = vector.shape_cast %parallel_loop3A_1852 : vector<1x16xf32> to vector<16xf32>
      %parallel_loop3A_1854 = vector.broadcast %parallel_loop3A_1846 : i32 to vector<16xi32>
      %parallel_loop3A_1855 = arith.addi %iota3A, %parallel_loop3A_1854 : vector<16xi32>
      %parallel_loop3A_1856 = arith.cmpi eq, %parallel_loop3A_1855, %gather3A_1166 : vector<16xi32>
      %parallel_loop3A_1857 = arith.mulf %parallel_loop3A_1853, %parallel_loop3A_1853 : vector<16xf32>
      %parallel_loop3A_1858 = arith.addf %parallel_loop3A_1847, %parallel_loop3A_1857 : vector<16xf32>
      %parallel_loop3A_1859 = arith.select %parallel_loop3A_1856, %parallel_loop3A_1853, %broadcast_in_dim3A_10 : vector<16xi1>, vector<16xf32>
      %parallel_loop3A_1860 = arith.addf %parallel_loop3A_1848, %parallel_loop3A_1859 : vector<16xf32>
      scf.yield %parallel_loop3A_1858, %parallel_loop3A_1860 : vector<16xf32>, vector<16xf32>
    } {sc.loop_unroll_factor = 16 : i64, sc.parallel_access}
    %get3A_1171 = arith.constant 8 : i32
    %get3A_1172 = arith.index_cast %get3A_1171 : i32 to index
    %get3A_1173 = arith.constant 984 : index
    %get3A_1174 = tpu.vector_load %arg5[%get3A_1172, %get3A_1173] {strides = array<i32>} : memref<16x1000xf32, #tpu.memory_space<vmem>>, vector<1x16xf32>,
    %get3A_1175 = vector.shape_cast %get3A_1174 : vector<1x16xf32> to vector<16xf32>
    %ge3A_1176 = arith.constant 8 : i32
    %ge3A_1177 = vector.broadcast %ge3A_1176 : i32 to vector<16xi32>
    %ge3A_1178 = arith.cmpi sge, %iota3A, %ge3A_1177 : vector<16xi32>
    %select_n3A_1179 = arith.select %ge3A_1178, %get3A_1175, %broadcast_in_dim3A_10 : vector<16xi1>, vector<16xf32>
    %mul3A_1180 = arith.mulf %select_n3A_1179, %select_n3A_1179 : vector<16xf32>
    %add3A_1181 = arith.addf %parallel_loop3A_1170#0, %mul3A_1180 : vector<16xf32>
    %add3A_1182 = arith.constant 984 : i32
    %add3A_1183 = vector.broadcast %add3A_1182 : i32 to vector<16xi32>
    %add3A_1184 = arith.addi %iota3A, %add3A_1183 : vector<16xi32>
    %eq3A_1185 = arith.cmpi eq, %add3A_1184, %gather3A_1166 : vector<16xi32>
    %select_n3A_1186 = arith.select %eq3A_1185, %select_n3A_1179, %broadcast_in_dim3A_10 : vector<16xi1>, vector<16xf32>
    %add3A_1187 = arith.addf %parallel_loop3A_1170#1, %select_n3A_1186 : vector<16xf32>
    %get3A_1188 = arith.constant 32 : index
    %get3A_1189 = tpu.vector_load %arg7[%get3A_1188] {strides = array<i32>} : memref<64xi32, #tpu.memory_space<vmem>>, vector<16xi32>,
    %get3A_1190 = vector.shape_cast %get3A_1189 : vector<16xi32> to vector<16xi32>
    %broadcast_in_dim3A_1191 = arith.constant 9 : i32
    %broadcast_in_dim3A_1192 = vector.broadcast %broadcast_in_dim3A_1191 : i32 to vector<16x1xi32>
    %gather3A_1193 = vector.shape_cast %broadcast_in_dim3A_1192 : vector<16x1xi32> to vector<16xi32>
    %gather3A_1194 = tpu.dynamic_gather %get3A_1190[%gather3A_1193] in [0] : vector<16xi32>, vector<16xi32> -> vector<16xi32>
    %parallel_loop3A_1195 = arith.constant 0 : i32
    %parallel_loop3A_1196 = arith.constant 992 : i32
    %parallel_loop3A_1197 = arith.constant 16 : i32
    %parallel_loop3A_1198:2 = scf.for %parallel_loop3A_1846 = %parallel_loop3A_1195 to %parallel_loop3A_1196 step %parallel_loop3A_1197 iter_args(%parallel_loop3A_1847 = %add3A_1181, %parallel_loop3A_1848 = %add3A_1187) -> (vector<16xf32>, vector<16xf32>)  : i32 {
      %parallel_loop3A_1849 = arith.constant 9 : i32
      %parallel_loop3A_1850 = arith.index_cast %parallel_loop3A_1849 : i32 to index
      %parallel_loop3A_1851 = arith.index_cast %parallel_loop3A_1846 : i32 to index
      %parallel_loop3A_1852 = tpu.vector_load %arg5[%parallel_loop3A_1850, %parallel_loop3A_1851] {strides = array<i32>} : memref<16x1000xf32, #tpu.memory_space<vmem>>, vector<1x16xf32>,
      %parallel_loop3A_1853 = vector.shape_cast %parallel_loop3A_1852 : vector<1x16xf32> to vector<16xf32>
      %parallel_loop3A_1854 = vector.broadcast %parallel_loop3A_1846 : i32 to vector<16xi32>
      %parallel_loop3A_1855 = arith.addi %iota3A, %parallel_loop3A_1854 : vector<16xi32>
      %parallel_loop3A_1856 = arith.cmpi eq, %parallel_loop3A_1855, %gather3A_1194 : vector<16xi32>
      %parallel_loop3A_1857 = arith.mulf %parallel_loop3A_1853, %parallel_loop3A_1853 : vector<16xf32>
      %parallel_loop3A_1858 = arith.addf %parallel_loop3A_1847, %parallel_loop3A_1857 : vector<16xf32>
      %parallel_loop3A_1859 = arith.select %parallel_loop3A_1856, %parallel_loop3A_1853, %broadcast_in_dim3A_10 : vector<16xi1>, vector<16xf32>
      %parallel_loop3A_1860 = arith.addf %parallel_loop3A_1848, %parallel_loop3A_1859 : vector<16xf32>
      scf.yield %parallel_loop3A_1858, %parallel_loop3A_1860 : vector<16xf32>, vector<16xf32>
    } {sc.loop_unroll_factor = 16 : i64, sc.parallel_access}
    %get3A_1199 = arith.constant 9 : i32
    %get3A_1200 = arith.index_cast %get3A_1199 : i32 to index
    %get3A_1201 = arith.constant 984 : index
    %get3A_1202 = tpu.vector_load %arg5[%get3A_1200, %get3A_1201] {strides = array<i32>} : memref<16x1000xf32, #tpu.memory_space<vmem>>, vector<1x16xf32>,
    %get3A_1203 = vector.shape_cast %get3A_1202 : vector<1x16xf32> to vector<16xf32>
    %ge3A_1204 = arith.constant 8 : i32
    %ge3A_1205 = vector.broadcast %ge3A_1204 : i32 to vector<16xi32>
    %ge3A_1206 = arith.cmpi sge, %iota3A, %ge3A_1205 : vector<16xi32>
    %select_n3A_1207 = arith.select %ge3A_1206, %get3A_1203, %broadcast_in_dim3A_10 : vector<16xi1>, vector<16xf32>
    %mul3A_1208 = arith.mulf %select_n3A_1207, %select_n3A_1207 : vector<16xf32>
    %add3A_1209 = arith.addf %parallel_loop3A_1198#0, %mul3A_1208 : vector<16xf32>
    %add3A_1210 = arith.constant 984 : i32
    %add3A_1211 = vector.broadcast %add3A_1210 : i32 to vector<16xi32>
    %add3A_1212 = arith.addi %iota3A, %add3A_1211 : vector<16xi32>
    %eq3A_1213 = arith.cmpi eq, %add3A_1212, %gather3A_1194 : vector<16xi32>
    %select_n3A_1214 = arith.select %eq3A_1213, %select_n3A_1207, %broadcast_in_dim3A_10 : vector<16xi1>, vector<16xf32>
    %add3A_1215 = arith.addf %parallel_loop3A_1198#1, %select_n3A_1214 : vector<16xf32>
    %get3A_1216 = arith.constant 32 : index
    %get3A_1217 = tpu.vector_load %arg7[%get3A_1216] {strides = array<i32>} : memref<64xi32, #tpu.memory_space<vmem>>, vector<16xi32>,
    %get3A_1218 = vector.shape_cast %get3A_1217 : vector<16xi32> to vector<16xi32>
    %broadcast_in_dim3A_1219 = arith.constant 10 : i32
    %broadcast_in_dim3A_1220 = vector.broadcast %broadcast_in_dim3A_1219 : i32 to vector<16x1xi32>
    %gather3A_1221 = vector.shape_cast %broadcast_in_dim3A_1220 : vector<16x1xi32> to vector<16xi32>
    %gather3A_1222 = tpu.dynamic_gather %get3A_1218[%gather3A_1221] in [0] : vector<16xi32>, vector<16xi32> -> vector<16xi32>
    %parallel_loop3A_1223 = arith.constant 0 : i32
    %parallel_loop3A_1224 = arith.constant 992 : i32
    %parallel_loop3A_1225 = arith.constant 16 : i32
    %parallel_loop3A_1226:2 = scf.for %parallel_loop3A_1846 = %parallel_loop3A_1223 to %parallel_loop3A_1224 step %parallel_loop3A_1225 iter_args(%parallel_loop3A_1847 = %add3A_1209, %parallel_loop3A_1848 = %add3A_1215) -> (vector<16xf32>, vector<16xf32>)  : i32 {
      %parallel_loop3A_1849 = arith.constant 10 : i32
      %parallel_loop3A_1850 = arith.index_cast %parallel_loop3A_1849 : i32 to index
      %parallel_loop3A_1851 = arith.index_cast %parallel_loop3A_1846 : i32 to index
      %parallel_loop3A_1852 = tpu.vector_load %arg5[%parallel_loop3A_1850, %parallel_loop3A_1851] {strides = array<i32>} : memref<16x1000xf32, #tpu.memory_space<vmem>>, vector<1x16xf32>,
      %parallel_loop3A_1853 = vector.shape_cast %parallel_loop3A_1852 : vector<1x16xf32> to vector<16xf32>
      %parallel_loop3A_1854 = vector.broadcast %parallel_loop3A_1846 : i32 to vector<16xi32>
      %parallel_loop3A_1855 = arith.addi %iota3A, %parallel_loop3A_1854 : vector<16xi32>
      %parallel_loop3A_1856 = arith.cmpi eq, %parallel_loop3A_1855, %gather3A_1222 : vector<16xi32>
      %parallel_loop3A_1857 = arith.mulf %parallel_loop3A_1853, %parallel_loop3A_1853 : vector<16xf32>
      %parallel_loop3A_1858 = arith.addf %parallel_loop3A_1847, %parallel_loop3A_1857 : vector<16xf32>
      %parallel_loop3A_1859 = arith.select %parallel_loop3A_1856, %parallel_loop3A_1853, %broadcast_in_dim3A_10 : vector<16xi1>, vector<16xf32>
      %parallel_loop3A_1860 = arith.addf %parallel_loop3A_1848, %parallel_loop3A_1859 : vector<16xf32>
      scf.yield %parallel_loop3A_1858, %parallel_loop3A_1860 : vector<16xf32>, vector<16xf32>
    } {sc.loop_unroll_factor = 16 : i64, sc.parallel_access}
    %get3A_1227 = arith.constant 10 : i32
    %get3A_1228 = arith.index_cast %get3A_1227 : i32 to index
    %get3A_1229 = arith.constant 984 : index
    %get3A_1230 = tpu.vector_load %arg5[%get3A_1228, %get3A_1229] {strides = array<i32>} : memref<16x1000xf32, #tpu.memory_space<vmem>>, vector<1x16xf32>,
    %get3A_1231 = vector.shape_cast %get3A_1230 : vector<1x16xf32> to vector<16xf32>
    %ge3A_1232 = arith.constant 8 : i32
    %ge3A_1233 = vector.broadcast %ge3A_1232 : i32 to vector<16xi32>
    %ge3A_1234 = arith.cmpi sge, %iota3A, %ge3A_1233 : vector<16xi32>
    %select_n3A_1235 = arith.select %ge3A_1234, %get3A_1231, %broadcast_in_dim3A_10 : vector<16xi1>, vector<16xf32>
    %mul3A_1236 = arith.mulf %select_n3A_1235, %select_n3A_1235 : vector<16xf32>
    %add3A_1237 = arith.addf %parallel_loop3A_1226#0, %mul3A_1236 : vector<16xf32>
    %add3A_1238 = arith.constant 984 : i32
    %add3A_1239 = vector.broadcast %add3A_1238 : i32 to vector<16xi32>
    %add3A_1240 = arith.addi %iota3A, %add3A_1239 : vector<16xi32>
    %eq3A_1241 = arith.cmpi eq, %add3A_1240, %gather3A_1222 : vector<16xi32>
    %select_n3A_1242 = arith.select %eq3A_1241, %select_n3A_1235, %broadcast_in_dim3A_10 : vector<16xi1>, vector<16xf32>
    %add3A_1243 = arith.addf %parallel_loop3A_1226#1, %select_n3A_1242 : vector<16xf32>
    %get3A_1244 = arith.constant 32 : index
    %get3A_1245 = tpu.vector_load %arg7[%get3A_1244] {strides = array<i32>} : memref<64xi32, #tpu.memory_space<vmem>>, vector<16xi32>,
    %get3A_1246 = vector.shape_cast %get3A_1245 : vector<16xi32> to vector<16xi32>
    %broadcast_in_dim3A_1247 = arith.constant 11 : i32
    %broadcast_in_dim3A_1248 = vector.broadcast %broadcast_in_dim3A_1247 : i32 to vector<16x1xi32>
    %gather3A_1249 = vector.shape_cast %broadcast_in_dim3A_1248 : vector<16x1xi32> to vector<16xi32>
    %gather3A_1250 = tpu.dynamic_gather %get3A_1246[%gather3A_1249] in [0] : vector<16xi32>, vector<16xi32> -> vector<16xi32>
    %parallel_loop3A_1251 = arith.constant 0 : i32
    %parallel_loop3A_1252 = arith.constant 992 : i32
    %parallel_loop3A_1253 = arith.constant 16 : i32
    %parallel_loop3A_1254:2 = scf.for %parallel_loop3A_1846 = %parallel_loop3A_1251 to %parallel_loop3A_1252 step %parallel_loop3A_1253 iter_args(%parallel_loop3A_1847 = %add3A_1237, %parallel_loop3A_1848 = %add3A_1243) -> (vector<16xf32>, vector<16xf32>)  : i32 {
      %parallel_loop3A_1849 = arith.constant 11 : i32
      %parallel_loop3A_1850 = arith.index_cast %parallel_loop3A_1849 : i32 to index
      %parallel_loop3A_1851 = arith.index_cast %parallel_loop3A_1846 : i32 to index
      %parallel_loop3A_1852 = tpu.vector_load %arg5[%parallel_loop3A_1850, %parallel_loop3A_1851] {strides = array<i32>} : memref<16x1000xf32, #tpu.memory_space<vmem>>, vector<1x16xf32>,
      %parallel_loop3A_1853 = vector.shape_cast %parallel_loop3A_1852 : vector<1x16xf32> to vector<16xf32>
      %parallel_loop3A_1854 = vector.broadcast %parallel_loop3A_1846 : i32 to vector<16xi32>
      %parallel_loop3A_1855 = arith.addi %iota3A, %parallel_loop3A_1854 : vector<16xi32>
      %parallel_loop3A_1856 = arith.cmpi eq, %parallel_loop3A_1855, %gather3A_1250 : vector<16xi32>
      %parallel_loop3A_1857 = arith.mulf %parallel_loop3A_1853, %parallel_loop3A_1853 : vector<16xf32>
      %parallel_loop3A_1858 = arith.addf %parallel_loop3A_1847, %parallel_loop3A_1857 : vector<16xf32>
      %parallel_loop3A_1859 = arith.select %parallel_loop3A_1856, %parallel_loop3A_1853, %broadcast_in_dim3A_10 : vector<16xi1>, vector<16xf32>
      %parallel_loop3A_1860 = arith.addf %parallel_loop3A_1848, %parallel_loop3A_1859 : vector<16xf32>
      scf.yield %parallel_loop3A_1858, %parallel_loop3A_1860 : vector<16xf32>, vector<16xf32>
    } {sc.loop_unroll_factor = 16 : i64, sc.parallel_access}
    %get3A_1255 = arith.constant 11 : i32
    %get3A_1256 = arith.index_cast %get3A_1255 : i32 to index
    %get3A_1257 = arith.constant 984 : index
    %get3A_1258 = tpu.vector_load %arg5[%get3A_1256, %get3A_1257] {strides = array<i32>} : memref<16x1000xf32, #tpu.memory_space<vmem>>, vector<1x16xf32>,
    %get3A_1259 = vector.shape_cast %get3A_1258 : vector<1x16xf32> to vector<16xf32>
    %ge3A_1260 = arith.constant 8 : i32
    %ge3A_1261 = vector.broadcast %ge3A_1260 : i32 to vector<16xi32>
    %ge3A_1262 = arith.cmpi sge, %iota3A, %ge3A_1261 : vector<16xi32>
    %select_n3A_1263 = arith.select %ge3A_1262, %get3A_1259, %broadcast_in_dim3A_10 : vector<16xi1>, vector<16xf32>
    %mul3A_1264 = arith.mulf %select_n3A_1263, %select_n3A_1263 : vector<16xf32>
    %add3A_1265 = arith.addf %parallel_loop3A_1254#0, %mul3A_1264 : vector<16xf32>
    %add3A_1266 = arith.constant 984 : i32
    %add3A_1267 = vector.broadcast %add3A_1266 : i32 to vector<16xi32>
    %add3A_1268 = arith.addi %iota3A, %add3A_1267 : vector<16xi32>
    %eq3A_1269 = arith.cmpi eq, %add3A_1268, %gather3A_1250 : vector<16xi32>
    %select_n3A_1270 = arith.select %eq3A_1269, %select_n3A_1263, %broadcast_in_dim3A_10 : vector<16xi1>, vector<16xf32>
    %add3A_1271 = arith.addf %parallel_loop3A_1254#1, %select_n3A_1270 : vector<16xf32>
    %get3A_1272 = arith.constant 32 : index
    %get3A_1273 = tpu.vector_load %arg7[%get3A_1272] {strides = array<i32>} : memref<64xi32, #tpu.memory_space<vmem>>, vector<16xi32>,
    %get3A_1274 = vector.shape_cast %get3A_1273 : vector<16xi32> to vector<16xi32>
    %broadcast_in_dim3A_1275 = arith.constant 12 : i32
    %broadcast_in_dim3A_1276 = vector.broadcast %broadcast_in_dim3A_1275 : i32 to vector<16x1xi32>
    %gather3A_1277 = vector.shape_cast %broadcast_in_dim3A_1276 : vector<16x1xi32> to vector<16xi32>
    %gather3A_1278 = tpu.dynamic_gather %get3A_1274[%gather3A_1277] in [0] : vector<16xi32>, vector<16xi32> -> vector<16xi32>
    %parallel_loop3A_1279 = arith.constant 0 : i32
    %parallel_loop3A_1280 = arith.constant 992 : i32
    %parallel_loop3A_1281 = arith.constant 16 : i32
    %parallel_loop3A_1282:2 = scf.for %parallel_loop3A_1846 = %parallel_loop3A_1279 to %parallel_loop3A_1280 step %parallel_loop3A_1281 iter_args(%parallel_loop3A_1847 = %add3A_1265, %parallel_loop3A_1848 = %add3A_1271) -> (vector<16xf32>, vector<16xf32>)  : i32 {
      %parallel_loop3A_1849 = arith.constant 12 : i32
      %parallel_loop3A_1850 = arith.index_cast %parallel_loop3A_1849 : i32 to index
      %parallel_loop3A_1851 = arith.index_cast %parallel_loop3A_1846 : i32 to index
      %parallel_loop3A_1852 = tpu.vector_load %arg5[%parallel_loop3A_1850, %parallel_loop3A_1851] {strides = array<i32>} : memref<16x1000xf32, #tpu.memory_space<vmem>>, vector<1x16xf32>,
      %parallel_loop3A_1853 = vector.shape_cast %parallel_loop3A_1852 : vector<1x16xf32> to vector<16xf32>
      %parallel_loop3A_1854 = vector.broadcast %parallel_loop3A_1846 : i32 to vector<16xi32>
      %parallel_loop3A_1855 = arith.addi %iota3A, %parallel_loop3A_1854 : vector<16xi32>
      %parallel_loop3A_1856 = arith.cmpi eq, %parallel_loop3A_1855, %gather3A_1278 : vector<16xi32>
      %parallel_loop3A_1857 = arith.mulf %parallel_loop3A_1853, %parallel_loop3A_1853 : vector<16xf32>
      %parallel_loop3A_1858 = arith.addf %parallel_loop3A_1847, %parallel_loop3A_1857 : vector<16xf32>
      %parallel_loop3A_1859 = arith.select %parallel_loop3A_1856, %parallel_loop3A_1853, %broadcast_in_dim3A_10 : vector<16xi1>, vector<16xf32>
      %parallel_loop3A_1860 = arith.addf %parallel_loop3A_1848, %parallel_loop3A_1859 : vector<16xf32>
      scf.yield %parallel_loop3A_1858, %parallel_loop3A_1860 : vector<16xf32>, vector<16xf32>
    } {sc.loop_unroll_factor = 16 : i64, sc.parallel_access}
    %get3A_1283 = arith.constant 12 : i32
    %get3A_1284 = arith.index_cast %get3A_1283 : i32 to index
    %get3A_1285 = arith.constant 984 : index
    %get3A_1286 = tpu.vector_load %arg5[%get3A_1284, %get3A_1285] {strides = array<i32>} : memref<16x1000xf32, #tpu.memory_space<vmem>>, vector<1x16xf32>,
    %get3A_1287 = vector.shape_cast %get3A_1286 : vector<1x16xf32> to vector<16xf32>
    %ge3A_1288 = arith.constant 8 : i32
    %ge3A_1289 = vector.broadcast %ge3A_1288 : i32 to vector<16xi32>
    %ge3A_1290 = arith.cmpi sge, %iota3A, %ge3A_1289 : vector<16xi32>
    %select_n3A_1291 = arith.select %ge3A_1290, %get3A_1287, %broadcast_in_dim3A_10 : vector<16xi1>, vector<16xf32>
    %mul3A_1292 = arith.mulf %select_n3A_1291, %select_n3A_1291 : vector<16xf32>
    %add3A_1293 = arith.addf %parallel_loop3A_1282#0, %mul3A_1292 : vector<16xf32>
    %add3A_1294 = arith.constant 984 : i32
    %add3A_1295 = vector.broadcast %add3A_1294 : i32 to vector<16xi32>
    %add3A_1296 = arith.addi %iota3A, %add3A_1295 : vector<16xi32>
    %eq3A_1297 = arith.cmpi eq, %add3A_1296, %gather3A_1278 : vector<16xi32>
    %select_n3A_1298 = arith.select %eq3A_1297, %select_n3A_1291, %broadcast_in_dim3A_10 : vector<16xi1>, vector<16xf32>
    %add3A_1299 = arith.addf %parallel_loop3A_1282#1, %select_n3A_1298 : vector<16xf32>
    %get3A_1300 = arith.constant 32 : index
    %get3A_1301 = tpu.vector_load %arg7[%get3A_1300] {strides = array<i32>} : memref<64xi32, #tpu.memory_space<vmem>>, vector<16xi32>,
    %get3A_1302 = vector.shape_cast %get3A_1301 : vector<16xi32> to vector<16xi32>
    %broadcast_in_dim3A_1303 = arith.constant 13 : i32
    %broadcast_in_dim3A_1304 = vector.broadcast %broadcast_in_dim3A_1303 : i32 to vector<16x1xi32>
    %gather3A_1305 = vector.shape_cast %broadcast_in_dim3A_1304 : vector<16x1xi32> to vector<16xi32>
    %gather3A_1306 = tpu.dynamic_gather %get3A_1302[%gather3A_1305] in [0] : vector<16xi32>, vector<16xi32> -> vector<16xi32>
    %parallel_loop3A_1307 = arith.constant 0 : i32
    %parallel_loop3A_1308 = arith.constant 992 : i32
    %parallel_loop3A_1309 = arith.constant 16 : i32
    %parallel_loop3A_1310:2 = scf.for %parallel_loop3A_1846 = %parallel_loop3A_1307 to %parallel_loop3A_1308 step %parallel_loop3A_1309 iter_args(%parallel_loop3A_1847 = %add3A_1293, %parallel_loop3A_1848 = %add3A_1299) -> (vector<16xf32>, vector<16xf32>)  : i32 {
      %parallel_loop3A_1849 = arith.constant 13 : i32
      %parallel_loop3A_1850 = arith.index_cast %parallel_loop3A_1849 : i32 to index
      %parallel_loop3A_1851 = arith.index_cast %parallel_loop3A_1846 : i32 to index
      %parallel_loop3A_1852 = tpu.vector_load %arg5[%parallel_loop3A_1850, %parallel_loop3A_1851] {strides = array<i32>} : memref<16x1000xf32, #tpu.memory_space<vmem>>, vector<1x16xf32>,
      %parallel_loop3A_1853 = vector.shape_cast %parallel_loop3A_1852 : vector<1x16xf32> to vector<16xf32>
      %parallel_loop3A_1854 = vector.broadcast %parallel_loop3A_1846 : i32 to vector<16xi32>
      %parallel_loop3A_1855 = arith.addi %iota3A, %parallel_loop3A_1854 : vector<16xi32>
      %parallel_loop3A_1856 = arith.cmpi eq, %parallel_loop3A_1855, %gather3A_1306 : vector<16xi32>
      %parallel_loop3A_1857 = arith.mulf %parallel_loop3A_1853, %parallel_loop3A_1853 : vector<16xf32>
      %parallel_loop3A_1858 = arith.addf %parallel_loop3A_1847, %parallel_loop3A_1857 : vector<16xf32>
      %parallel_loop3A_1859 = arith.select %parallel_loop3A_1856, %parallel_loop3A_1853, %broadcast_in_dim3A_10 : vector<16xi1>, vector<16xf32>
      %parallel_loop3A_1860 = arith.addf %parallel_loop3A_1848, %parallel_loop3A_1859 : vector<16xf32>
      scf.yield %parallel_loop3A_1858, %parallel_loop3A_1860 : vector<16xf32>, vector<16xf32>
    } {sc.loop_unroll_factor = 16 : i64, sc.parallel_access}
    %get3A_1311 = arith.constant 13 : i32
    %get3A_1312 = arith.index_cast %get3A_1311 : i32 to index
    %get3A_1313 = arith.constant 984 : index
    %get3A_1314 = tpu.vector_load %arg5[%get3A_1312, %get3A_1313] {strides = array<i32>} : memref<16x1000xf32, #tpu.memory_space<vmem>>, vector<1x16xf32>,
    %get3A_1315 = vector.shape_cast %get3A_1314 : vector<1x16xf32> to vector<16xf32>
    %ge3A_1316 = arith.constant 8 : i32
    %ge3A_1317 = vector.broadcast %ge3A_1316 : i32 to vector<16xi32>
    %ge3A_1318 = arith.cmpi sge, %iota3A, %ge3A_1317 : vector<16xi32>
    %select_n3A_1319 = arith.select %ge3A_1318, %get3A_1315, %broadcast_in_dim3A_10 : vector<16xi1>, vector<16xf32>
    %mul3A_1320 = arith.mulf %select_n3A_1319, %select_n3A_1319 : vector<16xf32>
    %add3A_1321 = arith.addf %parallel_loop3A_1310#0, %mul3A_1320 : vector<16xf32>
    %add3A_1322 = arith.constant 984 : i32
    %add3A_1323 = vector.broadcast %add3A_1322 : i32 to vector<16xi32>
    %add3A_1324 = arith.addi %iota3A, %add3A_1323 : vector<16xi32>
    %eq3A_1325 = arith.cmpi eq, %add3A_1324, %gather3A_1306 : vector<16xi32>
    %select_n3A_1326 = arith.select %eq3A_1325, %select_n3A_1319, %broadcast_in_dim3A_10 : vector<16xi1>, vector<16xf32>
    %add3A_1327 = arith.addf %parallel_loop3A_1310#1, %select_n3A_1326 : vector<16xf32>
    %get3A_1328 = arith.constant 32 : index
    %get3A_1329 = tpu.vector_load %arg7[%get3A_1328] {strides = array<i32>} : memref<64xi32, #tpu.memory_space<vmem>>, vector<16xi32>,
    %get3A_1330 = vector.shape_cast %get3A_1329 : vector<16xi32> to vector<16xi32>
    %broadcast_in_dim3A_1331 = arith.constant 14 : i32
    %broadcast_in_dim3A_1332 = vector.broadcast %broadcast_in_dim3A_1331 : i32 to vector<16x1xi32>
    %gather3A_1333 = vector.shape_cast %broadcast_in_dim3A_1332 : vector<16x1xi32> to vector<16xi32>
    %gather3A_1334 = tpu.dynamic_gather %get3A_1330[%gather3A_1333] in [0] : vector<16xi32>, vector<16xi32> -> vector<16xi32>
    %parallel_loop3A_1335 = arith.constant 0 : i32
    %parallel_loop3A_1336 = arith.constant 992 : i32
    %parallel_loop3A_1337 = arith.constant 16 : i32
    %parallel_loop3A_1338:2 = scf.for %parallel_loop3A_1846 = %parallel_loop3A_1335 to %parallel_loop3A_1336 step %parallel_loop3A_1337 iter_args(%parallel_loop3A_1847 = %add3A_1321, %parallel_loop3A_1848 = %add3A_1327) -> (vector<16xf32>, vector<16xf32>)  : i32 {
      %parallel_loop3A_1849 = arith.constant 14 : i32
      %parallel_loop3A_1850 = arith.index_cast %parallel_loop3A_1849 : i32 to index
      %parallel_loop3A_1851 = arith.index_cast %parallel_loop3A_1846 : i32 to index
      %parallel_loop3A_1852 = tpu.vector_load %arg5[%parallel_loop3A_1850, %parallel_loop3A_1851] {strides = array<i32>} : memref<16x1000xf32, #tpu.memory_space<vmem>>, vector<1x16xf32>,
      %parallel_loop3A_1853 = vector.shape_cast %parallel_loop3A_1852 : vector<1x16xf32> to vector<16xf32>
      %parallel_loop3A_1854 = vector.broadcast %parallel_loop3A_1846 : i32 to vector<16xi32>
      %parallel_loop3A_1855 = arith.addi %iota3A, %parallel_loop3A_1854 : vector<16xi32>
      %parallel_loop3A_1856 = arith.cmpi eq, %parallel_loop3A_1855, %gather3A_1334 : vector<16xi32>
      %parallel_loop3A_1857 = arith.mulf %parallel_loop3A_1853, %parallel_loop3A_1853 : vector<16xf32>
      %parallel_loop3A_1858 = arith.addf %parallel_loop3A_1847, %parallel_loop3A_1857 : vector<16xf32>
      %parallel_loop3A_1859 = arith.select %parallel_loop3A_1856, %parallel_loop3A_1853, %broadcast_in_dim3A_10 : vector<16xi1>, vector<16xf32>
      %parallel_loop3A_1860 = arith.addf %parallel_loop3A_1848, %parallel_loop3A_1859 : vector<16xf32>
      scf.yield %parallel_loop3A_1858, %parallel_loop3A_1860 : vector<16xf32>, vector<16xf32>
    } {sc.loop_unroll_factor = 16 : i64, sc.parallel_access}
    %get3A_1339 = arith.constant 14 : i32
    %get3A_1340 = arith.index_cast %get3A_1339 : i32 to index
    %get3A_1341 = arith.constant 984 : index
    %get3A_1342 = tpu.vector_load %arg5[%get3A_1340, %get3A_1341] {strides = array<i32>} : memref<16x1000xf32, #tpu.memory_space<vmem>>, vector<1x16xf32>,
    %get3A_1343 = vector.shape_cast %get3A_1342 : vector<1x16xf32> to vector<16xf32>
    %ge3A_1344 = arith.constant 8 : i32
    %ge3A_1345 = vector.broadcast %ge3A_1344 : i32 to vector<16xi32>
    %ge3A_1346 = arith.cmpi sge, %iota3A, %ge3A_1345 : vector<16xi32>
    %select_n3A_1347 = arith.select %ge3A_1346, %get3A_1343, %broadcast_in_dim3A_10 : vector<16xi1>, vector<16xf32>
    %mul3A_1348 = arith.mulf %select_n3A_1347, %select_n3A_1347 : vector<16xf32>
    %add3A_1349 = arith.addf %parallel_loop3A_1338#0, %mul3A_1348 : vector<16xf32>
    %add3A_1350 = arith.constant 984 : i32
    %add3A_1351 = vector.broadcast %add3A_1350 : i32 to vector<16xi32>
    %add3A_1352 = arith.addi %iota3A, %add3A_1351 : vector<16xi32>
    %eq3A_1353 = arith.cmpi eq, %add3A_1352, %gather3A_1334 : vector<16xi32>
    %select_n3A_1354 = arith.select %eq3A_1353, %select_n3A_1347, %broadcast_in_dim3A_10 : vector<16xi1>, vector<16xf32>
    %add3A_1355 = arith.addf %parallel_loop3A_1338#1, %select_n3A_1354 : vector<16xf32>
    %get3A_1356 = arith.constant 32 : index
    %get3A_1357 = tpu.vector_load %arg7[%get3A_1356] {strides = array<i32>} : memref<64xi32, #tpu.memory_space<vmem>>, vector<16xi32>,
    %get3A_1358 = vector.shape_cast %get3A_1357 : vector<16xi32> to vector<16xi32>
    %broadcast_in_dim3A_1359 = arith.constant 15 : i32
    %broadcast_in_dim3A_1360 = vector.broadcast %broadcast_in_dim3A_1359 : i32 to vector<16x1xi32>
    %gather3A_1361 = vector.shape_cast %broadcast_in_dim3A_1360 : vector<16x1xi32> to vector<16xi32>
    %gather3A_1362 = tpu.dynamic_gather %get3A_1358[%gather3A_1361] in [0] : vector<16xi32>, vector<16xi32> -> vector<16xi32>
    %parallel_loop3A_1363 = arith.constant 0 : i32
    %parallel_loop3A_1364 = arith.constant 992 : i32
    %parallel_loop3A_1365 = arith.constant 16 : i32
    %parallel_loop3A_1366:2 = scf.for %parallel_loop3A_1846 = %parallel_loop3A_1363 to %parallel_loop3A_1364 step %parallel_loop3A_1365 iter_args(%parallel_loop3A_1847 = %add3A_1349, %parallel_loop3A_1848 = %add3A_1355) -> (vector<16xf32>, vector<16xf32>)  : i32 {
      %parallel_loop3A_1849 = arith.constant 15 : i32
      %parallel_loop3A_1850 = arith.index_cast %parallel_loop3A_1849 : i32 to index
      %parallel_loop3A_1851 = arith.index_cast %parallel_loop3A_1846 : i32 to index
      %parallel_loop3A_1852 = tpu.vector_load %arg5[%parallel_loop3A_1850, %parallel_loop3A_1851] {strides = array<i32>} : memref<16x1000xf32, #tpu.memory_space<vmem>>, vector<1x16xf32>,
      %parallel_loop3A_1853 = vector.shape_cast %parallel_loop3A_1852 : vector<1x16xf32> to vector<16xf32>
      %parallel_loop3A_1854 = vector.broadcast %parallel_loop3A_1846 : i32 to vector<16xi32>
      %parallel_loop3A_1855 = arith.addi %iota3A, %parallel_loop3A_1854 : vector<16xi32>
      %parallel_loop3A_1856 = arith.cmpi eq, %parallel_loop3A_1855, %gather3A_1362 : vector<16xi32>
      %parallel_loop3A_1857 = arith.mulf %parallel_loop3A_1853, %parallel_loop3A_1853 : vector<16xf32>
      %parallel_loop3A_1858 = arith.addf %parallel_loop3A_1847, %parallel_loop3A_1857 : vector<16xf32>
      %parallel_loop3A_1859 = arith.select %parallel_loop3A_1856, %parallel_loop3A_1853, %broadcast_in_dim3A_10 : vector<16xi1>, vector<16xf32>
      %parallel_loop3A_1860 = arith.addf %parallel_loop3A_1848, %parallel_loop3A_1859 : vector<16xf32>
      scf.yield %parallel_loop3A_1858, %parallel_loop3A_1860 : vector<16xf32>, vector<16xf32>
    } {sc.loop_unroll_factor = 16 : i64, sc.parallel_access}
    %get3A_1367 = arith.constant 15 : i32
    %get3A_1368 = arith.index_cast %get3A_1367 : i32 to index
    %get3A_1369 = arith.constant 984 : index
    %get3A_1370 = tpu.vector_load %arg5[%get3A_1368, %get3A_1369] {strides = array<i32>} : memref<16x1000xf32, #tpu.memory_space<vmem>>, vector<1x16xf32>,
    %get3A_1371 = vector.shape_cast %get3A_1370 : vector<1x16xf32> to vector<16xf32>
    %ge3A_1372 = arith.constant 8 : i32
    %ge3A_1373 = vector.broadcast %ge3A_1372 : i32 to vector<16xi32>
    %ge3A_1374 = arith.cmpi sge, %iota3A, %ge3A_1373 : vector<16xi32>
    %select_n3A_1375 = arith.select %ge3A_1374, %get3A_1371, %broadcast_in_dim3A_10 : vector<16xi1>, vector<16xf32>
    %mul3A_1376 = arith.mulf %select_n3A_1375, %select_n3A_1375 : vector<16xf32>
    %add3A_1377 = arith.addf %parallel_loop3A_1366#0, %mul3A_1376 : vector<16xf32>
    %add3A_1378 = arith.constant 984 : i32
    %add3A_1379 = vector.broadcast %add3A_1378 : i32 to vector<16xi32>
    %add3A_1380 = arith.addi %iota3A, %add3A_1379 : vector<16xi32>
    %eq3A_1381 = arith.cmpi eq, %add3A_1380, %gather3A_1362 : vector<16xi32>
    %select_n3A_1382 = arith.select %eq3A_1381, %select_n3A_1375, %broadcast_in_dim3A_10 : vector<16xi1>, vector<16xf32>
    %add3A_1383 = arith.addf %parallel_loop3A_1366#1, %select_n3A_1382 : vector<16xf32>
    %add3A_1384 = arith.constant 48 : i32
    %add3A_1385 = arith.addi %add3A_4, %add3A_1384 : i32
    %dma_wait3A_1386 = arith.constant 0 : i32
    %dma_wait3A_1387 = tpu.memref_slice %arg2[%add3A_1385, %dma_wait3A_1386] : memref<16384x1000xf32, #tpu.memory_space<hbm>> -> memref<16x1000xf32, #tpu.memory_space<hbm>>
    %dma_wait3A_1388 = arith.constant 0 : i32
    %dma_wait3A_1389 = tpu.memref_slice %arg2[%add3A_1385, %dma_wait3A_1388] : memref<16384x1000xf32, #tpu.memory_space<hbm>> -> memref<16x1000xf32, #tpu.memory_space<hbm>>
    tpu.wait_dma2 semaphore(%arg10 : memref<!tpu.dma_semaphore, #tpu.memory_space<semaphore_mem>>) src(%dma_wait3A_1389 : memref<16x1000xf32, #tpu.memory_space<hbm>>) dst(%arg6 : memref<16x1000xf32, #tpu.memory_space<vmem>>)
    %get3A_1390 = arith.constant 48 : index
    %get3A_1391 = tpu.vector_load %arg7[%get3A_1390] {strides = array<i32>} : memref<64xi32, #tpu.memory_space<vmem>>, vector<16xi32>,
    %get3A_1392 = vector.shape_cast %get3A_1391 : vector<16xi32> to vector<16xi32>
    %broadcast_in_dim3A_1393 = arith.constant 0 : i32
    %broadcast_in_dim3A_1394 = vector.broadcast %broadcast_in_dim3A_1393 : i32 to vector<16x1xi32>
    %gather3A_1395 = vector.shape_cast %broadcast_in_dim3A_1394 : vector<16x1xi32> to vector<16xi32>
    %gather3A_1396 = tpu.dynamic_gather %get3A_1392[%gather3A_1395] in [0] : vector<16xi32>, vector<16xi32> -> vector<16xi32>
    %parallel_loop3A_1397 = arith.constant 0 : i32
    %parallel_loop3A_1398 = arith.constant 992 : i32
    %parallel_loop3A_1399 = arith.constant 16 : i32
    %parallel_loop3A_1400:2 = scf.for %parallel_loop3A_1846 = %parallel_loop3A_1397 to %parallel_loop3A_1398 step %parallel_loop3A_1399 iter_args(%parallel_loop3A_1847 = %add3A_1377, %parallel_loop3A_1848 = %add3A_1383) -> (vector<16xf32>, vector<16xf32>)  : i32 {
      %parallel_loop3A_1849 = arith.constant 0 : i32
      %parallel_loop3A_1850 = arith.index_cast %parallel_loop3A_1849 : i32 to index
      %parallel_loop3A_1851 = arith.index_cast %parallel_loop3A_1846 : i32 to index
      %parallel_loop3A_1852 = tpu.vector_load %arg6[%parallel_loop3A_1850, %parallel_loop3A_1851] {strides = array<i32>} : memref<16x1000xf32, #tpu.memory_space<vmem>>, vector<1x16xf32>,
      %parallel_loop3A_1853 = vector.shape_cast %parallel_loop3A_1852 : vector<1x16xf32> to vector<16xf32>
      %parallel_loop3A_1854 = vector.broadcast %parallel_loop3A_1846 : i32 to vector<16xi32>
      %parallel_loop3A_1855 = arith.addi %iota3A, %parallel_loop3A_1854 : vector<16xi32>
      %parallel_loop3A_1856 = arith.cmpi eq, %parallel_loop3A_1855, %gather3A_1396 : vector<16xi32>
      %parallel_loop3A_1857 = arith.mulf %parallel_loop3A_1853, %parallel_loop3A_1853 : vector<16xf32>
      %parallel_loop3A_1858 = arith.addf %parallel_loop3A_1847, %parallel_loop3A_1857 : vector<16xf32>
      %parallel_loop3A_1859 = arith.select %parallel_loop3A_1856, %parallel_loop3A_1853, %broadcast_in_dim3A_10 : vector<16xi1>, vector<16xf32>
      %parallel_loop3A_1860 = arith.addf %parallel_loop3A_1848, %parallel_loop3A_1859 : vector<16xf32>
      scf.yield %parallel_loop3A_1858, %parallel_loop3A_1860 : vector<16xf32>, vector<16xf32>
    } {sc.loop_unroll_factor = 16 : i64, sc.parallel_access}
    %get3A_1401 = arith.constant 0 : i32
    %get3A_1402 = arith.index_cast %get3A_1401 : i32 to index
    %get3A_1403 = arith.constant 984 : index
    %get3A_1404 = tpu.vector_load %arg6[%get3A_1402, %get3A_1403] {strides = array<i32>} : memref<16x1000xf32, #tpu.memory_space<vmem>>, vector<1x16xf32>,
    %get3A_1405 = vector.shape_cast %get3A_1404 : vector<1x16xf32> to vector<16xf32>
    %ge3A_1406 = arith.constant 8 : i32
    %ge3A_1407 = vector.broadcast %ge3A_1406 : i32 to vector<16xi32>
    %ge3A_1408 = arith.cmpi sge, %iota3A, %ge3A_1407 : vector<16xi32>
    %select_n3A_1409 = arith.select %ge3A_1408, %get3A_1405, %broadcast_in_dim3A_10 : vector<16xi1>, vector<16xf32>
    %mul3A_1410 = arith.mulf %select_n3A_1409, %select_n3A_1409 : vector<16xf32>
    %add3A_1411 = arith.addf %parallel_loop3A_1400#0, %mul3A_1410 : vector<16xf32>
    %add3A_1412 = arith.constant 984 : i32
    %add3A_1413 = vector.broadcast %add3A_1412 : i32 to vector<16xi32>
    %add3A_1414 = arith.addi %iota3A, %add3A_1413 : vector<16xi32>
    %eq3A_1415 = arith.cmpi eq, %add3A_1414, %gather3A_1396 : vector<16xi32>
    %select_n3A_1416 = arith.select %eq3A_1415, %select_n3A_1409, %broadcast_in_dim3A_10 : vector<16xi1>, vector<16xf32>
    %add3A_1417 = arith.addf %parallel_loop3A_1400#1, %select_n3A_1416 : vector<16xf32>
    %get3A_1418 = arith.constant 48 : index
    %get3A_1419 = tpu.vector_load %arg7[%get3A_1418] {strides = array<i32>} : memref<64xi32, #tpu.memory_space<vmem>>, vector<16xi32>,
    %get3A_1420 = vector.shape_cast %get3A_1419 : vector<16xi32> to vector<16xi32>
    %broadcast_in_dim3A_1421 = arith.constant 1 : i32
    %broadcast_in_dim3A_1422 = vector.broadcast %broadcast_in_dim3A_1421 : i32 to vector<16x1xi32>
    %gather3A_1423 = vector.shape_cast %broadcast_in_dim3A_1422 : vector<16x1xi32> to vector<16xi32>
    %gather3A_1424 = tpu.dynamic_gather %get3A_1420[%gather3A_1423] in [0] : vector<16xi32>, vector<16xi32> -> vector<16xi32>
    %parallel_loop3A_1425 = arith.constant 0 : i32
    %parallel_loop3A_1426 = arith.constant 992 : i32
    %parallel_loop3A_1427 = arith.constant 16 : i32
    %parallel_loop3A_1428:2 = scf.for %parallel_loop3A_1846 = %parallel_loop3A_1425 to %parallel_loop3A_1426 step %parallel_loop3A_1427 iter_args(%parallel_loop3A_1847 = %add3A_1411, %parallel_loop3A_1848 = %add3A_1417) -> (vector<16xf32>, vector<16xf32>)  : i32 {
      %parallel_loop3A_1849 = arith.constant 1 : i32
      %parallel_loop3A_1850 = arith.index_cast %parallel_loop3A_1849 : i32 to index
      %parallel_loop3A_1851 = arith.index_cast %parallel_loop3A_1846 : i32 to index
      %parallel_loop3A_1852 = tpu.vector_load %arg6[%parallel_loop3A_1850, %parallel_loop3A_1851] {strides = array<i32>} : memref<16x1000xf32, #tpu.memory_space<vmem>>, vector<1x16xf32>,
      %parallel_loop3A_1853 = vector.shape_cast %parallel_loop3A_1852 : vector<1x16xf32> to vector<16xf32>
      %parallel_loop3A_1854 = vector.broadcast %parallel_loop3A_1846 : i32 to vector<16xi32>
      %parallel_loop3A_1855 = arith.addi %iota3A, %parallel_loop3A_1854 : vector<16xi32>
      %parallel_loop3A_1856 = arith.cmpi eq, %parallel_loop3A_1855, %gather3A_1424 : vector<16xi32>
      %parallel_loop3A_1857 = arith.mulf %parallel_loop3A_1853, %parallel_loop3A_1853 : vector<16xf32>
      %parallel_loop3A_1858 = arith.addf %parallel_loop3A_1847, %parallel_loop3A_1857 : vector<16xf32>
      %parallel_loop3A_1859 = arith.select %parallel_loop3A_1856, %parallel_loop3A_1853, %broadcast_in_dim3A_10 : vector<16xi1>, vector<16xf32>
      %parallel_loop3A_1860 = arith.addf %parallel_loop3A_1848, %parallel_loop3A_1859 : vector<16xf32>
      scf.yield %parallel_loop3A_1858, %parallel_loop3A_1860 : vector<16xf32>, vector<16xf32>
    } {sc.loop_unroll_factor = 16 : i64, sc.parallel_access}
    %get3A_1429 = arith.constant 1 : i32
    %get3A_1430 = arith.index_cast %get3A_1429 : i32 to index
    %get3A_1431 = arith.constant 984 : index
    %get3A_1432 = tpu.vector_load %arg6[%get3A_1430, %get3A_1431] {strides = array<i32>} : memref<16x1000xf32, #tpu.memory_space<vmem>>, vector<1x16xf32>,
    %get3A_1433 = vector.shape_cast %get3A_1432 : vector<1x16xf32> to vector<16xf32>
    %ge3A_1434 = arith.constant 8 : i32
    %ge3A_1435 = vector.broadcast %ge3A_1434 : i32 to vector<16xi32>
    %ge3A_1436 = arith.cmpi sge, %iota3A, %ge3A_1435 : vector<16xi32>
    %select_n3A_1437 = arith.select %ge3A_1436, %get3A_1433, %broadcast_in_dim3A_10 : vector<16xi1>, vector<16xf32>
    %mul3A_1438 = arith.mulf %select_n3A_1437, %select_n3A_1437 : vector<16xf32>
    %add3A_1439 = arith.addf %parallel_loop3A_1428#0, %mul3A_1438 : vector<16xf32>
    %add3A_1440 = arith.constant 984 : i32
    %add3A_1441 = vector.broadcast %add3A_1440 : i32 to vector<16xi32>
    %add3A_1442 = arith.addi %iota3A, %add3A_1441 : vector<16xi32>
    %eq3A_1443 = arith.cmpi eq, %add3A_1442, %gather3A_1424 : vector<16xi32>
    %select_n3A_1444 = arith.select %eq3A_1443, %select_n3A_1437, %broadcast_in_dim3A_10 : vector<16xi1>, vector<16xf32>
    %add3A_1445 = arith.addf %parallel_loop3A_1428#1, %select_n3A_1444 : vector<16xf32>
    %get3A_1446 = arith.constant 48 : index
    %get3A_1447 = tpu.vector_load %arg7[%get3A_1446] {strides = array<i32>} : memref<64xi32, #tpu.memory_space<vmem>>, vector<16xi32>,
    %get3A_1448 = vector.shape_cast %get3A_1447 : vector<16xi32> to vector<16xi32>
    %broadcast_in_dim3A_1449 = arith.constant 2 : i32
    %broadcast_in_dim3A_1450 = vector.broadcast %broadcast_in_dim3A_1449 : i32 to vector<16x1xi32>
    %gather3A_1451 = vector.shape_cast %broadcast_in_dim3A_1450 : vector<16x1xi32> to vector<16xi32>
    %gather3A_1452 = tpu.dynamic_gather %get3A_1448[%gather3A_1451] in [0] : vector<16xi32>, vector<16xi32> -> vector<16xi32>
    %parallel_loop3A_1453 = arith.constant 0 : i32
    %parallel_loop3A_1454 = arith.constant 992 : i32
    %parallel_loop3A_1455 = arith.constant 16 : i32
    %parallel_loop3A_1456:2 = scf.for %parallel_loop3A_1846 = %parallel_loop3A_1453 to %parallel_loop3A_1454 step %parallel_loop3A_1455 iter_args(%parallel_loop3A_1847 = %add3A_1439, %parallel_loop3A_1848 = %add3A_1445) -> (vector<16xf32>, vector<16xf32>)  : i32 {
      %parallel_loop3A_1849 = arith.constant 2 : i32
      %parallel_loop3A_1850 = arith.index_cast %parallel_loop3A_1849 : i32 to index
      %parallel_loop3A_1851 = arith.index_cast %parallel_loop3A_1846 : i32 to index
      %parallel_loop3A_1852 = tpu.vector_load %arg6[%parallel_loop3A_1850, %parallel_loop3A_1851] {strides = array<i32>} : memref<16x1000xf32, #tpu.memory_space<vmem>>, vector<1x16xf32>,
      %parallel_loop3A_1853 = vector.shape_cast %parallel_loop3A_1852 : vector<1x16xf32> to vector<16xf32>
      %parallel_loop3A_1854 = vector.broadcast %parallel_loop3A_1846 : i32 to vector<16xi32>
      %parallel_loop3A_1855 = arith.addi %iota3A, %parallel_loop3A_1854 : vector<16xi32>
      %parallel_loop3A_1856 = arith.cmpi eq, %parallel_loop3A_1855, %gather3A_1452 : vector<16xi32>
      %parallel_loop3A_1857 = arith.mulf %parallel_loop3A_1853, %parallel_loop3A_1853 : vector<16xf32>
      %parallel_loop3A_1858 = arith.addf %parallel_loop3A_1847, %parallel_loop3A_1857 : vector<16xf32>
      %parallel_loop3A_1859 = arith.select %parallel_loop3A_1856, %parallel_loop3A_1853, %broadcast_in_dim3A_10 : vector<16xi1>, vector<16xf32>
      %parallel_loop3A_1860 = arith.addf %parallel_loop3A_1848, %parallel_loop3A_1859 : vector<16xf32>
      scf.yield %parallel_loop3A_1858, %parallel_loop3A_1860 : vector<16xf32>, vector<16xf32>
    } {sc.loop_unroll_factor = 16 : i64, sc.parallel_access}
    %get3A_1457 = arith.constant 2 : i32
    %get3A_1458 = arith.index_cast %get3A_1457 : i32 to index
    %get3A_1459 = arith.constant 984 : index
    %get3A_1460 = tpu.vector_load %arg6[%get3A_1458, %get3A_1459] {strides = array<i32>} : memref<16x1000xf32, #tpu.memory_space<vmem>>, vector<1x16xf32>,
    %get3A_1461 = vector.shape_cast %get3A_1460 : vector<1x16xf32> to vector<16xf32>
    %ge3A_1462 = arith.constant 8 : i32
    %ge3A_1463 = vector.broadcast %ge3A_1462 : i32 to vector<16xi32>
    %ge3A_1464 = arith.cmpi sge, %iota3A, %ge3A_1463 : vector<16xi32>
    %select_n3A_1465 = arith.select %ge3A_1464, %get3A_1461, %broadcast_in_dim3A_10 : vector<16xi1>, vector<16xf32>
    %mul3A_1466 = arith.mulf %select_n3A_1465, %select_n3A_1465 : vector<16xf32>
    %add3A_1467 = arith.addf %parallel_loop3A_1456#0, %mul3A_1466 : vector<16xf32>
    %add3A_1468 = arith.constant 984 : i32
    %add3A_1469 = vector.broadcast %add3A_1468 : i32 to vector<16xi32>
    %add3A_1470 = arith.addi %iota3A, %add3A_1469 : vector<16xi32>
    %eq3A_1471 = arith.cmpi eq, %add3A_1470, %gather3A_1452 : vector<16xi32>
    %select_n3A_1472 = arith.select %eq3A_1471, %select_n3A_1465, %broadcast_in_dim3A_10 : vector<16xi1>, vector<16xf32>
    %add3A_1473 = arith.addf %parallel_loop3A_1456#1, %select_n3A_1472 : vector<16xf32>
    %get3A_1474 = arith.constant 48 : index
    %get3A_1475 = tpu.vector_load %arg7[%get3A_1474] {strides = array<i32>} : memref<64xi32, #tpu.memory_space<vmem>>, vector<16xi32>,
    %get3A_1476 = vector.shape_cast %get3A_1475 : vector<16xi32> to vector<16xi32>
    %broadcast_in_dim3A_1477 = arith.constant 3 : i32
    %broadcast_in_dim3A_1478 = vector.broadcast %broadcast_in_dim3A_1477 : i32 to vector<16x1xi32>
    %gather3A_1479 = vector.shape_cast %broadcast_in_dim3A_1478 : vector<16x1xi32> to vector<16xi32>
    %gather3A_1480 = tpu.dynamic_gather %get3A_1476[%gather3A_1479] in [0] : vector<16xi32>, vector<16xi32> -> vector<16xi32>
    %parallel_loop3A_1481 = arith.constant 0 : i32
    %parallel_loop3A_1482 = arith.constant 992 : i32
    %parallel_loop3A_1483 = arith.constant 16 : i32
    %parallel_loop3A_1484:2 = scf.for %parallel_loop3A_1846 = %parallel_loop3A_1481 to %parallel_loop3A_1482 step %parallel_loop3A_1483 iter_args(%parallel_loop3A_1847 = %add3A_1467, %parallel_loop3A_1848 = %add3A_1473) -> (vector<16xf32>, vector<16xf32>)  : i32 {
      %parallel_loop3A_1849 = arith.constant 3 : i32
      %parallel_loop3A_1850 = arith.index_cast %parallel_loop3A_1849 : i32 to index
      %parallel_loop3A_1851 = arith.index_cast %parallel_loop3A_1846 : i32 to index
      %parallel_loop3A_1852 = tpu.vector_load %arg6[%parallel_loop3A_1850, %parallel_loop3A_1851] {strides = array<i32>} : memref<16x1000xf32, #tpu.memory_space<vmem>>, vector<1x16xf32>,
      %parallel_loop3A_1853 = vector.shape_cast %parallel_loop3A_1852 : vector<1x16xf32> to vector<16xf32>
      %parallel_loop3A_1854 = vector.broadcast %parallel_loop3A_1846 : i32 to vector<16xi32>
      %parallel_loop3A_1855 = arith.addi %iota3A, %parallel_loop3A_1854 : vector<16xi32>
      %parallel_loop3A_1856 = arith.cmpi eq, %parallel_loop3A_1855, %gather3A_1480 : vector<16xi32>
      %parallel_loop3A_1857 = arith.mulf %parallel_loop3A_1853, %parallel_loop3A_1853 : vector<16xf32>
      %parallel_loop3A_1858 = arith.addf %parallel_loop3A_1847, %parallel_loop3A_1857 : vector<16xf32>
      %parallel_loop3A_1859 = arith.select %parallel_loop3A_1856, %parallel_loop3A_1853, %broadcast_in_dim3A_10 : vector<16xi1>, vector<16xf32>
      %parallel_loop3A_1860 = arith.addf %parallel_loop3A_1848, %parallel_loop3A_1859 : vector<16xf32>
      scf.yield %parallel_loop3A_1858, %parallel_loop3A_1860 : vector<16xf32>, vector<16xf32>
    } {sc.loop_unroll_factor = 16 : i64, sc.parallel_access}
    %get3A_1485 = arith.constant 3 : i32
    %get3A_1486 = arith.index_cast %get3A_1485 : i32 to index
    %get3A_1487 = arith.constant 984 : index
    %get3A_1488 = tpu.vector_load %arg6[%get3A_1486, %get3A_1487] {strides = array<i32>} : memref<16x1000xf32, #tpu.memory_space<vmem>>, vector<1x16xf32>,
    %get3A_1489 = vector.shape_cast %get3A_1488 : vector<1x16xf32> to vector<16xf32>
    %ge3A_1490 = arith.constant 8 : i32
    %ge3A_1491 = vector.broadcast %ge3A_1490 : i32 to vector<16xi32>
    %ge3A_1492 = arith.cmpi sge, %iota3A, %ge3A_1491 : vector<16xi32>
    %select_n3A_1493 = arith.select %ge3A_1492, %get3A_1489, %broadcast_in_dim3A_10 : vector<16xi1>, vector<16xf32>
    %mul3A_1494 = arith.mulf %select_n3A_1493, %select_n3A_1493 : vector<16xf32>
    %add3A_1495 = arith.addf %parallel_loop3A_1484#0, %mul3A_1494 : vector<16xf32>
    %add3A_1496 = arith.constant 984 : i32
    %add3A_1497 = vector.broadcast %add3A_1496 : i32 to vector<16xi32>
    %add3A_1498 = arith.addi %iota3A, %add3A_1497 : vector<16xi32>
    %eq3A_1499 = arith.cmpi eq, %add3A_1498, %gather3A_1480 : vector<16xi32>
    %select_n3A_1500 = arith.select %eq3A_1499, %select_n3A_1493, %broadcast_in_dim3A_10 : vector<16xi1>, vector<16xf32>
    %add3A_1501 = arith.addf %parallel_loop3A_1484#1, %select_n3A_1500 : vector<16xf32>
    %get3A_1502 = arith.constant 48 : index
    %get3A_1503 = tpu.vector_load %arg7[%get3A_1502] {strides = array<i32>} : memref<64xi32, #tpu.memory_space<vmem>>, vector<16xi32>,
    %get3A_1504 = vector.shape_cast %get3A_1503 : vector<16xi32> to vector<16xi32>
    %broadcast_in_dim3A_1505 = arith.constant 4 : i32
    %broadcast_in_dim3A_1506 = vector.broadcast %broadcast_in_dim3A_1505 : i32 to vector<16x1xi32>
    %gather3A_1507 = vector.shape_cast %broadcast_in_dim3A_1506 : vector<16x1xi32> to vector<16xi32>
    %gather3A_1508 = tpu.dynamic_gather %get3A_1504[%gather3A_1507] in [0] : vector<16xi32>, vector<16xi32> -> vector<16xi32>
    %parallel_loop3A_1509 = arith.constant 0 : i32
    %parallel_loop3A_1510 = arith.constant 992 : i32
    %parallel_loop3A_1511 = arith.constant 16 : i32
    %parallel_loop3A_1512:2 = scf.for %parallel_loop3A_1846 = %parallel_loop3A_1509 to %parallel_loop3A_1510 step %parallel_loop3A_1511 iter_args(%parallel_loop3A_1847 = %add3A_1495, %parallel_loop3A_1848 = %add3A_1501) -> (vector<16xf32>, vector<16xf32>)  : i32 {
      %parallel_loop3A_1849 = arith.constant 4 : i32
      %parallel_loop3A_1850 = arith.index_cast %parallel_loop3A_1849 : i32 to index
      %parallel_loop3A_1851 = arith.index_cast %parallel_loop3A_1846 : i32 to index
      %parallel_loop3A_1852 = tpu.vector_load %arg6[%parallel_loop3A_1850, %parallel_loop3A_1851] {strides = array<i32>} : memref<16x1000xf32, #tpu.memory_space<vmem>>, vector<1x16xf32>,
      %parallel_loop3A_1853 = vector.shape_cast %parallel_loop3A_1852 : vector<1x16xf32> to vector<16xf32>
      %parallel_loop3A_1854 = vector.broadcast %parallel_loop3A_1846 : i32 to vector<16xi32>
      %parallel_loop3A_1855 = arith.addi %iota3A, %parallel_loop3A_1854 : vector<16xi32>
      %parallel_loop3A_1856 = arith.cmpi eq, %parallel_loop3A_1855, %gather3A_1508 : vector<16xi32>
      %parallel_loop3A_1857 = arith.mulf %parallel_loop3A_1853, %parallel_loop3A_1853 : vector<16xf32>
      %parallel_loop3A_1858 = arith.addf %parallel_loop3A_1847, %parallel_loop3A_1857 : vector<16xf32>
      %parallel_loop3A_1859 = arith.select %parallel_loop3A_1856, %parallel_loop3A_1853, %broadcast_in_dim3A_10 : vector<16xi1>, vector<16xf32>
      %parallel_loop3A_1860 = arith.addf %parallel_loop3A_1848, %parallel_loop3A_1859 : vector<16xf32>
      scf.yield %parallel_loop3A_1858, %parallel_loop3A_1860 : vector<16xf32>, vector<16xf32>
    } {sc.loop_unroll_factor = 16 : i64, sc.parallel_access}
    %get3A_1513 = arith.constant 4 : i32
    %get3A_1514 = arith.index_cast %get3A_1513 : i32 to index
    %get3A_1515 = arith.constant 984 : index
    %get3A_1516 = tpu.vector_load %arg6[%get3A_1514, %get3A_1515] {strides = array<i32>} : memref<16x1000xf32, #tpu.memory_space<vmem>>, vector<1x16xf32>,
    %get3A_1517 = vector.shape_cast %get3A_1516 : vector<1x16xf32> to vector<16xf32>
    %ge3A_1518 = arith.constant 8 : i32
    %ge3A_1519 = vector.broadcast %ge3A_1518 : i32 to vector<16xi32>
    %ge3A_1520 = arith.cmpi sge, %iota3A, %ge3A_1519 : vector<16xi32>
    %select_n3A_1521 = arith.select %ge3A_1520, %get3A_1517, %broadcast_in_dim3A_10 : vector<16xi1>, vector<16xf32>
    %mul3A_1522 = arith.mulf %select_n3A_1521, %select_n3A_1521 : vector<16xf32>
    %add3A_1523 = arith.addf %parallel_loop3A_1512#0, %mul3A_1522 : vector<16xf32>
    %add3A_1524 = arith.constant 984 : i32
    %add3A_1525 = vector.broadcast %add3A_1524 : i32 to vector<16xi32>
    %add3A_1526 = arith.addi %iota3A, %add3A_1525 : vector<16xi32>
    %eq3A_1527 = arith.cmpi eq, %add3A_1526, %gather3A_1508 : vector<16xi32>
    %select_n3A_1528 = arith.select %eq3A_1527, %select_n3A_1521, %broadcast_in_dim3A_10 : vector<16xi1>, vector<16xf32>
    %add3A_1529 = arith.addf %parallel_loop3A_1512#1, %select_n3A_1528 : vector<16xf32>
    %get3A_1530 = arith.constant 48 : index
    %get3A_1531 = tpu.vector_load %arg7[%get3A_1530] {strides = array<i32>} : memref<64xi32, #tpu.memory_space<vmem>>, vector<16xi32>,
    %get3A_1532 = vector.shape_cast %get3A_1531 : vector<16xi32> to vector<16xi32>
    %broadcast_in_dim3A_1533 = arith.constant 5 : i32
    %broadcast_in_dim3A_1534 = vector.broadcast %broadcast_in_dim3A_1533 : i32 to vector<16x1xi32>
    %gather3A_1535 = vector.shape_cast %broadcast_in_dim3A_1534 : vector<16x1xi32> to vector<16xi32>
    %gather3A_1536 = tpu.dynamic_gather %get3A_1532[%gather3A_1535] in [0] : vector<16xi32>, vector<16xi32> -> vector<16xi32>
    %parallel_loop3A_1537 = arith.constant 0 : i32
    %parallel_loop3A_1538 = arith.constant 992 : i32
    %parallel_loop3A_1539 = arith.constant 16 : i32
    %parallel_loop3A_1540:2 = scf.for %parallel_loop3A_1846 = %parallel_loop3A_1537 to %parallel_loop3A_1538 step %parallel_loop3A_1539 iter_args(%parallel_loop3A_1847 = %add3A_1523, %parallel_loop3A_1848 = %add3A_1529) -> (vector<16xf32>, vector<16xf32>)  : i32 {
      %parallel_loop3A_1849 = arith.constant 5 : i32
      %parallel_loop3A_1850 = arith.index_cast %parallel_loop3A_1849 : i32 to index
      %parallel_loop3A_1851 = arith.index_cast %parallel_loop3A_1846 : i32 to index
      %parallel_loop3A_1852 = tpu.vector_load %arg6[%parallel_loop3A_1850, %parallel_loop3A_1851] {strides = array<i32>} : memref<16x1000xf32, #tpu.memory_space<vmem>>, vector<1x16xf32>,
      %parallel_loop3A_1853 = vector.shape_cast %parallel_loop3A_1852 : vector<1x16xf32> to vector<16xf32>
      %parallel_loop3A_1854 = vector.broadcast %parallel_loop3A_1846 : i32 to vector<16xi32>
      %parallel_loop3A_1855 = arith.addi %iota3A, %parallel_loop3A_1854 : vector<16xi32>
      %parallel_loop3A_1856 = arith.cmpi eq, %parallel_loop3A_1855, %gather3A_1536 : vector<16xi32>
      %parallel_loop3A_1857 = arith.mulf %parallel_loop3A_1853, %parallel_loop3A_1853 : vector<16xf32>
      %parallel_loop3A_1858 = arith.addf %parallel_loop3A_1847, %parallel_loop3A_1857 : vector<16xf32>
      %parallel_loop3A_1859 = arith.select %parallel_loop3A_1856, %parallel_loop3A_1853, %broadcast_in_dim3A_10 : vector<16xi1>, vector<16xf32>
      %parallel_loop3A_1860 = arith.addf %parallel_loop3A_1848, %parallel_loop3A_1859 : vector<16xf32>
      scf.yield %parallel_loop3A_1858, %parallel_loop3A_1860 : vector<16xf32>, vector<16xf32>
    } {sc.loop_unroll_factor = 16 : i64, sc.parallel_access}
    %get3A_1541 = arith.constant 5 : i32
    %get3A_1542 = arith.index_cast %get3A_1541 : i32 to index
    %get3A_1543 = arith.constant 984 : index
    %get3A_1544 = tpu.vector_load %arg6[%get3A_1542, %get3A_1543] {strides = array<i32>} : memref<16x1000xf32, #tpu.memory_space<vmem>>, vector<1x16xf32>,
    %get3A_1545 = vector.shape_cast %get3A_1544 : vector<1x16xf32> to vector<16xf32>
    %ge3A_1546 = arith.constant 8 : i32
    %ge3A_1547 = vector.broadcast %ge3A_1546 : i32 to vector<16xi32>
    %ge3A_1548 = arith.cmpi sge, %iota3A, %ge3A_1547 : vector<16xi32>
    %select_n3A_1549 = arith.select %ge3A_1548, %get3A_1545, %broadcast_in_dim3A_10 : vector<16xi1>, vector<16xf32>
    %mul3A_1550 = arith.mulf %select_n3A_1549, %select_n3A_1549 : vector<16xf32>
    %add3A_1551 = arith.addf %parallel_loop3A_1540#0, %mul3A_1550 : vector<16xf32>
    %add3A_1552 = arith.constant 984 : i32
    %add3A_1553 = vector.broadcast %add3A_1552 : i32 to vector<16xi32>
    %add3A_1554 = arith.addi %iota3A, %add3A_1553 : vector<16xi32>
    %eq3A_1555 = arith.cmpi eq, %add3A_1554, %gather3A_1536 : vector<16xi32>
    %select_n3A_1556 = arith.select %eq3A_1555, %select_n3A_1549, %broadcast_in_dim3A_10 : vector<16xi1>, vector<16xf32>
    %add3A_1557 = arith.addf %parallel_loop3A_1540#1, %select_n3A_1556 : vector<16xf32>
    %get3A_1558 = arith.constant 48 : index
    %get3A_1559 = tpu.vector_load %arg7[%get3A_1558] {strides = array<i32>} : memref<64xi32, #tpu.memory_space<vmem>>, vector<16xi32>,
    %get3A_1560 = vector.shape_cast %get3A_1559 : vector<16xi32> to vector<16xi32>
    %broadcast_in_dim3A_1561 = arith.constant 6 : i32
    %broadcast_in_dim3A_1562 = vector.broadcast %broadcast_in_dim3A_1561 : i32 to vector<16x1xi32>
    %gather3A_1563 = vector.shape_cast %broadcast_in_dim3A_1562 : vector<16x1xi32> to vector<16xi32>
    %gather3A_1564 = tpu.dynamic_gather %get3A_1560[%gather3A_1563] in [0] : vector<16xi32>, vector<16xi32> -> vector<16xi32>
    %parallel_loop3A_1565 = arith.constant 0 : i32
    %parallel_loop3A_1566 = arith.constant 992 : i32
    %parallel_loop3A_1567 = arith.constant 16 : i32
    %parallel_loop3A_1568:2 = scf.for %parallel_loop3A_1846 = %parallel_loop3A_1565 to %parallel_loop3A_1566 step %parallel_loop3A_1567 iter_args(%parallel_loop3A_1847 = %add3A_1551, %parallel_loop3A_1848 = %add3A_1557) -> (vector<16xf32>, vector<16xf32>)  : i32 {
      %parallel_loop3A_1849 = arith.constant 6 : i32
      %parallel_loop3A_1850 = arith.index_cast %parallel_loop3A_1849 : i32 to index
      %parallel_loop3A_1851 = arith.index_cast %parallel_loop3A_1846 : i32 to index
      %parallel_loop3A_1852 = tpu.vector_load %arg6[%parallel_loop3A_1850, %parallel_loop3A_1851] {strides = array<i32>} : memref<16x1000xf32, #tpu.memory_space<vmem>>, vector<1x16xf32>,
      %parallel_loop3A_1853 = vector.shape_cast %parallel_loop3A_1852 : vector<1x16xf32> to vector<16xf32>
      %parallel_loop3A_1854 = vector.broadcast %parallel_loop3A_1846 : i32 to vector<16xi32>
      %parallel_loop3A_1855 = arith.addi %iota3A, %parallel_loop3A_1854 : vector<16xi32>
      %parallel_loop3A_1856 = arith.cmpi eq, %parallel_loop3A_1855, %gather3A_1564 : vector<16xi32>
      %parallel_loop3A_1857 = arith.mulf %parallel_loop3A_1853, %parallel_loop3A_1853 : vector<16xf32>
      %parallel_loop3A_1858 = arith.addf %parallel_loop3A_1847, %parallel_loop3A_1857 : vector<16xf32>
      %parallel_loop3A_1859 = arith.select %parallel_loop3A_1856, %parallel_loop3A_1853, %broadcast_in_dim3A_10 : vector<16xi1>, vector<16xf32>
      %parallel_loop3A_1860 = arith.addf %parallel_loop3A_1848, %parallel_loop3A_1859 : vector<16xf32>
      scf.yield %parallel_loop3A_1858, %parallel_loop3A_1860 : vector<16xf32>, vector<16xf32>
    } {sc.loop_unroll_factor = 16 : i64, sc.parallel_access}
    %get3A_1569 = arith.constant 6 : i32
    %get3A_1570 = arith.index_cast %get3A_1569 : i32 to index
    %get3A_1571 = arith.constant 984 : index
    %get3A_1572 = tpu.vector_load %arg6[%get3A_1570, %get3A_1571] {strides = array<i32>} : memref<16x1000xf32, #tpu.memory_space<vmem>>, vector<1x16xf32>,
    %get3A_1573 = vector.shape_cast %get3A_1572 : vector<1x16xf32> to vector<16xf32>
    %ge3A_1574 = arith.constant 8 : i32
    %ge3A_1575 = vector.broadcast %ge3A_1574 : i32 to vector<16xi32>
    %ge3A_1576 = arith.cmpi sge, %iota3A, %ge3A_1575 : vector<16xi32>
    %select_n3A_1577 = arith.select %ge3A_1576, %get3A_1573, %broadcast_in_dim3A_10 : vector<16xi1>, vector<16xf32>
    %mul3A_1578 = arith.mulf %select_n3A_1577, %select_n3A_1577 : vector<16xf32>
    %add3A_1579 = arith.addf %parallel_loop3A_1568#0, %mul3A_1578 : vector<16xf32>
    %add3A_1580 = arith.constant 984 : i32
    %add3A_1581 = vector.broadcast %add3A_1580 : i32 to vector<16xi32>
    %add3A_1582 = arith.addi %iota3A, %add3A_1581 : vector<16xi32>
    %eq3A_1583 = arith.cmpi eq, %add3A_1582, %gather3A_1564 : vector<16xi32>
    %select_n3A_1584 = arith.select %eq3A_1583, %select_n3A_1577, %broadcast_in_dim3A_10 : vector<16xi1>, vector<16xf32>
    %add3A_1585 = arith.addf %parallel_loop3A_1568#1, %select_n3A_1584 : vector<16xf32>
    %get3A_1586 = arith.constant 48 : index
    %get3A_1587 = tpu.vector_load %arg7[%get3A_1586] {strides = array<i32>} : memref<64xi32, #tpu.memory_space<vmem>>, vector<16xi32>,
    %get3A_1588 = vector.shape_cast %get3A_1587 : vector<16xi32> to vector<16xi32>
    %broadcast_in_dim3A_1589 = arith.constant 7 : i32
    %broadcast_in_dim3A_1590 = vector.broadcast %broadcast_in_dim3A_1589 : i32 to vector<16x1xi32>
    %gather3A_1591 = vector.shape_cast %broadcast_in_dim3A_1590 : vector<16x1xi32> to vector<16xi32>
    %gather3A_1592 = tpu.dynamic_gather %get3A_1588[%gather3A_1591] in [0] : vector<16xi32>, vector<16xi32> -> vector<16xi32>
    %parallel_loop3A_1593 = arith.constant 0 : i32
    %parallel_loop3A_1594 = arith.constant 992 : i32
    %parallel_loop3A_1595 = arith.constant 16 : i32
    %parallel_loop3A_1596:2 = scf.for %parallel_loop3A_1846 = %parallel_loop3A_1593 to %parallel_loop3A_1594 step %parallel_loop3A_1595 iter_args(%parallel_loop3A_1847 = %add3A_1579, %parallel_loop3A_1848 = %add3A_1585) -> (vector<16xf32>, vector<16xf32>)  : i32 {
      %parallel_loop3A_1849 = arith.constant 7 : i32
      %parallel_loop3A_1850 = arith.index_cast %parallel_loop3A_1849 : i32 to index
      %parallel_loop3A_1851 = arith.index_cast %parallel_loop3A_1846 : i32 to index
      %parallel_loop3A_1852 = tpu.vector_load %arg6[%parallel_loop3A_1850, %parallel_loop3A_1851] {strides = array<i32>} : memref<16x1000xf32, #tpu.memory_space<vmem>>, vector<1x16xf32>,
      %parallel_loop3A_1853 = vector.shape_cast %parallel_loop3A_1852 : vector<1x16xf32> to vector<16xf32>
      %parallel_loop3A_1854 = vector.broadcast %parallel_loop3A_1846 : i32 to vector<16xi32>
      %parallel_loop3A_1855 = arith.addi %iota3A, %parallel_loop3A_1854 : vector<16xi32>
      %parallel_loop3A_1856 = arith.cmpi eq, %parallel_loop3A_1855, %gather3A_1592 : vector<16xi32>
      %parallel_loop3A_1857 = arith.mulf %parallel_loop3A_1853, %parallel_loop3A_1853 : vector<16xf32>
      %parallel_loop3A_1858 = arith.addf %parallel_loop3A_1847, %parallel_loop3A_1857 : vector<16xf32>
      %parallel_loop3A_1859 = arith.select %parallel_loop3A_1856, %parallel_loop3A_1853, %broadcast_in_dim3A_10 : vector<16xi1>, vector<16xf32>
      %parallel_loop3A_1860 = arith.addf %parallel_loop3A_1848, %parallel_loop3A_1859 : vector<16xf32>
      scf.yield %parallel_loop3A_1858, %parallel_loop3A_1860 : vector<16xf32>, vector<16xf32>
    } {sc.loop_unroll_factor = 16 : i64, sc.parallel_access}
    %get3A_1597 = arith.constant 7 : i32
    %get3A_1598 = arith.index_cast %get3A_1597 : i32 to index
    %get3A_1599 = arith.constant 984 : index
    %get3A_1600 = tpu.vector_load %arg6[%get3A_1598, %get3A_1599] {strides = array<i32>} : memref<16x1000xf32, #tpu.memory_space<vmem>>, vector<1x16xf32>,
    %get3A_1601 = vector.shape_cast %get3A_1600 : vector<1x16xf32> to vector<16xf32>
    %ge3A_1602 = arith.constant 8 : i32
    %ge3A_1603 = vector.broadcast %ge3A_1602 : i32 to vector<16xi32>
    %ge3A_1604 = arith.cmpi sge, %iota3A, %ge3A_1603 : vector<16xi32>
    %select_n3A_1605 = arith.select %ge3A_1604, %get3A_1601, %broadcast_in_dim3A_10 : vector<16xi1>, vector<16xf32>
    %mul3A_1606 = arith.mulf %select_n3A_1605, %select_n3A_1605 : vector<16xf32>
    %add3A_1607 = arith.addf %parallel_loop3A_1596#0, %mul3A_1606 : vector<16xf32>
    %add3A_1608 = arith.constant 984 : i32
    %add3A_1609 = vector.broadcast %add3A_1608 : i32 to vector<16xi32>
    %add3A_1610 = arith.addi %iota3A, %add3A_1609 : vector<16xi32>
    %eq3A_1611 = arith.cmpi eq, %add3A_1610, %gather3A_1592 : vector<16xi32>
    %select_n3A_1612 = arith.select %eq3A_1611, %select_n3A_1605, %broadcast_in_dim3A_10 : vector<16xi1>, vector<16xf32>
    %add3A_1613 = arith.addf %parallel_loop3A_1596#1, %select_n3A_1612 : vector<16xf32>
    %get3A_1614 = arith.constant 48 : index
    %get3A_1615 = tpu.vector_load %arg7[%get3A_1614] {strides = array<i32>} : memref<64xi32, #tpu.memory_space<vmem>>, vector<16xi32>,
    %get3A_1616 = vector.shape_cast %get3A_1615 : vector<16xi32> to vector<16xi32>
    %broadcast_in_dim3A_1617 = arith.constant 8 : i32
    %broadcast_in_dim3A_1618 = vector.broadcast %broadcast_in_dim3A_1617 : i32 to vector<16x1xi32>
    %gather3A_1619 = vector.shape_cast %broadcast_in_dim3A_1618 : vector<16x1xi32> to vector<16xi32>
    %gather3A_1620 = tpu.dynamic_gather %get3A_1616[%gather3A_1619] in [0] : vector<16xi32>, vector<16xi32> -> vector<16xi32>
    %parallel_loop3A_1621 = arith.constant 0 : i32
    %parallel_loop3A_1622 = arith.constant 992 : i32
    %parallel_loop3A_1623 = arith.constant 16 : i32
    %parallel_loop3A_1624:2 = scf.for %parallel_loop3A_1846 = %parallel_loop3A_1621 to %parallel_loop3A_1622 step %parallel_loop3A_1623 iter_args(%parallel_loop3A_1847 = %add3A_1607, %parallel_loop3A_1848 = %add3A_1613) -> (vector<16xf32>, vector<16xf32>)  : i32 {
      %parallel_loop3A_1849 = arith.constant 8 : i32
      %parallel_loop3A_1850 = arith.index_cast %parallel_loop3A_1849 : i32 to index
      %parallel_loop3A_1851 = arith.index_cast %parallel_loop3A_1846 : i32 to index
      %parallel_loop3A_1852 = tpu.vector_load %arg6[%parallel_loop3A_1850, %parallel_loop3A_1851] {strides = array<i32>} : memref<16x1000xf32, #tpu.memory_space<vmem>>, vector<1x16xf32>,
      %parallel_loop3A_1853 = vector.shape_cast %parallel_loop3A_1852 : vector<1x16xf32> to vector<16xf32>
      %parallel_loop3A_1854 = vector.broadcast %parallel_loop3A_1846 : i32 to vector<16xi32>
      %parallel_loop3A_1855 = arith.addi %iota3A, %parallel_loop3A_1854 : vector<16xi32>
      %parallel_loop3A_1856 = arith.cmpi eq, %parallel_loop3A_1855, %gather3A_1620 : vector<16xi32>
      %parallel_loop3A_1857 = arith.mulf %parallel_loop3A_1853, %parallel_loop3A_1853 : vector<16xf32>
      %parallel_loop3A_1858 = arith.addf %parallel_loop3A_1847, %parallel_loop3A_1857 : vector<16xf32>
      %parallel_loop3A_1859 = arith.select %parallel_loop3A_1856, %parallel_loop3A_1853, %broadcast_in_dim3A_10 : vector<16xi1>, vector<16xf32>
      %parallel_loop3A_1860 = arith.addf %parallel_loop3A_1848, %parallel_loop3A_1859 : vector<16xf32>
      scf.yield %parallel_loop3A_1858, %parallel_loop3A_1860 : vector<16xf32>, vector<16xf32>
    } {sc.loop_unroll_factor = 16 : i64, sc.parallel_access}
    %get3A_1625 = arith.constant 8 : i32
    %get3A_1626 = arith.index_cast %get3A_1625 : i32 to index
    %get3A_1627 = arith.constant 984 : index
    %get3A_1628 = tpu.vector_load %arg6[%get3A_1626, %get3A_1627] {strides = array<i32>} : memref<16x1000xf32, #tpu.memory_space<vmem>>, vector<1x16xf32>,
    %get3A_1629 = vector.shape_cast %get3A_1628 : vector<1x16xf32> to vector<16xf32>
    %ge3A_1630 = arith.constant 8 : i32
    %ge3A_1631 = vector.broadcast %ge3A_1630 : i32 to vector<16xi32>
    %ge3A_1632 = arith.cmpi sge, %iota3A, %ge3A_1631 : vector<16xi32>
    %select_n3A_1633 = arith.select %ge3A_1632, %get3A_1629, %broadcast_in_dim3A_10 : vector<16xi1>, vector<16xf32>
    %mul3A_1634 = arith.mulf %select_n3A_1633, %select_n3A_1633 : vector<16xf32>
    %add3A_1635 = arith.addf %parallel_loop3A_1624#0, %mul3A_1634 : vector<16xf32>
    %add3A_1636 = arith.constant 984 : i32
    %add3A_1637 = vector.broadcast %add3A_1636 : i32 to vector<16xi32>
    %add3A_1638 = arith.addi %iota3A, %add3A_1637 : vector<16xi32>
    %eq3A_1639 = arith.cmpi eq, %add3A_1638, %gather3A_1620 : vector<16xi32>
    %select_n3A_1640 = arith.select %eq3A_1639, %select_n3A_1633, %broadcast_in_dim3A_10 : vector<16xi1>, vector<16xf32>
    %add3A_1641 = arith.addf %parallel_loop3A_1624#1, %select_n3A_1640 : vector<16xf32>
    %get3A_1642 = arith.constant 48 : index
    %get3A_1643 = tpu.vector_load %arg7[%get3A_1642] {strides = array<i32>} : memref<64xi32, #tpu.memory_space<vmem>>, vector<16xi32>,
    %get3A_1644 = vector.shape_cast %get3A_1643 : vector<16xi32> to vector<16xi32>
    %broadcast_in_dim3A_1645 = arith.constant 9 : i32
    %broadcast_in_dim3A_1646 = vector.broadcast %broadcast_in_dim3A_1645 : i32 to vector<16x1xi32>
    %gather3A_1647 = vector.shape_cast %broadcast_in_dim3A_1646 : vector<16x1xi32> to vector<16xi32>
    %gather3A_1648 = tpu.dynamic_gather %get3A_1644[%gather3A_1647] in [0] : vector<16xi32>, vector<16xi32> -> vector<16xi32>
    %parallel_loop3A_1649 = arith.constant 0 : i32
    %parallel_loop3A_1650 = arith.constant 992 : i32
    %parallel_loop3A_1651 = arith.constant 16 : i32
    %parallel_loop3A_1652:2 = scf.for %parallel_loop3A_1846 = %parallel_loop3A_1649 to %parallel_loop3A_1650 step %parallel_loop3A_1651 iter_args(%parallel_loop3A_1847 = %add3A_1635, %parallel_loop3A_1848 = %add3A_1641) -> (vector<16xf32>, vector<16xf32>)  : i32 {
      %parallel_loop3A_1849 = arith.constant 9 : i32
      %parallel_loop3A_1850 = arith.index_cast %parallel_loop3A_1849 : i32 to index
      %parallel_loop3A_1851 = arith.index_cast %parallel_loop3A_1846 : i32 to index
      %parallel_loop3A_1852 = tpu.vector_load %arg6[%parallel_loop3A_1850, %parallel_loop3A_1851] {strides = array<i32>} : memref<16x1000xf32, #tpu.memory_space<vmem>>, vector<1x16xf32>,
      %parallel_loop3A_1853 = vector.shape_cast %parallel_loop3A_1852 : vector<1x16xf32> to vector<16xf32>
      %parallel_loop3A_1854 = vector.broadcast %parallel_loop3A_1846 : i32 to vector<16xi32>
      %parallel_loop3A_1855 = arith.addi %iota3A, %parallel_loop3A_1854 : vector<16xi32>
      %parallel_loop3A_1856 = arith.cmpi eq, %parallel_loop3A_1855, %gather3A_1648 : vector<16xi32>
      %parallel_loop3A_1857 = arith.mulf %parallel_loop3A_1853, %parallel_loop3A_1853 : vector<16xf32>
      %parallel_loop3A_1858 = arith.addf %parallel_loop3A_1847, %parallel_loop3A_1857 : vector<16xf32>
      %parallel_loop3A_1859 = arith.select %parallel_loop3A_1856, %parallel_loop3A_1853, %broadcast_in_dim3A_10 : vector<16xi1>, vector<16xf32>
      %parallel_loop3A_1860 = arith.addf %parallel_loop3A_1848, %parallel_loop3A_1859 : vector<16xf32>
      scf.yield %parallel_loop3A_1858, %parallel_loop3A_1860 : vector<16xf32>, vector<16xf32>
    } {sc.loop_unroll_factor = 16 : i64, sc.parallel_access}
    %get3A_1653 = arith.constant 9 : i32
    %get3A_1654 = arith.index_cast %get3A_1653 : i32 to index
    %get3A_1655 = arith.constant 984 : index
    %get3A_1656 = tpu.vector_load %arg6[%get3A_1654, %get3A_1655] {strides = array<i32>} : memref<16x1000xf32, #tpu.memory_space<vmem>>, vector<1x16xf32>,
    %get3A_1657 = vector.shape_cast %get3A_1656 : vector<1x16xf32> to vector<16xf32>
    %ge3A_1658 = arith.constant 8 : i32
    %ge3A_1659 = vector.broadcast %ge3A_1658 : i32 to vector<16xi32>
    %ge3A_1660 = arith.cmpi sge, %iota3A, %ge3A_1659 : vector<16xi32>
    %select_n3A_1661 = arith.select %ge3A_1660, %get3A_1657, %broadcast_in_dim3A_10 : vector<16xi1>, vector<16xf32>
    %mul3A_1662 = arith.mulf %select_n3A_1661, %select_n3A_1661 : vector<16xf32>
    %add3A_1663 = arith.addf %parallel_loop3A_1652#0, %mul3A_1662 : vector<16xf32>
    %add3A_1664 = arith.constant 984 : i32
    %add3A_1665 = vector.broadcast %add3A_1664 : i32 to vector<16xi32>
    %add3A_1666 = arith.addi %iota3A, %add3A_1665 : vector<16xi32>
    %eq3A_1667 = arith.cmpi eq, %add3A_1666, %gather3A_1648 : vector<16xi32>
    %select_n3A_1668 = arith.select %eq3A_1667, %select_n3A_1661, %broadcast_in_dim3A_10 : vector<16xi1>, vector<16xf32>
    %add3A_1669 = arith.addf %parallel_loop3A_1652#1, %select_n3A_1668 : vector<16xf32>
    %get3A_1670 = arith.constant 48 : index
    %get3A_1671 = tpu.vector_load %arg7[%get3A_1670] {strides = array<i32>} : memref<64xi32, #tpu.memory_space<vmem>>, vector<16xi32>,
    %get3A_1672 = vector.shape_cast %get3A_1671 : vector<16xi32> to vector<16xi32>
    %broadcast_in_dim3A_1673 = arith.constant 10 : i32
    %broadcast_in_dim3A_1674 = vector.broadcast %broadcast_in_dim3A_1673 : i32 to vector<16x1xi32>
    %gather3A_1675 = vector.shape_cast %broadcast_in_dim3A_1674 : vector<16x1xi32> to vector<16xi32>
    %gather3A_1676 = tpu.dynamic_gather %get3A_1672[%gather3A_1675] in [0] : vector<16xi32>, vector<16xi32> -> vector<16xi32>
    %parallel_loop3A_1677 = arith.constant 0 : i32
    %parallel_loop3A_1678 = arith.constant 992 : i32
    %parallel_loop3A_1679 = arith.constant 16 : i32
    %parallel_loop3A_1680:2 = scf.for %parallel_loop3A_1846 = %parallel_loop3A_1677 to %parallel_loop3A_1678 step %parallel_loop3A_1679 iter_args(%parallel_loop3A_1847 = %add3A_1663, %parallel_loop3A_1848 = %add3A_1669) -> (vector<16xf32>, vector<16xf32>)  : i32 {
      %parallel_loop3A_1849 = arith.constant 10 : i32
      %parallel_loop3A_1850 = arith.index_cast %parallel_loop3A_1849 : i32 to index
      %parallel_loop3A_1851 = arith.index_cast %parallel_loop3A_1846 : i32 to index
      %parallel_loop3A_1852 = tpu.vector_load %arg6[%parallel_loop3A_1850, %parallel_loop3A_1851] {strides = array<i32>} : memref<16x1000xf32, #tpu.memory_space<vmem>>, vector<1x16xf32>,
      %parallel_loop3A_1853 = vector.shape_cast %parallel_loop3A_1852 : vector<1x16xf32> to vector<16xf32>
      %parallel_loop3A_1854 = vector.broadcast %parallel_loop3A_1846 : i32 to vector<16xi32>
      %parallel_loop3A_1855 = arith.addi %iota3A, %parallel_loop3A_1854 : vector<16xi32>
      %parallel_loop3A_1856 = arith.cmpi eq, %parallel_loop3A_1855, %gather3A_1676 : vector<16xi32>
      %parallel_loop3A_1857 = arith.mulf %parallel_loop3A_1853, %parallel_loop3A_1853 : vector<16xf32>
      %parallel_loop3A_1858 = arith.addf %parallel_loop3A_1847, %parallel_loop3A_1857 : vector<16xf32>
      %parallel_loop3A_1859 = arith.select %parallel_loop3A_1856, %parallel_loop3A_1853, %broadcast_in_dim3A_10 : vector<16xi1>, vector<16xf32>
      %parallel_loop3A_1860 = arith.addf %parallel_loop3A_1848, %parallel_loop3A_1859 : vector<16xf32>
      scf.yield %parallel_loop3A_1858, %parallel_loop3A_1860 : vector<16xf32>, vector<16xf32>
    } {sc.loop_unroll_factor = 16 : i64, sc.parallel_access}
    %get3A_1681 = arith.constant 10 : i32
    %get3A_1682 = arith.index_cast %get3A_1681 : i32 to index
    %get3A_1683 = arith.constant 984 : index
    %get3A_1684 = tpu.vector_load %arg6[%get3A_1682, %get3A_1683] {strides = array<i32>} : memref<16x1000xf32, #tpu.memory_space<vmem>>, vector<1x16xf32>,
    %get3A_1685 = vector.shape_cast %get3A_1684 : vector<1x16xf32> to vector<16xf32>
    %ge3A_1686 = arith.constant 8 : i32
    %ge3A_1687 = vector.broadcast %ge3A_1686 : i32 to vector<16xi32>
    %ge3A_1688 = arith.cmpi sge, %iota3A, %ge3A_1687 : vector<16xi32>
    %select_n3A_1689 = arith.select %ge3A_1688, %get3A_1685, %broadcast_in_dim3A_10 : vector<16xi1>, vector<16xf32>
    %mul3A_1690 = arith.mulf %select_n3A_1689, %select_n3A_1689 : vector<16xf32>
    %add3A_1691 = arith.addf %parallel_loop3A_1680#0, %mul3A_1690 : vector<16xf32>
    %add3A_1692 = arith.constant 984 : i32
    %add3A_1693 = vector.broadcast %add3A_1692 : i32 to vector<16xi32>
    %add3A_1694 = arith.addi %iota3A, %add3A_1693 : vector<16xi32>
    %eq3A_1695 = arith.cmpi eq, %add3A_1694, %gather3A_1676 : vector<16xi32>
    %select_n3A_1696 = arith.select %eq3A_1695, %select_n3A_1689, %broadcast_in_dim3A_10 : vector<16xi1>, vector<16xf32>
    %add3A_1697 = arith.addf %parallel_loop3A_1680#1, %select_n3A_1696 : vector<16xf32>
    %get3A_1698 = arith.constant 48 : index
    %get3A_1699 = tpu.vector_load %arg7[%get3A_1698] {strides = array<i32>} : memref<64xi32, #tpu.memory_space<vmem>>, vector<16xi32>,
    %get3A_1700 = vector.shape_cast %get3A_1699 : vector<16xi32> to vector<16xi32>
    %broadcast_in_dim3A_1701 = arith.constant 11 : i32
    %broadcast_in_dim3A_1702 = vector.broadcast %broadcast_in_dim3A_1701 : i32 to vector<16x1xi32>
    %gather3A_1703 = vector.shape_cast %broadcast_in_dim3A_1702 : vector<16x1xi32> to vector<16xi32>
    %gather3A_1704 = tpu.dynamic_gather %get3A_1700[%gather3A_1703] in [0] : vector<16xi32>, vector<16xi32> -> vector<16xi32>
    %parallel_loop3A_1705 = arith.constant 0 : i32
    %parallel_loop3A_1706 = arith.constant 992 : i32
    %parallel_loop3A_1707 = arith.constant 16 : i32
    %parallel_loop3A_1708:2 = scf.for %parallel_loop3A_1846 = %parallel_loop3A_1705 to %parallel_loop3A_1706 step %parallel_loop3A_1707 iter_args(%parallel_loop3A_1847 = %add3A_1691, %parallel_loop3A_1848 = %add3A_1697) -> (vector<16xf32>, vector<16xf32>)  : i32 {
      %parallel_loop3A_1849 = arith.constant 11 : i32
      %parallel_loop3A_1850 = arith.index_cast %parallel_loop3A_1849 : i32 to index
      %parallel_loop3A_1851 = arith.index_cast %parallel_loop3A_1846 : i32 to index
      %parallel_loop3A_1852 = tpu.vector_load %arg6[%parallel_loop3A_1850, %parallel_loop3A_1851] {strides = array<i32>} : memref<16x1000xf32, #tpu.memory_space<vmem>>, vector<1x16xf32>,
      %parallel_loop3A_1853 = vector.shape_cast %parallel_loop3A_1852 : vector<1x16xf32> to vector<16xf32>
      %parallel_loop3A_1854 = vector.broadcast %parallel_loop3A_1846 : i32 to vector<16xi32>
      %parallel_loop3A_1855 = arith.addi %iota3A, %parallel_loop3A_1854 : vector<16xi32>
      %parallel_loop3A_1856 = arith.cmpi eq, %parallel_loop3A_1855, %gather3A_1704 : vector<16xi32>
      %parallel_loop3A_1857 = arith.mulf %parallel_loop3A_1853, %parallel_loop3A_1853 : vector<16xf32>
      %parallel_loop3A_1858 = arith.addf %parallel_loop3A_1847, %parallel_loop3A_1857 : vector<16xf32>
      %parallel_loop3A_1859 = arith.select %parallel_loop3A_1856, %parallel_loop3A_1853, %broadcast_in_dim3A_10 : vector<16xi1>, vector<16xf32>
      %parallel_loop3A_1860 = arith.addf %parallel_loop3A_1848, %parallel_loop3A_1859 : vector<16xf32>
      scf.yield %parallel_loop3A_1858, %parallel_loop3A_1860 : vector<16xf32>, vector<16xf32>
    } {sc.loop_unroll_factor = 16 : i64, sc.parallel_access}
    %get3A_1709 = arith.constant 11 : i32
    %get3A_1710 = arith.index_cast %get3A_1709 : i32 to index
    %get3A_1711 = arith.constant 984 : index
    %get3A_1712 = tpu.vector_load %arg6[%get3A_1710, %get3A_1711] {strides = array<i32>} : memref<16x1000xf32, #tpu.memory_space<vmem>>, vector<1x16xf32>,
    %get3A_1713 = vector.shape_cast %get3A_1712 : vector<1x16xf32> to vector<16xf32>
    %ge3A_1714 = arith.constant 8 : i32
    %ge3A_1715 = vector.broadcast %ge3A_1714 : i32 to vector<16xi32>
    %ge3A_1716 = arith.cmpi sge, %iota3A, %ge3A_1715 : vector<16xi32>
    %select_n3A_1717 = arith.select %ge3A_1716, %get3A_1713, %broadcast_in_dim3A_10 : vector<16xi1>, vector<16xf32>
    %mul3A_1718 = arith.mulf %select_n3A_1717, %select_n3A_1717 : vector<16xf32>
    %add3A_1719 = arith.addf %parallel_loop3A_1708#0, %mul3A_1718 : vector<16xf32>
    %add3A_1720 = arith.constant 984 : i32
    %add3A_1721 = vector.broadcast %add3A_1720 : i32 to vector<16xi32>
    %add3A_1722 = arith.addi %iota3A, %add3A_1721 : vector<16xi32>
    %eq3A_1723 = arith.cmpi eq, %add3A_1722, %gather3A_1704 : vector<16xi32>
    %select_n3A_1724 = arith.select %eq3A_1723, %select_n3A_1717, %broadcast_in_dim3A_10 : vector<16xi1>, vector<16xf32>
    %add3A_1725 = arith.addf %parallel_loop3A_1708#1, %select_n3A_1724 : vector<16xf32>
    %get3A_1726 = arith.constant 48 : index
    %get3A_1727 = tpu.vector_load %arg7[%get3A_1726] {strides = array<i32>} : memref<64xi32, #tpu.memory_space<vmem>>, vector<16xi32>,
    %get3A_1728 = vector.shape_cast %get3A_1727 : vector<16xi32> to vector<16xi32>
    %broadcast_in_dim3A_1729 = arith.constant 12 : i32
    %broadcast_in_dim3A_1730 = vector.broadcast %broadcast_in_dim3A_1729 : i32 to vector<16x1xi32>
    %gather3A_1731 = vector.shape_cast %broadcast_in_dim3A_1730 : vector<16x1xi32> to vector<16xi32>
    %gather3A_1732 = tpu.dynamic_gather %get3A_1728[%gather3A_1731] in [0] : vector<16xi32>, vector<16xi32> -> vector<16xi32>
    %parallel_loop3A_1733 = arith.constant 0 : i32
    %parallel_loop3A_1734 = arith.constant 992 : i32
    %parallel_loop3A_1735 = arith.constant 16 : i32
    %parallel_loop3A_1736:2 = scf.for %parallel_loop3A_1846 = %parallel_loop3A_1733 to %parallel_loop3A_1734 step %parallel_loop3A_1735 iter_args(%parallel_loop3A_1847 = %add3A_1719, %parallel_loop3A_1848 = %add3A_1725) -> (vector<16xf32>, vector<16xf32>)  : i32 {
      %parallel_loop3A_1849 = arith.constant 12 : i32
      %parallel_loop3A_1850 = arith.index_cast %parallel_loop3A_1849 : i32 to index
      %parallel_loop3A_1851 = arith.index_cast %parallel_loop3A_1846 : i32 to index
      %parallel_loop3A_1852 = tpu.vector_load %arg6[%parallel_loop3A_1850, %parallel_loop3A_1851] {strides = array<i32>} : memref<16x1000xf32, #tpu.memory_space<vmem>>, vector<1x16xf32>,
      %parallel_loop3A_1853 = vector.shape_cast %parallel_loop3A_1852 : vector<1x16xf32> to vector<16xf32>
      %parallel_loop3A_1854 = vector.broadcast %parallel_loop3A_1846 : i32 to vector<16xi32>
      %parallel_loop3A_1855 = arith.addi %iota3A, %parallel_loop3A_1854 : vector<16xi32>
      %parallel_loop3A_1856 = arith.cmpi eq, %parallel_loop3A_1855, %gather3A_1732 : vector<16xi32>
      %parallel_loop3A_1857 = arith.mulf %parallel_loop3A_1853, %parallel_loop3A_1853 : vector<16xf32>
      %parallel_loop3A_1858 = arith.addf %parallel_loop3A_1847, %parallel_loop3A_1857 : vector<16xf32>
      %parallel_loop3A_1859 = arith.select %parallel_loop3A_1856, %parallel_loop3A_1853, %broadcast_in_dim3A_10 : vector<16xi1>, vector<16xf32>
      %parallel_loop3A_1860 = arith.addf %parallel_loop3A_1848, %parallel_loop3A_1859 : vector<16xf32>
      scf.yield %parallel_loop3A_1858, %parallel_loop3A_1860 : vector<16xf32>, vector<16xf32>
    } {sc.loop_unroll_factor = 16 : i64, sc.parallel_access}
    %get3A_1737 = arith.constant 12 : i32
    %get3A_1738 = arith.index_cast %get3A_1737 : i32 to index
    %get3A_1739 = arith.constant 984 : index
    %get3A_1740 = tpu.vector_load %arg6[%get3A_1738, %get3A_1739] {strides = array<i32>} : memref<16x1000xf32, #tpu.memory_space<vmem>>, vector<1x16xf32>,
    %get3A_1741 = vector.shape_cast %get3A_1740 : vector<1x16xf32> to vector<16xf32>
    %ge3A_1742 = arith.constant 8 : i32
    %ge3A_1743 = vector.broadcast %ge3A_1742 : i32 to vector<16xi32>
    %ge3A_1744 = arith.cmpi sge, %iota3A, %ge3A_1743 : vector<16xi32>
    %select_n3A_1745 = arith.select %ge3A_1744, %get3A_1741, %broadcast_in_dim3A_10 : vector<16xi1>, vector<16xf32>
    %mul3A_1746 = arith.mulf %select_n3A_1745, %select_n3A_1745 : vector<16xf32>
    %add3A_1747 = arith.addf %parallel_loop3A_1736#0, %mul3A_1746 : vector<16xf32>
    %add3A_1748 = arith.constant 984 : i32
    %add3A_1749 = vector.broadcast %add3A_1748 : i32 to vector<16xi32>
    %add3A_1750 = arith.addi %iota3A, %add3A_1749 : vector<16xi32>
    %eq3A_1751 = arith.cmpi eq, %add3A_1750, %gather3A_1732 : vector<16xi32>
    %select_n3A_1752 = arith.select %eq3A_1751, %select_n3A_1745, %broadcast_in_dim3A_10 : vector<16xi1>, vector<16xf32>
    %add3A_1753 = arith.addf %parallel_loop3A_1736#1, %select_n3A_1752 : vector<16xf32>
    %get3A_1754 = arith.constant 48 : index
    %get3A_1755 = tpu.vector_load %arg7[%get3A_1754] {strides = array<i32>} : memref<64xi32, #tpu.memory_space<vmem>>, vector<16xi32>,
    %get3A_1756 = vector.shape_cast %get3A_1755 : vector<16xi32> to vector<16xi32>
    %broadcast_in_dim3A_1757 = arith.constant 13 : i32
    %broadcast_in_dim3A_1758 = vector.broadcast %broadcast_in_dim3A_1757 : i32 to vector<16x1xi32>
    %gather3A_1759 = vector.shape_cast %broadcast_in_dim3A_1758 : vector<16x1xi32> to vector<16xi32>
    %gather3A_1760 = tpu.dynamic_gather %get3A_1756[%gather3A_1759] in [0] : vector<16xi32>, vector<16xi32> -> vector<16xi32>
    %parallel_loop3A_1761 = arith.constant 0 : i32
    %parallel_loop3A_1762 = arith.constant 992 : i32
    %parallel_loop3A_1763 = arith.constant 16 : i32
    %parallel_loop3A_1764:2 = scf.for %parallel_loop3A_1846 = %parallel_loop3A_1761 to %parallel_loop3A_1762 step %parallel_loop3A_1763 iter_args(%parallel_loop3A_1847 = %add3A_1747, %parallel_loop3A_1848 = %add3A_1753) -> (vector<16xf32>, vector<16xf32>)  : i32 {
      %parallel_loop3A_1849 = arith.constant 13 : i32
      %parallel_loop3A_1850 = arith.index_cast %parallel_loop3A_1849 : i32 to index
      %parallel_loop3A_1851 = arith.index_cast %parallel_loop3A_1846 : i32 to index
      %parallel_loop3A_1852 = tpu.vector_load %arg6[%parallel_loop3A_1850, %parallel_loop3A_1851] {strides = array<i32>} : memref<16x1000xf32, #tpu.memory_space<vmem>>, vector<1x16xf32>,
      %parallel_loop3A_1853 = vector.shape_cast %parallel_loop3A_1852 : vector<1x16xf32> to vector<16xf32>
      %parallel_loop3A_1854 = vector.broadcast %parallel_loop3A_1846 : i32 to vector<16xi32>
      %parallel_loop3A_1855 = arith.addi %iota3A, %parallel_loop3A_1854 : vector<16xi32>
      %parallel_loop3A_1856 = arith.cmpi eq, %parallel_loop3A_1855, %gather3A_1760 : vector<16xi32>
      %parallel_loop3A_1857 = arith.mulf %parallel_loop3A_1853, %parallel_loop3A_1853 : vector<16xf32>
      %parallel_loop3A_1858 = arith.addf %parallel_loop3A_1847, %parallel_loop3A_1857 : vector<16xf32>
      %parallel_loop3A_1859 = arith.select %parallel_loop3A_1856, %parallel_loop3A_1853, %broadcast_in_dim3A_10 : vector<16xi1>, vector<16xf32>
      %parallel_loop3A_1860 = arith.addf %parallel_loop3A_1848, %parallel_loop3A_1859 : vector<16xf32>
      scf.yield %parallel_loop3A_1858, %parallel_loop3A_1860 : vector<16xf32>, vector<16xf32>
    } {sc.loop_unroll_factor = 16 : i64, sc.parallel_access}
    %get3A_1765 = arith.constant 13 : i32
    %get3A_1766 = arith.index_cast %get3A_1765 : i32 to index
    %get3A_1767 = arith.constant 984 : index
    %get3A_1768 = tpu.vector_load %arg6[%get3A_1766, %get3A_1767] {strides = array<i32>} : memref<16x1000xf32, #tpu.memory_space<vmem>>, vector<1x16xf32>,
    %get3A_1769 = vector.shape_cast %get3A_1768 : vector<1x16xf32> to vector<16xf32>
    %ge3A_1770 = arith.constant 8 : i32
    %ge3A_1771 = vector.broadcast %ge3A_1770 : i32 to vector<16xi32>
    %ge3A_1772 = arith.cmpi sge, %iota3A, %ge3A_1771 : vector<16xi32>
    %select_n3A_1773 = arith.select %ge3A_1772, %get3A_1769, %broadcast_in_dim3A_10 : vector<16xi1>, vector<16xf32>
    %mul3A_1774 = arith.mulf %select_n3A_1773, %select_n3A_1773 : vector<16xf32>
    %add3A_1775 = arith.addf %parallel_loop3A_1764#0, %mul3A_1774 : vector<16xf32>
    %add3A_1776 = arith.constant 984 : i32
    %add3A_1777 = vector.broadcast %add3A_1776 : i32 to vector<16xi32>
    %add3A_1778 = arith.addi %iota3A, %add3A_1777 : vector<16xi32>
    %eq3A_1779 = arith.cmpi eq, %add3A_1778, %gather3A_1760 : vector<16xi32>
    %select_n3A_1780 = arith.select %eq3A_1779, %select_n3A_1773, %broadcast_in_dim3A_10 : vector<16xi1>, vector<16xf32>
    %add3A_1781 = arith.addf %parallel_loop3A_1764#1, %select_n3A_1780 : vector<16xf32>
    %get3A_1782 = arith.constant 48 : index
    %get3A_1783 = tpu.vector_load %arg7[%get3A_1782] {strides = array<i32>} : memref<64xi32, #tpu.memory_space<vmem>>, vector<16xi32>,
    %get3A_1784 = vector.shape_cast %get3A_1783 : vector<16xi32> to vector<16xi32>
    %broadcast_in_dim3A_1785 = arith.constant 14 : i32
    %broadcast_in_dim3A_1786 = vector.broadcast %broadcast_in_dim3A_1785 : i32 to vector<16x1xi32>
    %gather3A_1787 = vector.shape_cast %broadcast_in_dim3A_1786 : vector<16x1xi32> to vector<16xi32>
    %gather3A_1788 = tpu.dynamic_gather %get3A_1784[%gather3A_1787] in [0] : vector<16xi32>, vector<16xi32> -> vector<16xi32>
    %parallel_loop3A_1789 = arith.constant 0 : i32
    %parallel_loop3A_1790 = arith.constant 992 : i32
    %parallel_loop3A_1791 = arith.constant 16 : i32
    %parallel_loop3A_1792:2 = scf.for %parallel_loop3A_1846 = %parallel_loop3A_1789 to %parallel_loop3A_1790 step %parallel_loop3A_1791 iter_args(%parallel_loop3A_1847 = %add3A_1775, %parallel_loop3A_1848 = %add3A_1781) -> (vector<16xf32>, vector<16xf32>)  : i32 {
      %parallel_loop3A_1849 = arith.constant 14 : i32
      %parallel_loop3A_1850 = arith.index_cast %parallel_loop3A_1849 : i32 to index
      %parallel_loop3A_1851 = arith.index_cast %parallel_loop3A_1846 : i32 to index
      %parallel_loop3A_1852 = tpu.vector_load %arg6[%parallel_loop3A_1850, %parallel_loop3A_1851] {strides = array<i32>} : memref<16x1000xf32, #tpu.memory_space<vmem>>, vector<1x16xf32>,
      %parallel_loop3A_1853 = vector.shape_cast %parallel_loop3A_1852 : vector<1x16xf32> to vector<16xf32>
      %parallel_loop3A_1854 = vector.broadcast %parallel_loop3A_1846 : i32 to vector<16xi32>
      %parallel_loop3A_1855 = arith.addi %iota3A, %parallel_loop3A_1854 : vector<16xi32>
      %parallel_loop3A_1856 = arith.cmpi eq, %parallel_loop3A_1855, %gather3A_1788 : vector<16xi32>
      %parallel_loop3A_1857 = arith.mulf %parallel_loop3A_1853, %parallel_loop3A_1853 : vector<16xf32>
      %parallel_loop3A_1858 = arith.addf %parallel_loop3A_1847, %parallel_loop3A_1857 : vector<16xf32>
      %parallel_loop3A_1859 = arith.select %parallel_loop3A_1856, %parallel_loop3A_1853, %broadcast_in_dim3A_10 : vector<16xi1>, vector<16xf32>
      %parallel_loop3A_1860 = arith.addf %parallel_loop3A_1848, %parallel_loop3A_1859 : vector<16xf32>
      scf.yield %parallel_loop3A_1858, %parallel_loop3A_1860 : vector<16xf32>, vector<16xf32>
    } {sc.loop_unroll_factor = 16 : i64, sc.parallel_access}
    %get3A_1793 = arith.constant 14 : i32
    %get3A_1794 = arith.index_cast %get3A_1793 : i32 to index
    %get3A_1795 = arith.constant 984 : index
    %get3A_1796 = tpu.vector_load %arg6[%get3A_1794, %get3A_1795] {strides = array<i32>} : memref<16x1000xf32, #tpu.memory_space<vmem>>, vector<1x16xf32>,
    %get3A_1797 = vector.shape_cast %get3A_1796 : vector<1x16xf32> to vector<16xf32>
    %ge3A_1798 = arith.constant 8 : i32
    %ge3A_1799 = vector.broadcast %ge3A_1798 : i32 to vector<16xi32>
    %ge3A_1800 = arith.cmpi sge, %iota3A, %ge3A_1799 : vector<16xi32>
    %select_n3A_1801 = arith.select %ge3A_1800, %get3A_1797, %broadcast_in_dim3A_10 : vector<16xi1>, vector<16xf32>
    %mul3A_1802 = arith.mulf %select_n3A_1801, %select_n3A_1801 : vector<16xf32>
    %add3A_1803 = arith.addf %parallel_loop3A_1792#0, %mul3A_1802 : vector<16xf32>
    %add3A_1804 = arith.constant 984 : i32
    %add3A_1805 = vector.broadcast %add3A_1804 : i32 to vector<16xi32>
    %add3A_1806 = arith.addi %iota3A, %add3A_1805 : vector<16xi32>
    %eq3A_1807 = arith.cmpi eq, %add3A_1806, %gather3A_1788 : vector<16xi32>
    %select_n3A_1808 = arith.select %eq3A_1807, %select_n3A_1801, %broadcast_in_dim3A_10 : vector<16xi1>, vector<16xf32>
    %add3A_1809 = arith.addf %parallel_loop3A_1792#1, %select_n3A_1808 : vector<16xf32>
    %get3A_1810 = arith.constant 48 : index
    %get3A_1811 = tpu.vector_load %arg7[%get3A_1810] {strides = array<i32>} : memref<64xi32, #tpu.memory_space<vmem>>, vector<16xi32>,
    %get3A_1812 = vector.shape_cast %get3A_1811 : vector<16xi32> to vector<16xi32>
    %broadcast_in_dim3A_1813 = arith.constant 15 : i32
    %broadcast_in_dim3A_1814 = vector.broadcast %broadcast_in_dim3A_1813 : i32 to vector<16x1xi32>
    %gather3A_1815 = vector.shape_cast %broadcast_in_dim3A_1814 : vector<16x1xi32> to vector<16xi32>
    %gather3A_1816 = tpu.dynamic_gather %get3A_1812[%gather3A_1815] in [0] : vector<16xi32>, vector<16xi32> -> vector<16xi32>
    %parallel_loop3A_1817 = arith.constant 0 : i32
    %parallel_loop3A_1818 = arith.constant 992 : i32
    %parallel_loop3A_1819 = arith.constant 16 : i32
    %parallel_loop3A_1820:2 = scf.for %parallel_loop3A_1846 = %parallel_loop3A_1817 to %parallel_loop3A_1818 step %parallel_loop3A_1819 iter_args(%parallel_loop3A_1847 = %add3A_1803, %parallel_loop3A_1848 = %add3A_1809) -> (vector<16xf32>, vector<16xf32>)  : i32 {
      %parallel_loop3A_1849 = arith.constant 15 : i32
      %parallel_loop3A_1850 = arith.index_cast %parallel_loop3A_1849 : i32 to index
      %parallel_loop3A_1851 = arith.index_cast %parallel_loop3A_1846 : i32 to index
      %parallel_loop3A_1852 = tpu.vector_load %arg6[%parallel_loop3A_1850, %parallel_loop3A_1851] {strides = array<i32>} : memref<16x1000xf32, #tpu.memory_space<vmem>>, vector<1x16xf32>,
      %parallel_loop3A_1853 = vector.shape_cast %parallel_loop3A_1852 : vector<1x16xf32> to vector<16xf32>
      %parallel_loop3A_1854 = vector.broadcast %parallel_loop3A_1846 : i32 to vector<16xi32>
      %parallel_loop3A_1855 = arith.addi %iota3A, %parallel_loop3A_1854 : vector<16xi32>
      %parallel_loop3A_1856 = arith.cmpi eq, %parallel_loop3A_1855, %gather3A_1816 : vector<16xi32>
      %parallel_loop3A_1857 = arith.mulf %parallel_loop3A_1853, %parallel_loop3A_1853 : vector<16xf32>
      %parallel_loop3A_1858 = arith.addf %parallel_loop3A_1847, %parallel_loop3A_1857 : vector<16xf32>
      %parallel_loop3A_1859 = arith.select %parallel_loop3A_1856, %parallel_loop3A_1853, %broadcast_in_dim3A_10 : vector<16xi1>, vector<16xf32>
      %parallel_loop3A_1860 = arith.addf %parallel_loop3A_1848, %parallel_loop3A_1859 : vector<16xf32>
      scf.yield %parallel_loop3A_1858, %parallel_loop3A_1860 : vector<16xf32>, vector<16xf32>
    } {sc.loop_unroll_factor = 16 : i64, sc.parallel_access}
    %get3A_1821 = arith.constant 15 : i32
    %get3A_1822 = arith.index_cast %get3A_1821 : i32 to index
    %get3A_1823 = arith.constant 984 : index
    %get3A_1824 = tpu.vector_load %arg6[%get3A_1822, %get3A_1823] {strides = array<i32>} : memref<16x1000xf32, #tpu.memory_space<vmem>>, vector<1x16xf32>,
    %get3A_1825 = vector.shape_cast %get3A_1824 : vector<1x16xf32> to vector<16xf32>
    %ge3A_1826 = arith.constant 8 : i32
    %ge3A_1827 = vector.broadcast %ge3A_1826 : i32 to vector<16xi32>
    %ge3A_1828 = arith.cmpi sge, %iota3A, %ge3A_1827 : vector<16xi32>
    %select_n3A_1829 = arith.select %ge3A_1828, %get3A_1825, %broadcast_in_dim3A_10 : vector<16xi1>, vector<16xf32>
    %mul3A_1830 = arith.mulf %select_n3A_1829, %select_n3A_1829 : vector<16xf32>
    %add3A_1831 = arith.addf %parallel_loop3A_1820#0, %mul3A_1830 : vector<16xf32>
    %add3A_1832 = arith.constant 984 : i32
    %add3A_1833 = vector.broadcast %add3A_1832 : i32 to vector<16xi32>
    %add3A_1834 = arith.addi %iota3A, %add3A_1833 : vector<16xi32>
    %eq3A_1835 = arith.cmpi eq, %add3A_1834, %gather3A_1816 : vector<16xi32>
    %select_n3A_1836 = arith.select %eq3A_1835, %select_n3A_1829, %broadcast_in_dim3A_10 : vector<16xi1>, vector<16xf32>
    %add3A_1837 = arith.addf %parallel_loop3A_1820#1, %select_n3A_1836 : vector<16xf32>
    %add3A_1838 = arith.addf %add3A_1831, %broadcast_in_dim3A_10 : vector<16xf32>
    %swap3A = arith.constant 0 : index
    %swap3A_1839 = tpu.vector_load %arg8[%swap3A] {strides = array<i32>} : memref<32xf32, #tpu.memory_space<vmem>>, vector<16xf32>,
    %swap3A_1840 = vector.shape_cast %swap3A_1839 : vector<16xf32> to vector<16xf32>
    %swap3A_1841 = vector.shape_cast %add3A_1838 : vector<16xf32> to vector<16xf32>
    tpu.vector_store %arg8[%swap3A], %swap3A_1841 {strides = array<i32>} : memref<32xf32, #tpu.memory_space<vmem>>, vector<16xf32>,
    %swap3A_1842 = arith.constant 16 : index
    %swap3A_1843 = tpu.vector_load %arg8[%swap3A_1842] {strides = array<i32>} : memref<32xf32, #tpu.memory_space<vmem>>, vector<16xf32>,
    %swap3A_1844 = vector.shape_cast %swap3A_1843 : vector<16xf32> to vector<16xf32>
    %swap3A_1845 = vector.shape_cast %add3A_1837 : vector<16xf32> to vector<16xf32>
    tpu.vector_store %arg8[%swap3A_1842], %swap3A_1845 {strides = array<i32>} : memref<32xf32, #tpu.memory_space<vmem>>, vector<16xf32>,
    "tpu.region"() ({
      %run_scoped3A = tpu.sem_alloc : memref<!tpu.dma_semaphore, #tpu.memory_space<semaphore_mem>>
      %dma_start3A_1846 = arith.constant 0 : i32
      %dma_start3A_1847 = tpu.memref_slice %arg4[%add3A, %dma_start3A_1846] : memref<32x32xf32, #tpu.memory_space<hbm>> -> memref<1x32xf32, #tpu.memory_space<hbm>>
      %dma_start3A_1848 = tpu.memref_squeeze %dma_start3A_1847 : memref<1x32xf32, #tpu.memory_space<hbm>> -> memref<32xf32, #tpu.memory_space<hbm>>
      %dma_start3A_1849 = arith.constant 0 : i32
      %dma_start3A_1850 = tpu.memref_slice %arg4[%add3A, %dma_start3A_1849] : memref<32x32xf32, #tpu.memory_space<hbm>> -> memref<1x32xf32, #tpu.memory_space<hbm>>
      %dma_start3A_1851 = tpu.memref_squeeze %dma_start3A_1850 : memref<1x32xf32, #tpu.memory_space<hbm>> -> memref<32xf32, #tpu.memory_space<hbm>>
      tpu.enqueue_dma source(%arg8 : memref<32xf32, #tpu.memory_space<vmem>>) target(%dma_start3A_1851 : memref<32xf32, #tpu.memory_space<hbm>>) target_semaphore(%run_scoped3A : memref<!tpu.dma_semaphore, #tpu.memory_space<semaphore_mem>>)
      %dma_wait3A_1852 = arith.constant 0 : i32
      %dma_wait3A_1853 = tpu.memref_slice %arg4[%add3A, %dma_wait3A_1852] : memref<32x32xf32, #tpu.memory_space<hbm>> -> memref<1x32xf32, #tpu.memory_space<hbm>>
      %dma_wait3A_1854 = tpu.memref_squeeze %dma_wait3A_1853 : memref<1x32xf32, #tpu.memory_space<hbm>> -> memref<32xf32, #tpu.memory_space<hbm>>
      %dma_wait3A_1855 = arith.constant 0 : i32
      %dma_wait3A_1856 = tpu.memref_slice %arg4[%add3A, %dma_wait3A_1855] : memref<32x32xf32, #tpu.memory_space<hbm>> -> memref<1x32xf32, #tpu.memory_space<hbm>>
      %dma_wait3A_1857 = tpu.memref_squeeze %dma_wait3A_1856 : memref<1x32xf32, #tpu.memory_space<hbm>> -> memref<32xf32, #tpu.memory_space<hbm>>
      tpu.wait_dma2 semaphore(%run_scoped3A : memref<!tpu.dma_semaphore, #tpu.memory_space<semaphore_mem>>) src(%arg8 : memref<32xf32, #tpu.memory_space<vmem>>) dst(%dma_wait3A_1857 : memref<32xf32, #tpu.memory_space<hbm>>)
      tpu.yield
    }) : () -> ()
    return
  }
}

module attributes {stable_mosaic.version = 14 : i64} {
  func.func @_tc_body(%arg0: memref<14336x1xi32, #tpu.memory_space<vmem>>, %arg1: memref<16384x1000xf32, #tpu.memory_space<any>>, %arg2: memref<1x1xf32, #tpu.memory_space<smem>>, %arg3: memref<1024x1000xf32, #tpu.memory_space<vmem>>, %arg4: memref<1024x1000xf32, #tpu.memory_space<vmem>>, %arg5: memref<1024x1000xf32, #tpu.memory_space<vmem>>, %arg6: memref<1024x1000xf32, #tpu.memory_space<vmem>>, %arg7: memref<!tpu.dma_semaphore, #tpu.memory_space<semaphore_mem>>, %arg8: memref<!tpu.dma_semaphore, #tpu.memory_space<semaphore_mem>>, %arg9: memref<!tpu.dma_semaphore, #tpu.memory_space<semaphore_mem>>, %arg10: memref<!tpu.dma_semaphore, #tpu.memory_space<semaphore_mem>>) attributes {dimension_semantics = [], scalar_prefetch = 0 : i64, scratch_operands = 8 : i64, tpu.core_type = #tpu.core_type<tc>} {
    %dma_start3A = arith.constant 0 : i32
    %dma_start3A_0 = arith.constant 0 : i32
    %dma_start3A_1 = tpu.memref_slice %arg1[%dma_start3A, %dma_start3A_0] : memref<16384x1000xf32, #tpu.memory_space<any>> -> memref<1024x1000xf32, #tpu.memory_space<any>>
    tpu.enqueue_dma source(%dma_start3A_1 : memref<1024x1000xf32, #tpu.memory_space<any>>) target(%arg3 : memref<1024x1000xf32, #tpu.memory_space<vmem>>) target_semaphore(%arg7 : memref<!tpu.dma_semaphore, #tpu.memory_space<semaphore_mem>>)
    %dma_start3A_2 = arith.constant 1024 : i32
    %dma_start3A_3 = arith.constant 0 : i32
    %dma_start3A_4 = tpu.memref_slice %arg1[%dma_start3A_2, %dma_start3A_3] : memref<16384x1000xf32, #tpu.memory_space<any>> -> memref<1024x1000xf32, #tpu.memory_space<any>>
    tpu.enqueue_dma source(%dma_start3A_4 : memref<1024x1000xf32, #tpu.memory_space<any>>) target(%arg4 : memref<1024x1000xf32, #tpu.memory_space<vmem>>) target_semaphore(%arg8 : memref<!tpu.dma_semaphore, #tpu.memory_space<semaphore_mem>>)
    %dma_start3A_5 = arith.constant 2048 : i32
    %dma_start3A_6 = arith.constant 0 : i32
    %dma_start3A_7 = tpu.memref_slice %arg1[%dma_start3A_5, %dma_start3A_6] : memref<16384x1000xf32, #tpu.memory_space<any>> -> memref<1024x1000xf32, #tpu.memory_space<any>>
    tpu.enqueue_dma source(%dma_start3A_7 : memref<1024x1000xf32, #tpu.memory_space<any>>) target(%arg5 : memref<1024x1000xf32, #tpu.memory_space<vmem>>) target_semaphore(%arg9 : memref<!tpu.dma_semaphore, #tpu.memory_space<semaphore_mem>>)
    %dma_start3A_8 = arith.constant 3072 : i32
    %dma_start3A_9 = arith.constant 0 : i32
    %dma_start3A_10 = tpu.memref_slice %arg1[%dma_start3A_8, %dma_start3A_9] : memref<16384x1000xf32, #tpu.memory_space<any>> -> memref<1024x1000xf32, #tpu.memory_space<any>>
    tpu.enqueue_dma source(%dma_start3A_10 : memref<1024x1000xf32, #tpu.memory_space<any>>) target(%arg6 : memref<1024x1000xf32, #tpu.memory_space<vmem>>) target_semaphore(%arg10 : memref<!tpu.dma_semaphore, #tpu.memory_space<semaphore_mem>>)
    %iota3A = tpu.iota {dimensions = array<i32: 1>} : vector<1024x1000xi32>
    %dma_wait3A = arith.constant 0 : i32
    %dma_wait3A_11 = arith.constant 0 : i32
    %dma_wait3A_12 = tpu.memref_slice %arg1[%dma_wait3A, %dma_wait3A_11] : memref<16384x1000xf32, #tpu.memory_space<any>> -> memref<1024x1000xf32, #tpu.memory_space<any>>
    tpu.wait_dma2 semaphore(%arg7 : memref<!tpu.dma_semaphore, #tpu.memory_space<semaphore_mem>>) src(%dma_wait3A_12 : memref<1024x1000xf32, #tpu.memory_space<any>>) dst(%arg3 : memref<1024x1000xf32, #tpu.memory_space<vmem>>)
    %get3A = arith.constant 0 : index
    %get3A_13 = arith.constant 0 : index
    %get3A_14 = vector.load %arg3[%get3A, %get3A_13] : memref<1024x1000xf32, #tpu.memory_space<vmem>>, vector<1024x1000xf32>
    %get3A_15 = arith.constant 0 : index
    %get3A_16 = arith.constant 0 : index
    %get3A_17 = vector.load %arg0[%get3A_15, %get3A_16] : memref<14336x1xi32, #tpu.memory_space<vmem>>, vector<1024x1xi32>
    %mul3A = arith.mulf %get3A_14, %get3A_14 : vector<1024x1000xf32>
    %reduce_sum3A = vector.shape_cast %mul3A : vector<1024x1000xf32> to vector<1x1024x1000xf32>
    %reduce_sum3A_18 = arith.constant dense<0.000000e+00> : vector<1xf32>
    %reduce_sum3A_19 = vector.multi_reduction <add>, %reduce_sum3A, %reduce_sum3A_18 [1, 2] : vector<1x1024x1000xf32> to vector<1xf32>
    %reduce_sum3A_20 = vector.shape_cast %reduce_sum3A_19 : vector<1xf32> to vector<1x1x1xf32>
    %reduce_sum3A_21 = vector.extract %reduce_sum3A_20[0, 0, 0] : f32 from vector<1x1x1xf32>
    %eq3A = vector.broadcast %get3A_17 : vector<1024x1xi32> to vector<1024x1000xi32>
    %eq3A_22 = arith.cmpi eq, %iota3A, %eq3A : vector<1024x1000xi32>
    %jit3A = arith.constant 0.000000e+00 : f32
    %broadcast_in_dim3A = vector.broadcast %jit3A : f32 to vector<1024x1000xf32>
    %select_n3A = arith.select %eq3A_22, %get3A_14, %broadcast_in_dim3A : vector<1024x1000xi1>, vector<1024x1000xf32>
    %reduce_sum3A_23 = vector.shape_cast %select_n3A : vector<1024x1000xf32> to vector<1x1024x1000xf32>
    %reduce_sum3A_24 = arith.constant dense<0.000000e+00> : vector<1xf32>
    %reduce_sum3A_25 = vector.multi_reduction <add>, %reduce_sum3A_23, %reduce_sum3A_24 [1, 2] : vector<1x1024x1000xf32> to vector<1xf32>
    %reduce_sum3A_26 = vector.shape_cast %reduce_sum3A_25 : vector<1xf32> to vector<1x1x1xf32>
    %reduce_sum3A_27 = vector.extract %reduce_sum3A_26[0, 0, 0] : f32 from vector<1x1x1xf32>
    %mul3A_28 = arith.constant 2.000000e+00 : f32
    %mul3A_29 = arith.mulf %mul3A_28, %reduce_sum3A_27 : f32
    %sub3A = arith.subf %reduce_sum3A_21, %mul3A_29 : f32
    %add3A = arith.constant 0.000000e+00 : f32
    %add3A_30 = arith.addf %add3A, %sub3A : f32
    %dma_start3A_31 = arith.constant 4096 : i32
    %dma_start3A_32 = arith.constant 0 : i32
    %dma_start3A_33 = tpu.memref_slice %arg1[%dma_start3A_31, %dma_start3A_32] : memref<16384x1000xf32, #tpu.memory_space<any>> -> memref<1024x1000xf32, #tpu.memory_space<any>>
    tpu.enqueue_dma source(%dma_start3A_33 : memref<1024x1000xf32, #tpu.memory_space<any>>) target(%arg3 : memref<1024x1000xf32, #tpu.memory_space<vmem>>) target_semaphore(%arg7 : memref<!tpu.dma_semaphore, #tpu.memory_space<semaphore_mem>>)
    %dma_wait3A_34 = arith.constant 1024 : i32
    %dma_wait3A_35 = arith.constant 0 : i32
    %dma_wait3A_36 = tpu.memref_slice %arg1[%dma_wait3A_34, %dma_wait3A_35] : memref<16384x1000xf32, #tpu.memory_space<any>> -> memref<1024x1000xf32, #tpu.memory_space<any>>
    tpu.wait_dma2 semaphore(%arg8 : memref<!tpu.dma_semaphore, #tpu.memory_space<semaphore_mem>>) src(%dma_wait3A_36 : memref<1024x1000xf32, #tpu.memory_space<any>>) dst(%arg4 : memref<1024x1000xf32, #tpu.memory_space<vmem>>)
    %get3A_37 = arith.constant 0 : index
    %get3A_38 = arith.constant 0 : index
    %get3A_39 = vector.load %arg4[%get3A_37, %get3A_38] : memref<1024x1000xf32, #tpu.memory_space<vmem>>, vector<1024x1000xf32>
    %get3A_40 = arith.constant 1024 : index
    %get3A_41 = arith.constant 0 : index
    %get3A_42 = vector.load %arg0[%get3A_40, %get3A_41] : memref<14336x1xi32, #tpu.memory_space<vmem>>, vector<1024x1xi32>
    %mul3A_43 = arith.mulf %get3A_39, %get3A_39 : vector<1024x1000xf32>
    %reduce_sum3A_44 = vector.shape_cast %mul3A_43 : vector<1024x1000xf32> to vector<1x1024x1000xf32>
    %reduce_sum3A_45 = arith.constant dense<0.000000e+00> : vector<1xf32>
    %reduce_sum3A_46 = vector.multi_reduction <add>, %reduce_sum3A_44, %reduce_sum3A_45 [1, 2] : vector<1x1024x1000xf32> to vector<1xf32>
    %reduce_sum3A_47 = vector.shape_cast %reduce_sum3A_46 : vector<1xf32> to vector<1x1x1xf32>
    %reduce_sum3A_48 = vector.extract %reduce_sum3A_47[0, 0, 0] : f32 from vector<1x1x1xf32>
    %eq3A_49 = vector.broadcast %get3A_42 : vector<1024x1xi32> to vector<1024x1000xi32>
    %eq3A_50 = arith.cmpi eq, %iota3A, %eq3A_49 : vector<1024x1000xi32>
    %jit3A_51 = arith.constant 0.000000e+00 : f32
    %broadcast_in_dim3A_52 = vector.broadcast %jit3A_51 : f32 to vector<1024x1000xf32>
    %select_n3A_53 = arith.select %eq3A_50, %get3A_39, %broadcast_in_dim3A_52 : vector<1024x1000xi1>, vector<1024x1000xf32>
    %reduce_sum3A_54 = vector.shape_cast %select_n3A_53 : vector<1024x1000xf32> to vector<1x1024x1000xf32>
    %reduce_sum3A_55 = arith.constant dense<0.000000e+00> : vector<1xf32>
    %reduce_sum3A_56 = vector.multi_reduction <add>, %reduce_sum3A_54, %reduce_sum3A_55 [1, 2] : vector<1x1024x1000xf32> to vector<1xf32>
    %reduce_sum3A_57 = vector.shape_cast %reduce_sum3A_56 : vector<1xf32> to vector<1x1x1xf32>
    %reduce_sum3A_58 = vector.extract %reduce_sum3A_57[0, 0, 0] : f32 from vector<1x1x1xf32>
    %mul3A_59 = arith.constant 2.000000e+00 : f32
    %mul3A_60 = arith.mulf %mul3A_59, %reduce_sum3A_58 : f32
    %sub3A_61 = arith.subf %reduce_sum3A_48, %mul3A_60 : f32
    %add3A_62 = arith.addf %add3A_30, %sub3A_61 : f32
    %dma_start3A_63 = arith.constant 5120 : i32
    %dma_start3A_64 = arith.constant 0 : i32
    %dma_start3A_65 = tpu.memref_slice %arg1[%dma_start3A_63, %dma_start3A_64] : memref<16384x1000xf32, #tpu.memory_space<any>> -> memref<1024x1000xf32, #tpu.memory_space<any>>
    tpu.enqueue_dma source(%dma_start3A_65 : memref<1024x1000xf32, #tpu.memory_space<any>>) target(%arg4 : memref<1024x1000xf32, #tpu.memory_space<vmem>>) target_semaphore(%arg8 : memref<!tpu.dma_semaphore, #tpu.memory_space<semaphore_mem>>)
    %dma_wait3A_66 = arith.constant 2048 : i32
    %dma_wait3A_67 = arith.constant 0 : i32
    %dma_wait3A_68 = tpu.memref_slice %arg1[%dma_wait3A_66, %dma_wait3A_67] : memref<16384x1000xf32, #tpu.memory_space<any>> -> memref<1024x1000xf32, #tpu.memory_space<any>>
    tpu.wait_dma2 semaphore(%arg9 : memref<!tpu.dma_semaphore, #tpu.memory_space<semaphore_mem>>) src(%dma_wait3A_68 : memref<1024x1000xf32, #tpu.memory_space<any>>) dst(%arg5 : memref<1024x1000xf32, #tpu.memory_space<vmem>>)
    %get3A_69 = arith.constant 0 : index
    %get3A_70 = arith.constant 0 : index
    %get3A_71 = vector.load %arg5[%get3A_69, %get3A_70] : memref<1024x1000xf32, #tpu.memory_space<vmem>>, vector<1024x1000xf32>
    %get3A_72 = arith.constant 2048 : index
    %get3A_73 = arith.constant 0 : index
    %get3A_74 = vector.load %arg0[%get3A_72, %get3A_73] : memref<14336x1xi32, #tpu.memory_space<vmem>>, vector<1024x1xi32>
    %mul3A_75 = arith.mulf %get3A_71, %get3A_71 : vector<1024x1000xf32>
    %reduce_sum3A_76 = vector.shape_cast %mul3A_75 : vector<1024x1000xf32> to vector<1x1024x1000xf32>
    %reduce_sum3A_77 = arith.constant dense<0.000000e+00> : vector<1xf32>
    %reduce_sum3A_78 = vector.multi_reduction <add>, %reduce_sum3A_76, %reduce_sum3A_77 [1, 2] : vector<1x1024x1000xf32> to vector<1xf32>
    %reduce_sum3A_79 = vector.shape_cast %reduce_sum3A_78 : vector<1xf32> to vector<1x1x1xf32>
    %reduce_sum3A_80 = vector.extract %reduce_sum3A_79[0, 0, 0] : f32 from vector<1x1x1xf32>
    %eq3A_81 = vector.broadcast %get3A_74 : vector<1024x1xi32> to vector<1024x1000xi32>
    %eq3A_82 = arith.cmpi eq, %iota3A, %eq3A_81 : vector<1024x1000xi32>
    %jit3A_83 = arith.constant 0.000000e+00 : f32
    %broadcast_in_dim3A_84 = vector.broadcast %jit3A_83 : f32 to vector<1024x1000xf32>
    %select_n3A_85 = arith.select %eq3A_82, %get3A_71, %broadcast_in_dim3A_84 : vector<1024x1000xi1>, vector<1024x1000xf32>
    %reduce_sum3A_86 = vector.shape_cast %select_n3A_85 : vector<1024x1000xf32> to vector<1x1024x1000xf32>
    %reduce_sum3A_87 = arith.constant dense<0.000000e+00> : vector<1xf32>
    %reduce_sum3A_88 = vector.multi_reduction <add>, %reduce_sum3A_86, %reduce_sum3A_87 [1, 2] : vector<1x1024x1000xf32> to vector<1xf32>
    %reduce_sum3A_89 = vector.shape_cast %reduce_sum3A_88 : vector<1xf32> to vector<1x1x1xf32>
    %reduce_sum3A_90 = vector.extract %reduce_sum3A_89[0, 0, 0] : f32 from vector<1x1x1xf32>
    %mul3A_91 = arith.constant 2.000000e+00 : f32
    %mul3A_92 = arith.mulf %mul3A_91, %reduce_sum3A_90 : f32
    %sub3A_93 = arith.subf %reduce_sum3A_80, %mul3A_92 : f32
    %add3A_94 = arith.addf %add3A_62, %sub3A_93 : f32
    %dma_start3A_95 = arith.constant 6144 : i32
    %dma_start3A_96 = arith.constant 0 : i32
    %dma_start3A_97 = tpu.memref_slice %arg1[%dma_start3A_95, %dma_start3A_96] : memref<16384x1000xf32, #tpu.memory_space<any>> -> memref<1024x1000xf32, #tpu.memory_space<any>>
    tpu.enqueue_dma source(%dma_start3A_97 : memref<1024x1000xf32, #tpu.memory_space<any>>) target(%arg5 : memref<1024x1000xf32, #tpu.memory_space<vmem>>) target_semaphore(%arg9 : memref<!tpu.dma_semaphore, #tpu.memory_space<semaphore_mem>>)
    %dma_wait3A_98 = arith.constant 3072 : i32
    %dma_wait3A_99 = arith.constant 0 : i32
    %dma_wait3A_100 = tpu.memref_slice %arg1[%dma_wait3A_98, %dma_wait3A_99] : memref<16384x1000xf32, #tpu.memory_space<any>> -> memref<1024x1000xf32, #tpu.memory_space<any>>
    tpu.wait_dma2 semaphore(%arg10 : memref<!tpu.dma_semaphore, #tpu.memory_space<semaphore_mem>>) src(%dma_wait3A_100 : memref<1024x1000xf32, #tpu.memory_space<any>>) dst(%arg6 : memref<1024x1000xf32, #tpu.memory_space<vmem>>)
    %get3A_101 = arith.constant 0 : index
    %get3A_102 = arith.constant 0 : index
    %get3A_103 = vector.load %arg6[%get3A_101, %get3A_102] : memref<1024x1000xf32, #tpu.memory_space<vmem>>, vector<1024x1000xf32>
    %get3A_104 = arith.constant 3072 : index
    %get3A_105 = arith.constant 0 : index
    %get3A_106 = vector.load %arg0[%get3A_104, %get3A_105] : memref<14336x1xi32, #tpu.memory_space<vmem>>, vector<1024x1xi32>
    %mul3A_107 = arith.mulf %get3A_103, %get3A_103 : vector<1024x1000xf32>
    %reduce_sum3A_108 = vector.shape_cast %mul3A_107 : vector<1024x1000xf32> to vector<1x1024x1000xf32>
    %reduce_sum3A_109 = arith.constant dense<0.000000e+00> : vector<1xf32>
    %reduce_sum3A_110 = vector.multi_reduction <add>, %reduce_sum3A_108, %reduce_sum3A_109 [1, 2] : vector<1x1024x1000xf32> to vector<1xf32>
    %reduce_sum3A_111 = vector.shape_cast %reduce_sum3A_110 : vector<1xf32> to vector<1x1x1xf32>
    %reduce_sum3A_112 = vector.extract %reduce_sum3A_111[0, 0, 0] : f32 from vector<1x1x1xf32>
    %eq3A_113 = vector.broadcast %get3A_106 : vector<1024x1xi32> to vector<1024x1000xi32>
    %eq3A_114 = arith.cmpi eq, %iota3A, %eq3A_113 : vector<1024x1000xi32>
    %jit3A_115 = arith.constant 0.000000e+00 : f32
    %broadcast_in_dim3A_116 = vector.broadcast %jit3A_115 : f32 to vector<1024x1000xf32>
    %select_n3A_117 = arith.select %eq3A_114, %get3A_103, %broadcast_in_dim3A_116 : vector<1024x1000xi1>, vector<1024x1000xf32>
    %reduce_sum3A_118 = vector.shape_cast %select_n3A_117 : vector<1024x1000xf32> to vector<1x1024x1000xf32>
    %reduce_sum3A_119 = arith.constant dense<0.000000e+00> : vector<1xf32>
    %reduce_sum3A_120 = vector.multi_reduction <add>, %reduce_sum3A_118, %reduce_sum3A_119 [1, 2] : vector<1x1024x1000xf32> to vector<1xf32>
    %reduce_sum3A_121 = vector.shape_cast %reduce_sum3A_120 : vector<1xf32> to vector<1x1x1xf32>
    %reduce_sum3A_122 = vector.extract %reduce_sum3A_121[0, 0, 0] : f32 from vector<1x1x1xf32>
    %mul3A_123 = arith.constant 2.000000e+00 : f32
    %mul3A_124 = arith.mulf %mul3A_123, %reduce_sum3A_122 : f32
    %sub3A_125 = arith.subf %reduce_sum3A_112, %mul3A_124 : f32
    %add3A_126 = arith.addf %add3A_94, %sub3A_125 : f32
    %dma_start3A_127 = arith.constant 7168 : i32
    %dma_start3A_128 = arith.constant 0 : i32
    %dma_start3A_129 = tpu.memref_slice %arg1[%dma_start3A_127, %dma_start3A_128] : memref<16384x1000xf32, #tpu.memory_space<any>> -> memref<1024x1000xf32, #tpu.memory_space<any>>
    tpu.enqueue_dma source(%dma_start3A_129 : memref<1024x1000xf32, #tpu.memory_space<any>>) target(%arg6 : memref<1024x1000xf32, #tpu.memory_space<vmem>>) target_semaphore(%arg10 : memref<!tpu.dma_semaphore, #tpu.memory_space<semaphore_mem>>)
    %dma_wait3A_130 = arith.constant 4096 : i32
    %dma_wait3A_131 = arith.constant 0 : i32
    %dma_wait3A_132 = tpu.memref_slice %arg1[%dma_wait3A_130, %dma_wait3A_131] : memref<16384x1000xf32, #tpu.memory_space<any>> -> memref<1024x1000xf32, #tpu.memory_space<any>>
    tpu.wait_dma2 semaphore(%arg7 : memref<!tpu.dma_semaphore, #tpu.memory_space<semaphore_mem>>) src(%dma_wait3A_132 : memref<1024x1000xf32, #tpu.memory_space<any>>) dst(%arg3 : memref<1024x1000xf32, #tpu.memory_space<vmem>>)
    %get3A_133 = arith.constant 0 : index
    %get3A_134 = arith.constant 0 : index
    %get3A_135 = vector.load %arg3[%get3A_133, %get3A_134] : memref<1024x1000xf32, #tpu.memory_space<vmem>>, vector<1024x1000xf32>
    %get3A_136 = arith.constant 4096 : index
    %get3A_137 = arith.constant 0 : index
    %get3A_138 = vector.load %arg0[%get3A_136, %get3A_137] : memref<14336x1xi32, #tpu.memory_space<vmem>>, vector<1024x1xi32>
    %mul3A_139 = arith.mulf %get3A_135, %get3A_135 : vector<1024x1000xf32>
    %reduce_sum3A_140 = vector.shape_cast %mul3A_139 : vector<1024x1000xf32> to vector<1x1024x1000xf32>
    %reduce_sum3A_141 = arith.constant dense<0.000000e+00> : vector<1xf32>
    %reduce_sum3A_142 = vector.multi_reduction <add>, %reduce_sum3A_140, %reduce_sum3A_141 [1, 2] : vector<1x1024x1000xf32> to vector<1xf32>
    %reduce_sum3A_143 = vector.shape_cast %reduce_sum3A_142 : vector<1xf32> to vector<1x1x1xf32>
    %reduce_sum3A_144 = vector.extract %reduce_sum3A_143[0, 0, 0] : f32 from vector<1x1x1xf32>
    %eq3A_145 = vector.broadcast %get3A_138 : vector<1024x1xi32> to vector<1024x1000xi32>
    %eq3A_146 = arith.cmpi eq, %iota3A, %eq3A_145 : vector<1024x1000xi32>
    %jit3A_147 = arith.constant 0.000000e+00 : f32
    %broadcast_in_dim3A_148 = vector.broadcast %jit3A_147 : f32 to vector<1024x1000xf32>
    %select_n3A_149 = arith.select %eq3A_146, %get3A_135, %broadcast_in_dim3A_148 : vector<1024x1000xi1>, vector<1024x1000xf32>
    %reduce_sum3A_150 = vector.shape_cast %select_n3A_149 : vector<1024x1000xf32> to vector<1x1024x1000xf32>
    %reduce_sum3A_151 = arith.constant dense<0.000000e+00> : vector<1xf32>
    %reduce_sum3A_152 = vector.multi_reduction <add>, %reduce_sum3A_150, %reduce_sum3A_151 [1, 2] : vector<1x1024x1000xf32> to vector<1xf32>
    %reduce_sum3A_153 = vector.shape_cast %reduce_sum3A_152 : vector<1xf32> to vector<1x1x1xf32>
    %reduce_sum3A_154 = vector.extract %reduce_sum3A_153[0, 0, 0] : f32 from vector<1x1x1xf32>
    %mul3A_155 = arith.constant 2.000000e+00 : f32
    %mul3A_156 = arith.mulf %mul3A_155, %reduce_sum3A_154 : f32
    %sub3A_157 = arith.subf %reduce_sum3A_144, %mul3A_156 : f32
    %add3A_158 = arith.addf %add3A_126, %sub3A_157 : f32
    %dma_start3A_159 = arith.constant 8192 : i32
    %dma_start3A_160 = arith.constant 0 : i32
    %dma_start3A_161 = tpu.memref_slice %arg1[%dma_start3A_159, %dma_start3A_160] : memref<16384x1000xf32, #tpu.memory_space<any>> -> memref<1024x1000xf32, #tpu.memory_space<any>>
    tpu.enqueue_dma source(%dma_start3A_161 : memref<1024x1000xf32, #tpu.memory_space<any>>) target(%arg3 : memref<1024x1000xf32, #tpu.memory_space<vmem>>) target_semaphore(%arg7 : memref<!tpu.dma_semaphore, #tpu.memory_space<semaphore_mem>>)
    %dma_wait3A_162 = arith.constant 5120 : i32
    %dma_wait3A_163 = arith.constant 0 : i32
    %dma_wait3A_164 = tpu.memref_slice %arg1[%dma_wait3A_162, %dma_wait3A_163] : memref<16384x1000xf32, #tpu.memory_space<any>> -> memref<1024x1000xf32, #tpu.memory_space<any>>
    tpu.wait_dma2 semaphore(%arg8 : memref<!tpu.dma_semaphore, #tpu.memory_space<semaphore_mem>>) src(%dma_wait3A_164 : memref<1024x1000xf32, #tpu.memory_space<any>>) dst(%arg4 : memref<1024x1000xf32, #tpu.memory_space<vmem>>)
    %get3A_165 = arith.constant 0 : index
    %get3A_166 = arith.constant 0 : index
    %get3A_167 = vector.load %arg4[%get3A_165, %get3A_166] : memref<1024x1000xf32, #tpu.memory_space<vmem>>, vector<1024x1000xf32>
    %get3A_168 = arith.constant 5120 : index
    %get3A_169 = arith.constant 0 : index
    %get3A_170 = vector.load %arg0[%get3A_168, %get3A_169] : memref<14336x1xi32, #tpu.memory_space<vmem>>, vector<1024x1xi32>
    %mul3A_171 = arith.mulf %get3A_167, %get3A_167 : vector<1024x1000xf32>
    %reduce_sum3A_172 = vector.shape_cast %mul3A_171 : vector<1024x1000xf32> to vector<1x1024x1000xf32>
    %reduce_sum3A_173 = arith.constant dense<0.000000e+00> : vector<1xf32>
    %reduce_sum3A_174 = vector.multi_reduction <add>, %reduce_sum3A_172, %reduce_sum3A_173 [1, 2] : vector<1x1024x1000xf32> to vector<1xf32>
    %reduce_sum3A_175 = vector.shape_cast %reduce_sum3A_174 : vector<1xf32> to vector<1x1x1xf32>
    %reduce_sum3A_176 = vector.extract %reduce_sum3A_175[0, 0, 0] : f32 from vector<1x1x1xf32>
    %eq3A_177 = vector.broadcast %get3A_170 : vector<1024x1xi32> to vector<1024x1000xi32>
    %eq3A_178 = arith.cmpi eq, %iota3A, %eq3A_177 : vector<1024x1000xi32>
    %jit3A_179 = arith.constant 0.000000e+00 : f32
    %broadcast_in_dim3A_180 = vector.broadcast %jit3A_179 : f32 to vector<1024x1000xf32>
    %select_n3A_181 = arith.select %eq3A_178, %get3A_167, %broadcast_in_dim3A_180 : vector<1024x1000xi1>, vector<1024x1000xf32>
    %reduce_sum3A_182 = vector.shape_cast %select_n3A_181 : vector<1024x1000xf32> to vector<1x1024x1000xf32>
    %reduce_sum3A_183 = arith.constant dense<0.000000e+00> : vector<1xf32>
    %reduce_sum3A_184 = vector.multi_reduction <add>, %reduce_sum3A_182, %reduce_sum3A_183 [1, 2] : vector<1x1024x1000xf32> to vector<1xf32>
    %reduce_sum3A_185 = vector.shape_cast %reduce_sum3A_184 : vector<1xf32> to vector<1x1x1xf32>
    %reduce_sum3A_186 = vector.extract %reduce_sum3A_185[0, 0, 0] : f32 from vector<1x1x1xf32>
    %mul3A_187 = arith.constant 2.000000e+00 : f32
    %mul3A_188 = arith.mulf %mul3A_187, %reduce_sum3A_186 : f32
    %sub3A_189 = arith.subf %reduce_sum3A_176, %mul3A_188 : f32
    %add3A_190 = arith.addf %add3A_158, %sub3A_189 : f32
    %dma_start3A_191 = arith.constant 9216 : i32
    %dma_start3A_192 = arith.constant 0 : i32
    %dma_start3A_193 = tpu.memref_slice %arg1[%dma_start3A_191, %dma_start3A_192] : memref<16384x1000xf32, #tpu.memory_space<any>> -> memref<1024x1000xf32, #tpu.memory_space<any>>
    tpu.enqueue_dma source(%dma_start3A_193 : memref<1024x1000xf32, #tpu.memory_space<any>>) target(%arg4 : memref<1024x1000xf32, #tpu.memory_space<vmem>>) target_semaphore(%arg8 : memref<!tpu.dma_semaphore, #tpu.memory_space<semaphore_mem>>)
    %dma_wait3A_194 = arith.constant 6144 : i32
    %dma_wait3A_195 = arith.constant 0 : i32
    %dma_wait3A_196 = tpu.memref_slice %arg1[%dma_wait3A_194, %dma_wait3A_195] : memref<16384x1000xf32, #tpu.memory_space<any>> -> memref<1024x1000xf32, #tpu.memory_space<any>>
    tpu.wait_dma2 semaphore(%arg9 : memref<!tpu.dma_semaphore, #tpu.memory_space<semaphore_mem>>) src(%dma_wait3A_196 : memref<1024x1000xf32, #tpu.memory_space<any>>) dst(%arg5 : memref<1024x1000xf32, #tpu.memory_space<vmem>>)
    %get3A_197 = arith.constant 0 : index
    %get3A_198 = arith.constant 0 : index
    %get3A_199 = vector.load %arg5[%get3A_197, %get3A_198] : memref<1024x1000xf32, #tpu.memory_space<vmem>>, vector<1024x1000xf32>
    %get3A_200 = arith.constant 6144 : index
    %get3A_201 = arith.constant 0 : index
    %get3A_202 = vector.load %arg0[%get3A_200, %get3A_201] : memref<14336x1xi32, #tpu.memory_space<vmem>>, vector<1024x1xi32>
    %mul3A_203 = arith.mulf %get3A_199, %get3A_199 : vector<1024x1000xf32>
    %reduce_sum3A_204 = vector.shape_cast %mul3A_203 : vector<1024x1000xf32> to vector<1x1024x1000xf32>
    %reduce_sum3A_205 = arith.constant dense<0.000000e+00> : vector<1xf32>
    %reduce_sum3A_206 = vector.multi_reduction <add>, %reduce_sum3A_204, %reduce_sum3A_205 [1, 2] : vector<1x1024x1000xf32> to vector<1xf32>
    %reduce_sum3A_207 = vector.shape_cast %reduce_sum3A_206 : vector<1xf32> to vector<1x1x1xf32>
    %reduce_sum3A_208 = vector.extract %reduce_sum3A_207[0, 0, 0] : f32 from vector<1x1x1xf32>
    %eq3A_209 = vector.broadcast %get3A_202 : vector<1024x1xi32> to vector<1024x1000xi32>
    %eq3A_210 = arith.cmpi eq, %iota3A, %eq3A_209 : vector<1024x1000xi32>
    %jit3A_211 = arith.constant 0.000000e+00 : f32
    %broadcast_in_dim3A_212 = vector.broadcast %jit3A_211 : f32 to vector<1024x1000xf32>
    %select_n3A_213 = arith.select %eq3A_210, %get3A_199, %broadcast_in_dim3A_212 : vector<1024x1000xi1>, vector<1024x1000xf32>
    %reduce_sum3A_214 = vector.shape_cast %select_n3A_213 : vector<1024x1000xf32> to vector<1x1024x1000xf32>
    %reduce_sum3A_215 = arith.constant dense<0.000000e+00> : vector<1xf32>
    %reduce_sum3A_216 = vector.multi_reduction <add>, %reduce_sum3A_214, %reduce_sum3A_215 [1, 2] : vector<1x1024x1000xf32> to vector<1xf32>
    %reduce_sum3A_217 = vector.shape_cast %reduce_sum3A_216 : vector<1xf32> to vector<1x1x1xf32>
    %reduce_sum3A_218 = vector.extract %reduce_sum3A_217[0, 0, 0] : f32 from vector<1x1x1xf32>
    %mul3A_219 = arith.constant 2.000000e+00 : f32
    %mul3A_220 = arith.mulf %mul3A_219, %reduce_sum3A_218 : f32
    %sub3A_221 = arith.subf %reduce_sum3A_208, %mul3A_220 : f32
    %add3A_222 = arith.addf %add3A_190, %sub3A_221 : f32
    %dma_start3A_223 = arith.constant 10240 : i32
    %dma_start3A_224 = arith.constant 0 : i32
    %dma_start3A_225 = tpu.memref_slice %arg1[%dma_start3A_223, %dma_start3A_224] : memref<16384x1000xf32, #tpu.memory_space<any>> -> memref<1024x1000xf32, #tpu.memory_space<any>>
    tpu.enqueue_dma source(%dma_start3A_225 : memref<1024x1000xf32, #tpu.memory_space<any>>) target(%arg5 : memref<1024x1000xf32, #tpu.memory_space<vmem>>) target_semaphore(%arg9 : memref<!tpu.dma_semaphore, #tpu.memory_space<semaphore_mem>>)
    %dma_wait3A_226 = arith.constant 7168 : i32
    %dma_wait3A_227 = arith.constant 0 : i32
    %dma_wait3A_228 = tpu.memref_slice %arg1[%dma_wait3A_226, %dma_wait3A_227] : memref<16384x1000xf32, #tpu.memory_space<any>> -> memref<1024x1000xf32, #tpu.memory_space<any>>
    tpu.wait_dma2 semaphore(%arg10 : memref<!tpu.dma_semaphore, #tpu.memory_space<semaphore_mem>>) src(%dma_wait3A_228 : memref<1024x1000xf32, #tpu.memory_space<any>>) dst(%arg6 : memref<1024x1000xf32, #tpu.memory_space<vmem>>)
    %get3A_229 = arith.constant 0 : index
    %get3A_230 = arith.constant 0 : index
    %get3A_231 = vector.load %arg6[%get3A_229, %get3A_230] : memref<1024x1000xf32, #tpu.memory_space<vmem>>, vector<1024x1000xf32>
    %get3A_232 = arith.constant 7168 : index
    %get3A_233 = arith.constant 0 : index
    %get3A_234 = vector.load %arg0[%get3A_232, %get3A_233] : memref<14336x1xi32, #tpu.memory_space<vmem>>, vector<1024x1xi32>
    %mul3A_235 = arith.mulf %get3A_231, %get3A_231 : vector<1024x1000xf32>
    %reduce_sum3A_236 = vector.shape_cast %mul3A_235 : vector<1024x1000xf32> to vector<1x1024x1000xf32>
    %reduce_sum3A_237 = arith.constant dense<0.000000e+00> : vector<1xf32>
    %reduce_sum3A_238 = vector.multi_reduction <add>, %reduce_sum3A_236, %reduce_sum3A_237 [1, 2] : vector<1x1024x1000xf32> to vector<1xf32>
    %reduce_sum3A_239 = vector.shape_cast %reduce_sum3A_238 : vector<1xf32> to vector<1x1x1xf32>
    %reduce_sum3A_240 = vector.extract %reduce_sum3A_239[0, 0, 0] : f32 from vector<1x1x1xf32>
    %eq3A_241 = vector.broadcast %get3A_234 : vector<1024x1xi32> to vector<1024x1000xi32>
    %eq3A_242 = arith.cmpi eq, %iota3A, %eq3A_241 : vector<1024x1000xi32>
    %jit3A_243 = arith.constant 0.000000e+00 : f32
    %broadcast_in_dim3A_244 = vector.broadcast %jit3A_243 : f32 to vector<1024x1000xf32>
    %select_n3A_245 = arith.select %eq3A_242, %get3A_231, %broadcast_in_dim3A_244 : vector<1024x1000xi1>, vector<1024x1000xf32>
    %reduce_sum3A_246 = vector.shape_cast %select_n3A_245 : vector<1024x1000xf32> to vector<1x1024x1000xf32>
    %reduce_sum3A_247 = arith.constant dense<0.000000e+00> : vector<1xf32>
    %reduce_sum3A_248 = vector.multi_reduction <add>, %reduce_sum3A_246, %reduce_sum3A_247 [1, 2] : vector<1x1024x1000xf32> to vector<1xf32>
    %reduce_sum3A_249 = vector.shape_cast %reduce_sum3A_248 : vector<1xf32> to vector<1x1x1xf32>
    %reduce_sum3A_250 = vector.extract %reduce_sum3A_249[0, 0, 0] : f32 from vector<1x1x1xf32>
    %mul3A_251 = arith.constant 2.000000e+00 : f32
    %mul3A_252 = arith.mulf %mul3A_251, %reduce_sum3A_250 : f32
    %sub3A_253 = arith.subf %reduce_sum3A_240, %mul3A_252 : f32
    %add3A_254 = arith.addf %add3A_222, %sub3A_253 : f32
    %dma_start3A_255 = arith.constant 11264 : i32
    %dma_start3A_256 = arith.constant 0 : i32
    %dma_start3A_257 = tpu.memref_slice %arg1[%dma_start3A_255, %dma_start3A_256] : memref<16384x1000xf32, #tpu.memory_space<any>> -> memref<1024x1000xf32, #tpu.memory_space<any>>
    tpu.enqueue_dma source(%dma_start3A_257 : memref<1024x1000xf32, #tpu.memory_space<any>>) target(%arg6 : memref<1024x1000xf32, #tpu.memory_space<vmem>>) target_semaphore(%arg10 : memref<!tpu.dma_semaphore, #tpu.memory_space<semaphore_mem>>)
    %dma_wait3A_258 = arith.constant 8192 : i32
    %dma_wait3A_259 = arith.constant 0 : i32
    %dma_wait3A_260 = tpu.memref_slice %arg1[%dma_wait3A_258, %dma_wait3A_259] : memref<16384x1000xf32, #tpu.memory_space<any>> -> memref<1024x1000xf32, #tpu.memory_space<any>>
    tpu.wait_dma2 semaphore(%arg7 : memref<!tpu.dma_semaphore, #tpu.memory_space<semaphore_mem>>) src(%dma_wait3A_260 : memref<1024x1000xf32, #tpu.memory_space<any>>) dst(%arg3 : memref<1024x1000xf32, #tpu.memory_space<vmem>>)
    %get3A_261 = arith.constant 0 : index
    %get3A_262 = arith.constant 0 : index
    %get3A_263 = vector.load %arg3[%get3A_261, %get3A_262] : memref<1024x1000xf32, #tpu.memory_space<vmem>>, vector<1024x1000xf32>
    %get3A_264 = arith.constant 8192 : index
    %get3A_265 = arith.constant 0 : index
    %get3A_266 = vector.load %arg0[%get3A_264, %get3A_265] : memref<14336x1xi32, #tpu.memory_space<vmem>>, vector<1024x1xi32>
    %mul3A_267 = arith.mulf %get3A_263, %get3A_263 : vector<1024x1000xf32>
    %reduce_sum3A_268 = vector.shape_cast %mul3A_267 : vector<1024x1000xf32> to vector<1x1024x1000xf32>
    %reduce_sum3A_269 = arith.constant dense<0.000000e+00> : vector<1xf32>
    %reduce_sum3A_270 = vector.multi_reduction <add>, %reduce_sum3A_268, %reduce_sum3A_269 [1, 2] : vector<1x1024x1000xf32> to vector<1xf32>
    %reduce_sum3A_271 = vector.shape_cast %reduce_sum3A_270 : vector<1xf32> to vector<1x1x1xf32>
    %reduce_sum3A_272 = vector.extract %reduce_sum3A_271[0, 0, 0] : f32 from vector<1x1x1xf32>
    %eq3A_273 = vector.broadcast %get3A_266 : vector<1024x1xi32> to vector<1024x1000xi32>
    %eq3A_274 = arith.cmpi eq, %iota3A, %eq3A_273 : vector<1024x1000xi32>
    %jit3A_275 = arith.constant 0.000000e+00 : f32
    %broadcast_in_dim3A_276 = vector.broadcast %jit3A_275 : f32 to vector<1024x1000xf32>
    %select_n3A_277 = arith.select %eq3A_274, %get3A_263, %broadcast_in_dim3A_276 : vector<1024x1000xi1>, vector<1024x1000xf32>
    %reduce_sum3A_278 = vector.shape_cast %select_n3A_277 : vector<1024x1000xf32> to vector<1x1024x1000xf32>
    %reduce_sum3A_279 = arith.constant dense<0.000000e+00> : vector<1xf32>
    %reduce_sum3A_280 = vector.multi_reduction <add>, %reduce_sum3A_278, %reduce_sum3A_279 [1, 2] : vector<1x1024x1000xf32> to vector<1xf32>
    %reduce_sum3A_281 = vector.shape_cast %reduce_sum3A_280 : vector<1xf32> to vector<1x1x1xf32>
    %reduce_sum3A_282 = vector.extract %reduce_sum3A_281[0, 0, 0] : f32 from vector<1x1x1xf32>
    %mul3A_283 = arith.constant 2.000000e+00 : f32
    %mul3A_284 = arith.mulf %mul3A_283, %reduce_sum3A_282 : f32
    %sub3A_285 = arith.subf %reduce_sum3A_272, %mul3A_284 : f32
    %add3A_286 = arith.addf %add3A_254, %sub3A_285 : f32
    %dma_start3A_287 = arith.constant 12288 : i32
    %dma_start3A_288 = arith.constant 0 : i32
    %dma_start3A_289 = tpu.memref_slice %arg1[%dma_start3A_287, %dma_start3A_288] : memref<16384x1000xf32, #tpu.memory_space<any>> -> memref<1024x1000xf32, #tpu.memory_space<any>>
    tpu.enqueue_dma source(%dma_start3A_289 : memref<1024x1000xf32, #tpu.memory_space<any>>) target(%arg3 : memref<1024x1000xf32, #tpu.memory_space<vmem>>) target_semaphore(%arg7 : memref<!tpu.dma_semaphore, #tpu.memory_space<semaphore_mem>>)
    %dma_wait3A_290 = arith.constant 9216 : i32
    %dma_wait3A_291 = arith.constant 0 : i32
    %dma_wait3A_292 = tpu.memref_slice %arg1[%dma_wait3A_290, %dma_wait3A_291] : memref<16384x1000xf32, #tpu.memory_space<any>> -> memref<1024x1000xf32, #tpu.memory_space<any>>
    tpu.wait_dma2 semaphore(%arg8 : memref<!tpu.dma_semaphore, #tpu.memory_space<semaphore_mem>>) src(%dma_wait3A_292 : memref<1024x1000xf32, #tpu.memory_space<any>>) dst(%arg4 : memref<1024x1000xf32, #tpu.memory_space<vmem>>)
    %get3A_293 = arith.constant 0 : index
    %get3A_294 = arith.constant 0 : index
    %get3A_295 = vector.load %arg4[%get3A_293, %get3A_294] : memref<1024x1000xf32, #tpu.memory_space<vmem>>, vector<1024x1000xf32>
    %get3A_296 = arith.constant 9216 : index
    %get3A_297 = arith.constant 0 : index
    %get3A_298 = vector.load %arg0[%get3A_296, %get3A_297] : memref<14336x1xi32, #tpu.memory_space<vmem>>, vector<1024x1xi32>
    %mul3A_299 = arith.mulf %get3A_295, %get3A_295 : vector<1024x1000xf32>
    %reduce_sum3A_300 = vector.shape_cast %mul3A_299 : vector<1024x1000xf32> to vector<1x1024x1000xf32>
    %reduce_sum3A_301 = arith.constant dense<0.000000e+00> : vector<1xf32>
    %reduce_sum3A_302 = vector.multi_reduction <add>, %reduce_sum3A_300, %reduce_sum3A_301 [1, 2] : vector<1x1024x1000xf32> to vector<1xf32>
    %reduce_sum3A_303 = vector.shape_cast %reduce_sum3A_302 : vector<1xf32> to vector<1x1x1xf32>
    %reduce_sum3A_304 = vector.extract %reduce_sum3A_303[0, 0, 0] : f32 from vector<1x1x1xf32>
    %eq3A_305 = vector.broadcast %get3A_298 : vector<1024x1xi32> to vector<1024x1000xi32>
    %eq3A_306 = arith.cmpi eq, %iota3A, %eq3A_305 : vector<1024x1000xi32>
    %jit3A_307 = arith.constant 0.000000e+00 : f32
    %broadcast_in_dim3A_308 = vector.broadcast %jit3A_307 : f32 to vector<1024x1000xf32>
    %select_n3A_309 = arith.select %eq3A_306, %get3A_295, %broadcast_in_dim3A_308 : vector<1024x1000xi1>, vector<1024x1000xf32>
    %reduce_sum3A_310 = vector.shape_cast %select_n3A_309 : vector<1024x1000xf32> to vector<1x1024x1000xf32>
    %reduce_sum3A_311 = arith.constant dense<0.000000e+00> : vector<1xf32>
    %reduce_sum3A_312 = vector.multi_reduction <add>, %reduce_sum3A_310, %reduce_sum3A_311 [1, 2] : vector<1x1024x1000xf32> to vector<1xf32>
    %reduce_sum3A_313 = vector.shape_cast %reduce_sum3A_312 : vector<1xf32> to vector<1x1x1xf32>
    %reduce_sum3A_314 = vector.extract %reduce_sum3A_313[0, 0, 0] : f32 from vector<1x1x1xf32>
    %mul3A_315 = arith.constant 2.000000e+00 : f32
    %mul3A_316 = arith.mulf %mul3A_315, %reduce_sum3A_314 : f32
    %sub3A_317 = arith.subf %reduce_sum3A_304, %mul3A_316 : f32
    %add3A_318 = arith.addf %add3A_286, %sub3A_317 : f32
    %dma_start3A_319 = arith.constant 13312 : i32
    %dma_start3A_320 = arith.constant 0 : i32
    %dma_start3A_321 = tpu.memref_slice %arg1[%dma_start3A_319, %dma_start3A_320] : memref<16384x1000xf32, #tpu.memory_space<any>> -> memref<1024x1000xf32, #tpu.memory_space<any>>
    tpu.enqueue_dma source(%dma_start3A_321 : memref<1024x1000xf32, #tpu.memory_space<any>>) target(%arg4 : memref<1024x1000xf32, #tpu.memory_space<vmem>>) target_semaphore(%arg8 : memref<!tpu.dma_semaphore, #tpu.memory_space<semaphore_mem>>)
    %dma_wait3A_322 = arith.constant 10240 : i32
    %dma_wait3A_323 = arith.constant 0 : i32
    %dma_wait3A_324 = tpu.memref_slice %arg1[%dma_wait3A_322, %dma_wait3A_323] : memref<16384x1000xf32, #tpu.memory_space<any>> -> memref<1024x1000xf32, #tpu.memory_space<any>>
    tpu.wait_dma2 semaphore(%arg9 : memref<!tpu.dma_semaphore, #tpu.memory_space<semaphore_mem>>) src(%dma_wait3A_324 : memref<1024x1000xf32, #tpu.memory_space<any>>) dst(%arg5 : memref<1024x1000xf32, #tpu.memory_space<vmem>>)
    %get3A_325 = arith.constant 0 : index
    %get3A_326 = arith.constant 0 : index
    %get3A_327 = vector.load %arg5[%get3A_325, %get3A_326] : memref<1024x1000xf32, #tpu.memory_space<vmem>>, vector<1024x1000xf32>
    %get3A_328 = arith.constant 10240 : index
    %get3A_329 = arith.constant 0 : index
    %get3A_330 = vector.load %arg0[%get3A_328, %get3A_329] : memref<14336x1xi32, #tpu.memory_space<vmem>>, vector<1024x1xi32>
    %mul3A_331 = arith.mulf %get3A_327, %get3A_327 : vector<1024x1000xf32>
    %reduce_sum3A_332 = vector.shape_cast %mul3A_331 : vector<1024x1000xf32> to vector<1x1024x1000xf32>
    %reduce_sum3A_333 = arith.constant dense<0.000000e+00> : vector<1xf32>
    %reduce_sum3A_334 = vector.multi_reduction <add>, %reduce_sum3A_332, %reduce_sum3A_333 [1, 2] : vector<1x1024x1000xf32> to vector<1xf32>
    %reduce_sum3A_335 = vector.shape_cast %reduce_sum3A_334 : vector<1xf32> to vector<1x1x1xf32>
    %reduce_sum3A_336 = vector.extract %reduce_sum3A_335[0, 0, 0] : f32 from vector<1x1x1xf32>
    %eq3A_337 = vector.broadcast %get3A_330 : vector<1024x1xi32> to vector<1024x1000xi32>
    %eq3A_338 = arith.cmpi eq, %iota3A, %eq3A_337 : vector<1024x1000xi32>
    %jit3A_339 = arith.constant 0.000000e+00 : f32
    %broadcast_in_dim3A_340 = vector.broadcast %jit3A_339 : f32 to vector<1024x1000xf32>
    %select_n3A_341 = arith.select %eq3A_338, %get3A_327, %broadcast_in_dim3A_340 : vector<1024x1000xi1>, vector<1024x1000xf32>
    %reduce_sum3A_342 = vector.shape_cast %select_n3A_341 : vector<1024x1000xf32> to vector<1x1024x1000xf32>
    %reduce_sum3A_343 = arith.constant dense<0.000000e+00> : vector<1xf32>
    %reduce_sum3A_344 = vector.multi_reduction <add>, %reduce_sum3A_342, %reduce_sum3A_343 [1, 2] : vector<1x1024x1000xf32> to vector<1xf32>
    %reduce_sum3A_345 = vector.shape_cast %reduce_sum3A_344 : vector<1xf32> to vector<1x1x1xf32>
    %reduce_sum3A_346 = vector.extract %reduce_sum3A_345[0, 0, 0] : f32 from vector<1x1x1xf32>
    %mul3A_347 = arith.constant 2.000000e+00 : f32
    %mul3A_348 = arith.mulf %mul3A_347, %reduce_sum3A_346 : f32
    %sub3A_349 = arith.subf %reduce_sum3A_336, %mul3A_348 : f32
    %add3A_350 = arith.addf %add3A_318, %sub3A_349 : f32
    %dma_wait3A_351 = arith.constant 11264 : i32
    %dma_wait3A_352 = arith.constant 0 : i32
    %dma_wait3A_353 = tpu.memref_slice %arg1[%dma_wait3A_351, %dma_wait3A_352] : memref<16384x1000xf32, #tpu.memory_space<any>> -> memref<1024x1000xf32, #tpu.memory_space<any>>
    tpu.wait_dma2 semaphore(%arg10 : memref<!tpu.dma_semaphore, #tpu.memory_space<semaphore_mem>>) src(%dma_wait3A_353 : memref<1024x1000xf32, #tpu.memory_space<any>>) dst(%arg6 : memref<1024x1000xf32, #tpu.memory_space<vmem>>)
    %get3A_354 = arith.constant 0 : index
    %get3A_355 = arith.constant 0 : index
    %get3A_356 = vector.load %arg6[%get3A_354, %get3A_355] : memref<1024x1000xf32, #tpu.memory_space<vmem>>, vector<1024x1000xf32>
    %get3A_357 = arith.constant 11264 : index
    %get3A_358 = arith.constant 0 : index
    %get3A_359 = vector.load %arg0[%get3A_357, %get3A_358] : memref<14336x1xi32, #tpu.memory_space<vmem>>, vector<1024x1xi32>
    %mul3A_360 = arith.mulf %get3A_356, %get3A_356 : vector<1024x1000xf32>
    %reduce_sum3A_361 = vector.shape_cast %mul3A_360 : vector<1024x1000xf32> to vector<1x1024x1000xf32>
    %reduce_sum3A_362 = arith.constant dense<0.000000e+00> : vector<1xf32>
    %reduce_sum3A_363 = vector.multi_reduction <add>, %reduce_sum3A_361, %reduce_sum3A_362 [1, 2] : vector<1x1024x1000xf32> to vector<1xf32>
    %reduce_sum3A_364 = vector.shape_cast %reduce_sum3A_363 : vector<1xf32> to vector<1x1x1xf32>
    %reduce_sum3A_365 = vector.extract %reduce_sum3A_364[0, 0, 0] : f32 from vector<1x1x1xf32>
    %eq3A_366 = vector.broadcast %get3A_359 : vector<1024x1xi32> to vector<1024x1000xi32>
    %eq3A_367 = arith.cmpi eq, %iota3A, %eq3A_366 : vector<1024x1000xi32>
    %jit3A_368 = arith.constant 0.000000e+00 : f32
    %broadcast_in_dim3A_369 = vector.broadcast %jit3A_368 : f32 to vector<1024x1000xf32>
    %select_n3A_370 = arith.select %eq3A_367, %get3A_356, %broadcast_in_dim3A_369 : vector<1024x1000xi1>, vector<1024x1000xf32>
    %reduce_sum3A_371 = vector.shape_cast %select_n3A_370 : vector<1024x1000xf32> to vector<1x1024x1000xf32>
    %reduce_sum3A_372 = arith.constant dense<0.000000e+00> : vector<1xf32>
    %reduce_sum3A_373 = vector.multi_reduction <add>, %reduce_sum3A_371, %reduce_sum3A_372 [1, 2] : vector<1x1024x1000xf32> to vector<1xf32>
    %reduce_sum3A_374 = vector.shape_cast %reduce_sum3A_373 : vector<1xf32> to vector<1x1x1xf32>
    %reduce_sum3A_375 = vector.extract %reduce_sum3A_374[0, 0, 0] : f32 from vector<1x1x1xf32>
    %mul3A_376 = arith.constant 2.000000e+00 : f32
    %mul3A_377 = arith.mulf %mul3A_376, %reduce_sum3A_375 : f32
    %sub3A_378 = arith.subf %reduce_sum3A_365, %mul3A_377 : f32
    %add3A_379 = arith.addf %add3A_350, %sub3A_378 : f32
    %dma_wait3A_380 = arith.constant 12288 : i32
    %dma_wait3A_381 = arith.constant 0 : i32
    %dma_wait3A_382 = tpu.memref_slice %arg1[%dma_wait3A_380, %dma_wait3A_381] : memref<16384x1000xf32, #tpu.memory_space<any>> -> memref<1024x1000xf32, #tpu.memory_space<any>>
    tpu.wait_dma2 semaphore(%arg7 : memref<!tpu.dma_semaphore, #tpu.memory_space<semaphore_mem>>) src(%dma_wait3A_382 : memref<1024x1000xf32, #tpu.memory_space<any>>) dst(%arg3 : memref<1024x1000xf32, #tpu.memory_space<vmem>>)
    %get3A_383 = arith.constant 0 : index
    %get3A_384 = arith.constant 0 : index
    %get3A_385 = vector.load %arg3[%get3A_383, %get3A_384] : memref<1024x1000xf32, #tpu.memory_space<vmem>>, vector<1024x1000xf32>
    %get3A_386 = arith.constant 12288 : index
    %get3A_387 = arith.constant 0 : index
    %get3A_388 = vector.load %arg0[%get3A_386, %get3A_387] : memref<14336x1xi32, #tpu.memory_space<vmem>>, vector<1024x1xi32>
    %mul3A_389 = arith.mulf %get3A_385, %get3A_385 : vector<1024x1000xf32>
    %reduce_sum3A_390 = vector.shape_cast %mul3A_389 : vector<1024x1000xf32> to vector<1x1024x1000xf32>
    %reduce_sum3A_391 = arith.constant dense<0.000000e+00> : vector<1xf32>
    %reduce_sum3A_392 = vector.multi_reduction <add>, %reduce_sum3A_390, %reduce_sum3A_391 [1, 2] : vector<1x1024x1000xf32> to vector<1xf32>
    %reduce_sum3A_393 = vector.shape_cast %reduce_sum3A_392 : vector<1xf32> to vector<1x1x1xf32>
    %reduce_sum3A_394 = vector.extract %reduce_sum3A_393[0, 0, 0] : f32 from vector<1x1x1xf32>
    %eq3A_395 = vector.broadcast %get3A_388 : vector<1024x1xi32> to vector<1024x1000xi32>
    %eq3A_396 = arith.cmpi eq, %iota3A, %eq3A_395 : vector<1024x1000xi32>
    %jit3A_397 = arith.constant 0.000000e+00 : f32
    %broadcast_in_dim3A_398 = vector.broadcast %jit3A_397 : f32 to vector<1024x1000xf32>
    %select_n3A_399 = arith.select %eq3A_396, %get3A_385, %broadcast_in_dim3A_398 : vector<1024x1000xi1>, vector<1024x1000xf32>
    %reduce_sum3A_400 = vector.shape_cast %select_n3A_399 : vector<1024x1000xf32> to vector<1x1024x1000xf32>
    %reduce_sum3A_401 = arith.constant dense<0.000000e+00> : vector<1xf32>
    %reduce_sum3A_402 = vector.multi_reduction <add>, %reduce_sum3A_400, %reduce_sum3A_401 [1, 2] : vector<1x1024x1000xf32> to vector<1xf32>
    %reduce_sum3A_403 = vector.shape_cast %reduce_sum3A_402 : vector<1xf32> to vector<1x1x1xf32>
    %reduce_sum3A_404 = vector.extract %reduce_sum3A_403[0, 0, 0] : f32 from vector<1x1x1xf32>
    %mul3A_405 = arith.constant 2.000000e+00 : f32
    %mul3A_406 = arith.mulf %mul3A_405, %reduce_sum3A_404 : f32
    %sub3A_407 = arith.subf %reduce_sum3A_394, %mul3A_406 : f32
    %add3A_408 = arith.addf %add3A_379, %sub3A_407 : f32
    %dma_wait3A_409 = arith.constant 13312 : i32
    %dma_wait3A_410 = arith.constant 0 : i32
    %dma_wait3A_411 = tpu.memref_slice %arg1[%dma_wait3A_409, %dma_wait3A_410] : memref<16384x1000xf32, #tpu.memory_space<any>> -> memref<1024x1000xf32, #tpu.memory_space<any>>
    tpu.wait_dma2 semaphore(%arg8 : memref<!tpu.dma_semaphore, #tpu.memory_space<semaphore_mem>>) src(%dma_wait3A_411 : memref<1024x1000xf32, #tpu.memory_space<any>>) dst(%arg4 : memref<1024x1000xf32, #tpu.memory_space<vmem>>)
    %get3A_412 = arith.constant 0 : index
    %get3A_413 = arith.constant 0 : index
    %get3A_414 = vector.load %arg4[%get3A_412, %get3A_413] : memref<1024x1000xf32, #tpu.memory_space<vmem>>, vector<1024x1000xf32>
    %get3A_415 = arith.constant 13312 : index
    %get3A_416 = arith.constant 0 : index
    %get3A_417 = vector.load %arg0[%get3A_415, %get3A_416] : memref<14336x1xi32, #tpu.memory_space<vmem>>, vector<1024x1xi32>
    %mul3A_418 = arith.mulf %get3A_414, %get3A_414 : vector<1024x1000xf32>
    %reduce_sum3A_419 = vector.shape_cast %mul3A_418 : vector<1024x1000xf32> to vector<1x1024x1000xf32>
    %reduce_sum3A_420 = arith.constant dense<0.000000e+00> : vector<1xf32>
    %reduce_sum3A_421 = vector.multi_reduction <add>, %reduce_sum3A_419, %reduce_sum3A_420 [1, 2] : vector<1x1024x1000xf32> to vector<1xf32>
    %reduce_sum3A_422 = vector.shape_cast %reduce_sum3A_421 : vector<1xf32> to vector<1x1x1xf32>
    %reduce_sum3A_423 = vector.extract %reduce_sum3A_422[0, 0, 0] : f32 from vector<1x1x1xf32>
    %eq3A_424 = vector.broadcast %get3A_417 : vector<1024x1xi32> to vector<1024x1000xi32>
    %eq3A_425 = arith.cmpi eq, %iota3A, %eq3A_424 : vector<1024x1000xi32>
    %jit3A_426 = arith.constant 0.000000e+00 : f32
    %broadcast_in_dim3A_427 = vector.broadcast %jit3A_426 : f32 to vector<1024x1000xf32>
    %select_n3A_428 = arith.select %eq3A_425, %get3A_414, %broadcast_in_dim3A_427 : vector<1024x1000xi1>, vector<1024x1000xf32>
    %reduce_sum3A_429 = vector.shape_cast %select_n3A_428 : vector<1024x1000xf32> to vector<1x1024x1000xf32>
    %reduce_sum3A_430 = arith.constant dense<0.000000e+00> : vector<1xf32>
    %reduce_sum3A_431 = vector.multi_reduction <add>, %reduce_sum3A_429, %reduce_sum3A_430 [1, 2] : vector<1x1024x1000xf32> to vector<1xf32>
    %reduce_sum3A_432 = vector.shape_cast %reduce_sum3A_431 : vector<1xf32> to vector<1x1x1xf32>
    %reduce_sum3A_433 = vector.extract %reduce_sum3A_432[0, 0, 0] : f32 from vector<1x1x1xf32>
    %mul3A_434 = arith.constant 2.000000e+00 : f32
    %mul3A_435 = arith.mulf %mul3A_434, %reduce_sum3A_433 : f32
    %sub3A_436 = arith.subf %reduce_sum3A_423, %mul3A_435 : f32
    %add3A_437 = arith.addf %add3A_408, %sub3A_436 : f32
    %swap3A = arith.constant 0 : index
    %swap3A_438 = arith.constant 0 : index
    %swap3A_439 = memref.load %arg2[%swap3A, %swap3A_438] : memref<1x1xf32, #tpu.memory_space<smem>>
    memref.store %add3A_437, %arg2[%swap3A, %swap3A_438] : memref<1x1xf32, #tpu.memory_space<smem>>
    return
  }
}

module attributes {stable_mosaic.version = 14 : i64} {
  func.func @_combine_body(%arg0: memref<1x1xf32, #tpu.memory_space<smem>>, %arg1: memref<32x32xf32, #tpu.memory_space<vmem>>, %arg2: memref<1x1xf32, #tpu.memory_space<smem>>) attributes {dimension_semantics = [], scalar_prefetch = 0 : i64, scratch_operands = 0 : i64, tpu.core_type = #tpu.core_type<tc>} {
    %get3A = arith.constant 0 : index
    %get3A_0 = arith.constant 0 : index
    %get3A_1 = vector.load %arg1[%get3A, %get3A_0] : memref<32x32xf32, #tpu.memory_space<vmem>>, vector<32x32xf32>
    %get3A_2 = arith.constant 0 : index
    %get3A_3 = arith.constant 0 : index
    %get3A_4 = memref.load %arg0[%get3A_2, %get3A_3] : memref<1x1xf32, #tpu.memory_space<smem>>
    %slice3A = vector.extract_strided_slice %get3A_1 {offsets = [0, 0], sizes = [32, 16], strides = [1, 1]} : vector<32x32xf32> to vector<32x16xf32>
    %reduce_sum3A = vector.shape_cast %slice3A : vector<32x16xf32> to vector<1x32x16xf32>
    %reduce_sum3A_5 = arith.constant dense<0.000000e+00> : vector<1xf32>
    %reduce_sum3A_6 = vector.multi_reduction <add>, %reduce_sum3A, %reduce_sum3A_5 [1, 2] : vector<1x32x16xf32> to vector<1xf32>
    %reduce_sum3A_7 = vector.shape_cast %reduce_sum3A_6 : vector<1xf32> to vector<1x1x1xf32>
    %reduce_sum3A_8 = vector.extract %reduce_sum3A_7[0, 0, 0] : f32 from vector<1x1x1xf32>
    %add3A = arith.addf %get3A_4, %reduce_sum3A_8 : f32
    %slice3A_9 = vector.extract_strided_slice %get3A_1 {offsets = [0, 16], sizes = [32, 16], strides = [1, 1]} : vector<32x32xf32> to vector<32x16xf32>
    %reduce_sum3A_10 = vector.shape_cast %slice3A_9 : vector<32x16xf32> to vector<1x32x16xf32>
    %reduce_sum3A_11 = arith.constant dense<0.000000e+00> : vector<1xf32>
    %reduce_sum3A_12 = vector.multi_reduction <add>, %reduce_sum3A_10, %reduce_sum3A_11 [1, 2] : vector<1x32x16xf32> to vector<1xf32>
    %reduce_sum3A_13 = vector.shape_cast %reduce_sum3A_12 : vector<1xf32> to vector<1x1x1xf32>
    %reduce_sum3A_14 = vector.extract %reduce_sum3A_13[0, 0, 0] : f32 from vector<1x1x1xf32>
    %mul3A = arith.constant 2.000000e+00 : f32
    %mul3A_15 = arith.mulf %mul3A, %reduce_sum3A_14 : f32
    %sub3A = arith.subf %add3A, %mul3A_15 : f32
    %add3A_16 = arith.constant 1.638400e+04 : f32
    %add3A_17 = arith.addf %sub3A, %add3A_16 : f32
    %div3A = arith.constant 1.638400e+04 : f32
    %div3A_18 = arith.divf %add3A_17, %div3A : f32
    %swap3A = arith.constant 0 : index
    %swap3A_19 = arith.constant 0 : index
    %swap3A_20 = memref.load %arg2[%swap3A, %swap3A_19] : memref<1x1xf32, #tpu.memory_space<smem>>
    memref.store %div3A_18, %arg2[%swap3A, %swap3A_19] : memref<1x1xf32, #tpu.memory_space<smem>>
    return
  }
}

</mosaic_0001>

<sc_bundles>
// kernel: kernel.5.cloned.1.call-start
scs
__scs_entry_jumppad:
0x0: {  	(pc) =	sbr.rel $0x88, $3  }
0x1: {  	(tag) =	ssettag $0x0;
	lr =	simm.s32 $0x1  }
0x2: {  	[smem:$0x3F9F] =	sst lr;
	_ =	strace $0xD0000000  }
0x3: {  	_ = 	snop  }
0x4: {  	_ = 	snop  }
0x5: {  	_ = 	snop  }
0x6: {  	_ = 	snop  }
0x7: {  	_ = 	snop  }
__scs_overlays_trampoline_lowered:
0x8: {  	[smem:$0x3FAE] =	sst s0  }
0x9: {  	[smem:$0x3FAF] =	sst s1  }
0xa: {  	[smem:$0x3FB0] =	sst s2  }
0xb: {  	[smem:$0x3FB1] =	sst s3  }
0xc: {  	[smem:$0x3FB2] =	sst s4  }
0xd: {  	[smem:$0x3FB3] =	sst s5  }
0xe: {  	[smem:$0x3FB4] =	sst s6  }
0xf: {  	[smem:$0x3FB5] =	sst s7  }
0x10: {  	[smem:$0x3FB6] =	sst s8  }
0x11: {  	[smem:$0x3FB7] =	sst s9;
	s0 =	simm.s32 @!p0 $0x0  }
0x12: {  	s1 =	sld [smem:$0x3F9D];
	s0 =	simm.s32 @p0 $0x1  }
0x13: {  	[smem:$0x3FB8] =	sst s0;
	s0 =	simm.s32 @!p1 $0x0  }
0x14: {  	s2 =	sld [smem:$0x3F9C];
	s0 =	simm.s32 @p1 $0x1  }
0x15: {  	[smem:$0x3FB9] =	sst s0;
	s0 =	simm.s32 @!p2 $0x0  }
0x16: {  	s3 =	sld [smem:$0x3FDB];
	s0 =	simm.s32 @p2 $0x1  }
0x17: {  	s4 =	simm.s32 $0x1BF5;
	[smem:$0x3FBB] =	sst s0  }
0x18: {  	s0 =	sld [smem:$0x3F9E];
	_ =	swait.ge [sflag:s4], $0x0  }
0x19: {  	s7 =	sld [smem:$0x3F9F]  }
0x1a: {  	s8 =	sadd.s32 $0xFFFFE003, lr  }
0x1b: {  	s9 =	sadd.s32 $0xFFFFFEF7, lr;
	s5 =	simm.s32 $0xFFFFFFFF;
	p2 =	slt.u32 s8, $0xFFFFF086  }
0x1c: {  	p1 =	slt.u32 s9, $0xF7A;
	s5 =	simm.s32 @!p2 $0x0  }
0x1d: {  	s5 =	simm.s32 @p1 $0x1;
	p0 =	seq.s32 s7, s2  }
0x1e: {  	s7 =	smul.u32 @!p0 $0xF7A, s2;
	p2 =	seq.s32 @!p0 s5, $0x0  }
0x1f: {  	s9 =	smul.u32 $0xF7A, s1;
	s8 =	simm.s32 @!p0 $0x1BF5;
	p2 =	por !p2, p0  }
0x20: {  	[sflag:s8] =	ssyncset.s32 @!p0 $0xFFFFF086;
	s6 =	sadd.s32 @!p0 s3, s7;
	s7 =	simm.s32 @!p0 $0x108  }
0x21: {  	s3 =	sadd.s32 s3, s9;
	s6 =	sadd.s32 @!p0 $0x88, s6;
	s7 =	simm.s32 @p2 $0x1082  }
0x22: {  	[simem:s7], [sflag:s8] =	dma.local @!p0 [hbm:s6], $0xF7A  }
0x23: {  	s9 =	sor.u32 $0xD0000000, s2;
	s6 =	simm.s32 $0x108;
	_ =	swait.ge @!p0 [sflag:s8], $0x0  }
0x24: {  	s3 =	sadd.s32 $0x88, s3;
	s6 =	simm.s32 @!p1 $0x1082;
	[sflag:s4] =	ssyncset.s32 $0xFFFFF086  }
0x25: {  	[simem:s6], [sflag:s4] =	dma.local [hbm:s3], $0xF7A  }
0x26: {  	[smem:$0x3F9F] =	sst s1;
	(tag) =	ssettag s2;
	_ =	strace s9  }
0x27: {  	s1 =	sld [smem:$0x3FAF]  }
0x28: {  	s2 =	sld [smem:$0x3FB0]  }
0x29: {  	s4 =	sld [smem:$0x3FB2]  }
0x2a: {  	p0 =	seq.s32 s5, $0x0;
	s5 =	sld [smem:$0x3FB3]  }
0x2b: {  	s6 =	sld [smem:$0x3FB4]  }
0x2c: {  	s7 =	sld [smem:$0x3FB5]  }
0x2d: {  	s3 =	simm.s32 $0x108;
	s8 =	sld [smem:$0x3FB6]  }
0x2e: {  	s3 =	simm.s32 @!p0 $0x1082;
	s9 =	sld [smem:$0x3FB7]  }
0x2f: {  	lr =	sadd.s32 s0, s3;
	s0 =	sld [smem:$0x3FAE]  }
0x30: {  	s3 =	sld [smem:$0x3FB1]  }
0x31: {  	[smem:$0x3FBA] =	sst s10  }
0x32: {  	s10 =	sld [smem:$0x3FB8];
	_ =	sdelay $0x3  }
0x33: {  	p0 =	seq.s32 s10, $0x1;
	s10 =	sld [smem:$0x3FBA];
	_ =	sdelay $0x3  }
0x34: {  	[smem:$0x3FBA] =	sst s10  }
0x35: {  	s10 =	sld [smem:$0x3FB9];
	_ =	sdelay $0x3  }
0x36: {  	p1 =	seq.s32 s10, $0x1;
	s10 =	sld [smem:$0x3FBA];
	_ =	sdelay $0x3  }
0x37: {  	[smem:$0x3FBA] =	sst s10  }
0x38: {  	s10 =	sld [smem:$0x3FBB]  }
0x39: {  	_ = 	snop;
	(pc) =	sbr.ind lr, $3  }
0x3a: {  	_ = 	snop  }
0x3b: {  	_ = 	snop  }
0x3c: {  	p2 =	seq.s32 s10, $0x1;
	s10 =	sld [smem:$0x3FBA]  }
0x3d: {  	_ =	shalt  }
0x3e: {  	_ =	shalt  }
0x3f: {  	_ =	shalt  }
0x40: {  	_ =	shalt  }
0x41: {  	_ =	shalt  }
0x42: {  	_ =	shalt  }
0x43: {  	_ =	shalt  }
0x44: {  	_ =	shalt  }
0x45: {  	_ =	shalt  }
0x46: {  	_ =	shalt  }
0x47: {  	_ =	shalt  }
0x48: {  	_ =	shalt  }
0x49: {  	_ =	shalt  }
0x4a: {  	_ =	shalt  }
0x4b: {  	_ =	shalt  }
0x4c: {  	_ =	shalt  }
0x4d: {  	_ =	shalt  }
0x4e: {  	_ =	shalt  }
0x4f: {  	_ =	shalt  }
0x50: {  	_ =	shalt  }
0x51: {  	_ =	shalt  }
0x52: {  	_ =	shalt  }
0x53: {  	_ =	shalt  }
0x54: {  	_ =	shalt  }
0x55: {  	_ =	shalt  }
0x56: {  	_ =	shalt  }
0x57: {  	_ =	shalt  }
0x58: {  	_ =	shalt  }
0x59: {  	_ =	shalt  }
0x5a: {  	_ =	shalt  }
0x5b: {  	_ =	shalt  }
0x5c: {  	_ =	shalt  }
0x5d: {  	_ =	shalt  }
0x5e: {  	_ =	shalt  }
0x5f: {  	_ =	shalt  }
0x60: {  	_ =	shalt  }
0x61: {  	_ =	shalt  }
0x62: {  	_ =	shalt  }
0x63: {  	_ =	shalt  }
0x64: {  	_ =	shalt  }
0x65: {  	_ =	shalt  }
0x66: {  	_ =	shalt  }
0x67: {  	_ =	shalt  }
0x68: {  	_ =	shalt  }
0x69: {  	_ =	shalt  }
0x6a: {  	_ =	shalt  }
0x6b: {  	_ =	shalt  }
0x6c: {  	_ =	shalt  }
0x6d: {  	_ =	shalt  }
0x6e: {  	_ =	shalt  }
0x6f: {  	_ =	shalt  }
0x70: {  	_ =	shalt  }
0x71: {  	_ =	shalt  }
0x72: {  	_ =	shalt  }
0x73: {  	_ =	shalt  }
0x74: {  	_ =	shalt  }
0x75: {  	_ =	shalt  }
0x76: {  	_ =	shalt  }
0x77: {  	_ =	shalt  }
0x78: {  	_ =	shalt  }
0x79: {  	_ =	shalt  }
0x7a: {  	_ =	shalt  }
0x7b: {  	_ =	shalt  }
0x7c: {  	_ =	shalt  }
0x7d: {  	_ =	shalt  }
0x7e: {  	_ =	shalt  }
0x7f: {  	_ =	shalt  }
0x80: {  	_ =	shalt  }
0x81: {  	_ =	shalt  }
0x82: {  	_ =	shalt  }
0x83: {  	_ =	shalt  }
0x84: {  	_ =	shalt  }
0x85: {  	_ =	shalt  }
0x86: {  	_ =	shalt  }
0x87: {  	_ =	shalt  }
.Lfunc_end0:
.L_simem_size_0:
called_computation_lowered:
.L_overlay_start_0:
0x88: {  	s2 =	sld [smem:$0x3FD9]  }
0x89: {  	s3 =	sld [smem:$0x3FFE];
	_ =	sdelay $0x1  }
0x8a: {  	s1 =	srdreg.scid  }
0x8b: {  	s0 =	sand.u32 $0x1, s1  }
0x8c: {  	s17 =	sshll.u32 s0, $0xA;
	s2 =	sadd.s32 s3, s2  }
0x8d: {  	s2 =	sadd.s32 s2, s17  }
0x8e: {  	[smem:$0x3FC6] =	sst s2  }
0x8f: {  	_ = 	snop  }
0x90: {  	s2 =	sld [smem:$0x3FC8];
	(tm) =	ssettm $0x1  }
0x91: {  	s18 =	sld [smem:$0x3FFB];
	_ =	sdelay $0x3  }
0x92: {  	_ =	strace s18  }
0x93: {  	s3 =	sld [smem:$0x3FFC];
	_ =	sdelay $0x3  }
0x94: {  	_ =	strace s3  }
0x95: {  	s3 =	sld [smem:$0x3FFD];
	_ =	sdelay $0x3  }
0x96: {  	_ =	strace s3  }
0x97: {  	_ =	strace $0x8FFFFFFF  }
0x98: {  	s19 =	sld [smem:$0x3FDB];
	_ =	sdelay $0x1  }
0x99: {  	s4 =	simm.s32 $_scs_section_size  }
0x9a: {  	s5 =	simm.s32 $_size__tile_overlayer_lowered;
	s6 =	simm.s32 $_tile_overlayer_lowered  }
0x9b: {  	s22 =	simm.s32 $0x1BFF;
	s21 =	sshll.u32 s6, $0x1;
	s3 =	sadd.s32 s4, s19  }
0x9c: {  	s7 =	simm.s32 $0x0;
	s20 =	sshll.u32 s5, $0x1;
	s5 =	sadd.s32 s21, s3  }
0x9d: {  	[timem:s7], [sflag:s22] =	dma.local [hbm:s5], s20  }
0x9e: {  	_ =	swait.ge [sflag:s22], s20  }
0x9f: {  	s4 =	ssub.s32 $0x0, s20;
	[sflag:s22] =	ssyncset.done $0x0  }
0xa0: {  	[sflag:s22] =	ssyncadd.s32 s4;
	_ =	sdelay $0x1  }
0xa1: {  	s23 =	simm.s32 $0x1B8B  }
0xa2: {  	_ =	swait.ge [sflag:s23], $0x1  }
0xa3: {  	[sflag:s23] =	ssyncset.done $0x0  }
0xa4: {  	s25 =	simm.s32 $0x1B8E;
	s24 =	sld [smem:$0x3FFE];
	[sflag:s23] =	ssyncadd.s32 $0xFFFFFFFF  }
0xa5: {  	s26 =	simm.s32 $execute0_lowered;
	[smem:$0x3FD2] =	sst s25  }
0xa6: {  	s5 =	sshll.u32 s26, $0x1;
	_ =	strace $0x80000046;
	[dreg:$0x1] =	wrdreg $0xFFFFFFFF  }
0xa7: {  	s28 =	simm.s32 $_size_execute0_lowered;
	s3 =	sadd.s32 s3, s5;
	[dreg:$0x0] =	wrdreg $0x0  }
0xa8: {  	s5 =	sshll.u32 s28, $0x1;
	[dreg:$0x2] =	wrdreg s3  }
0xa9: {  	[dreg:$0x3] =	wrdreg s5  }
0xaa: {  	[dreg:$0x4] =	wrdreg $0xC0  }
0xab: {  	_ =	task [dreg:s7], $0x5FFFF  }
0xac: {  	[dreg:$0x1] =	wrdreg $0xFFFFFFFF  }
0xad: {  	[dreg:$0x0] =	wrdreg $0x60  }
0xae: {  	[dreg:$0x2] =	wrdreg s24  }
0xaf: {  	[dreg:$0x3] =	wrdreg s2  }
0xb0: {  	[dreg:$0x4] =	wrdreg $0x9  }
0xb1: {  	_ =	task.clear_ibuf [dreg:s7], $0x5FFFF;
	_ =	strace $0x90000046  }
0xb2: {  	s29 =	simm.s32 $0x9;
	_ =	strace $0x80000048  }
0xb3: {  	_ =	swait.ge [sflag:s29], $0x1  }
0xb4: {  	[sflag:s29] =	ssyncadd.s32 $0xFFFFFFFF  }
0xb5: {  	_ =	strace $0x90000048  }
0xb6: {  	_ =	sfence  }
0xb7: {  	s30 =	sld [smem:$0x0];
	_ =	sdelay $0x2  }
0xb8: {  	s31 =	sshll.u32 s1, $0xD;
	s1 =	sshrl.u32 s1, $0x2  }
0xb9: {  	s3 =	sand.u32 $0x4000, s31;
	s1 =	sadd.s32 s1, s30  }
0xba: {  	s0 =	sor.u32 s3, s0;
	s1 =	sshll.u32 s1, $0x11  }
0xbb: {  	s0 =	sor.u32 s1, s0  }
0xbc: {  	s0 =	sadd.s32 $0x8F2B, s0  }
0xbd: {  	[sflag:s0] =	ssyncadd.remote.s32 $0x1  }
0xbe: {  	_ =	sfence.sel $0xFFFF  }
0xbf: {  	[dreg:$0x0] =	wrdreg $0xFFFFFFFF;
	(pc) =	sbr.abs _section_cstart, $3  }
0xc0: {  	[dreg:$0x1] =	wrdreg $0xFFFFFFFF  }
0xc1: {  	_ =	task.clear_ibuf [dreg:s7], $0x2FFFF;
	_ =	strace $0x9FFFFFFF  }
0xc2: {  	(tm) =	ssettm $0x7FFFFFFF  }
0xc3: {  	_ =	shalt  }
tec
execute0_lowered:
.L_overlay_start_1:
0x0: {  	(tag) =	ssettag $0x1  }
0x1: {  	s3 =	rddreg [dreg:$0x0]  }
0x2: {  	s5 =	rddreg [dreg:$0x1]  }
0x3: {  	s0 =	rddreg [dreg:$0x2];
	s4 =	srdreg.scid  }
0x4: {  	s1 =	stileid.u32;
	s2 =	simm.s32 $0x0;
	s11 =	simm.s32 $0x3  }
0x5: {  	s12 =	simm.s32 $0x4000;
	s13 =	simm.s32 $0x1;
	s14 =	simm.s32 $0x2  }
0x6: {  	v0 =	vimm.s32 $0xFEDCBA98;
	v1 =	vimm.s32 $0x76543210;
	vm0 =	vmmov $0xff;
	s15 =	simm.s32 $0x8080;
	s16 =	simm.s32 $0x0;
	s4 =	sand.u32 $0x1, s4  }
0x7: {  	v4 =	vimm.s32 $0x1;
	v5 =	vimm.s32 $0x2;
	v6 =	vimm.s32 $0x3;
	s6 =	sshll.u32 s1, $0x1;
	[smem:$0x7FF] =	sst s2;
	s7 =	sadd.s32 $0x800, s3  }
0x8: {  	v7 =	vimm.s32 $0x4;
	v8 =	vimm.s32 $0x5;
	v9 =	vimm.s32 $0x6;
	s6 =	sor.u32 s4, s6;
	_ =	strace $0x80000047;
	s28 =	ssub.s32 $0x2, s4  }
0x9: {  	v10 =	vimm.s32 $0x7;
	v11 =	vimm.s32 $0x8;
	v0 =	vunpack.c.l.s4.s8 v0;
	s8 =	sshll.u32 s6, $0x4;
	s29 =	sshll.u32 s6, $0x6;
	s9 =	sshrl.u32 s28, $0x1  }
0xa: {  	v12 =	vimm.s32 $0x9;
	v13 =	vimm.s32 $0xA;
	v1 =	vunpack.c.l.s4.s8 v1;
	s6 =	sshll.u32 s6, $0xD;
	s8 =	sadd.s32 s8, s3;
	s4 =	sor.u32 $0x3800, s29  }
0xb: {  	v14 =	vimm.s32 $0xB;
	v15 =	vimm.s32 $0xC;
	v2 =	vunpack.c.0.s8.s32 v0;
	s9 =	ssub.s32 s28, s9;
	s10 =	sadd.s32 s6, s7;
	s30 =	sshll.u32 s4, $0x7  }
0xc: {  	v16 =	vimm.s32 $0xD;
	v17 =	vimm.s32 $0xE;
	v3 =	vunpack.c.0.s8.s32 v1;
	s31 =	sshrl.u32 s4, $0x3;
	s4 =	sadd.s32 $0x1C0800, s10;
	s6 =	sadd.s32 $0x1C1000, s10  }
0xd: {  	v18 =	vimm.s32 $0xF;
	v1 =	vlaneseq.u32;
	v2 =	vand.u32 $0xF, v2;
	s8 =	sadd.s32 $0x200800, s8;
	s9 =	smax.u32 s9, $0x1;
	s3 =	sadd.s32 s7, s30  }
0xe: {  	v0 =	vimm.s32 $0x0;
	v2 =	vcombine.low v2, v3;
	v3 =	vadd.s32 $0x3D8, v1;
	s5 =	sadd.s32 s5, s31;
	s7 =	sadd.s32 $0x1C1800, s10;
	s10 =	simm.s32 $0x8000  }
.LBB2_1:
0xf: {  	[tilespmem:s2], [sflag:$0x1] =	stream.linear.gather [hbm4b:s3+s2], $0x4000, $0x38;
	[tilespmem:$0x8100] =	vst v63  }
0x10: {  	_ = 	snop  }
0x11: {  	[tilespmem:s10], [sflag:$0x3] =	stream.linear.gather [hbm4b:s5+s2], $0x40, $0x38;
	[tilespmem:$0x8100] =	vst v63  }
0x12: {  	_ =	swait.ge [sflag:s11], $0x40  }
0x13: {  	[sflag:s11] =	ssyncset.done $0x0  }
0x14: {  	[sflag:s11] =	ssyncadd.s32 $0xFFFFFFC0  }
0x15: {  	[tilespmem:s12], [sflag:$0x2] =	stream.linear.gather [hbm4b:s4+s2], $0x4000, $0x38;
	[tilespmem:$0x8100] =	vst v63  }
0x16: {  	_ =	swait.ge [sflag:s13], $0x4000  }
0x17: {  	[sflag:s13] =	ssyncset.done $0x0  }
0x18: {  	[sflag:s13] =	ssyncadd.s32 $0xFFFFC000  }
0x19: {  	v19 =	vld [tilespmem:$0x8000];
	_ =	sdelay $0x1  }
0x1a: {  	s17 =	simm.s32 $0x0  }
0x1b: {  	s19 =	sand.u32 $0x1C00, s2;
	s18 =	sand.u32 $0x70, s17  }
0x1c: {  	v21 =	vimm.f32 $0.0e+00;
	s18 =	sor.u32 s18, s19  }
0x1d: {  	v22 =	vimm.f32 $0.0e+00;
	v23 =	vor.u32 s17, v1;
	v24 =	vld [tilespmem:s18+$0x0];
	s18 =	simm.s32 $0x0;
	v20 =	vperm.xlane v19, v0  }
.LBB2_2:
0x1e: {  	s17 =	sadd.s32 $0x10, s17  }
0x1f: {  	p0 =	slt.u32 s17, $0x3D0  }
.Ltmp0:
0x20: {  	s18 =	sadd.s32 $0x80, s18;
	(pc) =	sbr.rel @p0 .LBB2_2-.Ltmp0, $4  }
0x21: {  	vm1 =	veq.s32 v23, v20;
	s19 =	sand.u32 $0x70, s17;
	s20 =	sand.u32 $0x1C00, s18;
	v23 =	vor.u32 s17, v1  }
0x22: {  	s19 =	sor.u32 s19, s20;
	v25 =	vmul.f32 v24, v24;
	v26 =	vnsel vm1, $0x0, v24  }
0x23: {  	v24 =	vld [tilespmem:s19+$0x0];
	v21 =	vadd.f32 v26, v21  }
0x24: {  	v22 =	vadd.f32 v25, v22  }
0x25: {  	v25 =	vld.msk [tilespmem:$0x1C60], $0xff;
	_ =	sdelay $0x4  }
0x26: {  	v25 =	vperm.xlane v25, v2  }
0x27: {  	vm1 =	veq.s32 v23, v20;
	v26 =	vmul.f32 v24, v24  }
0x28: {  	s17 =	simm.s32 $0x0;
	s18 =	simm.s32 $0x0;
	v24 =	vnsel vm1, $0x0, v24;
	vm1 =	veq.s32 v20, v3;
	v23 =	vsel vm0, $0x0, v25  }
0x29: {  	s19 =	sand.u32 $0x70, s18;
	s20 =	sand.u32 $0x1C00, s17;
	v21 =	vadd.f32 v24, v21;
	v22 =	vadd.f32 v26, v22;
	v25 =	vmul.f32 v23, v23  }
0x2a: {  	s19 =	sor.u32 s19, s20;
	v20 =	vnsel vm1, $0x0, v23;
	v23 =	vor.u32 s18, v1  }
0x2b: {  	v24 =	vld [tilespmem:s19+$0x80];
	v21 =	vadd.f32 v20, v21;
	v20 =	vperm.xlane v19, v4;
	v22 =	vadd.f32 v25, v22  }
.LBB2_4:
0x2c: {  	s18 =	sadd.s32 $0x10, s18  }
0x2d: {  	p0 =	slt.u32 s18, $0x3D0  }
.Ltmp1:
0x2e: {  	s17 =	sadd.s32 $0x80, s17;
	(pc) =	sbr.rel @p0 .LBB2_4-.Ltmp1, $4  }
0x2f: {  	vm1 =	veq.s32 v23, v20;
	s19 =	sand.u32 $0x70, s18;
	s20 =	sand.u32 $0x1C00, s17;
	v23 =	vor.u32 s18, v1  }
0x30: {  	s19 =	sor.u32 s19, s20;
	v25 =	vmul.f32 v24, v24;
	v26 =	vnsel vm1, $0x0, v24  }
0x31: {  	v24 =	vld [tilespmem:s19+$0x80];
	v21 =	vadd.f32 v26, v21  }
0x32: {  	v22 =	vadd.f32 v25, v22  }
0x33: {  	v25 =	vld.msk [tilespmem:$0x1CE0], $0xff;
	_ =	sdelay $0x4  }
0x34: {  	v25 =	vperm.xlane v25, v2  }
0x35: {  	vm1 =	veq.s32 v23, v20;
	v26 =	vmul.f32 v24, v24  }
0x36: {  	s17 =	simm.s32 $0x0;
	s18 =	simm.s32 $0x0;
	v24 =	vnsel vm1, $0x0, v24;
	vm1 =	veq.s32 v20, v3;
	v23 =	vsel vm0, $0x0, v25  }
0x37: {  	s19 =	sand.u32 $0x70, s18;
	s20 =	sand.u32 $0x1C00, s17;
	v21 =	vadd.f32 v24, v21;
	v22 =	vadd.f32 v26, v22;
	v25 =	vmul.f32 v23, v23  }
0x38: {  	s19 =	sor.u32 s19, s20;
	v20 =	vnsel vm1, $0x0, v23;
	v23 =	vor.u32 s18, v1  }
0x39: {  	v24 =	vld [tilespmem:s19+$0x100];
	v21 =	vadd.f32 v20, v21;
	v20 =	vperm.xlane v19, v5;
	v22 =	vadd.f32 v25, v22  }
.LBB2_6:
0x3a: {  	s18 =	sadd.s32 $0x10, s18  }
0x3b: {  	p0 =	slt.u32 s18, $0x3D0  }
.Ltmp2:
0x3c: {  	s17 =	sadd.s32 $0x80, s17;
	(pc) =	sbr.rel @p0 .LBB2_6-.Ltmp2, $4  }
0x3d: {  	vm1 =	veq.s32 v23, v20;
	s19 =	sand.u32 $0x70, s18;
	s20 =	sand.u32 $0x1C00, s17;
	v23 =	vor.u32 s18, v1  }
0x3e: {  	s19 =	sor.u32 s19, s20;
	v25 =	vmul.f32 v24, v24;
	v26 =	vnsel vm1, $0x0, v24  }
0x3f: {  	v24 =	vld [tilespmem:s19+$0x100];
	v21 =	vadd.f32 v26, v21  }
0x40: {  	v22 =	vadd.f32 v25, v22  }
0x41: {  	v25 =	vld.msk [tilespmem:$0x1D60], $0xff;
	_ =	sdelay $0x4  }
0x42: {  	v25 =	vperm.xlane v25, v2  }
0x43: {  	vm1 =	veq.s32 v23, v20;
	v26 =	vmul.f32 v24, v24  }
0x44: {  	s17 =	simm.s32 $0x0;
	s18 =	simm.s32 $0x0;
	v24 =	vnsel vm1, $0x0, v24;
	vm1 =	veq.s32 v20, v3;
	v23 =	vsel vm0, $0x0, v25  }
0x45: {  	s19 =	sand.u32 $0x70, s18;
	s20 =	sand.u32 $0x1C00, s17;
	v21 =	vadd.f32 v24, v21;
	v22 =	vadd.f32 v26, v22;
	v25 =	vmul.f32 v23, v23  }
0x46: {  	s19 =	sor.u32 s19, s20;
	v20 =	vnsel vm1, $0x0, v23;
	v23 =	vor.u32 s18, v1  }
0x47: {  	v24 =	vld [tilespmem:s19+$0x180];
	v21 =	vadd.f32 v20, v21;
	v20 =	vperm.xlane v19, v6;
	v22 =	vadd.f32 v25, v22  }
.LBB2_8:
0x48: {  	s18 =	sadd.s32 $0x10, s18  }
0x49: {  	p0 =	slt.u32 s18, $0x3D0  }
.Ltmp3:
0x4a: {  	s17 =	sadd.s32 $0x80, s17;
	(pc) =	sbr.rel @p0 .LBB2_8-.Ltmp3, $4  }
0x4b: {  	vm1 =	veq.s32 v23, v20;
	s19 =	sand.u32 $0x70, s18;
	s20 =	sand.u32 $0x1C00, s17;
	v23 =	vor.u32 s18, v1  }
0x4c: {  	s19 =	sor.u32 s19, s20;
	v25 =	vmul.f32 v24, v24;
	v26 =	vnsel vm1, $0x0, v24  }
0x4d: {  	v24 =	vld [tilespmem:s19+$0x180];
	v21 =	vadd.f32 v26, v21  }
0x4e: {  	v22 =	vadd.f32 v25, v22  }
0x4f: {  	v25 =	vld.msk [tilespmem:$0x1DE0], $0xff;
	_ =	sdelay $0x4  }
0x50: {  	v25 =	vperm.xlane v25, v2  }
0x51: {  	vm1 =	veq.s32 v23, v20;
	v26 =	vmul.f32 v24, v24  }
0x52: {  	s17 =	simm.s32 $0x0;
	s18 =	simm.s32 $0x0;
	v24 =	vnsel vm1, $0x0, v24;
	vm1 =	veq.s32 v20, v3;
	v23 =	vsel vm0, $0x0, v25  }
0x53: {  	s19 =	sand.u32 $0x70, s18;
	s20 =	sand.u32 $0x1C00, s17;
	v21 =	vadd.f32 v24, v21;
	v22 =	vadd.f32 v26, v22;
	v25 =	vmul.f32 v23, v23  }
0x54: {  	s19 =	sor.u32 s19, s20;
	v20 =	vnsel vm1, $0x0, v23;
	v23 =	vor.u32 s18, v1  }
0x55: {  	v24 =	vld [tilespmem:s19+$0x200];
	v21 =	vadd.f32 v20, v21;
	v20 =	vperm.xlane v19, v7;
	v22 =	vadd.f32 v25, v22  }
.LBB2_10:
0x56: {  	s18 =	sadd.s32 $0x10, s18  }
0x57: {  	p0 =	slt.u32 s18, $0x3D0  }
.Ltmp4:
0x58: {  	s17 =	sadd.s32 $0x80, s17;
	(pc) =	sbr.rel @p0 .LBB2_10-.Ltmp4, $4  }
0x59: {  	vm1 =	veq.s32 v23, v20;
	s19 =	sand.u32 $0x70, s18;
	s20 =	sand.u32 $0x1C00, s17;
	v23 =	vor.u32 s18, v1  }
0x5a: {  	s19 =	sor.u32 s19, s20;
	v25 =	vmul.f32 v24, v24;
	v26 =	vnsel vm1, $0x0, v24  }
0x5b: {  	v24 =	vld [tilespmem:s19+$0x200];
	v21 =	vadd.f32 v26, v21  }
0x5c: {  	v22 =	vadd.f32 v25, v22  }
0x5d: {  	v25 =	vld.msk [tilespmem:$0x1E60], $0xff;
	_ =	sdelay $0x4  }
0x5e: {  	v25 =	vperm.xlane v25, v2  }
0x5f: {  	vm1 =	veq.s32 v23, v20;
	v26 =	vmul.f32 v24, v24  }
0x60: {  	s17 =	simm.s32 $0x0;
	s18 =	simm.s32 $0x0;
	v24 =	vnsel vm1, $0x0, v24;
	vm1 =	veq.s32 v20, v3;
	v23 =	vsel vm0, $0x0, v25  }
0x61: {  	s19 =	sand.u32 $0x70, s18;
	s20 =	sand.u32 $0x1C00, s17;
	v21 =	vadd.f32 v24, v21;
	v22 =	vadd.f32 v26, v22;
	v25 =	vmul.f32 v23, v23  }
0x62: {  	s19 =	sor.u32 s19, s20;
	v20 =	vnsel vm1, $0x0, v23;
	v23 =	vor.u32 s18, v1  }
0x63: {  	v24 =	vld [tilespmem:s19+$0x280];
	v21 =	vadd.f32 v20, v21;
	v20 =	vperm.xlane v19, v8;
	v22 =	vadd.f32 v25, v22  }
.LBB2_12:
0x64: {  	s18 =	sadd.s32 $0x10, s18  }
0x65: {  	p0 =	slt.u32 s18, $0x3D0  }
.Ltmp5:
0x66: {  	s17 =	sadd.s32 $0x80, s17;
	(pc) =	sbr.rel @p0 .LBB2_12-.Ltmp5, $4  }
0x67: {  	vm1 =	veq.s32 v23, v20;
	s19 =	sand.u32 $0x70, s18;
	s20 =	sand.u32 $0x1C00, s17;
	v23 =	vor.u32 s18, v1  }
0x68: {  	s19 =	sor.u32 s19, s20;
	v25 =	vmul.f32 v24, v24;
	v26 =	vnsel vm1, $0x0, v24  }
0x69: {  	v24 =	vld [tilespmem:s19+$0x280];
	v21 =	vadd.f32 v26, v21  }
0x6a: {  	v22 =	vadd.f32 v25, v22  }
0x6b: {  	v25 =	vld.msk [tilespmem:$0x1EE0], $0xff;
	_ =	sdelay $0x4  }
0x6c: {  	v25 =	vperm.xlane v25, v2  }
0x6d: {  	vm1 =	veq.s32 v23, v20;
	v26 =	vmul.f32 v24, v24  }
0x6e: {  	s17 =	simm.s32 $0x0;
	s18 =	simm.s32 $0x0;
	v24 =	vnsel vm1, $0x0, v24;
	vm1 =	veq.s32 v20, v3;
	v23 =	vsel vm0, $0x0, v25  }
0x6f: {  	s19 =	sand.u32 $0x70, s18;
	s20 =	sand.u32 $0x1C00, s17;
	v21 =	vadd.f32 v24, v21;
	v22 =	vadd.f32 v26, v22;
	v25 =	vmul.f32 v23, v23  }
0x70: {  	s19 =	sor.u32 s19, s20;
	v20 =	vnsel vm1, $0x0, v23;
	v23 =	vor.u32 s18, v1  }
0x71: {  	v24 =	vld [tilespmem:s19+$0x300];
	v21 =	vadd.f32 v20, v21;
	v20 =	vperm.xlane v19, v9;
	v22 =	vadd.f32 v25, v22  }
.LBB2_14:
0x72: {  	s18 =	sadd.s32 $0x10, s18  }
0x73: {  	p0 =	slt.u32 s18, $0x3D0  }
.Ltmp6:
0x74: {  	s17 =	sadd.s32 $0x80, s17;
	(pc) =	sbr.rel @p0 .LBB2_14-.Ltmp6, $4  }
0x75: {  	vm1 =	veq.s32 v23, v20;
	s19 =	sand.u32 $0x70, s18;
	s20 =	sand.u32 $0x1C00, s17;
	v23 =	vor.u32 s18, v1  }
0x76: {  	s19 =	sor.u32 s19, s20;
	v25 =	vmul.f32 v24, v24;
	v26 =	vnsel vm1, $0x0, v24  }
0x77: {  	v24 =	vld [tilespmem:s19+$0x300];
	v21 =	vadd.f32 v26, v21  }
0x78: {  	v22 =	vadd.f32 v25, v22  }
0x79: {  	v25 =	vld.msk [tilespmem:$0x1F60], $0xff;
	_ =	sdelay $0x4  }
0x7a: {  	v25 =	vperm.xlane v25, v2  }
0x7b: {  	vm1 =	veq.s32 v23, v20;
	v26 =	vmul.f32 v24, v24  }
0x7c: {  	s17 =	simm.s32 $0x0;
	s18 =	simm.s32 $0x0;
	v24 =	vnsel vm1, $0x0, v24;
	vm1 =	veq.s32 v20, v3;
	v23 =	vsel vm0, $0x0, v25  }
0x7d: {  	s19 =	sor.u32 s17, s18;
	v21 =	vadd.f32 v24, v21;
	v22 =	vadd.f32 v26, v22;
	v25 =	vmul.f32 v23, v23  }
0x7e: {  	s19 =	sor.u32 $0x380, s19;
	v20 =	vnsel vm1, $0x0, v23;
	v23 =	vor.u32 s18, v1  }
0x7f: {  	v24 =	vld [tilespmem:s19+$0x0];
	v21 =	vadd.f32 v20, v21;
	v20 =	vperm.xlane v19, v10;
	v22 =	vadd.f32 v25, v22  }
.LBB2_16:
0x80: {  	s18 =	sadd.s32 $0x10, s18  }
0x81: {  	p0 =	slt.u32 s18, $0x3D0  }
.Ltmp7:
0x82: {  	s17 =	sadd.s32 $0x80, s17;
	(pc) =	sbr.rel @p0 .LBB2_16-.Ltmp7, $4  }
0x83: {  	vm1 =	veq.s32 v23, v20;
	s19 =	sor.u32 s17, s18;
	v23 =	vor.u32 s18, v1  }
0x84: {  	s19 =	sor.u32 $0x380, s19;
	v25 =	vmul.f32 v24, v24;
	v26 =	vnsel vm1, $0x0, v24  }
0x85: {  	v24 =	vld [tilespmem:s19+$0x0];
	v21 =	vadd.f32 v26, v21  }
0x86: {  	v22 =	vadd.f32 v25, v22  }
0x87: {  	v25 =	vld.msk [tilespmem:$0x1FE0], $0xff;
	_ =	sdelay $0x4  }
0x88: {  	v25 =	vperm.xlane v25, v2  }
0x89: {  	vm1 =	veq.s32 v23, v20;
	v26 =	vmul.f32 v24, v24  }
0x8a: {  	s17 =	simm.s32 $0x0;
	s18 =	simm.s32 $0x0;
	v24 =	vnsel vm1, $0x0, v24;
	vm1 =	veq.s32 v20, v3;
	v23 =	vsel vm0, $0x0, v25  }
0x8b: {  	s19 =	sand.u32 $0x70, s18;
	s20 =	sand.u32 $0x1C00, s17;
	v21 =	vadd.f32 v24, v21;
	v22 =	vadd.f32 v26, v22;
	v25 =	vmul.f32 v23, v23  }
0x8c: {  	s19 =	sor.u32 s19, s20;
	v20 =	vnsel vm1, $0x0, v23;
	v23 =	vor.u32 s18, v1  }
0x8d: {  	v24 =	vld [tilespmem:s19+$0x2000];
	v21 =	vadd.f32 v20, v21;
	v20 =	vperm.xlane v19, v11;
	v22 =	vadd.f32 v25, v22  }
.LBB2_18:
0x8e: {  	s18 =	sadd.s32 $0x10, s18  }
0x8f: {  	p0 =	slt.u32 s18, $0x3D0  }
.Ltmp8:
0x90: {  	s17 =	sadd.s32 $0x80, s17;
	(pc) =	sbr.rel @p0 .LBB2_18-.Ltmp8, $4  }
0x91: {  	vm1 =	veq.s32 v23, v20;
	s19 =	sand.u32 $0x70, s18;
	s20 =	sand.u32 $0x1C00, s17;
	v23 =	vor.u32 s18, v1  }
0x92: {  	s19 =	sor.u32 s19, s20;
	v25 =	vmul.f32 v24, v24;
	v26 =	vnsel vm1, $0x0, v24  }
0x93: {  	v24 =	vld [tilespmem:s19+$0x2000];
	v21 =	vadd.f32 v26, v21  }
0x94: {  	v22 =	vadd.f32 v25, v22  }
0x95: {  	v25 =	vld.msk [tilespmem:$0x3C60], $0xff;
	_ =	sdelay $0x4  }
0x96: {  	v25 =	vperm.xlane v25, v2  }
0x97: {  	vm1 =	veq.s32 v23, v20;
	v26 =	vmul.f32 v24, v24  }
0x98: {  	s17 =	simm.s32 $0x0;
	s18 =	simm.s32 $0x0;
	v24 =	vnsel vm1, $0x0, v24;
	vm1 =	veq.s32 v20, v3;
	v23 =	vsel vm0, $0x0, v25  }
0x99: {  	s19 =	sand.u32 $0x70, s18;
	s20 =	sand.u32 $0x1C00, s17;
	v21 =	vadd.f32 v24, v21;
	v22 =	vadd.f32 v26, v22;
	v25 =	vmul.f32 v23, v23  }
0x9a: {  	s19 =	sor.u32 s19, s20;
	v20 =	vnsel vm1, $0x0, v23;
	v23 =	vor.u32 s18, v1  }
0x9b: {  	v24 =	vld [tilespmem:s19+$0x2080];
	v21 =	vadd.f32 v20, v21;
	v20 =	vperm.xlane v19, v12;
	v22 =	vadd.f32 v25, v22  }
.LBB2_20:
0x9c: {  	s18 =	sadd.s32 $0x10, s18  }
0x9d: {  	p0 =	slt.u32 s18, $0x3D0  }
.Ltmp9:
0x9e: {  	s17 =	sadd.s32 $0x80, s17;
	(pc) =	sbr.rel @p0 .LBB2_20-.Ltmp9, $4  }
0x9f: {  	vm1 =	veq.s32 v23, v20;
	s19 =	sand.u32 $0x70, s18;
	s20 =	sand.u32 $0x1C00, s17;
	v23 =	vor.u32 s18, v1  }
0xa0: {  	s19 =	sor.u32 s19, s20;
	v25 =	vmul.f32 v24, v24;
	v26 =	vnsel vm1, $0x0, v24  }
0xa1: {  	v24 =	vld [tilespmem:s19+$0x2080];
	v21 =	vadd.f32 v26, v21  }
0xa2: {  	v22 =	vadd.f32 v25, v22  }
0xa3: {  	v25 =	vld.msk [tilespmem:$0x3CE0], $0xff;
	_ =	sdelay $0x4  }
0xa4: {  	v25 =	vperm.xlane v25, v2  }
0xa5: {  	vm1 =	veq.s32 v23, v20;
	v26 =	vmul.f32 v24, v24  }
0xa6: {  	s17 =	simm.s32 $0x0;
	s18 =	simm.s32 $0x0;
	v24 =	vnsel vm1, $0x0, v24;
	vm1 =	veq.s32 v20, v3;
	v23 =	vsel vm0, $0x0, v25  }
0xa7: {  	s19 =	sand.u32 $0x70, s18;
	s20 =	sand.u32 $0x1C00, s17;
	v21 =	vadd.f32 v24, v21;
	v22 =	vadd.f32 v26, v22;
	v25 =	vmul.f32 v23, v23  }
0xa8: {  	s19 =	sor.u32 s19, s20;
	v20 =	vnsel vm1, $0x0, v23;
	v23 =	vor.u32 s18, v1  }
0xa9: {  	v24 =	vld [tilespmem:s19+$0x2100];
	v21 =	vadd.f32 v20, v21;
	v20 =	vperm.xlane v19, v13;
	v22 =	vadd.f32 v25, v22  }
.LBB2_22:
0xaa: {  	s18 =	sadd.s32 $0x10, s18  }
0xab: {  	p0 =	slt.u32 s18, $0x3D0  }
.Ltmp10:
0xac: {  	s17 =	sadd.s32 $0x80, s17;
	(pc) =	sbr.rel @p0 .LBB2_22-.Ltmp10, $4  }
0xad: {  	vm1 =	veq.s32 v23, v20;
	s19 =	sand.u32 $0x70, s18;
	s20 =	sand.u32 $0x1C00, s17;
	v23 =	vor.u32 s18, v1  }
0xae: {  	s19 =	sor.u32 s19, s20;
	v25 =	vmul.f32 v24, v24;
	v26 =	vnsel vm1, $0x0, v24  }
0xaf: {  	v24 =	vld [tilespmem:s19+$0x2100];
	v21 =	vadd.f32 v26, v21  }
0xb0: {  	v22 =	vadd.f32 v25, v22  }
0xb1: {  	v25 =	vld.msk [tilespmem:$0x3D60], $0xff;
	_ =	sdelay $0x4  }
0xb2: {  	v25 =	vperm.xlane v25, v2  }
0xb3: {  	vm1 =	veq.s32 v23, v20;
	v26 =	vmul.f32 v24, v24  }
0xb4: {  	s17 =	simm.s32 $0x0;
	s18 =	simm.s32 $0x0;
	v24 =	vnsel vm1, $0x0, v24;
	vm1 =	veq.s32 v20, v3;
	v23 =	vsel vm0, $0x0, v25  }
0xb5: {  	s19 =	sand.u32 $0x70, s18;
	s20 =	sand.u32 $0x1C00, s17;
	v21 =	vadd.f32 v24, v21;
	v22 =	vadd.f32 v26, v22;
	v25 =	vmul.f32 v23, v23  }
0xb6: {  	s19 =	sor.u32 s19, s20;
	v20 =	vnsel vm1, $0x0, v23;
	v23 =	vor.u32 s18, v1  }
0xb7: {  	v24 =	vld [tilespmem:s19+$0x2180];
	v21 =	vadd.f32 v20, v21;
	v20 =	vperm.xlane v19, v14;
	v22 =	vadd.f32 v25, v22  }
.LBB2_24:
0xb8: {  	s18 =	sadd.s32 $0x10, s18  }
0xb9: {  	p0 =	slt.u32 s18, $0x3D0  }
.Ltmp11:
0xba: {  	s17 =	sadd.s32 $0x80, s17;
	(pc) =	sbr.rel @p0 .LBB2_24-.Ltmp11, $4  }
0xbb: {  	vm1 =	veq.s32 v23, v20;
	s19 =	sand.u32 $0x70, s18;
	s20 =	sand.u32 $0x1C00, s17;
	v23 =	vor.u32 s18, v1  }
0xbc: {  	s19 =	sor.u32 s19, s20;
	v25 =	vmul.f32 v24, v24;
	v26 =	vnsel vm1, $0x0, v24  }
0xbd: {  	v24 =	vld [tilespmem:s19+$0x2180];
	v21 =	vadd.f32 v26, v21  }
0xbe: {  	v22 =	vadd.f32 v25, v22  }
0xbf: {  	v25 =	vld.msk [tilespmem:$0x3DE0], $0xff;
	_ =	sdelay $0x4  }
0xc0: {  	v25 =	vperm.xlane v25, v2  }
0xc1: {  	vm1 =	veq.s32 v23, v20;
	v26 =	vmul.f32 v24, v24  }
0xc2: {  	s17 =	simm.s32 $0x0;
	s18 =	simm.s32 $0x0;
	v24 =	vnsel vm1, $0x0, v24;
	vm1 =	veq.s32 v20, v3;
	v23 =	vsel vm0, $0x0, v25  }
0xc3: {  	s19 =	sand.u32 $0x70, s18;
	s20 =	sand.u32 $0x1C00, s17;
	v21 =	vadd.f32 v24, v21;
	v22 =	vadd.f32 v26, v22;
	v25 =	vmul.f32 v23, v23  }
0xc4: {  	s19 =	sor.u32 s19, s20;
	v20 =	vnsel vm1, $0x0, v23;
	v23 =	vor.u32 s18, v1  }
0xc5: {  	v24 =	vld [tilespmem:s19+$0x2200];
	v21 =	vadd.f32 v20, v21;
	v20 =	vperm.xlane v19, v15;
	v22 =	vadd.f32 v25, v22  }
.LBB2_26:
0xc6: {  	s18 =	sadd.s32 $0x10, s18  }
0xc7: {  	p0 =	slt.u32 s18, $0x3D0  }
.Ltmp12:
0xc8: {  	s17 =	sadd.s32 $0x80, s17;
	(pc) =	sbr.rel @p0 .LBB2_26-.Ltmp12, $4  }
0xc9: {  	vm1 =	veq.s32 v23, v20;
	s19 =	sand.u32 $0x70, s18;
	s20 =	sand.u32 $0x1C00, s17;
	v23 =	vor.u32 s18, v1  }
0xca: {  	s19 =	sor.u32 s19, s20;
	v25 =	vmul.f32 v24, v24;
	v26 =	vnsel vm1, $0x0, v24  }
0xcb: {  	v24 =	vld [tilespmem:s19+$0x2200];
	v21 =	vadd.f32 v26, v21  }
0xcc: {  	v22 =	vadd.f32 v25, v22  }
0xcd: {  	v25 =	vld.msk [tilespmem:$0x3E60], $0xff;
	_ =	sdelay $0x4  }
0xce: {  	v25 =	vperm.xlane v25, v2  }
0xcf: {  	vm1 =	veq.s32 v23, v20;
	v26 =	vmul.f32 v24, v24  }
0xd0: {  	s17 =	simm.s32 $0x0;
	s18 =	simm.s32 $0x0;
	v24 =	vnsel vm1, $0x0, v24;
	vm1 =	veq.s32 v20, v3;
	v23 =	vsel vm0, $0x0, v25  }
0xd1: {  	s19 =	sand.u32 $0x70, s18;
	s20 =	sand.u32 $0x1C00, s17;
	v21 =	vadd.f32 v24, v21;
	v22 =	vadd.f32 v26, v22;
	v25 =	vmul.f32 v23, v23  }
0xd2: {  	s19 =	sor.u32 s19, s20;
	v20 =	vnsel vm1, $0x0, v23;
	v23 =	vor.u32 s18, v1  }
0xd3: {  	v24 =	vld [tilespmem:s19+$0x2280];
	v21 =	vadd.f32 v20, v21;
	v20 =	vperm.xlane v19, v16;
	v22 =	vadd.f32 v25, v22  }
.LBB2_28:
0xd4: {  	s18 =	sadd.s32 $0x10, s18  }
0xd5: {  	p0 =	slt.u32 s18, $0x3D0  }
.Ltmp13:
0xd6: {  	s17 =	sadd.s32 $0x80, s17;
	(pc) =	sbr.rel @p0 .LBB2_28-.Ltmp13, $4  }
0xd7: {  	vm1 =	veq.s32 v23, v20;
	s19 =	sand.u32 $0x70, s18;
	s20 =	sand.u32 $0x1C00, s17;
	v23 =	vor.u32 s18, v1  }
0xd8: {  	s19 =	sor.u32 s19, s20;
	v25 =	vmul.f32 v24, v24;
	v26 =	vnsel vm1, $0x0, v24  }
0xd9: {  	v24 =	vld [tilespmem:s19+$0x2280];
	v21 =	vadd.f32 v26, v21  }
0xda: {  	v22 =	vadd.f32 v25, v22  }
0xdb: {  	v25 =	vld.msk [tilespmem:$0x3EE0], $0xff;
	_ =	sdelay $0x4  }
0xdc: {  	v25 =	vperm.xlane v25, v2  }
0xdd: {  	vm1 =	veq.s32 v23, v20;
	v26 =	vmul.f32 v24, v24  }
0xde: {  	s17 =	simm.s32 $0x0;
	s18 =	simm.s32 $0x0;
	v24 =	vnsel vm1, $0x0, v24;
	vm1 =	veq.s32 v20, v3;
	v23 =	vsel vm0, $0x0, v25  }
0xdf: {  	s19 =	sand.u32 $0x70, s18;
	s20 =	sand.u32 $0x1C00, s17;
	v21 =	vadd.f32 v24, v21;
	v22 =	vadd.f32 v26, v22;
	v25 =	vmul.f32 v23, v23  }
0xe0: {  	s19 =	sor.u32 s19, s20;
	v20 =	vnsel vm1, $0x0, v23;
	v23 =	vor.u32 s18, v1  }
0xe1: {  	v24 =	vld [tilespmem:s19+$0x2300];
	v21 =	vadd.f32 v20, v21;
	v20 =	vperm.xlane v19, v17;
	v22 =	vadd.f32 v25, v22  }
.LBB2_30:
0xe2: {  	s18 =	sadd.s32 $0x10, s18  }
0xe3: {  	p0 =	slt.u32 s18, $0x3D0  }
.Ltmp14:
0xe4: {  	s17 =	sadd.s32 $0x80, s17;
	(pc) =	sbr.rel @p0 .LBB2_30-.Ltmp14, $4  }
0xe5: {  	vm1 =	veq.s32 v23, v20;
	s19 =	sand.u32 $0x70, s18;
	s20 =	sand.u32 $0x1C00, s17;
	v23 =	vor.u32 s18, v1  }
0xe6: {  	s19 =	sor.u32 s19, s20;
	v25 =	vmul.f32 v24, v24;
	v26 =	vnsel vm1, $0x0, v24  }
0xe7: {  	v24 =	vld [tilespmem:s19+$0x2300];
	v21 =	vadd.f32 v26, v21  }
0xe8: {  	v22 =	vadd.f32 v25, v22  }
0xe9: {  	v25 =	vld.msk [tilespmem:$0x3F60], $0xff;
	_ =	sdelay $0x4  }
0xea: {  	v25 =	vperm.xlane v25, v2  }
0xeb: {  	v26 =	vmul.f32 v24, v24  }
0xec: {  	vm1 =	veq.s32 v23, v20;
	v23 =	vsel vm0, $0x0, v25  }
0xed: {  	s17 =	simm.s32 $0x0;
	s18 =	simm.s32 $0x0;
	v63 =	vnsel vm1, $0x0, v24;
	v22 =	vadd.f32 v26, v22;
	v25 =	vmul.f32 v23, v23  }
0xee: {  	s19 =	sand.u32 $0x70, s18;
	s20 =	sand.u32 $0x1C00, s17;
	vm1 =	veq.s32 v20, v3;
	v21 =	vadd.f32 v63, v21  }
0xef: {  	s19 =	sor.u32 s19, s20;
	v20 =	vadd.f32 v25, v22;
	v22 =	vnsel vm1, $0x0, v23  }
0xf0: {  	v23 =	vld [tilespmem:s19+$0x2380];
	v22 =	vadd.f32 v22, v21;
	v21 =	vperm.xlane v19, v18;
	v19 =	vor.u32 s18, v1  }
.LBB2_32:
0xf1: {  	s18 =	sadd.s32 $0x10, s18  }
0xf2: {  	p0 =	slt.u32 s18, $0x3D0  }
.Ltmp15:
0xf3: {  	s17 =	sadd.s32 $0x80, s17;
	(pc) =	sbr.rel @p0 .LBB2_32-.Ltmp15, $4  }
0xf4: {  	vm1 =	veq.s32 v19, v21;
	s19 =	sand.u32 $0x70, s18;
	s20 =	sand.u32 $0x1C00, s17;
	v19 =	vor.u32 s18, v1  }
0xf5: {  	s19 =	sor.u32 s19, s20;
	v24 =	vmul.f32 v23, v23;
	v25 =	vnsel vm1, $0x0, v23  }
0xf6: {  	v23 =	vld [tilespmem:s19+$0x2380];
	v22 =	vadd.f32 v25, v22  }
0xf7: {  	v20 =	vadd.f32 v24, v20  }
0xf8: {  	v24 =	vld.msk [tilespmem:$0x3FE0], $0xff;
	s17 =	simm.s32 $0x0  }
0xf9: {  	[tilespmem:s17], [sflag:$0x1] =	stream.linear.gather [hbm4b:s6+s17], $0x4000, $0x38;
	[tilespmem:$0x8100] =	vst v63  }
0xfa: {  	_ =	swait.ge [sflag:s14], $0x4000  }
0xfb: {  	[sflag:s14] =	ssyncset.done $0x0  }
0xfc: {  	[sflag:s14] =	ssyncadd.s32 $0xFFFFC000  }
0xfd: {  	vm1 =	veq.s32 v19, v21;
	v24 =	vperm.xlane v24, v2;
	v19 =	vld [tilespmem:$0x8010]  }
0xfe: {  	v25 =	vnsel vm1, $0x0, v23;
	v23 =	vmul.f32 v23, v23  }
0xff: {  	s18 =	simm.s32 $0x0;
	vm1 =	veq.s32 v21, v3;
	v22 =	vadd.f32 v25, v22;
	v21 =	vsel vm0, $0x0, v24  }
0x100: {  	s19 =	sand.u32 $0x70, s18;
	s20 =	sand.u32 $0x1C00, s17;
	v23 =	vadd.f32 v23, v20;
	v20 =	vnsel vm1, $0x0, v21;
	v21 =	vmul.f32 v21, v21  }
0x101: {  	s19 =	sor.u32 s19, s20;
	v20 =	vadd.f32 v20, v22  }
0x102: {  	v24 =	vld [tilespmem:s19+$0x4000];
	v22 =	vadd.f32 v21, v23;
	v21 =	vperm.xlane v19, v0;
	v23 =	vor.u32 s18, v1  }
.LBB2_34:
0x103: {  	s18 =	sadd.s32 $0x10, s18  }
0x104: {  	p0 =	slt.u32 s18, $0x3D0  }
.Ltmp16:
0x105: {  	s17 =	sadd.s32 $0x80, s17;
	(pc) =	sbr.rel @p0 .LBB2_34-.Ltmp16, $4  }
0x106: {  	vm1 =	veq.s32 v23, v21;
	s19 =	sand.u32 $0x70, s18;
	s20 =	sand.u32 $0x1C00, s17;
	v23 =	vor.u32 s18, v1  }
0x107: {  	s19 =	sor.u32 s19, s20;
	v25 =	vmul.f32 v24, v24;
	v26 =	vnsel vm1, $0x0, v24  }
0x108: {  	v24 =	vld [tilespmem:s19+$0x4000];
	v20 =	vadd.f32 v26, v20  }
0x109: {  	v22 =	vadd.f32 v25, v22  }
0x10a: {  	v25 =	vld.msk [tilespmem:$0x5C60], $0xff;
	_ =	sdelay $0x4  }
0x10b: {  	v25 =	vperm.xlane v25, v2  }
0x10c: {  	vm1 =	veq.s32 v23, v21;
	v26 =	vmul.f32 v24, v24  }
0x10d: {  	s17 =	simm.s32 $0x0;
	s18 =	simm.s32 $0x0;
	v24 =	vnsel vm1, $0x0, v24;
	vm1 =	veq.s32 v21, v3;
	v23 =	vsel vm0, $0x0, v25  }
0x10e: {  	s19 =	sand.u32 $0x70, s18;
	s20 =	sand.u32 $0x1C00, s17;
	v20 =	vadd.f32 v24, v20;
	v22 =	vadd.f32 v26, v22;
	v25 =	vmul.f32 v23, v23  }
0x10f: {  	s19 =	sor.u32 s19, s20;
	v21 =	vnsel vm1, $0x0, v23;
	v23 =	vor.u32 s18, v1  }
0x110: {  	v24 =	vld [tilespmem:s19+$0x4080];
	v21 =	vadd.f32 v21, v20;
	v20 =	vperm.xlane v19, v4;
	v22 =	vadd.f32 v25, v22  }
.LBB2_36:
0x111: {  	s18 =	sadd.s32 $0x10, s18  }
0x112: {  	p0 =	slt.u32 s18, $0x3D0  }
.Ltmp17:
0x113: {  	s17 =	sadd.s32 $0x80, s17;
	(pc) =	sbr.rel @p0 .LBB2_36-.Ltmp17, $4  }
0x114: {  	vm1 =	veq.s32 v23, v20;
	s19 =	sand.u32 $0x70, s18;
	s20 =	sand.u32 $0x1C00, s17;
	v23 =	vor.u32 s18, v1  }
0x115: {  	s19 =	sor.u32 s19, s20;
	v25 =	vmul.f32 v24, v24;
	v26 =	vnsel vm1, $0x0, v24  }
0x116: {  	v24 =	vld [tilespmem:s19+$0x4080];
	v21 =	vadd.f32 v26, v21  }
0x117: {  	v22 =	vadd.f32 v25, v22  }
0x118: {  	v25 =	vld.msk [tilespmem:$0x5CE0], $0xff;
	_ =	sdelay $0x4  }
0x119: {  	v25 =	vperm.xlane v25, v2  }
0x11a: {  	vm1 =	veq.s32 v23, v20;
	v26 =	vmul.f32 v24, v24  }
0x11b: {  	s17 =	simm.s32 $0x0;
	s18 =	simm.s32 $0x0;
	v24 =	vnsel vm1, $0x0, v24;
	vm1 =	veq.s32 v20, v3;
	v23 =	vsel vm0, $0x0, v25  }
0x11c: {  	s19 =	sand.u32 $0x70, s18;
	s20 =	sand.u32 $0x1C00, s17;
	v21 =	vadd.f32 v24, v21;
	v22 =	vadd.f32 v26, v22;
	v25 =	vmul.f32 v23, v23  }
0x11d: {  	s19 =	sor.u32 s19, s20;
	v20 =	vnsel vm1, $0x0, v23;
	v23 =	vor.u32 s18, v1  }
0x11e: {  	v24 =	vld [tilespmem:s19+$0x4100];
	v21 =	vadd.f32 v20, v21;
	v20 =	vperm.xlane v19, v5;
	v22 =	vadd.f32 v25, v22  }
.LBB2_38:
0x11f: {  	s18 =	sadd.s32 $0x10, s18  }
0x120: {  	p0 =	slt.u32 s18, $0x3D0  }
.Ltmp18:
0x121: {  	s17 =	sadd.s32 $0x80, s17;
	(pc) =	sbr.rel @p0 .LBB2_38-.Ltmp18, $4  }
0x122: {  	vm1 =	veq.s32 v23, v20;
	s19 =	sand.u32 $0x70, s18;
	s20 =	sand.u32 $0x1C00, s17;
	v23 =	vor.u32 s18, v1  }
0x123: {  	s19 =	sor.u32 s19, s20;
	v25 =	vmul.f32 v24, v24;
	v26 =	vnsel vm1, $0x0, v24  }
0x124: {  	v24 =	vld [tilespmem:s19+$0x4100];
	v21 =	vadd.f32 v26, v21  }
0x125: {  	v22 =	vadd.f32 v25, v22  }
0x126: {  	v25 =	vld.msk [tilespmem:$0x5D60], $0xff;
	_ =	sdelay $0x4  }
0x127: {  	v25 =	vperm.xlane v25, v2  }
0x128: {  	vm1 =	veq.s32 v23, v20;
	v26 =	vmul.f32 v24, v24  }
0x129: {  	s17 =	simm.s32 $0x0;
	s18 =	simm.s32 $0x0;
	v24 =	vnsel vm1, $0x0, v24;
	vm1 =	veq.s32 v20, v3;
	v23 =	vsel vm0, $0x0, v25  }
0x12a: {  	s19 =	sand.u32 $0x70, s18;
	s20 =	sand.u32 $0x1C00, s17;
	v21 =	vadd.f32 v24, v21;
	v22 =	vadd.f32 v26, v22;
	v25 =	vmul.f32 v23, v23  }
0x12b: {  	s19 =	sor.u32 s19, s20;
	v20 =	vnsel vm1, $0x0, v23;
	v23 =	vor.u32 s18, v1  }
0x12c: {  	v24 =	vld [tilespmem:s19+$0x4180];
	v21 =	vadd.f32 v20, v21;
	v20 =	vperm.xlane v19, v6;
	v22 =	vadd.f32 v25, v22  }
.LBB2_40:
0x12d: {  	s18 =	sadd.s32 $0x10, s18  }
0x12e: {  	p0 =	slt.u32 s18, $0x3D0  }
.Ltmp19:
0x12f: {  	s17 =	sadd.s32 $0x80, s17;
	(pc) =	sbr.rel @p0 .LBB2_40-.Ltmp19, $4  }
0x130: {  	vm1 =	veq.s32 v23, v20;
	s19 =	sand.u32 $0x70, s18;
	s20 =	sand.u32 $0x1C00, s17;
	v23 =	vor.u32 s18, v1  }
0x131: {  	s19 =	sor.u32 s19, s20;
	v25 =	vmul.f32 v24, v24;
	v26 =	vnsel vm1, $0x0, v24  }
0x132: {  	v24 =	vld [tilespmem:s19+$0x4180];
	v21 =	vadd.f32 v26, v21  }
0x133: {  	v22 =	vadd.f32 v25, v22  }
0x134: {  	v25 =	vld.msk [tilespmem:$0x5DE0], $0xff;
	_ =	sdelay $0x4  }
0x135: {  	v25 =	vperm.xlane v25, v2  }
0x136: {  	vm1 =	veq.s32 v23, v20;
	v26 =	vmul.f32 v24, v24  }
0x137: {  	s17 =	simm.s32 $0x0;
	s18 =	simm.s32 $0x0;
	v24 =	vnsel vm1, $0x0, v24;
	vm1 =	veq.s32 v20, v3;
	v23 =	vsel vm0, $0x0, v25  }
0x138: {  	s19 =	sand.u32 $0x70, s18;
	s20 =	sand.u32 $0x1C00, s17;
	v21 =	vadd.f32 v24, v21;
	v22 =	vadd.f32 v26, v22;
	v25 =	vmul.f32 v23, v23  }
0x139: {  	s19 =	sor.u32 s19, s20;
	v20 =	vnsel vm1, $0x0, v23;
	v23 =	vor.u32 s18, v1  }
0x13a: {  	v24 =	vld [tilespmem:s19+$0x4200];
	v21 =	vadd.f32 v20, v21;
	v20 =	vperm.xlane v19, v7;
	v22 =	vadd.f32 v25, v22  }
.LBB2_42:
0x13b: {  	s18 =	sadd.s32 $0x10, s18  }
0x13c: {  	p0 =	slt.u32 s18, $0x3D0  }
.Ltmp20:
0x13d: {  	s17 =	sadd.s32 $0x80, s17;
	(pc) =	sbr.rel @p0 .LBB2_42-.Ltmp20, $4  }
0x13e: {  	vm1 =	veq.s32 v23, v20;
	s19 =	sand.u32 $0x70, s18;
	s20 =	sand.u32 $0x1C00, s17;
	v23 =	vor.u32 s18, v1  }
0x13f: {  	s19 =	sor.u32 s19, s20;
	v25 =	vmul.f32 v24, v24;
	v26 =	vnsel vm1, $0x0, v24  }
0x140: {  	v24 =	vld [tilespmem:s19+$0x4200];
	v21 =	vadd.f32 v26, v21  }
0x141: {  	v22 =	vadd.f32 v25, v22  }
0x142: {  	v25 =	vld.msk [tilespmem:$0x5E60], $0xff;
	_ =	sdelay $0x4  }
0x143: {  	v25 =	vperm.xlane v25, v2  }
0x144: {  	vm1 =	veq.s32 v23, v20;
	v26 =	vmul.f32 v24, v24  }
0x145: {  	s17 =	simm.s32 $0x0;
	s18 =	simm.s32 $0x0;
	v24 =	vnsel vm1, $0x0, v24;
	vm1 =	veq.s32 v20, v3;
	v23 =	vsel vm0, $0x0, v25  }
0x146: {  	s19 =	sand.u32 $0x70, s18;
	s20 =	sand.u32 $0x1C00, s17;
	v21 =	vadd.f32 v24, v21;
	v22 =	vadd.f32 v26, v22;
	v25 =	vmul.f32 v23, v23  }
0x147: {  	s19 =	sor.u32 s19, s20;
	v20 =	vnsel vm1, $0x0, v23;
	v23 =	vor.u32 s18, v1  }
0x148: {  	v24 =	vld [tilespmem:s19+$0x4280];
	v21 =	vadd.f32 v20, v21;
	v20 =	vperm.xlane v19, v8;
	v22 =	vadd.f32 v25, v22  }
.LBB2_44:
0x149: {  	s18 =	sadd.s32 $0x10, s18  }
0x14a: {  	p0 =	slt.u32 s18, $0x3D0  }
.Ltmp21:
0x14b: {  	s17 =	sadd.s32 $0x80, s17;
	(pc) =	sbr.rel @p0 .LBB2_44-.Ltmp21, $4  }
0x14c: {  	vm1 =	veq.s32 v23, v20;
	s19 =	sand.u32 $0x70, s18;
	s20 =	sand.u32 $0x1C00, s17;
	v23 =	vor.u32 s18, v1  }
0x14d: {  	s19 =	sor.u32 s19, s20;
	v25 =	vmul.f32 v24, v24;
	v26 =	vnsel vm1, $0x0, v24  }
0x14e: {  	v24 =	vld [tilespmem:s19+$0x4280];
	v21 =	vadd.f32 v26, v21  }
0x14f: {  	v22 =	vadd.f32 v25, v22  }
0x150: {  	v25 =	vld.msk [tilespmem:$0x5EE0], $0xff;
	_ =	sdelay $0x4  }
0x151: {  	v25 =	vperm.xlane v25, v2  }
0x152: {  	vm1 =	veq.s32 v23, v20;
	v26 =	vmul.f32 v24, v24  }
0x153: {  	s17 =	simm.s32 $0x0;
	s18 =	simm.s32 $0x0;
	v24 =	vnsel vm1, $0x0, v24;
	vm1 =	veq.s32 v20, v3;
	v23 =	vsel vm0, $0x0, v25  }
0x154: {  	s19 =	sand.u32 $0x70, s18;
	s20 =	sand.u32 $0x1C00, s17;
	v21 =	vadd.f32 v24, v21;
	v22 =	vadd.f32 v26, v22;
	v25 =	vmul.f32 v23, v23  }
0x155: {  	s19 =	sor.u32 s19, s20;
	v20 =	vnsel vm1, $0x0, v23;
	v23 =	vor.u32 s18, v1  }
0x156: {  	v24 =	vld [tilespmem:s19+$0x4300];
	v21 =	vadd.f32 v20, v21;
	v20 =	vperm.xlane v19, v9;
	v22 =	vadd.f32 v25, v22  }
.LBB2_46:
0x157: {  	s18 =	sadd.s32 $0x10, s18  }
0x158: {  	p0 =	slt.u32 s18, $0x3D0  }
.Ltmp22:
0x159: {  	s17 =	sadd.s32 $0x80, s17;
	(pc) =	sbr.rel @p0 .LBB2_46-.Ltmp22, $4  }
0x15a: {  	vm1 =	veq.s32 v23, v20;
	s19 =	sand.u32 $0x70, s18;
	s20 =	sand.u32 $0x1C00, s17;
	v23 =	vor.u32 s18, v1  }
0x15b: {  	s19 =	sor.u32 s19, s20;
	v25 =	vmul.f32 v24, v24;
	v26 =	vnsel vm1, $0x0, v24  }
0x15c: {  	v24 =	vld [tilespmem:s19+$0x4300];
	v21 =	vadd.f32 v26, v21  }
0x15d: {  	v22 =	vadd.f32 v25, v22  }
0x15e: {  	v25 =	vld.msk [tilespmem:$0x5F60], $0xff;
	_ =	sdelay $0x4  }
0x15f: {  	v25 =	vperm.xlane v25, v2  }
0x160: {  	vm1 =	veq.s32 v23, v20;
	v26 =	vmul.f32 v24, v24  }
0x161: {  	s17 =	simm.s32 $0x0;
	s18 =	simm.s32 $0x0;
	v24 =	vnsel vm1, $0x0, v24;
	vm1 =	veq.s32 v20, v3;
	v23 =	vsel vm0, $0x0, v25  }
0x162: {  	s19 =	sor.u32 s17, s18;
	v21 =	vadd.f32 v24, v21;
	v22 =	vadd.f32 v26, v22;
	v25 =	vmul.f32 v23, v23  }
0x163: {  	s19 =	sor.u32 $0x380, s19;
	v20 =	vnsel vm1, $0x0, v23;
	v23 =	vor.u32 s18, v1  }
0x164: {  	v24 =	vld [tilespmem:s19+$0x4000];
	v21 =	vadd.f32 v20, v21;
	v20 =	vperm.xlane v19, v10;
	v22 =	vadd.f32 v25, v22  }
.LBB2_48:
0x165: {  	s18 =	sadd.s32 $0x10, s18  }
0x166: {  	p0 =	slt.u32 s18, $0x3D0  }
.Ltmp23:
0x167: {  	s17 =	sadd.s32 $0x80, s17;
	(pc) =	sbr.rel @p0 .LBB2_48-.Ltmp23, $4  }
0x168: {  	vm1 =	veq.s32 v23, v20;
	s19 =	sor.u32 s17, s18;
	v23 =	vor.u32 s18, v1  }
0x169: {  	s19 =	sor.u32 $0x380, s19;
	v25 =	vmul.f32 v24, v24;
	v26 =	vnsel vm1, $0x0, v24  }
0x16a: {  	v24 =	vld [tilespmem:s19+$0x4000];
	v21 =	vadd.f32 v26, v21  }
0x16b: {  	v22 =	vadd.f32 v25, v22  }
0x16c: {  	v25 =	vld.msk [tilespmem:$0x5FE0], $0xff;
	_ =	sdelay $0x4  }
0x16d: {  	v25 =	vperm.xlane v25, v2  }
0x16e: {  	vm1 =	veq.s32 v23, v20;
	v26 =	vmul.f32 v24, v24  }
0x16f: {  	s17 =	simm.s32 $0x0;
	s18 =	simm.s32 $0x0;
	v24 =	vnsel vm1, $0x0, v24;
	vm1 =	veq.s32 v20, v3;
	v23 =	vsel vm0, $0x0, v25  }
0x170: {  	s19 =	sand.u32 $0x70, s18;
	s20 =	sand.u32 $0x1C00, s17;
	v21 =	vadd.f32 v24, v21;
	v22 =	vadd.f32 v26, v22;
	v25 =	vmul.f32 v23, v23  }
0x171: {  	s19 =	sor.u32 s19, s20;
	v20 =	vnsel vm1, $0x0, v23;
	v23 =	vor.u32 s18, v1  }
0x172: {  	v24 =	vld [tilespmem:s19+$0x6000];
	v21 =	vadd.f32 v20, v21;
	v20 =	vperm.xlane v19, v11;
	v22 =	vadd.f32 v25, v22  }
.LBB2_50:
0x173: {  	s18 =	sadd.s32 $0x10, s18  }
0x174: {  	p0 =	slt.u32 s18, $0x3D0  }
.Ltmp24:
0x175: {  	s17 =	sadd.s32 $0x80, s17;
	(pc) =	sbr.rel @p0 .LBB2_50-.Ltmp24, $4  }
0x176: {  	vm1 =	veq.s32 v23, v20;
	s19 =	sand.u32 $0x70, s18;
	s20 =	sand.u32 $0x1C00, s17;
	v23 =	vor.u32 s18, v1  }
0x177: {  	s19 =	sor.u32 s19, s20;
	v25 =	vmul.f32 v24, v24;
	v26 =	vnsel vm1, $0x0, v24  }
0x178: {  	v24 =	vld [tilespmem:s19+$0x6000];
	v21 =	vadd.f32 v26, v21  }
0x179: {  	v22 =	vadd.f32 v25, v22  }
0x17a: {  	v25 =	vld.msk [tilespmem:$0x7C60], $0xff;
	_ =	sdelay $0x4  }
0x17b: {  	v25 =	vperm.xlane v25, v2  }
0x17c: {  	vm1 =	veq.s32 v23, v20;
	v26 =	vmul.f32 v24, v24  }
0x17d: {  	s17 =	simm.s32 $0x0;
	s18 =	simm.s32 $0x0;
	v24 =	vnsel vm1, $0x0, v24;
	vm1 =	veq.s32 v20, v3;
	v23 =	vsel vm0, $0x0, v25  }
0x17e: {  	s19 =	sand.u32 $0x70, s18;
	s20 =	sand.u32 $0x1C00, s17;
	v21 =	vadd.f32 v24, v21;
	v22 =	vadd.f32 v26, v22;
	v25 =	vmul.f32 v23, v23  }
0x17f: {  	s19 =	sor.u32 s19, s20;
	v20 =	vnsel vm1, $0x0, v23;
	v23 =	vor.u32 s18, v1  }
0x180: {  	v24 =	vld [tilespmem:s19+$0x6080];
	v21 =	vadd.f32 v20, v21;
	v20 =	vperm.xlane v19, v12;
	v22 =	vadd.f32 v25, v22  }
.LBB2_52:
0x181: {  	s18 =	sadd.s32 $0x10, s18  }
0x182: {  	p0 =	slt.u32 s18, $0x3D0  }
.Ltmp25:
0x183: {  	s17 =	sadd.s32 $0x80, s17;
	(pc) =	sbr.rel @p0 .LBB2_52-.Ltmp25, $4  }
0x184: {  	vm1 =	veq.s32 v23, v20;
	s19 =	sand.u32 $0x70, s18;
	s20 =	sand.u32 $0x1C00, s17;
	v23 =	vor.u32 s18, v1  }
0x185: {  	s19 =	sor.u32 s19, s20;
	v25 =	vmul.f32 v24, v24;
	v26 =	vnsel vm1, $0x0, v24  }
0x186: {  	v24 =	vld [tilespmem:s19+$0x6080];
	v21 =	vadd.f32 v26, v21  }
0x187: {  	v22 =	vadd.f32 v25, v22  }
0x188: {  	v25 =	vld.msk [tilespmem:$0x7CE0], $0xff;
	_ =	sdelay $0x4  }
0x189: {  	v25 =	vperm.xlane v25, v2  }
0x18a: {  	vm1 =	veq.s32 v23, v20;
	v26 =	vmul.f32 v24, v24  }
0x18b: {  	s17 =	simm.s32 $0x0;
	s18 =	simm.s32 $0x0;
	v24 =	vnsel vm1, $0x0, v24;
	vm1 =	veq.s32 v20, v3;
	v23 =	vsel vm0, $0x0, v25  }
0x18c: {  	s19 =	sand.u32 $0x70, s18;
	s20 =	sand.u32 $0x1C00, s17;
	v21 =	vadd.f32 v24, v21;
	v22 =	vadd.f32 v26, v22;
	v25 =	vmul.f32 v23, v23  }
0x18d: {  	s19 =	sor.u32 s19, s20;
	v20 =	vnsel vm1, $0x0, v23;
	v23 =	vor.u32 s18, v1  }
0x18e: {  	v24 =	vld [tilespmem:s19+$0x6100];
	v21 =	vadd.f32 v20, v21;
	v20 =	vperm.xlane v19, v13;
	v22 =	vadd.f32 v25, v22  }
.LBB2_54:
0x18f: {  	s18 =	sadd.s32 $0x10, s18  }
0x190: {  	p0 =	slt.u32 s18, $0x3D0  }
.Ltmp26:
0x191: {  	s17 =	sadd.s32 $0x80, s17;
	(pc) =	sbr.rel @p0 .LBB2_54-.Ltmp26, $4  }
0x192: {  	vm1 =	veq.s32 v23, v20;
	s19 =	sand.u32 $0x70, s18;
	s20 =	sand.u32 $0x1C00, s17;
	v23 =	vor.u32 s18, v1  }
0x193: {  	s19 =	sor.u32 s19, s20;
	v25 =	vmul.f32 v24, v24;
	v26 =	vnsel vm1, $0x0, v24  }
0x194: {  	v24 =	vld [tilespmem:s19+$0x6100];
	v21 =	vadd.f32 v26, v21  }
0x195: {  	v22 =	vadd.f32 v25, v22  }
0x196: {  	v25 =	vld.msk [tilespmem:$0x7D60], $0xff;
	_ =	sdelay $0x4  }
0x197: {  	v25 =	vperm.xlane v25, v2  }
0x198: {  	vm1 =	veq.s32 v23, v20;
	v26 =	vmul.f32 v24, v24  }
0x199: {  	s17 =	simm.s32 $0x0;
	s18 =	simm.s32 $0x0;
	v24 =	vnsel vm1, $0x0, v24;
	vm1 =	veq.s32 v20, v3;
	v23 =	vsel vm0, $0x0, v25  }
0x19a: {  	s19 =	sand.u32 $0x70, s18;
	s20 =	sand.u32 $0x1C00, s17;
	v21 =	vadd.f32 v24, v21;
	v22 =	vadd.f32 v26, v22;
	v25 =	vmul.f32 v23, v23  }
0x19b: {  	s19 =	sor.u32 s19, s20;
	v20 =	vnsel vm1, $0x0, v23;
	v23 =	vor.u32 s18, v1  }
0x19c: {  	v24 =	vld [tilespmem:s19+$0x6180];
	v21 =	vadd.f32 v20, v21;
	v20 =	vperm.xlane v19, v14;
	v22 =	vadd.f32 v25, v22  }
.LBB2_56:
0x19d: {  	s18 =	sadd.s32 $0x10, s18  }
0x19e: {  	p0 =	slt.u32 s18, $0x3D0  }
.Ltmp27:
0x19f: {  	s17 =	sadd.s32 $0x80, s17;
	(pc) =	sbr.rel @p0 .LBB2_56-.Ltmp27, $4  }
0x1a0: {  	vm1 =	veq.s32 v23, v20;
	s19 =	sand.u32 $0x70, s18;
	s20 =	sand.u32 $0x1C00, s17;
	v23 =	vor.u32 s18, v1  }
0x1a1: {  	s19 =	sor.u32 s19, s20;
	v25 =	vmul.f32 v24, v24;
	v26 =	vnsel vm1, $0x0, v24  }
0x1a2: {  	v24 =	vld [tilespmem:s19+$0x6180];
	v21 =	vadd.f32 v26, v21  }
0x1a3: {  	v22 =	vadd.f32 v25, v22  }
0x1a4: {  	v25 =	vld.msk [tilespmem:$0x7DE0], $0xff;
	_ =	sdelay $0x4  }
0x1a5: {  	v25 =	vperm.xlane v25, v2  }
0x1a6: {  	vm1 =	veq.s32 v23, v20;
	v26 =	vmul.f32 v24, v24  }
0x1a7: {  	s17 =	simm.s32 $0x0;
	s18 =	simm.s32 $0x0;
	v24 =	vnsel vm1, $0x0, v24;
	vm1 =	veq.s32 v20, v3;
	v23 =	vsel vm0, $0x0, v25  }
0x1a8: {  	s19 =	sand.u32 $0x70, s18;
	s20 =	sand.u32 $0x1C00, s17;
	v21 =	vadd.f32 v24, v21;
	v22 =	vadd.f32 v26, v22;
	v25 =	vmul.f32 v23, v23  }
0x1a9: {  	s19 =	sor.u32 s19, s20;
	v20 =	vnsel vm1, $0x0, v23;
	v23 =	vor.u32 s18, v1  }
0x1aa: {  	v24 =	vld [tilespmem:s19+$0x6200];
	v21 =	vadd.f32 v20, v21;
	v20 =	vperm.xlane v19, v15;
	v22 =	vadd.f32 v25, v22  }
.LBB2_58:
0x1ab: {  	s18 =	sadd.s32 $0x10, s18  }
0x1ac: {  	p0 =	slt.u32 s18, $0x3D0  }
.Ltmp28:
0x1ad: {  	s17 =	sadd.s32 $0x80, s17;
	(pc) =	sbr.rel @p0 .LBB2_58-.Ltmp28, $4  }
0x1ae: {  	vm1 =	veq.s32 v23, v20;
	s19 =	sand.u32 $0x70, s18;
	s20 =	sand.u32 $0x1C00, s17;
	v23 =	vor.u32 s18, v1  }
0x1af: {  	s19 =	sor.u32 s19, s20;
	v25 =	vmul.f32 v24, v24;
	v26 =	vnsel vm1, $0x0, v24  }
0x1b0: {  	v24 =	vld [tilespmem:s19+$0x6200];
	v21 =	vadd.f32 v26, v21  }
0x1b1: {  	v22 =	vadd.f32 v25, v22  }
0x1b2: {  	v25 =	vld.msk [tilespmem:$0x7E60], $0xff;
	_ =	sdelay $0x4  }
0x1b3: {  	v25 =	vperm.xlane v25, v2  }
0x1b4: {  	vm1 =	veq.s32 v23, v20;
	v26 =	vmul.f32 v24, v24  }
0x1b5: {  	s17 =	simm.s32 $0x0;
	s18 =	simm.s32 $0x0;
	v24 =	vnsel vm1, $0x0, v24;
	vm1 =	veq.s32 v20, v3;
	v23 =	vsel vm0, $0x0, v25  }
0x1b6: {  	s19 =	sand.u32 $0x70, s18;
	s20 =	sand.u32 $0x1C00, s17;
	v21 =	vadd.f32 v24, v21;
	v22 =	vadd.f32 v26, v22;
	v25 =	vmul.f32 v23, v23  }
0x1b7: {  	s19 =	sor.u32 s19, s20;
	v20 =	vnsel vm1, $0x0, v23;
	v23 =	vor.u32 s18, v1  }
0x1b8: {  	v24 =	vld [tilespmem:s19+$0x6280];
	v21 =	vadd.f32 v20, v21;
	v20 =	vperm.xlane v19, v16;
	v22 =	vadd.f32 v25, v22  }
.LBB2_60:
0x1b9: {  	s18 =	sadd.s32 $0x10, s18  }
0x1ba: {  	p0 =	slt.u32 s18, $0x3D0  }
.Ltmp29:
0x1bb: {  	s17 =	sadd.s32 $0x80, s17;
	(pc) =	sbr.rel @p0 .LBB2_60-.Ltmp29, $4  }
0x1bc: {  	vm1 =	veq.s32 v23, v20;
	s19 =	sand.u32 $0x70, s18;
	s20 =	sand.u32 $0x1C00, s17;
	v23 =	vor.u32 s18, v1  }
0x1bd: {  	s19 =	sor.u32 s19, s20;
	v25 =	vmul.f32 v24, v24;
	v26 =	vnsel vm1, $0x0, v24  }
0x1be: {  	v24 =	vld [tilespmem:s19+$0x6280];
	v21 =	vadd.f32 v26, v21  }
0x1bf: {  	v22 =	vadd.f32 v25, v22  }
0x1c0: {  	v25 =	vld.msk [tilespmem:$0x7EE0], $0xff;
	_ =	sdelay $0x4  }
0x1c1: {  	v25 =	vperm.xlane v25, v2  }
0x1c2: {  	vm1 =	veq.s32 v23, v20;
	v26 =	vmul.f32 v24, v24  }
0x1c3: {  	s17 =	simm.s32 $0x0;
	s18 =	simm.s32 $0x0;
	v24 =	vnsel vm1, $0x0, v24;
	vm1 =	veq.s32 v20, v3;
	v23 =	vsel vm0, $0x0, v25  }
0x1c4: {  	s19 =	sand.u32 $0x70, s18;
	s20 =	sand.u32 $0x1C00, s17;
	v21 =	vadd.f32 v24, v21;
	v22 =	vadd.f32 v26, v22;
	v25 =	vmul.f32 v23, v23  }
0x1c5: {  	s19 =	sor.u32 s19, s20;
	v20 =	vnsel vm1, $0x0, v23;
	v23 =	vor.u32 s18, v1  }
0x1c6: {  	v24 =	vld [tilespmem:s19+$0x6300];
	v21 =	vadd.f32 v20, v21;
	v20 =	vperm.xlane v19, v17;
	v22 =	vadd.f32 v25, v22  }
.LBB2_62:
0x1c7: {  	s18 =	sadd.s32 $0x10, s18  }
0x1c8: {  	p0 =	slt.u32 s18, $0x3D0  }
.Ltmp30:
0x1c9: {  	s17 =	sadd.s32 $0x80, s17;
	(pc) =	sbr.rel @p0 .LBB2_62-.Ltmp30, $4  }
0x1ca: {  	vm1 =	veq.s32 v23, v20;
	s19 =	sand.u32 $0x70, s18;
	s20 =	sand.u32 $0x1C00, s17;
	v23 =	vor.u32 s18, v1  }
0x1cb: {  	s19 =	sor.u32 s19, s20;
	v25 =	vmul.f32 v24, v24;
	v26 =	vnsel vm1, $0x0, v24  }
0x1cc: {  	v24 =	vld [tilespmem:s19+$0x6300];
	v21 =	vadd.f32 v26, v21  }
0x1cd: {  	v22 =	vadd.f32 v25, v22  }
0x1ce: {  	v25 =	vld.msk [tilespmem:$0x7F60], $0xff;
	_ =	sdelay $0x4  }
0x1cf: {  	v25 =	vperm.xlane v25, v2  }
0x1d0: {  	v26 =	vmul.f32 v24, v24  }
0x1d1: {  	vm1 =	veq.s32 v23, v20;
	v23 =	vsel vm0, $0x0, v25  }
0x1d2: {  	s17 =	simm.s32 $0x0;
	s18 =	simm.s32 $0x0;
	v63 =	vnsel vm1, $0x0, v24;
	v22 =	vadd.f32 v26, v22;
	v25 =	vmul.f32 v23, v23  }
0x1d3: {  	s19 =	sand.u32 $0x70, s18;
	s20 =	sand.u32 $0x1C00, s17;
	vm1 =	veq.s32 v20, v3;
	v21 =	vadd.f32 v63, v21  }
0x1d4: {  	s19 =	sor.u32 s19, s20;
	v20 =	vadd.f32 v25, v22;
	v22 =	vnsel vm1, $0x0, v23  }
0x1d5: {  	v23 =	vld [tilespmem:s19+$0x6380];
	v22 =	vadd.f32 v22, v21;
	v21 =	vperm.xlane v19, v18;
	v19 =	vor.u32 s18, v1  }
.LBB2_64:
0x1d6: {  	s18 =	sadd.s32 $0x10, s18  }
0x1d7: {  	p0 =	slt.u32 s18, $0x3D0  }
.Ltmp31:
0x1d8: {  	s17 =	sadd.s32 $0x80, s17;
	(pc) =	sbr.rel @p0 .LBB2_64-.Ltmp31, $4  }
0x1d9: {  	vm1 =	veq.s32 v19, v21;
	s19 =	sand.u32 $0x70, s18;
	s20 =	sand.u32 $0x1C00, s17;
	v19 =	vor.u32 s18, v1  }
0x1da: {  	s19 =	sor.u32 s19, s20;
	v24 =	vmul.f32 v23, v23;
	v25 =	vnsel vm1, $0x0, v23  }
0x1db: {  	v23 =	vld [tilespmem:s19+$0x6380];
	v22 =	vadd.f32 v25, v22  }
0x1dc: {  	v20 =	vadd.f32 v24, v20  }
0x1dd: {  	v24 =	vld.msk [tilespmem:$0x7FE0], $0xff;
	s17 =	simm.s32 $0x0  }
0x1de: {  	[tilespmem:s12], [sflag:$0x2] =	stream.linear.gather [hbm4b:s7+s17], $0x4000, $0x38;
	[tilespmem:$0x8100] =	vst v63  }
0x1df: {  	_ =	swait.ge [sflag:s13], $0x4000  }
0x1e0: {  	[sflag:s13] =	ssyncset.done $0x0  }
0x1e1: {  	[sflag:s13] =	ssyncadd.s32 $0xFFFFC000  }
0x1e2: {  	vm1 =	veq.s32 v19, v21;
	v24 =	vperm.xlane v24, v2;
	v19 =	vld [tilespmem:$0x8020]  }
0x1e3: {  	v25 =	vnsel vm1, $0x0, v23;
	v23 =	vmul.f32 v23, v23  }
0x1e4: {  	s18 =	simm.s32 $0x0;
	vm1 =	veq.s32 v21, v3;
	v22 =	vadd.f32 v25, v22;
	v21 =	vsel vm0, $0x0, v24  }
0x1e5: {  	s19 =	sand.u32 $0x70, s18;
	s20 =	sand.u32 $0x1C00, s17;
	v23 =	vadd.f32 v23, v20;
	v20 =	vnsel vm1, $0x0, v21;
	v21 =	vmul.f32 v21, v21  }
0x1e6: {  	s19 =	sor.u32 s19, s20;
	v20 =	vadd.f32 v20, v22  }
0x1e7: {  	v24 =	vld [tilespmem:s19+$0x0];
	v22 =	vadd.f32 v21, v23;
	v21 =	vperm.xlane v19, v0;
	v23 =	vor.u32 s18, v1  }
.LBB2_66:
0x1e8: {  	s18 =	sadd.s32 $0x10, s18  }
0x1e9: {  	p0 =	slt.u32 s18, $0x3D0  }
.Ltmp32:
0x1ea: {  	s17 =	sadd.s32 $0x80, s17;
	(pc) =	sbr.rel @p0 .LBB2_66-.Ltmp32, $4  }
0x1eb: {  	vm1 =	veq.s32 v23, v21;
	s19 =	sand.u32 $0x70, s18;
	s20 =	sand.u32 $0x1C00, s17;
	v23 =	vor.u32 s18, v1  }
0x1ec: {  	s19 =	sor.u32 s19, s20;
	v25 =	vmul.f32 v24, v24;
	v26 =	vnsel vm1, $0x0, v24  }
0x1ed: {  	v24 =	vld [tilespmem:s19+$0x0];
	v20 =	vadd.f32 v26, v20  }
0x1ee: {  	v22 =	vadd.f32 v25, v22  }
0x1ef: {  	v25 =	vld.msk [tilespmem:$0x1C60], $0xff;
	_ =	sdelay $0x4  }
0x1f0: {  	v25 =	vperm.xlane v25, v2  }
0x1f1: {  	vm1 =	veq.s32 v23, v21;
	v26 =	vmul.f32 v24, v24  }
0x1f2: {  	s17 =	simm.s32 $0x0;
	s18 =	simm.s32 $0x0;
	v24 =	vnsel vm1, $0x0, v24;
	vm1 =	veq.s32 v21, v3;
	v23 =	vsel vm0, $0x0, v25  }
0x1f3: {  	s19 =	sand.u32 $0x70, s18;
	s20 =	sand.u32 $0x1C00, s17;
	v20 =	vadd.f32 v24, v20;
	v22 =	vadd.f32 v26, v22;
	v25 =	vmul.f32 v23, v23  }
0x1f4: {  	s19 =	sor.u32 s19, s20;
	v21 =	vnsel vm1, $0x0, v23;
	v23 =	vor.u32 s18, v1  }
0x1f5: {  	v24 =	vld [tilespmem:s19+$0x80];
	v21 =	vadd.f32 v21, v20;
	v20 =	vperm.xlane v19, v4;
	v22 =	vadd.f32 v25, v22  }
.LBB2_68:
0x1f6: {  	s18 =	sadd.s32 $0x10, s18  }
0x1f7: {  	p0 =	slt.u32 s18, $0x3D0  }
.Ltmp33:
0x1f8: {  	s17 =	sadd.s32 $0x80, s17;
	(pc) =	sbr.rel @p0 .LBB2_68-.Ltmp33, $4  }
0x1f9: {  	vm1 =	veq.s32 v23, v20;
	s19 =	sand.u32 $0x70, s18;
	s20 =	sand.u32 $0x1C00, s17;
	v23 =	vor.u32 s18, v1  }
0x1fa: {  	s19 =	sor.u32 s19, s20;
	v25 =	vmul.f32 v24, v24;
	v26 =	vnsel vm1, $0x0, v24  }
0x1fb: {  	v24 =	vld [tilespmem:s19+$0x80];
	v21 =	vadd.f32 v26, v21  }
0x1fc: {  	v22 =	vadd.f32 v25, v22  }
0x1fd: {  	v25 =	vld.msk [tilespmem:$0x1CE0], $0xff;
	_ =	sdelay $0x4  }
0x1fe: {  	v25 =	vperm.xlane v25, v2  }
0x1ff: {  	vm1 =	veq.s32 v23, v20;
	v26 =	vmul.f32 v24, v24  }
0x200: {  	s17 =	simm.s32 $0x0;
	s18 =	simm.s32 $0x0;
	v24 =	vnsel vm1, $0x0, v24;
	vm1 =	veq.s32 v20, v3;
	v23 =	vsel vm0, $0x0, v25  }
0x201: {  	s19 =	sand.u32 $0x70, s18;
	s20 =	sand.u32 $0x1C00, s17;
	v21 =	vadd.f32 v24, v21;
	v22 =	vadd.f32 v26, v22;
	v25 =	vmul.f32 v23, v23  }
0x202: {  	s19 =	sor.u32 s19, s20;
	v20 =	vnsel vm1, $0x0, v23;
	v23 =	vor.u32 s18, v1  }
0x203: {  	v24 =	vld [tilespmem:s19+$0x100];
	v21 =	vadd.f32 v20, v21;
	v20 =	vperm.xlane v19, v5;
	v22 =	vadd.f32 v25, v22  }
.LBB2_70:
0x204: {  	s18 =	sadd.s32 $0x10, s18  }
0x205: {  	p0 =	slt.u32 s18, $0x3D0  }
.Ltmp34:
0x206: {  	s17 =	sadd.s32 $0x80, s17;
	(pc) =	sbr.rel @p0 .LBB2_70-.Ltmp34, $4  }
0x207: {  	vm1 =	veq.s32 v23, v20;
	s19 =	sand.u32 $0x70, s18;
	s20 =	sand.u32 $0x1C00, s17;
	v23 =	vor.u32 s18, v1  }
0x208: {  	s19 =	sor.u32 s19, s20;
	v25 =	vmul.f32 v24, v24;
	v26 =	vnsel vm1, $0x0, v24  }
0x209: {  	v24 =	vld [tilespmem:s19+$0x100];
	v21 =	vadd.f32 v26, v21  }
0x20a: {  	v22 =	vadd.f32 v25, v22  }
0x20b: {  	v25 =	vld.msk [tilespmem:$0x1D60], $0xff;
	_ =	sdelay $0x4  }
0x20c: {  	v25 =	vperm.xlane v25, v2  }
0x20d: {  	vm1 =	veq.s32 v23, v20;
	v26 =	vmul.f32 v24, v24  }
0x20e: {  	s17 =	simm.s32 $0x0;
	s18 =	simm.s32 $0x0;
	v24 =	vnsel vm1, $0x0, v24;
	vm1 =	veq.s32 v20, v3;
	v23 =	vsel vm0, $0x0, v25  }
0x20f: {  	s19 =	sand.u32 $0x70, s18;
	s20 =	sand.u32 $0x1C00, s17;
	v21 =	vadd.f32 v24, v21;
	v22 =	vadd.f32 v26, v22;
	v25 =	vmul.f32 v23, v23  }
0x210: {  	s19 =	sor.u32 s19, s20;
	v20 =	vnsel vm1, $0x0, v23;
	v23 =	vor.u32 s18, v1  }
0x211: {  	v24 =	vld [tilespmem:s19+$0x180];
	v21 =	vadd.f32 v20, v21;
	v20 =	vperm.xlane v19, v6;
	v22 =	vadd.f32 v25, v22  }
.LBB2_72:
0x212: {  	s18 =	sadd.s32 $0x10, s18  }
0x213: {  	p0 =	slt.u32 s18, $0x3D0  }
.Ltmp35:
0x214: {  	s17 =	sadd.s32 $0x80, s17;
	(pc) =	sbr.rel @p0 .LBB2_72-.Ltmp35, $4  }
0x215: {  	vm1 =	veq.s32 v23, v20;
	s19 =	sand.u32 $0x70, s18;
	s20 =	sand.u32 $0x1C00, s17;
	v23 =	vor.u32 s18, v1  }
0x216: {  	s19 =	sor.u32 s19, s20;
	v25 =	vmul.f32 v24, v24;
	v26 =	vnsel vm1, $0x0, v24  }
0x217: {  	v24 =	vld [tilespmem:s19+$0x180];
	v21 =	vadd.f32 v26, v21  }
0x218: {  	v22 =	vadd.f32 v25, v22  }
0x219: {  	v25 =	vld.msk [tilespmem:$0x1DE0], $0xff;
	_ =	sdelay $0x4  }
0x21a: {  	v25 =	vperm.xlane v25, v2  }
0x21b: {  	vm1 =	veq.s32 v23, v20;
	v26 =	vmul.f32 v24, v24  }
0x21c: {  	s17 =	simm.s32 $0x0;
	s18 =	simm.s32 $0x0;
	v24 =	vnsel vm1, $0x0, v24;
	vm1 =	veq.s32 v20, v3;
	v23 =	vsel vm0, $0x0, v25  }
0x21d: {  	s19 =	sand.u32 $0x70, s18;
	s20 =	sand.u32 $0x1C00, s17;
	v21 =	vadd.f32 v24, v21;
	v22 =	vadd.f32 v26, v22;
	v25 =	vmul.f32 v23, v23  }
0x21e: {  	s19 =	sor.u32 s19, s20;
	v20 =	vnsel vm1, $0x0, v23;
	v23 =	vor.u32 s18, v1  }
0x21f: {  	v24 =	vld [tilespmem:s19+$0x200];
	v21 =	vadd.f32 v20, v21;
	v20 =	vperm.xlane v19, v7;
	v22 =	vadd.f32 v25, v22  }
.LBB2_74:
0x220: {  	s18 =	sadd.s32 $0x10, s18  }
0x221: {  	p0 =	slt.u32 s18, $0x3D0  }
.Ltmp36:
0x222: {  	s17 =	sadd.s32 $0x80, s17;
	(pc) =	sbr.rel @p0 .LBB2_74-.Ltmp36, $4  }
0x223: {  	vm1 =	veq.s32 v23, v20;
	s19 =	sand.u32 $0x70, s18;
	s20 =	sand.u32 $0x1C00, s17;
	v23 =	vor.u32 s18, v1  }
0x224: {  	s19 =	sor.u32 s19, s20;
	v25 =	vmul.f32 v24, v24;
	v26 =	vnsel vm1, $0x0, v24  }
0x225: {  	v24 =	vld [tilespmem:s19+$0x200];
	v21 =	vadd.f32 v26, v21  }
0x226: {  	v22 =	vadd.f32 v25, v22  }
0x227: {  	v25 =	vld.msk [tilespmem:$0x1E60], $0xff;
	_ =	sdelay $0x4  }
0x228: {  	v25 =	vperm.xlane v25, v2  }
0x229: {  	vm1 =	veq.s32 v23, v20;
	v26 =	vmul.f32 v24, v24  }
0x22a: {  	s17 =	simm.s32 $0x0;
	s18 =	simm.s32 $0x0;
	v24 =	vnsel vm1, $0x0, v24;
	vm1 =	veq.s32 v20, v3;
	v23 =	vsel vm0, $0x0, v25  }
0x22b: {  	s19 =	sand.u32 $0x70, s18;
	s20 =	sand.u32 $0x1C00, s17;
	v21 =	vadd.f32 v24, v21;
	v22 =	vadd.f32 v26, v22;
	v25 =	vmul.f32 v23, v23  }
0x22c: {  	s19 =	sor.u32 s19, s20;
	v20 =	vnsel vm1, $0x0, v23;
	v23 =	vor.u32 s18, v1  }
0x22d: {  	v24 =	vld [tilespmem:s19+$0x280];
	v21 =	vadd.f32 v20, v21;
	v20 =	vperm.xlane v19, v8;
	v22 =	vadd.f32 v25, v22  }
.LBB2_76:
0x22e: {  	s18 =	sadd.s32 $0x10, s18  }
0x22f: {  	p0 =	slt.u32 s18, $0x3D0  }
.Ltmp37:
0x230: {  	s17 =	sadd.s32 $0x80, s17;
	(pc) =	sbr.rel @p0 .LBB2_76-.Ltmp37, $4  }
0x231: {  	vm1 =	veq.s32 v23, v20;
	s19 =	sand.u32 $0x70, s18;
	s20 =	sand.u32 $0x1C00, s17;
	v23 =	vor.u32 s18, v1  }
0x232: {  	s19 =	sor.u32 s19, s20;
	v25 =	vmul.f32 v24, v24;
	v26 =	vnsel vm1, $0x0, v24  }
0x233: {  	v24 =	vld [tilespmem:s19+$0x280];
	v21 =	vadd.f32 v26, v21  }
0x234: {  	v22 =	vadd.f32 v25, v22  }
0x235: {  	v25 =	vld.msk [tilespmem:$0x1EE0], $0xff;
	_ =	sdelay $0x4  }
0x236: {  	v25 =	vperm.xlane v25, v2  }
0x237: {  	vm1 =	veq.s32 v23, v20;
	v26 =	vmul.f32 v24, v24  }
0x238: {  	s17 =	simm.s32 $0x0;
	s18 =	simm.s32 $0x0;
	v24 =	vnsel vm1, $0x0, v24;
	vm1 =	veq.s32 v20, v3;
	v23 =	vsel vm0, $0x0, v25  }
0x239: {  	s19 =	sand.u32 $0x70, s18;
	s20 =	sand.u32 $0x1C00, s17;
	v21 =	vadd.f32 v24, v21;
	v22 =	vadd.f32 v26, v22;
	v25 =	vmul.f32 v23, v23  }
0x23a: {  	s19 =	sor.u32 s19, s20;
	v20 =	vnsel vm1, $0x0, v23;
	v23 =	vor.u32 s18, v1  }
0x23b: {  	v24 =	vld [tilespmem:s19+$0x300];
	v21 =	vadd.f32 v20, v21;
	v20 =	vperm.xlane v19, v9;
	v22 =	vadd.f32 v25, v22  }
.LBB2_78:
0x23c: {  	s18 =	sadd.s32 $0x10, s18  }
0x23d: {  	p0 =	slt.u32 s18, $0x3D0  }
.Ltmp38:
0x23e: {  	s17 =	sadd.s32 $0x80, s17;
	(pc) =	sbr.rel @p0 .LBB2_78-.Ltmp38, $4  }
0x23f: {  	vm1 =	veq.s32 v23, v20;
	s19 =	sand.u32 $0x70, s18;
	s20 =	sand.u32 $0x1C00, s17;
	v23 =	vor.u32 s18, v1  }
0x240: {  	s19 =	sor.u32 s19, s20;
	v25 =	vmul.f32 v24, v24;
	v26 =	vnsel vm1, $0x0, v24  }
0x241: {  	v24 =	vld [tilespmem:s19+$0x300];
	v21 =	vadd.f32 v26, v21  }
0x242: {  	v22 =	vadd.f32 v25, v22  }
0x243: {  	v25 =	vld.msk [tilespmem:$0x1F60], $0xff;
	_ =	sdelay $0x4  }
0x244: {  	v25 =	vperm.xlane v25, v2  }
0x245: {  	vm1 =	veq.s32 v23, v20;
	v26 =	vmul.f32 v24, v24  }
0x246: {  	s17 =	simm.s32 $0x0;
	s18 =	simm.s32 $0x0;
	v24 =	vnsel vm1, $0x0, v24;
	vm1 =	veq.s32 v20, v3;
	v23 =	vsel vm0, $0x0, v25  }
0x247: {  	s19 =	sor.u32 s17, s18;
	v21 =	vadd.f32 v24, v21;
	v22 =	vadd.f32 v26, v22;
	v25 =	vmul.f32 v23, v23  }
0x248: {  	s19 =	sor.u32 $0x380, s19;
	v20 =	vnsel vm1, $0x0, v23;
	v23 =	vor.u32 s18, v1  }
0x249: {  	v24 =	vld [tilespmem:s19+$0x0];
	v21 =	vadd.f32 v20, v21;
	v20 =	vperm.xlane v19, v10;
	v22 =	vadd.f32 v25, v22  }
.LBB2_80:
0x24a: {  	s18 =	sadd.s32 $0x10, s18  }
0x24b: {  	p0 =	slt.u32 s18, $0x3D0  }
.Ltmp39:
0x24c: {  	s17 =	sadd.s32 $0x80, s17;
	(pc) =	sbr.rel @p0 .LBB2_80-.Ltmp39, $4  }
0x24d: {  	vm1 =	veq.s32 v23, v20;
	s19 =	sor.u32 s17, s18;
	v23 =	vor.u32 s18, v1  }
0x24e: {  	s19 =	sor.u32 $0x380, s19;
	v25 =	vmul.f32 v24, v24;
	v26 =	vnsel vm1, $0x0, v24  }
0x24f: {  	v24 =	vld [tilespmem:s19+$0x0];
	v21 =	vadd.f32 v26, v21  }
0x250: {  	v22 =	vadd.f32 v25, v22  }
0x251: {  	v25 =	vld.msk [tilespmem:$0x1FE0], $0xff;
	_ =	sdelay $0x4  }
0x252: {  	v25 =	vperm.xlane v25, v2  }
0x253: {  	vm1 =	veq.s32 v23, v20;
	v26 =	vmul.f32 v24, v24  }
0x254: {  	s17 =	simm.s32 $0x0;
	s18 =	simm.s32 $0x0;
	v24 =	vnsel vm1, $0x0, v24;
	vm1 =	veq.s32 v20, v3;
	v23 =	vsel vm0, $0x0, v25  }
0x255: {  	s19 =	sand.u32 $0x70, s18;
	s20 =	sand.u32 $0x1C00, s17;
	v21 =	vadd.f32 v24, v21;
	v22 =	vadd.f32 v26, v22;
	v25 =	vmul.f32 v23, v23  }
0x256: {  	s19 =	sor.u32 s19, s20;
	v20 =	vnsel vm1, $0x0, v23;
	v23 =	vor.u32 s18, v1  }
0x257: {  	v24 =	vld [tilespmem:s19+$0x2000];
	v21 =	vadd.f32 v20, v21;
	v20 =	vperm.xlane v19, v11;
	v22 =	vadd.f32 v25, v22  }
.LBB2_82:
0x258: {  	s18 =	sadd.s32 $0x10, s18  }
0x259: {  	p0 =	slt.u32 s18, $0x3D0  }
.Ltmp40:
0x25a: {  	s17 =	sadd.s32 $0x80, s17;
	(pc) =	sbr.rel @p0 .LBB2_82-.Ltmp40, $4  }
0x25b: {  	vm1 =	veq.s32 v23, v20;
	s19 =	sand.u32 $0x70, s18;
	s20 =	sand.u32 $0x1C00, s17;
	v23 =	vor.u32 s18, v1  }
0x25c: {  	s19 =	sor.u32 s19, s20;
	v25 =	vmul.f32 v24, v24;
	v26 =	vnsel vm1, $0x0, v24  }
0x25d: {  	v24 =	vld [tilespmem:s19+$0x2000];
	v21 =	vadd.f32 v26, v21  }
0x25e: {  	v22 =	vadd.f32 v25, v22  }
0x25f: {  	v25 =	vld.msk [tilespmem:$0x3C60], $0xff;
	_ =	sdelay $0x4  }
0x260: {  	v25 =	vperm.xlane v25, v2  }
0x261: {  	vm1 =	veq.s32 v23, v20;
	v26 =	vmul.f32 v24, v24  }
0x262: {  	s17 =	simm.s32 $0x0;
	s18 =	simm.s32 $0x0;
	v24 =	vnsel vm1, $0x0, v24;
	vm1 =	veq.s32 v20, v3;
	v23 =	vsel vm0, $0x0, v25  }
0x263: {  	s19 =	sand.u32 $0x70, s18;
	s20 =	sand.u32 $0x1C00, s17;
	v21 =	vadd.f32 v24, v21;
	v22 =	vadd.f32 v26, v22;
	v25 =	vmul.f32 v23, v23  }
0x264: {  	s19 =	sor.u32 s19, s20;
	v20 =	vnsel vm1, $0x0, v23;
	v23 =	vor.u32 s18, v1  }
0x265: {  	v24 =	vld [tilespmem:s19+$0x2080];
	v21 =	vadd.f32 v20, v21;
	v20 =	vperm.xlane v19, v12;
	v22 =	vadd.f32 v25, v22  }
.LBB2_84:
0x266: {  	s18 =	sadd.s32 $0x10, s18  }
0x267: {  	p0 =	slt.u32 s18, $0x3D0  }
.Ltmp41:
0x268: {  	s17 =	sadd.s32 $0x80, s17;
	(pc) =	sbr.rel @p0 .LBB2_84-.Ltmp41, $4  }
0x269: {  	vm1 =	veq.s32 v23, v20;
	s19 =	sand.u32 $0x70, s18;
	s20 =	sand.u32 $0x1C00, s17;
	v23 =	vor.u32 s18, v1  }
0x26a: {  	s19 =	sor.u32 s19, s20;
	v25 =	vmul.f32 v24, v24;
	v26 =	vnsel vm1, $0x0, v24  }
0x26b: {  	v24 =	vld [tilespmem:s19+$0x2080];
	v21 =	vadd.f32 v26, v21  }
0x26c: {  	v22 =	vadd.f32 v25, v22  }
0x26d: {  	v25 =	vld.msk [tilespmem:$0x3CE0], $0xff;
	_ =	sdelay $0x4  }
0x26e: {  	v25 =	vperm.xlane v25, v2  }
0x26f: {  	vm1 =	veq.s32 v23, v20;
	v26 =	vmul.f32 v24, v24  }
0x270: {  	s17 =	simm.s32 $0x0;
	s18 =	simm.s32 $0x0;
	v24 =	vnsel vm1, $0x0, v24;
	vm1 =	veq.s32 v20, v3;
	v23 =	vsel vm0, $0x0, v25  }
0x271: {  	s19 =	sand.u32 $0x70, s18;
	s20 =	sand.u32 $0x1C00, s17;
	v21 =	vadd.f32 v24, v21;
	v22 =	vadd.f32 v26, v22;
	v25 =	vmul.f32 v23, v23  }
0x272: {  	s19 =	sor.u32 s19, s20;
	v20 =	vnsel vm1, $0x0, v23;
	v23 =	vor.u32 s18, v1  }
0x273: {  	v24 =	vld [tilespmem:s19+$0x2100];
	v21 =	vadd.f32 v20, v21;
	v20 =	vperm.xlane v19, v13;
	v22 =	vadd.f32 v25, v22  }
.LBB2_86:
0x274: {  	s18 =	sadd.s32 $0x10, s18  }
0x275: {  	p0 =	slt.u32 s18, $0x3D0  }
.Ltmp42:
0x276: {  	s17 =	sadd.s32 $0x80, s17;
	(pc) =	sbr.rel @p0 .LBB2_86-.Ltmp42, $4  }
0x277: {  	vm1 =	veq.s32 v23, v20;
	s19 =	sand.u32 $0x70, s18;
	s20 =	sand.u32 $0x1C00, s17;
	v23 =	vor.u32 s18, v1  }
0x278: {  	s19 =	sor.u32 s19, s20;
	v25 =	vmul.f32 v24, v24;
	v26 =	vnsel vm1, $0x0, v24  }
0x279: {  	v24 =	vld [tilespmem:s19+$0x2100];
	v21 =	vadd.f32 v26, v21  }
0x27a: {  	v22 =	vadd.f32 v25, v22  }
0x27b: {  	v25 =	vld.msk [tilespmem:$0x3D60], $0xff;
	_ =	sdelay $0x4  }
0x27c: {  	v25 =	vperm.xlane v25, v2  }
0x27d: {  	vm1 =	veq.s32 v23, v20;
	v26 =	vmul.f32 v24, v24  }
0x27e: {  	s17 =	simm.s32 $0x0;
	s18 =	simm.s32 $0x0;
	v24 =	vnsel vm1, $0x0, v24;
	vm1 =	veq.s32 v20, v3;
	v23 =	vsel vm0, $0x0, v25  }
0x27f: {  	s19 =	sand.u32 $0x70, s18;
	s20 =	sand.u32 $0x1C00, s17;
	v21 =	vadd.f32 v24, v21;
	v22 =	vadd.f32 v26, v22;
	v25 =	vmul.f32 v23, v23  }
0x280: {  	s19 =	sor.u32 s19, s20;
	v20 =	vnsel vm1, $0x0, v23;
	v23 =	vor.u32 s18, v1  }
0x281: {  	v24 =	vld [tilespmem:s19+$0x2180];
	v21 =	vadd.f32 v20, v21;
	v20 =	vperm.xlane v19, v14;
	v22 =	vadd.f32 v25, v22  }
.LBB2_88:
0x282: {  	s18 =	sadd.s32 $0x10, s18  }
0x283: {  	p0 =	slt.u32 s18, $0x3D0  }
.Ltmp43:
0x284: {  	s17 =	sadd.s32 $0x80, s17;
	(pc) =	sbr.rel @p0 .LBB2_88-.Ltmp43, $4  }
0x285: {  	vm1 =	veq.s32 v23, v20;
	s19 =	sand.u32 $0x70, s18;
	s20 =	sand.u32 $0x1C00, s17;
	v23 =	vor.u32 s18, v1  }
0x286: {  	s19 =	sor.u32 s19, s20;
	v25 =	vmul.f32 v24, v24;
	v26 =	vnsel vm1, $0x0, v24  }
0x287: {  	v24 =	vld [tilespmem:s19+$0x2180];
	v21 =	vadd.f32 v26, v21  }
0x288: {  	v22 =	vadd.f32 v25, v22  }
0x289: {  	v25 =	vld.msk [tilespmem:$0x3DE0], $0xff;
	_ =	sdelay $0x4  }
0x28a: {  	v25 =	vperm.xlane v25, v2  }
0x28b: {  	vm1 =	veq.s32 v23, v20;
	v26 =	vmul.f32 v24, v24  }
0x28c: {  	s17 =	simm.s32 $0x0;
	s18 =	simm.s32 $0x0;
	v24 =	vnsel vm1, $0x0, v24;
	vm1 =	veq.s32 v20, v3;
	v23 =	vsel vm0, $0x0, v25  }
0x28d: {  	s19 =	sand.u32 $0x70, s18;
	s20 =	sand.u32 $0x1C00, s17;
	v21 =	vadd.f32 v24, v21;
	v22 =	vadd.f32 v26, v22;
	v25 =	vmul.f32 v23, v23  }
0x28e: {  	s19 =	sor.u32 s19, s20;
	v20 =	vnsel vm1, $0x0, v23;
	v23 =	vor.u32 s18, v1  }
0x28f: {  	v24 =	vld [tilespmem:s19+$0x2200];
	v21 =	vadd.f32 v20, v21;
	v20 =	vperm.xlane v19, v15;
	v22 =	vadd.f32 v25, v22  }
.LBB2_90:
0x290: {  	s18 =	sadd.s32 $0x10, s18  }
0x291: {  	p0 =	slt.u32 s18, $0x3D0  }
.Ltmp44:
0x292: {  	s17 =	sadd.s32 $0x80, s17;
	(pc) =	sbr.rel @p0 .LBB2_90-.Ltmp44, $4  }
0x293: {  	vm1 =	veq.s32 v23, v20;
	s19 =	sand.u32 $0x70, s18;
	s20 =	sand.u32 $0x1C00, s17;
	v23 =	vor.u32 s18, v1  }
0x294: {  	s19 =	sor.u32 s19, s20;
	v25 =	vmul.f32 v24, v24;
	v26 =	vnsel vm1, $0x0, v24  }
0x295: {  	v24 =	vld [tilespmem:s19+$0x2200];
	v21 =	vadd.f32 v26, v21  }
0x296: {  	v22 =	vadd.f32 v25, v22  }
0x297: {  	v25 =	vld.msk [tilespmem:$0x3E60], $0xff;
	_ =	sdelay $0x4  }
0x298: {  	v25 =	vperm.xlane v25, v2  }
0x299: {  	vm1 =	veq.s32 v23, v20;
	v26 =	vmul.f32 v24, v24  }
0x29a: {  	s17 =	simm.s32 $0x0;
	s18 =	simm.s32 $0x0;
	v24 =	vnsel vm1, $0x0, v24;
	vm1 =	veq.s32 v20, v3;
	v23 =	vsel vm0, $0x0, v25  }
0x29b: {  	s19 =	sand.u32 $0x70, s18;
	s20 =	sand.u32 $0x1C00, s17;
	v21 =	vadd.f32 v24, v21;
	v22 =	vadd.f32 v26, v22;
	v25 =	vmul.f32 v23, v23  }
0x29c: {  	s19 =	sor.u32 s19, s20;
	v20 =	vnsel vm1, $0x0, v23;
	v23 =	vor.u32 s18, v1  }
0x29d: {  	v24 =	vld [tilespmem:s19+$0x2280];
	v21 =	vadd.f32 v20, v21;
	v20 =	vperm.xlane v19, v16;
	v22 =	vadd.f32 v25, v22  }
.LBB2_92:
0x29e: {  	s18 =	sadd.s32 $0x10, s18  }
0x29f: {  	p0 =	slt.u32 s18, $0x3D0  }
.Ltmp45:
0x2a0: {  	s17 =	sadd.s32 $0x80, s17;
	(pc) =	sbr.rel @p0 .LBB2_92-.Ltmp45, $4  }
0x2a1: {  	vm1 =	veq.s32 v23, v20;
	s19 =	sand.u32 $0x70, s18;
	s20 =	sand.u32 $0x1C00, s17;
	v23 =	vor.u32 s18, v1  }
0x2a2: {  	s19 =	sor.u32 s19, s20;
	v25 =	vmul.f32 v24, v24;
	v26 =	vnsel vm1, $0x0, v24  }
0x2a3: {  	v24 =	vld [tilespmem:s19+$0x2280];
	v21 =	vadd.f32 v26, v21  }
0x2a4: {  	v22 =	vadd.f32 v25, v22  }
0x2a5: {  	v25 =	vld.msk [tilespmem:$0x3EE0], $0xff;
	_ =	sdelay $0x4  }
0x2a6: {  	v25 =	vperm.xlane v25, v2  }
0x2a7: {  	vm1 =	veq.s32 v23, v20;
	v26 =	vmul.f32 v24, v24  }
0x2a8: {  	s17 =	simm.s32 $0x0;
	s18 =	simm.s32 $0x0;
	v24 =	vnsel vm1, $0x0, v24;
	vm1 =	veq.s32 v20, v3;
	v23 =	vsel vm0, $0x0, v25  }
0x2a9: {  	s19 =	sand.u32 $0x70, s18;
	s20 =	sand.u32 $0x1C00, s17;
	v21 =	vadd.f32 v24, v21;
	v22 =	vadd.f32 v26, v22;
	v25 =	vmul.f32 v23, v23  }
0x2aa: {  	s19 =	sor.u32 s19, s20;
	v20 =	vnsel vm1, $0x0, v23;
	v23 =	vor.u32 s18, v1  }
0x2ab: {  	v24 =	vld [tilespmem:s19+$0x2300];
	v21 =	vadd.f32 v20, v21;
	v20 =	vperm.xlane v19, v17;
	v22 =	vadd.f32 v25, v22  }
.LBB2_94:
0x2ac: {  	s18 =	sadd.s32 $0x10, s18  }
0x2ad: {  	p0 =	slt.u32 s18, $0x3D0  }
.Ltmp46:
0x2ae: {  	s17 =	sadd.s32 $0x80, s17;
	(pc) =	sbr.rel @p0 .LBB2_94-.Ltmp46, $4  }
0x2af: {  	vm1 =	veq.s32 v23, v20;
	s19 =	sand.u32 $0x70, s18;
	s20 =	sand.u32 $0x1C00, s17;
	v23 =	vor.u32 s18, v1  }
0x2b0: {  	s19 =	sor.u32 s19, s20;
	v25 =	vmul.f32 v24, v24;
	v26 =	vnsel vm1, $0x0, v24  }
0x2b1: {  	v24 =	vld [tilespmem:s19+$0x2300];
	v21 =	vadd.f32 v26, v21  }
0x2b2: {  	v22 =	vadd.f32 v25, v22  }
0x2b3: {  	v25 =	vld.msk [tilespmem:$0x3F60], $0xff;
	_ =	sdelay $0x4  }
0x2b4: {  	v25 =	vperm.xlane v25, v2  }
0x2b5: {  	vm1 =	veq.s32 v23, v20;
	v26 =	vmul.f32 v24, v24  }
0x2b6: {  	s17 =	simm.s32 $0x0;
	s18 =	simm.s32 $0x0;
	v24 =	vnsel vm1, $0x0, v24;
	vm1 =	veq.s32 v20, v3;
	v23 =	vsel vm0, $0x0, v25  }
0x2b7: {  	s19 =	sand.u32 $0x70, s18;
	s20 =	sand.u32 $0x1C00, s17;
	v21 =	vadd.f32 v24, v21;
	v22 =	vadd.f32 v26, v22;
	v25 =	vmul.f32 v23, v23  }
0x2b8: {  	s19 =	sor.u32 s19, s20;
	v20 =	vnsel vm1, $0x0, v23;
	v23 =	vor.u32 s18, v1  }
0x2b9: {  	v24 =	vld [tilespmem:s19+$0x2380];
	v21 =	vadd.f32 v20, v21;
	v20 =	vperm.xlane v19, v18;
	v22 =	vadd.f32 v25, v22  }
.LBB2_96:
0x2ba: {  	s18 =	sadd.s32 $0x10, s18  }
0x2bb: {  	p0 =	slt.u32 s18, $0x3D0  }
.Ltmp47:
0x2bc: {  	s17 =	sadd.s32 $0x80, s17;
	(pc) =	sbr.rel @p0 .LBB2_96-.Ltmp47, $4  }
0x2bd: {  	vm1 =	veq.s32 v23, v20;
	s19 =	sand.u32 $0x70, s18;
	s20 =	sand.u32 $0x1C00, s17;
	v23 =	vor.u32 s18, v1  }
0x2be: {  	s19 =	sor.u32 s19, s20;
	v19 =	vmul.f32 v24, v24;
	v25 =	vnsel vm1, $0x0, v24  }
0x2bf: {  	v24 =	vld [tilespmem:s19+$0x2380];
	v21 =	vadd.f32 v25, v21  }
0x2c0: {  	v22 =	vadd.f32 v19, v22  }
0x2c1: {  	v19 =	vld.msk [tilespmem:$0x3FE0], $0xff;
	_ =	sdelay $0x1  }
0x2c2: {  	_ =	swait.ge [sflag:s14], $0x4000  }
0x2c3: {  	[sflag:s14] =	ssyncset.done $0x0  }
0x2c4: {  	[sflag:s14] =	ssyncadd.s32 $0xFFFFC000  }
0x2c5: {  	v25 =	vperm.xlane v19, v2;
	v19 =	vld [tilespmem:$0x8030]  }
0x2c6: {  	vm1 =	veq.s32 v23, v20;
	v26 =	vmul.f32 v24, v24  }
0x2c7: {  	s17 =	simm.s32 $0x0;
	s18 =	simm.s32 $0x0;
	v24 =	vnsel vm1, $0x0, v24;
	vm1 =	veq.s32 v20, v3;
	v23 =	vsel vm0, $0x0, v25  }
0x2c8: {  	s19 =	sand.u32 $0x70, s18;
	s20 =	sand.u32 $0x1C00, s17;
	v21 =	vadd.f32 v24, v21;
	v22 =	vadd.f32 v26, v22;
	v25 =	vmul.f32 v23, v23  }
0x2c9: {  	s19 =	sor.u32 s19, s20;
	v20 =	vnsel vm1, $0x0, v23;
	v23 =	vor.u32 s18, v1  }
0x2ca: {  	v24 =	vld [tilespmem:s19+$0x4000];
	v21 =	vadd.f32 v20, v21;
	v22 =	vadd.f32 v25, v22;
	v20 =	vperm.xlane v19, v0  }
.LBB2_98:
0x2cb: {  	s18 =	sadd.s32 $0x10, s18  }
0x2cc: {  	p0 =	slt.u32 s18, $0x3D0  }
.Ltmp48:
0x2cd: {  	s17 =	sadd.s32 $0x80, s17;
	(pc) =	sbr.rel @p0 .LBB2_98-.Ltmp48, $4  }
0x2ce: {  	vm1 =	veq.s32 v23, v20;
	s19 =	sand.u32 $0x70, s18;
	s20 =	sand.u32 $0x1C00, s17;
	v23 =	vor.u32 s18, v1  }
0x2cf: {  	s19 =	sor.u32 s19, s20;
	v25 =	vmul.f32 v24, v24;
	v26 =	vnsel vm1, $0x0, v24  }
0x2d0: {  	v24 =	vld [tilespmem:s19+$0x4000];
	v21 =	vadd.f32 v26, v21  }
0x2d1: {  	v22 =	vadd.f32 v25, v22  }
0x2d2: {  	v25 =	vld.msk [tilespmem:$0x5C60], $0xff;
	_ =	sdelay $0x4  }
0x2d3: {  	v25 =	vperm.xlane v25, v2  }
0x2d4: {  	vm1 =	veq.s32 v23, v20;
	v26 =	vmul.f32 v24, v24  }
0x2d5: {  	s17 =	simm.s32 $0x0;
	s18 =	simm.s32 $0x0;
	v24 =	vnsel vm1, $0x0, v24;
	vm1 =	veq.s32 v20, v3;
	v23 =	vsel vm0, $0x0, v25  }
0x2d6: {  	s19 =	sand.u32 $0x70, s18;
	s20 =	sand.u32 $0x1C00, s17;
	v21 =	vadd.f32 v24, v21;
	v22 =	vadd.f32 v26, v22;
	v25 =	vmul.f32 v23, v23  }
0x2d7: {  	s19 =	sor.u32 s19, s20;
	v20 =	vnsel vm1, $0x0, v23;
	v23 =	vor.u32 s18, v1  }
0x2d8: {  	v24 =	vld [tilespmem:s19+$0x4080];
	v21 =	vadd.f32 v20, v21;
	v20 =	vperm.xlane v19, v4;
	v22 =	vadd.f32 v25, v22  }
.LBB2_100:
0x2d9: {  	s18 =	sadd.s32 $0x10, s18  }
0x2da: {  	p0 =	slt.u32 s18, $0x3D0  }
.Ltmp49:
0x2db: {  	s17 =	sadd.s32 $0x80, s17;
	(pc) =	sbr.rel @p0 .LBB2_100-.Ltmp49, $4  }
0x2dc: {  	vm1 =	veq.s32 v23, v20;
	s19 =	sand.u32 $0x70, s18;
	s20 =	sand.u32 $0x1C00, s17;
	v23 =	vor.u32 s18, v1  }
0x2dd: {  	s19 =	sor.u32 s19, s20;
	v25 =	vmul.f32 v24, v24;
	v26 =	vnsel vm1, $0x0, v24  }
0x2de: {  	v24 =	vld [tilespmem:s19+$0x4080];
	v21 =	vadd.f32 v26, v21  }
0x2df: {  	v22 =	vadd.f32 v25, v22  }
0x2e0: {  	v25 =	vld.msk [tilespmem:$0x5CE0], $0xff;
	_ =	sdelay $0x4  }
0x2e1: {  	v25 =	vperm.xlane v25, v2  }
0x2e2: {  	vm1 =	veq.s32 v23, v20;
	v26 =	vmul.f32 v24, v24  }
0x2e3: {  	s17 =	simm.s32 $0x0;
	s18 =	simm.s32 $0x0;
	v24 =	vnsel vm1, $0x0, v24;
	vm1 =	veq.s32 v20, v3;
	v23 =	vsel vm0, $0x0, v25  }
0x2e4: {  	s19 =	sand.u32 $0x70, s18;
	s20 =	sand.u32 $0x1C00, s17;
	v21 =	vadd.f32 v24, v21;
	v22 =	vadd.f32 v26, v22;
	v25 =	vmul.f32 v23, v23  }
0x2e5: {  	s19 =	sor.u32 s19, s20;
	v20 =	vnsel vm1, $0x0, v23;
	v23 =	vor.u32 s18, v1  }
0x2e6: {  	v24 =	vld [tilespmem:s19+$0x4100];
	v21 =	vadd.f32 v20, v21;
	v20 =	vperm.xlane v19, v5;
	v22 =	vadd.f32 v25, v22  }
.LBB2_102:
0x2e7: {  	s18 =	sadd.s32 $0x10, s18  }
0x2e8: {  	p0 =	slt.u32 s18, $0x3D0  }
.Ltmp50:
0x2e9: {  	s17 =	sadd.s32 $0x80, s17;
	(pc) =	sbr.rel @p0 .LBB2_102-.Ltmp50, $4  }
0x2ea: {  	vm1 =	veq.s32 v23, v20;
	s19 =	sand.u32 $0x70, s18;
	s20 =	sand.u32 $0x1C00, s17;
	v23 =	vor.u32 s18, v1  }
0x2eb: {  	s19 =	sor.u32 s19, s20;
	v25 =	vmul.f32 v24, v24;
	v26 =	vnsel vm1, $0x0, v24  }
0x2ec: {  	v24 =	vld [tilespmem:s19+$0x4100];
	v21 =	vadd.f32 v26, v21  }
0x2ed: {  	v22 =	vadd.f32 v25, v22  }
0x2ee: {  	v25 =	vld.msk [tilespmem:$0x5D60], $0xff;
	_ =	sdelay $0x4  }
0x2ef: {  	v25 =	vperm.xlane v25, v2  }
0x2f0: {  	vm1 =	veq.s32 v23, v20;
	v26 =	vmul.f32 v24, v24  }
0x2f1: {  	s17 =	simm.s32 $0x0;
	s18 =	simm.s32 $0x0;
	v24 =	vnsel vm1, $0x0, v24;
	vm1 =	veq.s32 v20, v3;
	v23 =	vsel vm0, $0x0, v25  }
0x2f2: {  	s19 =	sand.u32 $0x70, s18;
	s20 =	sand.u32 $0x1C00, s17;
	v21 =	vadd.f32 v24, v21;
	v22 =	vadd.f32 v26, v22;
	v25 =	vmul.f32 v23, v23  }
0x2f3: {  	s19 =	sor.u32 s19, s20;
	v20 =	vnsel vm1, $0x0, v23;
	v23 =	vor.u32 s18, v1  }
0x2f4: {  	v24 =	vld [tilespmem:s19+$0x4180];
	v21 =	vadd.f32 v20, v21;
	v20 =	vperm.xlane v19, v6;
	v22 =	vadd.f32 v25, v22  }
.LBB2_104:
0x2f5: {  	s18 =	sadd.s32 $0x10, s18  }
0x2f6: {  	p0 =	slt.u32 s18, $0x3D0  }
.Ltmp51:
0x2f7: {  	s17 =	sadd.s32 $0x80, s17;
	(pc) =	sbr.rel @p0 .LBB2_104-.Ltmp51, $4  }
0x2f8: {  	vm1 =	veq.s32 v23, v20;
	s19 =	sand.u32 $0x70, s18;
	s20 =	sand.u32 $0x1C00, s17;
	v23 =	vor.u32 s18, v1  }
0x2f9: {  	s19 =	sor.u32 s19, s20;
	v25 =	vmul.f32 v24, v24;
	v26 =	vnsel vm1, $0x0, v24  }
0x2fa: {  	v24 =	vld [tilespmem:s19+$0x4180];
	v21 =	vadd.f32 v26, v21  }
0x2fb: {  	v22 =	vadd.f32 v25, v22  }
0x2fc: {  	v25 =	vld.msk [tilespmem:$0x5DE0], $0xff;
	_ =	sdelay $0x4  }
0x2fd: {  	v25 =	vperm.xlane v25, v2  }
0x2fe: {  	vm1 =	veq.s32 v23, v20;
	v26 =	vmul.f32 v24, v24  }
0x2ff: {  	s17 =	simm.s32 $0x0;
	s18 =	simm.s32 $0x0;
	v24 =	vnsel vm1, $0x0, v24;
	vm1 =	veq.s32 v20, v3;
	v23 =	vsel vm0, $0x0, v25  }
0x300: {  	s19 =	sand.u32 $0x70, s18;
	s20 =	sand.u32 $0x1C00, s17;
	v21 =	vadd.f32 v24, v21;
	v22 =	vadd.f32 v26, v22;
	v25 =	vmul.f32 v23, v23  }
0x301: {  	s19 =	sor.u32 s19, s20;
	v20 =	vnsel vm1, $0x0, v23;
	v23 =	vor.u32 s18, v1  }
0x302: {  	v24 =	vld [tilespmem:s19+$0x4200];
	v21 =	vadd.f32 v20, v21;
	v20 =	vperm.xlane v19, v7;
	v22 =	vadd.f32 v25, v22  }
.LBB2_106:
0x303: {  	s18 =	sadd.s32 $0x10, s18  }
0x304: {  	p0 =	slt.u32 s18, $0x3D0  }
.Ltmp52:
0x305: {  	s17 =	sadd.s32 $0x80, s17;
	(pc) =	sbr.rel @p0 .LBB2_106-.Ltmp52, $4  }
0x306: {  	vm1 =	veq.s32 v23, v20;
	s19 =	sand.u32 $0x70, s18;
	s20 =	sand.u32 $0x1C00, s17;
	v23 =	vor.u32 s18, v1  }
0x307: {  	s19 =	sor.u32 s19, s20;
	v25 =	vmul.f32 v24, v24;
	v26 =	vnsel vm1, $0x0, v24  }
0x308: {  	v24 =	vld [tilespmem:s19+$0x4200];
	v21 =	vadd.f32 v26, v21  }
0x309: {  	v22 =	vadd.f32 v25, v22  }
0x30a: {  	v25 =	vld.msk [tilespmem:$0x5E60], $0xff;
	_ =	sdelay $0x4  }
0x30b: {  	v25 =	vperm.xlane v25, v2  }
0x30c: {  	vm1 =	veq.s32 v23, v20;
	v26 =	vmul.f32 v24, v24  }
0x30d: {  	s17 =	simm.s32 $0x0;
	s18 =	simm.s32 $0x0;
	v24 =	vnsel vm1, $0x0, v24;
	vm1 =	veq.s32 v20, v3;
	v23 =	vsel vm0, $0x0, v25  }
0x30e: {  	s19 =	sand.u32 $0x70, s18;
	s20 =	sand.u32 $0x1C00, s17;
	v21 =	vadd.f32 v24, v21;
	v22 =	vadd.f32 v26, v22;
	v25 =	vmul.f32 v23, v23  }
0x30f: {  	s19 =	sor.u32 s19, s20;
	v20 =	vnsel vm1, $0x0, v23;
	v23 =	vor.u32 s18, v1  }
0x310: {  	v24 =	vld [tilespmem:s19+$0x4280];
	v21 =	vadd.f32 v20, v21;
	v20 =	vperm.xlane v19, v8;
	v22 =	vadd.f32 v25, v22  }
.LBB2_108:
0x311: {  	s18 =	sadd.s32 $0x10, s18  }
0x312: {  	p0 =	slt.u32 s18, $0x3D0  }
.Ltmp53:
0x313: {  	s17 =	sadd.s32 $0x80, s17;
	(pc) =	sbr.rel @p0 .LBB2_108-.Ltmp53, $4  }
0x314: {  	vm1 =	veq.s32 v23, v20;
	s19 =	sand.u32 $0x70, s18;
	s20 =	sand.u32 $0x1C00, s17;
	v23 =	vor.u32 s18, v1  }
0x315: {  	s19 =	sor.u32 s19, s20;
	v25 =	vmul.f32 v24, v24;
	v26 =	vnsel vm1, $0x0, v24  }
0x316: {  	v24 =	vld [tilespmem:s19+$0x4280];
	v21 =	vadd.f32 v26, v21  }
0x317: {  	v22 =	vadd.f32 v25, v22  }
0x318: {  	v25 =	vld.msk [tilespmem:$0x5EE0], $0xff;
	_ =	sdelay $0x4  }
0x319: {  	v25 =	vperm.xlane v25, v2  }
0x31a: {  	vm1 =	veq.s32 v23, v20;
	v26 =	vmul.f32 v24, v24  }
0x31b: {  	s17 =	simm.s32 $0x0;
	s18 =	simm.s32 $0x0;
	v24 =	vnsel vm1, $0x0, v24;
	vm1 =	veq.s32 v20, v3;
	v23 =	vsel vm0, $0x0, v25  }
0x31c: {  	s19 =	sand.u32 $0x70, s18;
	s20 =	sand.u32 $0x1C00, s17;
	v21 =	vadd.f32 v24, v21;
	v22 =	vadd.f32 v26, v22;
	v25 =	vmul.f32 v23, v23  }
0x31d: {  	s19 =	sor.u32 s19, s20;
	v20 =	vnsel vm1, $0x0, v23;
	v23 =	vor.u32 s18, v1  }
0x31e: {  	v24 =	vld [tilespmem:s19+$0x4300];
	v21 =	vadd.f32 v20, v21;
	v20 =	vperm.xlane v19, v9;
	v22 =	vadd.f32 v25, v22  }
.LBB2_110:
0x31f: {  	s18 =	sadd.s32 $0x10, s18  }
0x320: {  	p0 =	slt.u32 s18, $0x3D0  }
.Ltmp54:
0x321: {  	s17 =	sadd.s32 $0x80, s17;
	(pc) =	sbr.rel @p0 .LBB2_110-.Ltmp54, $4  }
0x322: {  	vm1 =	veq.s32 v23, v20;
	s19 =	sand.u32 $0x70, s18;
	s20 =	sand.u32 $0x1C00, s17;
	v23 =	vor.u32 s18, v1  }
0x323: {  	s19 =	sor.u32 s19, s20;
	v25 =	vmul.f32 v24, v24;
	v26 =	vnsel vm1, $0x0, v24  }
0x324: {  	v24 =	vld [tilespmem:s19+$0x4300];
	v21 =	vadd.f32 v26, v21  }
0x325: {  	v22 =	vadd.f32 v25, v22  }
0x326: {  	v25 =	vld.msk [tilespmem:$0x5F60], $0xff;
	_ =	sdelay $0x4  }
0x327: {  	v25 =	vperm.xlane v25, v2  }
0x328: {  	vm1 =	veq.s32 v23, v20;
	v26 =	vmul.f32 v24, v24  }
0x329: {  	s17 =	simm.s32 $0x0;
	s18 =	simm.s32 $0x0;
	v24 =	vnsel vm1, $0x0, v24;
	vm1 =	veq.s32 v20, v3;
	v23 =	vsel vm0, $0x0, v25  }
0x32a: {  	s19 =	sor.u32 s17, s18;
	v21 =	vadd.f32 v24, v21;
	v22 =	vadd.f32 v26, v22;
	v25 =	vmul.f32 v23, v23  }
0x32b: {  	s19 =	sor.u32 $0x380, s19;
	v20 =	vnsel vm1, $0x0, v23;
	v23 =	vor.u32 s18, v1  }
0x32c: {  	v24 =	vld [tilespmem:s19+$0x4000];
	v21 =	vadd.f32 v20, v21;
	v20 =	vperm.xlane v19, v10;
	v22 =	vadd.f32 v25, v22  }
.LBB2_112:
0x32d: {  	s18 =	sadd.s32 $0x10, s18  }
0x32e: {  	p0 =	slt.u32 s18, $0x3D0  }
.Ltmp55:
0x32f: {  	s17 =	sadd.s32 $0x80, s17;
	(pc) =	sbr.rel @p0 .LBB2_112-.Ltmp55, $4  }
0x330: {  	vm1 =	veq.s32 v23, v20;
	s19 =	sor.u32 s17, s18;
	v23 =	vor.u32 s18, v1  }
0x331: {  	s19 =	sor.u32 $0x380, s19;
	v25 =	vmul.f32 v24, v24;
	v26 =	vnsel vm1, $0x0, v24  }
0x332: {  	v24 =	vld [tilespmem:s19+$0x4000];
	v21 =	vadd.f32 v26, v21  }
0x333: {  	v22 =	vadd.f32 v25, v22  }
0x334: {  	v25 =	vld.msk [tilespmem:$0x5FE0], $0xff;
	_ =	sdelay $0x4  }
0x335: {  	v25 =	vperm.xlane v25, v2  }
0x336: {  	vm1 =	veq.s32 v23, v20;
	v26 =	vmul.f32 v24, v24  }
0x337: {  	s17 =	simm.s32 $0x0;
	s18 =	simm.s32 $0x0;
	v24 =	vnsel vm1, $0x0, v24;
	vm1 =	veq.s32 v20, v3;
	v23 =	vsel vm0, $0x0, v25  }
0x338: {  	s19 =	sand.u32 $0x70, s18;
	s20 =	sand.u32 $0x1C00, s17;
	v21 =	vadd.f32 v24, v21;
	v22 =	vadd.f32 v26, v22;
	v25 =	vmul.f32 v23, v23  }
0x339: {  	s19 =	sor.u32 s19, s20;
	v20 =	vnsel vm1, $0x0, v23;
	v23 =	vor.u32 s18, v1  }
0x33a: {  	v24 =	vld [tilespmem:s19+$0x6000];
	v21 =	vadd.f32 v20, v21;
	v20 =	vperm.xlane v19, v11;
	v22 =	vadd.f32 v25, v22  }
.LBB2_114:
0x33b: {  	s18 =	sadd.s32 $0x10, s18  }
0x33c: {  	p0 =	slt.u32 s18, $0x3D0  }
.Ltmp56:
0x33d: {  	s17 =	sadd.s32 $0x80, s17;
	(pc) =	sbr.rel @p0 .LBB2_114-.Ltmp56, $4  }
0x33e: {  	vm1 =	veq.s32 v23, v20;
	s19 =	sand.u32 $0x70, s18;
	s20 =	sand.u32 $0x1C00, s17;
	v23 =	vor.u32 s18, v1  }
0x33f: {  	s19 =	sor.u32 s19, s20;
	v25 =	vmul.f32 v24, v24;
	v26 =	vnsel vm1, $0x0, v24  }
0x340: {  	v24 =	vld [tilespmem:s19+$0x6000];
	v21 =	vadd.f32 v26, v21  }
0x341: {  	v22 =	vadd.f32 v25, v22  }
0x342: {  	v25 =	vld.msk [tilespmem:$0x7C60], $0xff;
	_ =	sdelay $0x4  }
0x343: {  	v25 =	vperm.xlane v25, v2  }
0x344: {  	vm1 =	veq.s32 v23, v20;
	v26 =	vmul.f32 v24, v24  }
0x345: {  	s17 =	simm.s32 $0x0;
	s18 =	simm.s32 $0x0;
	v24 =	vnsel vm1, $0x0, v24;
	vm1 =	veq.s32 v20, v3;
	v23 =	vsel vm0, $0x0, v25  }
0x346: {  	s19 =	sand.u32 $0x70, s18;
	s20 =	sand.u32 $0x1C00, s17;
	v21 =	vadd.f32 v24, v21;
	v22 =	vadd.f32 v26, v22;
	v25 =	vmul.f32 v23, v23  }
0x347: {  	s19 =	sor.u32 s19, s20;
	v20 =	vnsel vm1, $0x0, v23;
	v23 =	vor.u32 s18, v1  }
0x348: {  	v24 =	vld [tilespmem:s19+$0x6080];
	v21 =	vadd.f32 v20, v21;
	v20 =	vperm.xlane v19, v12;
	v22 =	vadd.f32 v25, v22  }
.LBB2_116:
0x349: {  	s18 =	sadd.s32 $0x10, s18  }
0x34a: {  	p0 =	slt.u32 s18, $0x3D0  }
.Ltmp57:
0x34b: {  	s17 =	sadd.s32 $0x80, s17;
	(pc) =	sbr.rel @p0 .LBB2_116-.Ltmp57, $4  }
0x34c: {  	vm1 =	veq.s32 v23, v20;
	s19 =	sand.u32 $0x70, s18;
	s20 =	sand.u32 $0x1C00, s17;
	v23 =	vor.u32 s18, v1  }
0x34d: {  	s19 =	sor.u32 s19, s20;
	v25 =	vmul.f32 v24, v24;
	v26 =	vnsel vm1, $0x0, v24  }
0x34e: {  	v24 =	vld [tilespmem:s19+$0x6080];
	v21 =	vadd.f32 v26, v21  }
0x34f: {  	v22 =	vadd.f32 v25, v22  }
0x350: {  	v25 =	vld.msk [tilespmem:$0x7CE0], $0xff;
	_ =	sdelay $0x4  }
0x351: {  	v25 =	vperm.xlane v25, v2  }
0x352: {  	vm1 =	veq.s32 v23, v20;
	v26 =	vmul.f32 v24, v24  }
0x353: {  	s17 =	simm.s32 $0x0;
	s18 =	simm.s32 $0x0;
	v24 =	vnsel vm1, $0x0, v24;
	vm1 =	veq.s32 v20, v3;
	v23 =	vsel vm0, $0x0, v25  }
0x354: {  	s19 =	sand.u32 $0x70, s18;
	s20 =	sand.u32 $0x1C00, s17;
	v21 =	vadd.f32 v24, v21;
	v22 =	vadd.f32 v26, v22;
	v25 =	vmul.f32 v23, v23  }
0x355: {  	s19 =	sor.u32 s19, s20;
	v20 =	vnsel vm1, $0x0, v23;
	v23 =	vor.u32 s18, v1  }
0x356: {  	v24 =	vld [tilespmem:s19+$0x6100];
	v21 =	vadd.f32 v20, v21;
	v20 =	vperm.xlane v19, v13;
	v22 =	vadd.f32 v25, v22  }
.LBB2_118:
0x357: {  	s18 =	sadd.s32 $0x10, s18  }
0x358: {  	p0 =	slt.u32 s18, $0x3D0  }
.Ltmp58:
0x359: {  	s17 =	sadd.s32 $0x80, s17;
	(pc) =	sbr.rel @p0 .LBB2_118-.Ltmp58, $4  }
0x35a: {  	vm1 =	veq.s32 v23, v20;
	s19 =	sand.u32 $0x70, s18;
	s20 =	sand.u32 $0x1C00, s17;
	v23 =	vor.u32 s18, v1  }
0x35b: {  	s19 =	sor.u32 s19, s20;
	v25 =	vmul.f32 v24, v24;
	v26 =	vnsel vm1, $0x0, v24  }
0x35c: {  	v24 =	vld [tilespmem:s19+$0x6100];
	v21 =	vadd.f32 v26, v21  }
0x35d: {  	v22 =	vadd.f32 v25, v22  }
0x35e: {  	v25 =	vld.msk [tilespmem:$0x7D60], $0xff;
	_ =	sdelay $0x4  }
0x35f: {  	v25 =	vperm.xlane v25, v2  }
0x360: {  	vm1 =	veq.s32 v23, v20;
	v26 =	vmul.f32 v24, v24  }
0x361: {  	s17 =	simm.s32 $0x0;
	s18 =	simm.s32 $0x0;
	v24 =	vnsel vm1, $0x0, v24;
	vm1 =	veq.s32 v20, v3;
	v23 =	vsel vm0, $0x0, v25  }
0x362: {  	s19 =	sand.u32 $0x70, s18;
	s20 =	sand.u32 $0x1C00, s17;
	v21 =	vadd.f32 v24, v21;
	v22 =	vadd.f32 v26, v22;
	v25 =	vmul.f32 v23, v23  }
0x363: {  	s19 =	sor.u32 s19, s20;
	v20 =	vnsel vm1, $0x0, v23;
	v23 =	vor.u32 s18, v1  }
0x364: {  	v24 =	vld [tilespmem:s19+$0x6180];
	v21 =	vadd.f32 v20, v21;
	v20 =	vperm.xlane v19, v14;
	v22 =	vadd.f32 v25, v22  }
.LBB2_120:
0x365: {  	s18 =	sadd.s32 $0x10, s18  }
0x366: {  	p0 =	slt.u32 s18, $0x3D0  }
.Ltmp59:
0x367: {  	s17 =	sadd.s32 $0x80, s17;
	(pc) =	sbr.rel @p0 .LBB2_120-.Ltmp59, $4  }
0x368: {  	vm1 =	veq.s32 v23, v20;
	s19 =	sand.u32 $0x70, s18;
	s20 =	sand.u32 $0x1C00, s17;
	v23 =	vor.u32 s18, v1  }
0x369: {  	s19 =	sor.u32 s19, s20;
	v25 =	vmul.f32 v24, v24;
	v26 =	vnsel vm1, $0x0, v24  }
0x36a: {  	v24 =	vld [tilespmem:s19+$0x6180];
	v21 =	vadd.f32 v26, v21  }
0x36b: {  	v22 =	vadd.f32 v25, v22  }
0x36c: {  	v25 =	vld.msk [tilespmem:$0x7DE0], $0xff;
	_ =	sdelay $0x4  }
0x36d: {  	v25 =	vperm.xlane v25, v2  }
0x36e: {  	vm1 =	veq.s32 v23, v20;
	v26 =	vmul.f32 v24, v24  }
0x36f: {  	s17 =	simm.s32 $0x0;
	s18 =	simm.s32 $0x0;
	v24 =	vnsel vm1, $0x0, v24;
	vm1 =	veq.s32 v20, v3;
	v23 =	vsel vm0, $0x0, v25  }
0x370: {  	s19 =	sand.u32 $0x70, s18;
	s20 =	sand.u32 $0x1C00, s17;
	v21 =	vadd.f32 v24, v21;
	v22 =	vadd.f32 v26, v22;
	v25 =	vmul.f32 v23, v23  }
0x371: {  	s19 =	sor.u32 s19, s20;
	v20 =	vnsel vm1, $0x0, v23;
	v23 =	vor.u32 s18, v1  }
0x372: {  	v24 =	vld [tilespmem:s19+$0x6200];
	v21 =	vadd.f32 v20, v21;
	v20 =	vperm.xlane v19, v15;
	v22 =	vadd.f32 v25, v22  }
.LBB2_122:
0x373: {  	s18 =	sadd.s32 $0x10, s18  }
0x374: {  	p0 =	slt.u32 s18, $0x3D0  }
.Ltmp60:
0x375: {  	s17 =	sadd.s32 $0x80, s17;
	(pc) =	sbr.rel @p0 .LBB2_122-.Ltmp60, $4  }
0x376: {  	vm1 =	veq.s32 v23, v20;
	s19 =	sand.u32 $0x70, s18;
	s20 =	sand.u32 $0x1C00, s17;
	v23 =	vor.u32 s18, v1  }
0x377: {  	s19 =	sor.u32 s19, s20;
	v25 =	vmul.f32 v24, v24;
	v26 =	vnsel vm1, $0x0, v24  }
0x378: {  	v24 =	vld [tilespmem:s19+$0x6200];
	v21 =	vadd.f32 v26, v21  }
0x379: {  	v22 =	vadd.f32 v25, v22  }
0x37a: {  	v25 =	vld.msk [tilespmem:$0x7E60], $0xff;
	_ =	sdelay $0x4  }
0x37b: {  	v25 =	vperm.xlane v25, v2  }
0x37c: {  	vm1 =	veq.s32 v23, v20;
	v26 =	vmul.f32 v24, v24  }
0x37d: {  	s17 =	simm.s32 $0x0;
	s18 =	simm.s32 $0x0;
	v24 =	vnsel vm1, $0x0, v24;
	vm1 =	veq.s32 v20, v3;
	v23 =	vsel vm0, $0x0, v25  }
0x37e: {  	s19 =	sand.u32 $0x70, s18;
	s20 =	sand.u32 $0x1C00, s17;
	v21 =	vadd.f32 v24, v21;
	v22 =	vadd.f32 v26, v22;
	v25 =	vmul.f32 v23, v23  }
0x37f: {  	s19 =	sor.u32 s19, s20;
	v20 =	vnsel vm1, $0x0, v23;
	v23 =	vor.u32 s18, v1  }
0x380: {  	v24 =	vld [tilespmem:s19+$0x6280];
	v21 =	vadd.f32 v20, v21;
	v20 =	vperm.xlane v19, v16;
	v22 =	vadd.f32 v25, v22  }
.LBB2_124:
0x381: {  	s18 =	sadd.s32 $0x10, s18  }
0x382: {  	p0 =	slt.u32 s18, $0x3D0  }
.Ltmp61:
0x383: {  	s17 =	sadd.s32 $0x80, s17;
	(pc) =	sbr.rel @p0 .LBB2_124-.Ltmp61, $4  }
0x384: {  	vm1 =	veq.s32 v23, v20;
	s19 =	sand.u32 $0x70, s18;
	s20 =	sand.u32 $0x1C00, s17;
	v23 =	vor.u32 s18, v1  }
0x385: {  	s19 =	sor.u32 s19, s20;
	v25 =	vmul.f32 v24, v24;
	v26 =	vnsel vm1, $0x0, v24  }
0x386: {  	v24 =	vld [tilespmem:s19+$0x6280];
	v21 =	vadd.f32 v26, v21  }
0x387: {  	v22 =	vadd.f32 v25, v22  }
0x388: {  	v25 =	vld.msk [tilespmem:$0x7EE0], $0xff;
	_ =	sdelay $0x4  }
0x389: {  	v25 =	vperm.xlane v25, v2  }
0x38a: {  	vm1 =	veq.s32 v23, v20;
	v26 =	vmul.f32 v24, v24  }
0x38b: {  	s17 =	simm.s32 $0x0;
	s18 =	simm.s32 $0x0;
	v24 =	vnsel vm1, $0x0, v24;
	vm1 =	veq.s32 v20, v3;
	v23 =	vsel vm0, $0x0, v25  }
0x38c: {  	s19 =	sand.u32 $0x70, s18;
	s20 =	sand.u32 $0x1C00, s17;
	v21 =	vadd.f32 v24, v21;
	v22 =	vadd.f32 v26, v22;
	v25 =	vmul.f32 v23, v23  }
0x38d: {  	s19 =	sor.u32 s19, s20;
	v20 =	vnsel vm1, $0x0, v23;
	v23 =	vor.u32 s18, v1  }
0x38e: {  	v24 =	vld [tilespmem:s19+$0x6300];
	v21 =	vadd.f32 v20, v21;
	v20 =	vperm.xlane v19, v17;
	v22 =	vadd.f32 v25, v22  }
.LBB2_126:
0x38f: {  	s18 =	sadd.s32 $0x10, s18  }
0x390: {  	p0 =	slt.u32 s18, $0x3D0  }
.Ltmp62:
0x391: {  	s17 =	sadd.s32 $0x80, s17;
	(pc) =	sbr.rel @p0 .LBB2_126-.Ltmp62, $4  }
0x392: {  	vm1 =	veq.s32 v23, v20;
	s19 =	sand.u32 $0x70, s18;
	s20 =	sand.u32 $0x1C00, s17;
	v23 =	vor.u32 s18, v1  }
0x393: {  	s19 =	sor.u32 s19, s20;
	v25 =	vmul.f32 v24, v24;
	v26 =	vnsel vm1, $0x0, v24  }
0x394: {  	v24 =	vld [tilespmem:s19+$0x6300];
	v21 =	vadd.f32 v26, v21  }
0x395: {  	v22 =	vadd.f32 v25, v22  }
0x396: {  	v25 =	vld.msk [tilespmem:$0x7F60], $0xff;
	_ =	sdelay $0x4  }
0x397: {  	v25 =	vperm.xlane v25, v2  }
0x398: {  	v26 =	vmul.f32 v24, v24  }
0x399: {  	vm1 =	veq.s32 v23, v20;
	v23 =	vsel vm0, $0x0, v25  }
0x39a: {  	s17 =	simm.s32 $0x0;
	s18 =	simm.s32 $0x0;
	v63 =	vnsel vm1, $0x0, v24;
	v22 =	vadd.f32 v26, v22;
	v25 =	vmul.f32 v23, v23  }
0x39b: {  	s19 =	sand.u32 $0x70, s18;
	s20 =	sand.u32 $0x1C00, s17;
	vm1 =	veq.s32 v20, v3;
	v21 =	vadd.f32 v63, v21  }
0x39c: {  	s19 =	sor.u32 s19, s20;
	v20 =	vadd.f32 v25, v22;
	v22 =	vnsel vm1, $0x0, v23  }
0x39d: {  	v19 =	vperm.xlane v19, v18;
	v23 =	vld [tilespmem:s19+$0x6380];
	v21 =	vadd.f32 v22, v21;
	v22 =	vor.u32 s18, v1  }
.LBB2_128:
0x39e: {  	s18 =	sadd.s32 $0x10, s18  }
0x39f: {  	p0 =	slt.u32 s18, $0x3D0  }
.Ltmp63:
0x3a0: {  	s17 =	sadd.s32 $0x80, s17;
	(pc) =	sbr.rel @p0 .LBB2_128-.Ltmp63, $4  }
0x3a1: {  	vm1 =	veq.s32 v22, v19;
	s19 =	sand.u32 $0x70, s18;
	s20 =	sand.u32 $0x1C00, s17;
	v22 =	vor.u32 s18, v1  }
0x3a2: {  	s19 =	sor.u32 s19, s20;
	v24 =	vmul.f32 v23, v23;
	v25 =	vnsel vm1, $0x0, v23  }
0x3a3: {  	v23 =	vld [tilespmem:s19+$0x6380];
	v21 =	vadd.f32 v25, v21  }
0x3a4: {  	v20 =	vadd.f32 v24, v20  }
0x3a5: {  	v24 =	vld.msk [tilespmem:$0x7FE0], $0xff;
	_ =	sdelay $0x4  }
0x3a6: {  	v24 =	vperm.xlane v24, v2  }
0x3a7: {  	v25 =	vmul.f32 v23, v23  }
0x3a8: {  	vm1 =	veq.s32 v22, v19;
	v62 =	vsel vm0, $0x0, v24  }
0x3a9: {  	v63 =	vnsel vm1, $0x0, v23;
	v20 =	vadd.f32 v25, v20;
	v24 =	vmul.f32 v62, v62  }
0x3aa: {  	vm1 =	veq.s32 v19, v3;
	v21 =	vadd.f32 v63, v21  }
0x3ab: {  	v19 =	vadd.f32 v24, v20;
	v20 =	vnsel vm1, $0x0, v62  }
0x3ac: {  	s16 =	sadd.s32 $0x1, s16;
	v20 =	vadd.f32 v20, v21  }
0x3ad: {  	p0 =	sne.s32 s16, s9;
	[tilespmem:$0x8080] =	vst v19  }
.Ltmp64:
0x3ae: {  	[tilespmem:$0x8090] =	vst v20;
	(pc) =	sbr.rel @p0 .LBB2_1-.Ltmp64, $4  }
0x3af: {  	[hbm4b:s8+s2] =	stream.linear.scatter [tilespmem:s15], [sflag:$0x3], $0x80, $0x38;
	[tilespmem:$0x8100] =	vst v63  }
0x3b0: {  	_ =	swait.ge [sflag:s11], $0x80  }
0x3b1: {  	[sflag:s11] =	ssyncset.done $0x0  }
0x3b2: {  	[sflag:s11] =	ssyncadd.s32 $0xFFFFFF80  }
0x3b3: {  	_ =	sfence.sel $0x180000  }
0x3b4: {  	[bflag:$0x0] =	sbarrier.arrive $0xFFFF  }
0x3b5: {  	p0 =	sne.s32 s1, $0x0;
	_ =	strace $0x90000047  }
0x3b6: {  	s0 =	sadd.s32 @!p0 $0x100000, s0;
	[bflag:$0x2] =	sbarrier.arrive $0xFFFF  }
0x3b7: {  	[sflag:s0] =	ssyncadd.tile.s32 @!p0 $0x1;
	_ =	shalt  }
.Lfunc_end2:
_tile_overlayer_lowered:
.L_overlay_start_2:
0x3b8: {  	(tag) =	ssettag $0x2  }
0x3b9: {  	s0 =	rddreg [dreg:$0x0];
	s2 =	stileid.u32  }
0x3ba: {  	s1 =	rddreg [dreg:$0x1];
	p0 =	sne.s32 s2, $0x0  }
0x3bb: {  	s3 =	rddreg [dreg:$0x2];
	[bflag:$0x3] =	sbarrier.arrive $0xFFFF;
	s2 =	simm.s32 @!p0 $0x1C03  }
0x3bc: {  	[timem:s3], [sflag:s2] =	dma.local @!p0 [hbm:s0], s1  }
0x3bd: {  	s0 =	simm.s32 @!p0 $0x3  }
0x3be: {  	_ =	swait.ge @!p0 [sflag:s0], s1  }
0x3bf: {  	s1 =	ssub.s32 @!p0 $0x0, s1;
	[sflag:s0] =	ssyncset.done @!p0 $0x0  }
0x3c0: {  	[sflag:s0] =	ssyncadd.s32 @!p0 s1  }
0x3c1: {  	[bflag:$0x3] =	sbarrier.arrive $0xFFFF  }
0x3c2: {  	_ =	shalt  }

</sc_bundles>
